<compile_context>
chip_gen: v7x
topology: tpu7x:2x2x1
jax: 0.10.2.dev20260603
libtpu: 0.0.44.dev20260713+nightly
codegen_flags: <defaults>
</compile_context>

<pallas_src>
import functools

import jax
import jax.numpy as jnp
from jax import lax
from jax.experimental import pallas as pl
from jax.experimental.pallas import tpu as pltpu
from jax.experimental.pallas import tpu_sc as plsc

N = 10000
D = 256
HH = 256
HC = 128
RB = 2000
K = 80
NC = 2
NS = 16
NL = 16
NPAD = 10240
PAKM = 16384


def _transform_body(x_ref, w_ref, b_ref, wa_ref, ba_ref,
                    xw_ref, a_ref, m_ref, msc):
    i = pl.program_id(0)
    xw = jnp.dot(x_ref[...], w_ref[...],
                 preferred_element_type=jnp.float32) + b_ref[...]
    xw_ref[...] = xw
    a = jnp.dot(xw, wa_ref[...],
                preferred_element_type=jnp.float32) + ba_ref[...]
    a_ref[...] = a
    bm = jnp.max(a)

    @pl.when(i == 0)
    def _():
        msc[0, 0] = bm

    @pl.when(i > 0)
    def _():
        msc[0, 0] = jnp.maximum(msc[0, 0], bm)

    m_ref[...] = jnp.full((1, 1), msc[0, 0], jnp.float32)


def _node_transform(x, w, b, wa, ba):
    return pl.pallas_call(
        _transform_body,
        grid=(N // RB,),
        in_specs=[
            pl.BlockSpec((RB, D), lambda i: (i, 0)),
            pl.BlockSpec((D, HH), lambda i: (0, 0)),
            pl.BlockSpec((1, HH), lambda i: (0, 0)),
            pl.BlockSpec((D, 1), lambda i: (0, 0)),
            pl.BlockSpec((1, 1), lambda i: (0, 0)),
        ],
        out_specs=[
            pl.BlockSpec((RB, HH), lambda i: (i, 0)),
            pl.BlockSpec((RB, 1), lambda i: (i, 0)),
            pl.BlockSpec((1, 1), lambda i: (0, 0)),
        ],
        out_shape=[
            jax.ShapeDtypeStruct((N, HH), jnp.float32),
            jax.ShapeDtypeStruct((N, 1), jnp.float32),
            jax.ShapeDtypeStruct((1, 1), jnp.float32),
        ],
        scratch_shapes=[pltpu.SMEM((1, 1), jnp.float32)],
    )(x, w, b.reshape(1, HH), wa, ba.reshape(1, 1))


def _weight_body(xw_ref, a_ref, m_ref, y_ref, w_ref):
    w = jnp.exp(a_ref[...] - m_ref[0, 0])
    w_ref[0, :, :] = w
    w_ref[1, :, :] = w
    y = xw_ref[...] * w
    y_ref[0, :, :] = y[:, :HC]
    y_ref[1, :, :] = y[:, HC:]


def _node_weight(xw, a, m):
    return pl.pallas_call(
        _weight_body,
        grid=(N // RB,),
        in_specs=[
            pl.BlockSpec((RB, HH), lambda i: (i, 0)),
            pl.BlockSpec((RB, 1), lambda i: (i, 0)),
            pl.BlockSpec((1, 1), lambda i: (0, 0)),
        ],
        out_specs=[
            pl.BlockSpec((2, RB, HC), lambda i: (0, i, 0)),
            pl.BlockSpec((2, RB, 1), lambda i: (0, i, 0)),
        ],
        out_shape=[
            jax.ShapeDtypeStruct((2, N, HC), jnp.float32),
            jax.ShapeDtypeStruct((2, N, 1), jnp.float32),
        ],
    )(xw, a, m)


def _sc_segment(ycat, wcat, pak3, zero):
    P, G = 3, 2
    nch = pak3.shape[1]
    assert pak3.shape == (NS, nch, K) and nch >= 2 * P + G
    stripe = NPAD // NS
    mesh = plsc.VectorSubcoreMesh(core_axis_name="c", subcore_axis_name="s")

    @functools.partial(
        pl.kernel,
        mesh=mesh,
        out_type=[
            jax.ShapeDtypeStruct((2 * NPAD, HC), jnp.float32),
            jax.ShapeDtypeStruct((NC * NS * NL,), jnp.float32),
        ],
        scratch_types=[
            pltpu.VMEM((nch, K), jnp.int32),
            *([pltpu.VMEM((K,), jnp.int32)] * (2 * P)),
            *([pltpu.VMEM((K, HC), jnp.float32)] * P),
            *([pltpu.VMEM((K,), jnp.float32)] * P),
            pltpu.VMEM((NL,), jnp.float32),
            pltpu.VMEM_SHARED((NPAD, HC), jnp.float32),
            *([pltpu.SemaphoreType.DMA] * (3 * P)),
        ],
    )
    def k(ycat_hbm, w_hbm, pak_hbm, zero_hbm, s_hbm, z_hbm,
          pakA, *rest):
        idxas = rest[0:P]
        dstbs = rest[P:2 * P]
        rowss = rest[2 * P:3 * P]
        wchs = rest[3 * P:4 * P]
        zacc_v = rest[4 * P]
        acc_sh = rest[4 * P + 1]
        semrs = rest[4 * P + 2:5 * P + 2]
        semws = rest[5 * P + 2:6 * P + 2]
        semss = rest[6 * P + 2:7 * P + 2]
        c = lax.axis_index("c")
        s = lax.axis_index("s")
        wid = c * NS + s
        roff = c * N
        woff = c * NPAD
        pltpu.sync_copy(zero_hbm.at[pl.ds(s * stripe, stripe)],
                        acc_sh.at[pl.ds(s * stripe, stripe)])
        pltpu.sync_copy(pak_hbm.at[s], pakA)
        zacc_v[...] = jnp.zeros((NL,), jnp.float32)
        plsc.subcore_barrier()

        def gfire(j, p):
            idxa, dstb, rows, wch = idxas[p], dstbs[p], rowss[p], wchs[p]
            for t in range(K // NL):
                v = pakA[j, pl.ds(NL * t, NL)]
                dstb[pl.ds(NL * t, NL)] = lax.shift_right_logical(v, 14)
                idxa[pl.ds(NL * t, NL)] = (v & (PAKM - 1)) + roff
            pltpu.async_copy(ycat_hbm.at[idxa], rows, semrs[p])
            pltpu.async_copy(w_hbm.at[idxa], wch, semws[p])

        def sfire(j, p):
            idxa, dstb, rows, wch = idxas[p], dstbs[p], rowss[p], wchs[p]
            pltpu.make_async_copy(ycat_hbm.at[idxa], rows, semrs[p]).wait()
            pltpu.make_async_copy(w_hbm.at[idxa], wch, semws[p]).wait()
            pltpu.async_copy(rows, acc_sh.at[dstb], semss[p], add=True)
            zv = zacc_v[...]
            for t in range(K // NL):
                zv = zv + wch[pl.ds(NL * t, NL)]
            zacc_v[...] = zv

        def swait(j, p):
            pltpu.make_async_copy(rowss[p], acc_sh.at[dstbs[p]],
                                  semss[p]).wait()

        def slot(j, r):
            jw = j - (P - G)
            if isinstance(j, int):
                if jw >= 0:
                    swait(jw, jw % P)
                if j + G < nch:
                    gfire(j + G, (j + G) % P)
            else:
                swait(jw, (r - (P - G)) % P)
                gfire(j + G, (r + G) % P)
            sfire(j, r)

        for j in range(G):
            gfire(j, j)
        for j in range(P):
            slot(j, j)

        def body(i, carry):
            for r in range(P):
                slot(i * P + r, r)
            return carry

        F = (nch - G) // P
        lax.fori_loop(1, F, body, 0)
        for j in range(F * P, nch):
            slot(j, j % P)
        for j in range(nch - (P - G), nch):
            swait(j, j % P)
        plsc.subcore_barrier()
        pltpu.sync_copy(acc_sh.at[pl.ds(s * stripe, stripe)],
                        s_hbm.at[pl.ds(woff + s * stripe, stripe)])
        pltpu.sync_copy(zacc_v, z_hbm.at[pl.ds(wid * NL, NL)])

    return k(ycat, wcat, pak3, zero)


def _update_body(x_ref, s0_ref, s1_ref, z_ref, wu_ref, bu_ref, o_ref):
    zinv = 2.0 / jnp.sum(z_ref[...])
    x = x_ref[...]
    acc = jnp.dot(x, wu_ref[0:D, :], preferred_element_type=jnp.float32)
    msum = jnp.dot(s0_ref[...], wu_ref[D:D + HC, :],
                   preferred_element_type=jnp.float32)
    msum += jnp.dot(s1_ref[...], wu_ref[D + HC:, :],
                    preferred_element_type=jnp.float32)
    o_ref[...] = jax.nn.relu(x + acc + msum * zinv + bu_ref[...])


def _node_update(x, s, z, wu, bu):
    s0 = lax.slice(s, (0, 0), (N, HC))
    s1 = lax.slice(s, (NPAD, 0), (NPAD + N, HC))
    nb = N // RB
    return pl.pallas_call(
        _update_body,
        grid=(nb,),
        in_specs=[
            pl.BlockSpec((RB, D), lambda i: (i, 0)),
            pl.BlockSpec((RB, HC), lambda i: (i, 0)),
            pl.BlockSpec((RB, HC), lambda i: (i, 0)),
            pl.BlockSpec((1, NC * NS * NL), lambda i: (0, 0)),
            pl.BlockSpec((2 * D, HH), lambda i: (0, 0)),
            pl.BlockSpec((1, HH), lambda i: (0, 0)),
        ],
        out_specs=pl.BlockSpec((RB, D), lambda i: (i, 0)),
        out_shape=jax.ShapeDtypeStruct((N, D), jnp.float32),
    )(x, s0, s1, z.reshape(1, -1), wu, bu.reshape(1, HH))


def kernel(place_features, transition_features, pre_edge_index, post_edge_index,
           W_ptm, b_ptm, W_tpm, b_tpm, W_pu, b_pu, W_tu, b_tu,
           W_pa, b_pa, W_ta, b_ta):
    E = pre_edge_index.shape[1]
    nch = E // (NS * K)
    pre = pre_edge_index.astype(jnp.int32)
    post = post_edge_index.astype(jnp.int32)
    pak_pre = (pre[0] + pre[1] * PAKM).reshape(NS, nch, K)
    pak_post = (post[0] + post[1] * PAKM).reshape(NS, nch, K)
    zero = jnp.zeros((NPAD, HC), jnp.float32)

    xw_p, a_p, m_p = _node_transform(place_features, W_ptm, b_ptm, W_ta, b_ta)
    y_p, w_p = _node_weight(xw_p, a_p, m_p)
    s_p, z_p = _sc_segment(y_p.reshape(2 * N, HC), w_p.reshape(2 * N),
                           pak_pre, zero)

    xw_t, a_t, m_t = _node_transform(transition_features, W_tpm, b_tpm,
                                     W_pa, b_pa)
    y_t, w_t = _node_weight(xw_t, a_t, m_t)
    s_t, z_t = _sc_segment(y_t.reshape(2 * N, HC), w_t.reshape(2 * N),
                           pak_post, zero)

    trans_out = _node_update(transition_features, s_p, z_p, W_tu, b_tu)
    place_out = _node_update(place_features, s_t, z_t, W_pu, b_pu)
    return (place_out, trans_out)

# --- scband reference (transcript-rebuilt; emitter-appended) ---
"""Pipeline reference for scband-hetero-graph-conv-4002909520797 (READ-ONLY COPY).

The authoritative reference and input builder live on the scoring server;
editing this copy changes nothing except your own understanding.
"""

import jax, jax.numpy as jnp
import numpy as np

NP = 10000
NT = 10000
EP = 160000
EO = 160000
D = 256
H = 256

def setup_inputs(seed: int = 0) -> dict:
    key = jax.random.key(seed)
    ks = jax.random.split(key, 16)
    place_features = jax.random.normal(ks[0], (NP, D), dtype=jnp.float32)
    transition_features = jax.random.normal(ks[1], (NT, D), dtype=jnp.float32)
    pre_edge_index = jax.random.randint(ks[2], (2, EP), 0, NP, dtype=jnp.int64)
    post_edge_index = jax.random.randint(ks[3], (2, EO), 0, NT, dtype=jnp.int64)
    def lin(k, fan_in, fan_out):
        bound = 1.0 / np.sqrt(fan_in)
        k1, k2 = jax.random.split(k)
        W = jax.random.uniform(k1, (fan_in, fan_out), jnp.float32, -bound, bound)
        b = jax.random.uniform(k2, (fan_out,), jnp.float32, -bound, bound)
        return W, b
    W_ptm, b_ptm = lin(ks[4], D, H)
    W_tpm, b_tpm = lin(ks[5], D, H)
    W_pu, b_pu = lin(ks[6], D + H, D)
    W_tu, b_tu = lin(ks[7], D + H, D)
    W_pa, b_pa = lin(ks[8], H, 1)
    W_ta, b_ta = lin(ks[9], H, 1)
    return {
        "place_features": place_features,
        "transition_features": transition_features,
        "pre_edge_index": pre_edge_index,
        "post_edge_index": post_edge_index,
        "W_ptm": W_ptm, "b_ptm": b_ptm,
        "W_tpm": W_tpm, "b_tpm": b_tpm,
        "W_pu": W_pu, "b_pu": b_pu,
        "W_tu": W_tu, "b_tu": b_tu,
        "W_pa": W_pa, "b_pa": b_pa,
        "W_ta": W_ta, "b_ta": b_ta,
    }

def reference(place_features, transition_features, pre_edge_index, post_edge_index,
              W_ptm, b_ptm, W_tpm, b_tpm, W_pu, b_pu, W_tu, b_tu,
              W_pa, b_pa, W_ta, b_ta):
    num_places = place_features.shape[0]
    num_transitions = transition_features.shape[0]
    hidden = W_ptm.shape[1]

    # place -> transition messages
    place_idx = pre_edge_index[0]
    trans_idx = pre_edge_index[1]
    messages = place_features[place_idx] @ W_ptm + b_ptm
    attention_scores = jax.nn.softmax(messages @ W_ta + b_ta, axis=0)
    weighted_messages = messages * attention_scores
    trans_messages = jnp.zeros((num_transitions, hidden), jnp.float32).at[trans_idx].add(weighted_messages)

    # transition -> place messages
    t_idx = post_edge_index[0]
    p_idx = post_edge_index[1]
    messages2 = transition_features[t_idx] @ W_tpm + b_tpm
    attention_scores2 = jax.nn.softmax(messages2 @ W_pa + b_pa, axis=0)
    weighted_messages2 = messages2 * attention_scores2
    place_messages = jnp.zeros((num_places, hidden), jnp.float32).at[p_idx].add(weighted_messages2)

    place_new = jnp.concatenate([place_features, place_messages], axis=1) @ W_pu + b_pu
    trans_new = jnp.concatenate([transition_features, trans_messages], axis=1) @ W_tu + b_tu
    place_out = jax.nn.relu(place_features + place_new)
    trans_out = jax.nn.relu(transition_features + trans_new)
    return (place_out, trans_out)

if __name__ == "__main__":
    import jax
    _d = setup_inputs()
    print(jax.jit(kernel)(*tuple(_d.values())))

</pallas_src>

<mosaic_0001>
#map = affine_map<(d0, d1) -> (0, 0)>
#map1 = affine_map<(d0, d1) -> (0)>
#map2 = affine_map<(d0, d1) -> (0, 0, 0)>
module attributes {stable_mosaic.version = 14 : i64} {
  func.func @k(%arg0: i32, %arg1: i32, %arg2: memref<20000x128xf32, #tpu.memory_space<hbm>>, %arg3: memref<20000xf32, #tpu.memory_space<hbm>>, %arg4: memref<16x125x80xi32, #tpu.memory_space<hbm>>, %arg5: memref<10240x128xf32, #tpu.memory_space<hbm>>, %arg6: memref<20480x128xf32, #tpu.memory_space<hbm>>, %arg7: memref<512xf32, #tpu.memory_space<hbm>>, %arg8: memref<125x80xi32, #tpu.memory_space<vmem>>, %arg9: memref<80xi32, #tpu.memory_space<vmem>>, %arg10: memref<80xi32, #tpu.memory_space<vmem>>, %arg11: memref<80xi32, #tpu.memory_space<vmem>>, %arg12: memref<80xi32, #tpu.memory_space<vmem>>, %arg13: memref<80xi32, #tpu.memory_space<vmem>>, %arg14: memref<80xi32, #tpu.memory_space<vmem>>, %arg15: memref<80x128xf32, #tpu.memory_space<vmem>>, %arg16: memref<80x128xf32, #tpu.memory_space<vmem>>, %arg17: memref<80x128xf32, #tpu.memory_space<vmem>>, %arg18: memref<80xf32, #tpu.memory_space<vmem>>, %arg19: memref<80xf32, #tpu.memory_space<vmem>>, %arg20: memref<80xf32, #tpu.memory_space<vmem>>, %arg21: memref<16xf32, #tpu.memory_space<vmem>>, %arg22: memref<10240x128xf32, #tpu.memory_space<vmem_shared>>, %arg23: memref<!tpu.dma_semaphore, #tpu.memory_space<semaphore_mem>>, %arg24: memref<!tpu.dma_semaphore, #tpu.memory_space<semaphore_mem>>, %arg25: memref<!tpu.dma_semaphore, #tpu.memory_space<semaphore_mem>>, %arg26: memref<!tpu.dma_semaphore, #tpu.memory_space<semaphore_mem>>, %arg27: memref<!tpu.dma_semaphore, #tpu.memory_space<semaphore_mem>>, %arg28: memref<!tpu.dma_semaphore, #tpu.memory_space<semaphore_mem>>, %arg29: memref<!tpu.dma_semaphore, #tpu.memory_space<semaphore_mem>>, %arg30: memref<!tpu.dma_semaphore, #tpu.memory_space<semaphore_mem>>, %arg31: memref<!tpu.dma_semaphore, #tpu.memory_space<semaphore_mem>>) attributes {dimension_semantics = [#tpu.dimension_semantics<core_parallel>, #tpu.dimension_semantics<subcore_parallel>], iteration_bounds = array<i64: 2, 16>, scalar_prefetch = 0 : i64, scratch_operands = 24 : i64, tpu.core_type = #tpu.core_type<sc_vector_subcore>, window_params = [{transform_indices = #map}, {transform_indices = #map1}, {transform_indices = #map2}, {transform_indices = #map}, {transform_indices = #map}, {transform_indices = #map1}]} {
    %mul3A = arith.constant 16 : i32
    %mul3A_0 = arith.muli %arg0, %mul3A : i32
    %add3A = arith.addi %mul3A_0, %arg1 : i32
    %mul3A_1 = arith.constant 10000 : i32
    %mul3A_2 = arith.muli %arg0, %mul3A_1 : i32
    %mul3A_3 = arith.constant 10240 : i32
    %mul3A_4 = arith.muli %arg0, %mul3A_3 : i32
    %mul3A_5 = arith.constant 640 : i32
    %mul3A_6 = arith.muli %arg1, %mul3A_5 : i32
    %mul3A_7 = arith.constant 640 : i32
    %mul3A_8 = arith.muli %arg1, %mul3A_7 : i32
    "tpu.region"() ({
      %run_scoped3A = tpu.sem_alloc : memref<!tpu.dma_semaphore, #tpu.memory_space<semaphore_mem>>
      %dma_start3A_761 = arith.constant 0 : i32
      %dma_start3A_762 = tpu.memref_slice %arg22[%mul3A_8, %dma_start3A_761] : memref<10240x128xf32, #tpu.memory_space<vmem_shared>> -> memref<640x128xf32, #tpu.memory_space<vmem_shared>>
      %dma_start3A_763 = arith.constant 0 : i32
      %dma_start3A_764 = tpu.memref_slice %arg5[%mul3A_6, %dma_start3A_763] : memref<10240x128xf32, #tpu.memory_space<hbm>> -> memref<640x128xf32, #tpu.memory_space<hbm>>
      tpu.enqueue_dma source(%dma_start3A_764 : memref<640x128xf32, #tpu.memory_space<hbm>>) target(%dma_start3A_762 : memref<640x128xf32, #tpu.memory_space<vmem_shared>>) target_semaphore(%run_scoped3A : memref<!tpu.dma_semaphore, #tpu.memory_space<semaphore_mem>>)
      %dma_wait3A_765 = arith.constant 0 : i32
      %dma_wait3A_766 = tpu.memref_slice %arg22[%mul3A_8, %dma_wait3A_765] : memref<10240x128xf32, #tpu.memory_space<vmem_shared>> -> memref<640x128xf32, #tpu.memory_space<vmem_shared>>
      %dma_wait3A_767 = arith.constant 0 : i32
      %dma_wait3A_768 = tpu.memref_slice %arg5[%mul3A_6, %dma_wait3A_767] : memref<10240x128xf32, #tpu.memory_space<hbm>> -> memref<640x128xf32, #tpu.memory_space<hbm>>
      tpu.wait_dma2 semaphore(%run_scoped3A : memref<!tpu.dma_semaphore, #tpu.memory_space<semaphore_mem>>) src(%dma_wait3A_768 : memref<640x128xf32, #tpu.memory_space<hbm>>) dst(%dma_wait3A_766 : memref<640x128xf32, #tpu.memory_space<vmem_shared>>)
      tpu.yield
    }) : () -> ()
    "tpu.region"() ({
      %run_scoped3A = tpu.sem_alloc : memref<!tpu.dma_semaphore, #tpu.memory_space<semaphore_mem>>
      %dma_start3A_761 = arith.constant 0 : i32
      %dma_start3A_762 = arith.constant 0 : i32
      %dma_start3A_763 = tpu.memref_slice %arg4[%arg1, %dma_start3A_761, %dma_start3A_762] : memref<16x125x80xi32, #tpu.memory_space<hbm>> -> memref<1x125x80xi32, #tpu.memory_space<hbm>>
      %dma_start3A_764 = tpu.memref_squeeze %dma_start3A_763 : memref<1x125x80xi32, #tpu.memory_space<hbm>> -> memref<125x80xi32, #tpu.memory_space<hbm>>
      %dma_start3A_765 = arith.constant 0 : i32
      %dma_start3A_766 = arith.constant 0 : i32
      %dma_start3A_767 = tpu.memref_slice %arg4[%arg1, %dma_start3A_765, %dma_start3A_766] : memref<16x125x80xi32, #tpu.memory_space<hbm>> -> memref<1x125x80xi32, #tpu.memory_space<hbm>>
      %dma_start3A_768 = tpu.memref_squeeze %dma_start3A_767 : memref<1x125x80xi32, #tpu.memory_space<hbm>> -> memref<125x80xi32, #tpu.memory_space<hbm>>
      tpu.enqueue_dma source(%dma_start3A_768 : memref<125x80xi32, #tpu.memory_space<hbm>>) target(%arg8 : memref<125x80xi32, #tpu.memory_space<vmem>>) target_semaphore(%run_scoped3A : memref<!tpu.dma_semaphore, #tpu.memory_space<semaphore_mem>>)
      %dma_wait3A_769 = arith.constant 0 : i32
      %dma_wait3A_770 = arith.constant 0 : i32
      %dma_wait3A_771 = tpu.memref_slice %arg4[%arg1, %dma_wait3A_769, %dma_wait3A_770] : memref<16x125x80xi32, #tpu.memory_space<hbm>> -> memref<1x125x80xi32, #tpu.memory_space<hbm>>
      %dma_wait3A_772 = tpu.memref_squeeze %dma_wait3A_771 : memref<1x125x80xi32, #tpu.memory_space<hbm>> -> memref<125x80xi32, #tpu.memory_space<hbm>>
      %dma_wait3A_773 = arith.constant 0 : i32
      %dma_wait3A_774 = arith.constant 0 : i32
      %dma_wait3A_775 = tpu.memref_slice %arg4[%arg1, %dma_wait3A_773, %dma_wait3A_774] : memref<16x125x80xi32, #tpu.memory_space<hbm>> -> memref<1x125x80xi32, #tpu.memory_space<hbm>>
      %dma_wait3A_776 = tpu.memref_squeeze %dma_wait3A_775 : memref<1x125x80xi32, #tpu.memory_space<hbm>> -> memref<125x80xi32, #tpu.memory_space<hbm>>
      tpu.wait_dma2 semaphore(%run_scoped3A : memref<!tpu.dma_semaphore, #tpu.memory_space<semaphore_mem>>) src(%dma_wait3A_776 : memref<125x80xi32, #tpu.memory_space<hbm>>) dst(%arg8 : memref<125x80xi32, #tpu.memory_space<vmem>>)
      tpu.yield
    }) : () -> ()
    %broadcast_in_dim3A = arith.constant 0.000000e+00 : f32
    %broadcast_in_dim3A_9 = vector.broadcast %broadcast_in_dim3A : f32 to vector<16xf32>
    %swap3A = arith.constant 0 : index
    %swap3A_10 = tpu.vector_load %arg21[%swap3A] {strides = array<i32>} : memref<16xf32, #tpu.memory_space<vmem>>, vector<16xf32>,
    %swap3A_11 = vector.shape_cast %swap3A_10 : vector<16xf32> to vector<16xf32>
    %swap3A_12 = vector.shape_cast %broadcast_in_dim3A_9 : vector<16xf32> to vector<16xf32>
    tpu.vector_store %arg21[%swap3A], %swap3A_12 {strides = array<i32>} : memref<16xf32, #tpu.memory_space<vmem>>, vector<16xf32>,
    %barrier3A = arith.constant 0 : index
    tpu.barrier barrier_id(%barrier3A)
    %get3A = arith.constant 0 : i32
    %get3A_13 = arith.index_cast %get3A : i32 to index
    %get3A_14 = arith.constant 0 : index
    %get3A_15 = tpu.vector_load %arg8[%get3A_13, %get3A_14] {strides = array<i32>} : memref<125x80xi32, #tpu.memory_space<vmem>>, vector<1x16xi32>,
    %get3A_16 = vector.shape_cast %get3A_15 : vector<1x16xi32> to vector<16xi32>
    %shift_right_logical3A = arith.constant 14 : i32
    %shift_right_logical3A_17 = vector.broadcast %shift_right_logical3A : i32 to vector<16xi32>
    %shift_right_logical3A_18 = arith.shrui %get3A_16, %shift_right_logical3A_17 : vector<16xi32>
    %swap3A_19 = arith.constant 0 : index
    %swap3A_20 = tpu.vector_load %arg12[%swap3A_19] {strides = array<i32>} : memref<80xi32, #tpu.memory_space<vmem>>, vector<16xi32>,
    %swap3A_21 = vector.shape_cast %swap3A_20 : vector<16xi32> to vector<16xi32>
    %swap3A_22 = vector.shape_cast %shift_right_logical3A_18 : vector<16xi32> to vector<16xi32>
    tpu.vector_store %arg12[%swap3A_19], %swap3A_22 {strides = array<i32>} : memref<80xi32, #tpu.memory_space<vmem>>, vector<16xi32>,
    %and3A = arith.constant 16383 : i32
    %and3A_23 = vector.broadcast %and3A : i32 to vector<16xi32>
    %and3A_24 = arith.andi %get3A_16, %and3A_23 : vector<16xi32>
    %add3A_25 = vector.broadcast %mul3A_2 : i32 to vector<16xi32>
    %add3A_26 = arith.addi %and3A_24, %add3A_25 : vector<16xi32>
    %swap3A_27 = arith.constant 0 : index
    %swap3A_28 = tpu.vector_load %arg9[%swap3A_27] {strides = array<i32>} : memref<80xi32, #tpu.memory_space<vmem>>, vector<16xi32>,
    %swap3A_29 = vector.shape_cast %swap3A_28 : vector<16xi32> to vector<16xi32>
    %swap3A_30 = vector.shape_cast %add3A_26 : vector<16xi32> to vector<16xi32>
    tpu.vector_store %arg9[%swap3A_27], %swap3A_30 {strides = array<i32>} : memref<80xi32, #tpu.memory_space<vmem>>, vector<16xi32>,
    %get3A_31 = arith.constant 0 : i32
    %get3A_32 = arith.index_cast %get3A_31 : i32 to index
    %get3A_33 = arith.constant 16 : index
    %get3A_34 = tpu.vector_load %arg8[%get3A_32, %get3A_33] {strides = array<i32>} : memref<125x80xi32, #tpu.memory_space<vmem>>, vector<1x16xi32>,
    %get3A_35 = vector.shape_cast %get3A_34 : vector<1x16xi32> to vector<16xi32>
    %shift_right_logical3A_36 = arith.constant 14 : i32
    %shift_right_logical3A_37 = vector.broadcast %shift_right_logical3A_36 : i32 to vector<16xi32>
    %shift_right_logical3A_38 = arith.shrui %get3A_35, %shift_right_logical3A_37 : vector<16xi32>
    %swap3A_39 = arith.constant 16 : index
    %swap3A_40 = tpu.vector_load %arg12[%swap3A_39] {strides = array<i32>} : memref<80xi32, #tpu.memory_space<vmem>>, vector<16xi32>,
    %swap3A_41 = vector.shape_cast %swap3A_40 : vector<16xi32> to vector<16xi32>
    %swap3A_42 = vector.shape_cast %shift_right_logical3A_38 : vector<16xi32> to vector<16xi32>
    tpu.vector_store %arg12[%swap3A_39], %swap3A_42 {strides = array<i32>} : memref<80xi32, #tpu.memory_space<vmem>>, vector<16xi32>,
    %and3A_43 = arith.constant 16383 : i32
    %and3A_44 = vector.broadcast %and3A_43 : i32 to vector<16xi32>
    %and3A_45 = arith.andi %get3A_35, %and3A_44 : vector<16xi32>
    %add3A_46 = vector.broadcast %mul3A_2 : i32 to vector<16xi32>
    %add3A_47 = arith.addi %and3A_45, %add3A_46 : vector<16xi32>
    %swap3A_48 = arith.constant 16 : index
    %swap3A_49 = tpu.vector_load %arg9[%swap3A_48] {strides = array<i32>} : memref<80xi32, #tpu.memory_space<vmem>>, vector<16xi32>,
    %swap3A_50 = vector.shape_cast %swap3A_49 : vector<16xi32> to vector<16xi32>
    %swap3A_51 = vector.shape_cast %add3A_47 : vector<16xi32> to vector<16xi32>
    tpu.vector_store %arg9[%swap3A_48], %swap3A_51 {strides = array<i32>} : memref<80xi32, #tpu.memory_space<vmem>>, vector<16xi32>,
    %get3A_52 = arith.constant 0 : i32
    %get3A_53 = arith.index_cast %get3A_52 : i32 to index
    %get3A_54 = arith.constant 32 : index
    %get3A_55 = tpu.vector_load %arg8[%get3A_53, %get3A_54] {strides = array<i32>} : memref<125x80xi32, #tpu.memory_space<vmem>>, vector<1x16xi32>,
    %get3A_56 = vector.shape_cast %get3A_55 : vector<1x16xi32> to vector<16xi32>
    %shift_right_logical3A_57 = arith.constant 14 : i32
    %shift_right_logical3A_58 = vector.broadcast %shift_right_logical3A_57 : i32 to vector<16xi32>
    %shift_right_logical3A_59 = arith.shrui %get3A_56, %shift_right_logical3A_58 : vector<16xi32>
    %swap3A_60 = arith.constant 32 : index
    %swap3A_61 = tpu.vector_load %arg12[%swap3A_60] {strides = array<i32>} : memref<80xi32, #tpu.memory_space<vmem>>, vector<16xi32>,
    %swap3A_62 = vector.shape_cast %swap3A_61 : vector<16xi32> to vector<16xi32>
    %swap3A_63 = vector.shape_cast %shift_right_logical3A_59 : vector<16xi32> to vector<16xi32>
    tpu.vector_store %arg12[%swap3A_60], %swap3A_63 {strides = array<i32>} : memref<80xi32, #tpu.memory_space<vmem>>, vector<16xi32>,
    %and3A_64 = arith.constant 16383 : i32
    %and3A_65 = vector.broadcast %and3A_64 : i32 to vector<16xi32>
    %and3A_66 = arith.andi %get3A_56, %and3A_65 : vector<16xi32>
    %add3A_67 = vector.broadcast %mul3A_2 : i32 to vector<16xi32>
    %add3A_68 = arith.addi %and3A_66, %add3A_67 : vector<16xi32>
    %swap3A_69 = arith.constant 32 : index
    %swap3A_70 = tpu.vector_load %arg9[%swap3A_69] {strides = array<i32>} : memref<80xi32, #tpu.memory_space<vmem>>, vector<16xi32>,
    %swap3A_71 = vector.shape_cast %swap3A_70 : vector<16xi32> to vector<16xi32>
    %swap3A_72 = vector.shape_cast %add3A_68 : vector<16xi32> to vector<16xi32>
    tpu.vector_store %arg9[%swap3A_69], %swap3A_72 {strides = array<i32>} : memref<80xi32, #tpu.memory_space<vmem>>, vector<16xi32>,
    %get3A_73 = arith.constant 0 : i32
    %get3A_74 = arith.index_cast %get3A_73 : i32 to index
    %get3A_75 = arith.constant 48 : index
    %get3A_76 = tpu.vector_load %arg8[%get3A_74, %get3A_75] {strides = array<i32>} : memref<125x80xi32, #tpu.memory_space<vmem>>, vector<1x16xi32>,
    %get3A_77 = vector.shape_cast %get3A_76 : vector<1x16xi32> to vector<16xi32>
    %shift_right_logical3A_78 = arith.constant 14 : i32
    %shift_right_logical3A_79 = vector.broadcast %shift_right_logical3A_78 : i32 to vector<16xi32>
    %shift_right_logical3A_80 = arith.shrui %get3A_77, %shift_right_logical3A_79 : vector<16xi32>
    %swap3A_81 = arith.constant 48 : index
    %swap3A_82 = tpu.vector_load %arg12[%swap3A_81] {strides = array<i32>} : memref<80xi32, #tpu.memory_space<vmem>>, vector<16xi32>,
    %swap3A_83 = vector.shape_cast %swap3A_82 : vector<16xi32> to vector<16xi32>
    %swap3A_84 = vector.shape_cast %shift_right_logical3A_80 : vector<16xi32> to vector<16xi32>
    tpu.vector_store %arg12[%swap3A_81], %swap3A_84 {strides = array<i32>} : memref<80xi32, #tpu.memory_space<vmem>>, vector<16xi32>,
    %and3A_85 = arith.constant 16383 : i32
    %and3A_86 = vector.broadcast %and3A_85 : i32 to vector<16xi32>
    %and3A_87 = arith.andi %get3A_77, %and3A_86 : vector<16xi32>
    %add3A_88 = vector.broadcast %mul3A_2 : i32 to vector<16xi32>
    %add3A_89 = arith.addi %and3A_87, %add3A_88 : vector<16xi32>
    %swap3A_90 = arith.constant 48 : index
    %swap3A_91 = tpu.vector_load %arg9[%swap3A_90] {strides = array<i32>} : memref<80xi32, #tpu.memory_space<vmem>>, vector<16xi32>,
    %swap3A_92 = vector.shape_cast %swap3A_91 : vector<16xi32> to vector<16xi32>
    %swap3A_93 = vector.shape_cast %add3A_89 : vector<16xi32> to vector<16xi32>
    tpu.vector_store %arg9[%swap3A_90], %swap3A_93 {strides = array<i32>} : memref<80xi32, #tpu.memory_space<vmem>>, vector<16xi32>,
    %get3A_94 = arith.constant 0 : i32
    %get3A_95 = arith.index_cast %get3A_94 : i32 to index
    %get3A_96 = arith.constant 64 : index
    %get3A_97 = tpu.vector_load %arg8[%get3A_95, %get3A_96] {strides = array<i32>} : memref<125x80xi32, #tpu.memory_space<vmem>>, vector<1x16xi32>,
    %get3A_98 = vector.shape_cast %get3A_97 : vector<1x16xi32> to vector<16xi32>
    %shift_right_logical3A_99 = arith.constant 14 : i32
    %shift_right_logical3A_100 = vector.broadcast %shift_right_logical3A_99 : i32 to vector<16xi32>
    %shift_right_logical3A_101 = arith.shrui %get3A_98, %shift_right_logical3A_100 : vector<16xi32>
    %swap3A_102 = arith.constant 64 : index
    %swap3A_103 = tpu.vector_load %arg12[%swap3A_102] {strides = array<i32>} : memref<80xi32, #tpu.memory_space<vmem>>, vector<16xi32>,
    %swap3A_104 = vector.shape_cast %swap3A_103 : vector<16xi32> to vector<16xi32>
    %swap3A_105 = vector.shape_cast %shift_right_logical3A_101 : vector<16xi32> to vector<16xi32>
    tpu.vector_store %arg12[%swap3A_102], %swap3A_105 {strides = array<i32>} : memref<80xi32, #tpu.memory_space<vmem>>, vector<16xi32>,
    %and3A_106 = arith.constant 16383 : i32
    %and3A_107 = vector.broadcast %and3A_106 : i32 to vector<16xi32>
    %and3A_108 = arith.andi %get3A_98, %and3A_107 : vector<16xi32>
    %add3A_109 = vector.broadcast %mul3A_2 : i32 to vector<16xi32>
    %add3A_110 = arith.addi %and3A_108, %add3A_109 : vector<16xi32>
    %swap3A_111 = arith.constant 64 : index
    %swap3A_112 = tpu.vector_load %arg9[%swap3A_111] {strides = array<i32>} : memref<80xi32, #tpu.memory_space<vmem>>, vector<16xi32>,
    %swap3A_113 = vector.shape_cast %swap3A_112 : vector<16xi32> to vector<16xi32>
    %swap3A_114 = vector.shape_cast %add3A_110 : vector<16xi32> to vector<16xi32>
    tpu.vector_store %arg9[%swap3A_111], %swap3A_114 {strides = array<i32>} : memref<80xi32, #tpu.memory_space<vmem>>, vector<16xi32>,
    %dma_start3A = arith.constant 0 : i32
    %dma_start3A_115 = arith.constant 0 : i32
    %dma_start3A_116 = tpu.memref_slice %arg2[%dma_start3A, %dma_start3A_115] : memref<20000x128xf32, #tpu.memory_space<hbm>> -> memref<20000x128xf32, #tpu.memory_space<hbm>>
    tpu.enqueue_indirect_dma source(%dma_start3A_116 : memref<20000x128xf32, #tpu.memory_space<hbm>>) target(%arg15 : memref<80x128xf32, #tpu.memory_space<vmem>>) offsets(%arg9 : memref<80xi32, #tpu.memory_space<vmem>>) semaphore(%arg23 : memref<!tpu.dma_semaphore, #tpu.memory_space<semaphore_mem>>)
    %dma_start3A_117 = arith.constant 0 : i32
    %dma_start3A_118 = tpu.memref_slice %arg3[%dma_start3A_117] : memref<20000xf32, #tpu.memory_space<hbm>> -> memref<20000xf32, #tpu.memory_space<hbm>>
    tpu.enqueue_indirect_dma source(%dma_start3A_118 : memref<20000xf32, #tpu.memory_space<hbm>>) target(%arg18 : memref<80xf32, #tpu.memory_space<vmem>>) offsets(%arg9 : memref<80xi32, #tpu.memory_space<vmem>>) semaphore(%arg26 : memref<!tpu.dma_semaphore, #tpu.memory_space<semaphore_mem>>)
    %get3A_119 = arith.constant 1 : i32
    %get3A_120 = arith.index_cast %get3A_119 : i32 to index
    %get3A_121 = arith.constant 0 : index
    %get3A_122 = tpu.vector_load %arg8[%get3A_120, %get3A_121] {strides = array<i32>} : memref<125x80xi32, #tpu.memory_space<vmem>>, vector<1x16xi32>,
    %get3A_123 = vector.shape_cast %get3A_122 : vector<1x16xi32> to vector<16xi32>
    %shift_right_logical3A_124 = arith.constant 14 : i32
    %shift_right_logical3A_125 = vector.broadcast %shift_right_logical3A_124 : i32 to vector<16xi32>
    %shift_right_logical3A_126 = arith.shrui %get3A_123, %shift_right_logical3A_125 : vector<16xi32>
    %swap3A_127 = arith.constant 0 : index
    %swap3A_128 = tpu.vector_load %arg13[%swap3A_127] {strides = array<i32>} : memref<80xi32, #tpu.memory_space<vmem>>, vector<16xi32>,
    %swap3A_129 = vector.shape_cast %swap3A_128 : vector<16xi32> to vector<16xi32>
    %swap3A_130 = vector.shape_cast %shift_right_logical3A_126 : vector<16xi32> to vector<16xi32>
    tpu.vector_store %arg13[%swap3A_127], %swap3A_130 {strides = array<i32>} : memref<80xi32, #tpu.memory_space<vmem>>, vector<16xi32>,
    %and3A_131 = arith.constant 16383 : i32
    %and3A_132 = vector.broadcast %and3A_131 : i32 to vector<16xi32>
    %and3A_133 = arith.andi %get3A_123, %and3A_132 : vector<16xi32>
    %add3A_134 = vector.broadcast %mul3A_2 : i32 to vector<16xi32>
    %add3A_135 = arith.addi %and3A_133, %add3A_134 : vector<16xi32>
    %swap3A_136 = arith.constant 0 : index
    %swap3A_137 = tpu.vector_load %arg10[%swap3A_136] {strides = array<i32>} : memref<80xi32, #tpu.memory_space<vmem>>, vector<16xi32>,
    %swap3A_138 = vector.shape_cast %swap3A_137 : vector<16xi32> to vector<16xi32>
    %swap3A_139 = vector.shape_cast %add3A_135 : vector<16xi32> to vector<16xi32>
    tpu.vector_store %arg10[%swap3A_136], %swap3A_139 {strides = array<i32>} : memref<80xi32, #tpu.memory_space<vmem>>, vector<16xi32>,
    %get3A_140 = arith.constant 1 : i32
    %get3A_141 = arith.index_cast %get3A_140 : i32 to index
    %get3A_142 = arith.constant 16 : index
    %get3A_143 = tpu.vector_load %arg8[%get3A_141, %get3A_142] {strides = array<i32>} : memref<125x80xi32, #tpu.memory_space<vmem>>, vector<1x16xi32>,
    %get3A_144 = vector.shape_cast %get3A_143 : vector<1x16xi32> to vector<16xi32>
    %shift_right_logical3A_145 = arith.constant 14 : i32
    %shift_right_logical3A_146 = vector.broadcast %shift_right_logical3A_145 : i32 to vector<16xi32>
    %shift_right_logical3A_147 = arith.shrui %get3A_144, %shift_right_logical3A_146 : vector<16xi32>
    %swap3A_148 = arith.constant 16 : index
    %swap3A_149 = tpu.vector_load %arg13[%swap3A_148] {strides = array<i32>} : memref<80xi32, #tpu.memory_space<vmem>>, vector<16xi32>,
    %swap3A_150 = vector.shape_cast %swap3A_149 : vector<16xi32> to vector<16xi32>
    %swap3A_151 = vector.shape_cast %shift_right_logical3A_147 : vector<16xi32> to vector<16xi32>
    tpu.vector_store %arg13[%swap3A_148], %swap3A_151 {strides = array<i32>} : memref<80xi32, #tpu.memory_space<vmem>>, vector<16xi32>,
    %and3A_152 = arith.constant 16383 : i32
    %and3A_153 = vector.broadcast %and3A_152 : i32 to vector<16xi32>
    %and3A_154 = arith.andi %get3A_144, %and3A_153 : vector<16xi32>
    %add3A_155 = vector.broadcast %mul3A_2 : i32 to vector<16xi32>
    %add3A_156 = arith.addi %and3A_154, %add3A_155 : vector<16xi32>
    %swap3A_157 = arith.constant 16 : index
    %swap3A_158 = tpu.vector_load %arg10[%swap3A_157] {strides = array<i32>} : memref<80xi32, #tpu.memory_space<vmem>>, vector<16xi32>,
    %swap3A_159 = vector.shape_cast %swap3A_158 : vector<16xi32> to vector<16xi32>
    %swap3A_160 = vector.shape_cast %add3A_156 : vector<16xi32> to vector<16xi32>
    tpu.vector_store %arg10[%swap3A_157], %swap3A_160 {strides = array<i32>} : memref<80xi32, #tpu.memory_space<vmem>>, vector<16xi32>,
    %get3A_161 = arith.constant 1 : i32
    %get3A_162 = arith.index_cast %get3A_161 : i32 to index
    %get3A_163 = arith.constant 32 : index
    %get3A_164 = tpu.vector_load %arg8[%get3A_162, %get3A_163] {strides = array<i32>} : memref<125x80xi32, #tpu.memory_space<vmem>>, vector<1x16xi32>,
    %get3A_165 = vector.shape_cast %get3A_164 : vector<1x16xi32> to vector<16xi32>
    %shift_right_logical3A_166 = arith.constant 14 : i32
    %shift_right_logical3A_167 = vector.broadcast %shift_right_logical3A_166 : i32 to vector<16xi32>
    %shift_right_logical3A_168 = arith.shrui %get3A_165, %shift_right_logical3A_167 : vector<16xi32>
    %swap3A_169 = arith.constant 32 : index
    %swap3A_170 = tpu.vector_load %arg13[%swap3A_169] {strides = array<i32>} : memref<80xi32, #tpu.memory_space<vmem>>, vector<16xi32>,
    %swap3A_171 = vector.shape_cast %swap3A_170 : vector<16xi32> to vector<16xi32>
    %swap3A_172 = vector.shape_cast %shift_right_logical3A_168 : vector<16xi32> to vector<16xi32>
    tpu.vector_store %arg13[%swap3A_169], %swap3A_172 {strides = array<i32>} : memref<80xi32, #tpu.memory_space<vmem>>, vector<16xi32>,
    %and3A_173 = arith.constant 16383 : i32
    %and3A_174 = vector.broadcast %and3A_173 : i32 to vector<16xi32>
    %and3A_175 = arith.andi %get3A_165, %and3A_174 : vector<16xi32>
    %add3A_176 = vector.broadcast %mul3A_2 : i32 to vector<16xi32>
    %add3A_177 = arith.addi %and3A_175, %add3A_176 : vector<16xi32>
    %swap3A_178 = arith.constant 32 : index
    %swap3A_179 = tpu.vector_load %arg10[%swap3A_178] {strides = array<i32>} : memref<80xi32, #tpu.memory_space<vmem>>, vector<16xi32>,
    %swap3A_180 = vector.shape_cast %swap3A_179 : vector<16xi32> to vector<16xi32>
    %swap3A_181 = vector.shape_cast %add3A_177 : vector<16xi32> to vector<16xi32>
    tpu.vector_store %arg10[%swap3A_178], %swap3A_181 {strides = array<i32>} : memref<80xi32, #tpu.memory_space<vmem>>, vector<16xi32>,
    %get3A_182 = arith.constant 1 : i32
    %get3A_183 = arith.index_cast %get3A_182 : i32 to index
    %get3A_184 = arith.constant 48 : index
    %get3A_185 = tpu.vector_load %arg8[%get3A_183, %get3A_184] {strides = array<i32>} : memref<125x80xi32, #tpu.memory_space<vmem>>, vector<1x16xi32>,
    %get3A_186 = vector.shape_cast %get3A_185 : vector<1x16xi32> to vector<16xi32>
    %shift_right_logical3A_187 = arith.constant 14 : i32
    %shift_right_logical3A_188 = vector.broadcast %shift_right_logical3A_187 : i32 to vector<16xi32>
    %shift_right_logical3A_189 = arith.shrui %get3A_186, %shift_right_logical3A_188 : vector<16xi32>
    %swap3A_190 = arith.constant 48 : index
    %swap3A_191 = tpu.vector_load %arg13[%swap3A_190] {strides = array<i32>} : memref<80xi32, #tpu.memory_space<vmem>>, vector<16xi32>,
    %swap3A_192 = vector.shape_cast %swap3A_191 : vector<16xi32> to vector<16xi32>
    %swap3A_193 = vector.shape_cast %shift_right_logical3A_189 : vector<16xi32> to vector<16xi32>
    tpu.vector_store %arg13[%swap3A_190], %swap3A_193 {strides = array<i32>} : memref<80xi32, #tpu.memory_space<vmem>>, vector<16xi32>,
    %and3A_194 = arith.constant 16383 : i32
    %and3A_195 = vector.broadcast %and3A_194 : i32 to vector<16xi32>
    %and3A_196 = arith.andi %get3A_186, %and3A_195 : vector<16xi32>
    %add3A_197 = vector.broadcast %mul3A_2 : i32 to vector<16xi32>
    %add3A_198 = arith.addi %and3A_196, %add3A_197 : vector<16xi32>
    %swap3A_199 = arith.constant 48 : index
    %swap3A_200 = tpu.vector_load %arg10[%swap3A_199] {strides = array<i32>} : memref<80xi32, #tpu.memory_space<vmem>>, vector<16xi32>,
    %swap3A_201 = vector.shape_cast %swap3A_200 : vector<16xi32> to vector<16xi32>
    %swap3A_202 = vector.shape_cast %add3A_198 : vector<16xi32> to vector<16xi32>
    tpu.vector_store %arg10[%swap3A_199], %swap3A_202 {strides = array<i32>} : memref<80xi32, #tpu.memory_space<vmem>>, vector<16xi32>,
    %get3A_203 = arith.constant 1 : i32
    %get3A_204 = arith.index_cast %get3A_203 : i32 to index
    %get3A_205 = arith.constant 64 : index
    %get3A_206 = tpu.vector_load %arg8[%get3A_204, %get3A_205] {strides = array<i32>} : memref<125x80xi32, #tpu.memory_space<vmem>>, vector<1x16xi32>,
    %get3A_207 = vector.shape_cast %get3A_206 : vector<1x16xi32> to vector<16xi32>
    %shift_right_logical3A_208 = arith.constant 14 : i32
    %shift_right_logical3A_209 = vector.broadcast %shift_right_logical3A_208 : i32 to vector<16xi32>
    %shift_right_logical3A_210 = arith.shrui %get3A_207, %shift_right_logical3A_209 : vector<16xi32>
    %swap3A_211 = arith.constant 64 : index
    %swap3A_212 = tpu.vector_load %arg13[%swap3A_211] {strides = array<i32>} : memref<80xi32, #tpu.memory_space<vmem>>, vector<16xi32>,
    %swap3A_213 = vector.shape_cast %swap3A_212 : vector<16xi32> to vector<16xi32>
    %swap3A_214 = vector.shape_cast %shift_right_logical3A_210 : vector<16xi32> to vector<16xi32>
    tpu.vector_store %arg13[%swap3A_211], %swap3A_214 {strides = array<i32>} : memref<80xi32, #tpu.memory_space<vmem>>, vector<16xi32>,
    %and3A_215 = arith.constant 16383 : i32
    %and3A_216 = vector.broadcast %and3A_215 : i32 to vector<16xi32>
    %and3A_217 = arith.andi %get3A_207, %and3A_216 : vector<16xi32>
    %add3A_218 = vector.broadcast %mul3A_2 : i32 to vector<16xi32>
    %add3A_219 = arith.addi %and3A_217, %add3A_218 : vector<16xi32>
    %swap3A_220 = arith.constant 64 : index
    %swap3A_221 = tpu.vector_load %arg10[%swap3A_220] {strides = array<i32>} : memref<80xi32, #tpu.memory_space<vmem>>, vector<16xi32>,
    %swap3A_222 = vector.shape_cast %swap3A_221 : vector<16xi32> to vector<16xi32>
    %swap3A_223 = vector.shape_cast %add3A_219 : vector<16xi32> to vector<16xi32>
    tpu.vector_store %arg10[%swap3A_220], %swap3A_223 {strides = array<i32>} : memref<80xi32, #tpu.memory_space<vmem>>, vector<16xi32>,
    %dma_start3A_224 = arith.constant 0 : i32
    %dma_start3A_225 = arith.constant 0 : i32
    %dma_start3A_226 = tpu.memref_slice %arg2[%dma_start3A_224, %dma_start3A_225] : memref<20000x128xf32, #tpu.memory_space<hbm>> -> memref<20000x128xf32, #tpu.memory_space<hbm>>
    tpu.enqueue_indirect_dma source(%dma_start3A_226 : memref<20000x128xf32, #tpu.memory_space<hbm>>) target(%arg16 : memref<80x128xf32, #tpu.memory_space<vmem>>) offsets(%arg10 : memref<80xi32, #tpu.memory_space<vmem>>) semaphore(%arg24 : memref<!tpu.dma_semaphore, #tpu.memory_space<semaphore_mem>>)
    %dma_start3A_227 = arith.constant 0 : i32
    %dma_start3A_228 = tpu.memref_slice %arg3[%dma_start3A_227] : memref<20000xf32, #tpu.memory_space<hbm>> -> memref<20000xf32, #tpu.memory_space<hbm>>
    tpu.enqueue_indirect_dma source(%dma_start3A_228 : memref<20000xf32, #tpu.memory_space<hbm>>) target(%arg19 : memref<80xf32, #tpu.memory_space<vmem>>) offsets(%arg10 : memref<80xi32, #tpu.memory_space<vmem>>) semaphore(%arg27 : memref<!tpu.dma_semaphore, #tpu.memory_space<semaphore_mem>>)
    %get3A_229 = arith.constant 2 : i32
    %get3A_230 = arith.index_cast %get3A_229 : i32 to index
    %get3A_231 = arith.constant 0 : index
    %get3A_232 = tpu.vector_load %arg8[%get3A_230, %get3A_231] {strides = array<i32>} : memref<125x80xi32, #tpu.memory_space<vmem>>, vector<1x16xi32>,
    %get3A_233 = vector.shape_cast %get3A_232 : vector<1x16xi32> to vector<16xi32>
    %shift_right_logical3A_234 = arith.constant 14 : i32
    %shift_right_logical3A_235 = vector.broadcast %shift_right_logical3A_234 : i32 to vector<16xi32>
    %shift_right_logical3A_236 = arith.shrui %get3A_233, %shift_right_logical3A_235 : vector<16xi32>
    %swap3A_237 = arith.constant 0 : index
    %swap3A_238 = tpu.vector_load %arg14[%swap3A_237] {strides = array<i32>} : memref<80xi32, #tpu.memory_space<vmem>>, vector<16xi32>,
    %swap3A_239 = vector.shape_cast %swap3A_238 : vector<16xi32> to vector<16xi32>
    %swap3A_240 = vector.shape_cast %shift_right_logical3A_236 : vector<16xi32> to vector<16xi32>
    tpu.vector_store %arg14[%swap3A_237], %swap3A_240 {strides = array<i32>} : memref<80xi32, #tpu.memory_space<vmem>>, vector<16xi32>,
    %and3A_241 = arith.constant 16383 : i32
    %and3A_242 = vector.broadcast %and3A_241 : i32 to vector<16xi32>
    %and3A_243 = arith.andi %get3A_233, %and3A_242 : vector<16xi32>
    %add3A_244 = vector.broadcast %mul3A_2 : i32 to vector<16xi32>
    %add3A_245 = arith.addi %and3A_243, %add3A_244 : vector<16xi32>
    %swap3A_246 = arith.constant 0 : index
    %swap3A_247 = tpu.vector_load %arg11[%swap3A_246] {strides = array<i32>} : memref<80xi32, #tpu.memory_space<vmem>>, vector<16xi32>,
    %swap3A_248 = vector.shape_cast %swap3A_247 : vector<16xi32> to vector<16xi32>
    %swap3A_249 = vector.shape_cast %add3A_245 : vector<16xi32> to vector<16xi32>
    tpu.vector_store %arg11[%swap3A_246], %swap3A_249 {strides = array<i32>} : memref<80xi32, #tpu.memory_space<vmem>>, vector<16xi32>,
    %get3A_250 = arith.constant 2 : i32
    %get3A_251 = arith.index_cast %get3A_250 : i32 to index
    %get3A_252 = arith.constant 16 : index
    %get3A_253 = tpu.vector_load %arg8[%get3A_251, %get3A_252] {strides = array<i32>} : memref<125x80xi32, #tpu.memory_space<vmem>>, vector<1x16xi32>,
    %get3A_254 = vector.shape_cast %get3A_253 : vector<1x16xi32> to vector<16xi32>
    %shift_right_logical3A_255 = arith.constant 14 : i32
    %shift_right_logical3A_256 = vector.broadcast %shift_right_logical3A_255 : i32 to vector<16xi32>
    %shift_right_logical3A_257 = arith.shrui %get3A_254, %shift_right_logical3A_256 : vector<16xi32>
    %swap3A_258 = arith.constant 16 : index
    %swap3A_259 = tpu.vector_load %arg14[%swap3A_258] {strides = array<i32>} : memref<80xi32, #tpu.memory_space<vmem>>, vector<16xi32>,
    %swap3A_260 = vector.shape_cast %swap3A_259 : vector<16xi32> to vector<16xi32>
    %swap3A_261 = vector.shape_cast %shift_right_logical3A_257 : vector<16xi32> to vector<16xi32>
    tpu.vector_store %arg14[%swap3A_258], %swap3A_261 {strides = array<i32>} : memref<80xi32, #tpu.memory_space<vmem>>, vector<16xi32>,
    %and3A_262 = arith.constant 16383 : i32
    %and3A_263 = vector.broadcast %and3A_262 : i32 to vector<16xi32>
    %and3A_264 = arith.andi %get3A_254, %and3A_263 : vector<16xi32>
    %add3A_265 = vector.broadcast %mul3A_2 : i32 to vector<16xi32>
    %add3A_266 = arith.addi %and3A_264, %add3A_265 : vector<16xi32>
    %swap3A_267 = arith.constant 16 : index
    %swap3A_268 = tpu.vector_load %arg11[%swap3A_267] {strides = array<i32>} : memref<80xi32, #tpu.memory_space<vmem>>, vector<16xi32>,
    %swap3A_269 = vector.shape_cast %swap3A_268 : vector<16xi32> to vector<16xi32>
    %swap3A_270 = vector.shape_cast %add3A_266 : vector<16xi32> to vector<16xi32>
    tpu.vector_store %arg11[%swap3A_267], %swap3A_270 {strides = array<i32>} : memref<80xi32, #tpu.memory_space<vmem>>, vector<16xi32>,
    %get3A_271 = arith.constant 2 : i32
    %get3A_272 = arith.index_cast %get3A_271 : i32 to index
    %get3A_273 = arith.constant 32 : index
    %get3A_274 = tpu.vector_load %arg8[%get3A_272, %get3A_273] {strides = array<i32>} : memref<125x80xi32, #tpu.memory_space<vmem>>, vector<1x16xi32>,
    %get3A_275 = vector.shape_cast %get3A_274 : vector<1x16xi32> to vector<16xi32>
    %shift_right_logical3A_276 = arith.constant 14 : i32
    %shift_right_logical3A_277 = vector.broadcast %shift_right_logical3A_276 : i32 to vector<16xi32>
    %shift_right_logical3A_278 = arith.shrui %get3A_275, %shift_right_logical3A_277 : vector<16xi32>
    %swap3A_279 = arith.constant 32 : index
    %swap3A_280 = tpu.vector_load %arg14[%swap3A_279] {strides = array<i32>} : memref<80xi32, #tpu.memory_space<vmem>>, vector<16xi32>,
    %swap3A_281 = vector.shape_cast %swap3A_280 : vector<16xi32> to vector<16xi32>
    %swap3A_282 = vector.shape_cast %shift_right_logical3A_278 : vector<16xi32> to vector<16xi32>
    tpu.vector_store %arg14[%swap3A_279], %swap3A_282 {strides = array<i32>} : memref<80xi32, #tpu.memory_space<vmem>>, vector<16xi32>,
    %and3A_283 = arith.constant 16383 : i32
    %and3A_284 = vector.broadcast %and3A_283 : i32 to vector<16xi32>
    %and3A_285 = arith.andi %get3A_275, %and3A_284 : vector<16xi32>
    %add3A_286 = vector.broadcast %mul3A_2 : i32 to vector<16xi32>
    %add3A_287 = arith.addi %and3A_285, %add3A_286 : vector<16xi32>
    %swap3A_288 = arith.constant 32 : index
    %swap3A_289 = tpu.vector_load %arg11[%swap3A_288] {strides = array<i32>} : memref<80xi32, #tpu.memory_space<vmem>>, vector<16xi32>,
    %swap3A_290 = vector.shape_cast %swap3A_289 : vector<16xi32> to vector<16xi32>
    %swap3A_291 = vector.shape_cast %add3A_287 : vector<16xi32> to vector<16xi32>
    tpu.vector_store %arg11[%swap3A_288], %swap3A_291 {strides = array<i32>} : memref<80xi32, #tpu.memory_space<vmem>>, vector<16xi32>,
    %get3A_292 = arith.constant 2 : i32
    %get3A_293 = arith.index_cast %get3A_292 : i32 to index
    %get3A_294 = arith.constant 48 : index
    %get3A_295 = tpu.vector_load %arg8[%get3A_293, %get3A_294] {strides = array<i32>} : memref<125x80xi32, #tpu.memory_space<vmem>>, vector<1x16xi32>,
    %get3A_296 = vector.shape_cast %get3A_295 : vector<1x16xi32> to vector<16xi32>
    %shift_right_logical3A_297 = arith.constant 14 : i32
    %shift_right_logical3A_298 = vector.broadcast %shift_right_logical3A_297 : i32 to vector<16xi32>
    %shift_right_logical3A_299 = arith.shrui %get3A_296, %shift_right_logical3A_298 : vector<16xi32>
    %swap3A_300 = arith.constant 48 : index
    %swap3A_301 = tpu.vector_load %arg14[%swap3A_300] {strides = array<i32>} : memref<80xi32, #tpu.memory_space<vmem>>, vector<16xi32>,
    %swap3A_302 = vector.shape_cast %swap3A_301 : vector<16xi32> to vector<16xi32>
    %swap3A_303 = vector.shape_cast %shift_right_logical3A_299 : vector<16xi32> to vector<16xi32>
    tpu.vector_store %arg14[%swap3A_300], %swap3A_303 {strides = array<i32>} : memref<80xi32, #tpu.memory_space<vmem>>, vector<16xi32>,
    %and3A_304 = arith.constant 16383 : i32
    %and3A_305 = vector.broadcast %and3A_304 : i32 to vector<16xi32>
    %and3A_306 = arith.andi %get3A_296, %and3A_305 : vector<16xi32>
    %add3A_307 = vector.broadcast %mul3A_2 : i32 to vector<16xi32>
    %add3A_308 = arith.addi %and3A_306, %add3A_307 : vector<16xi32>
    %swap3A_309 = arith.constant 48 : index
    %swap3A_310 = tpu.vector_load %arg11[%swap3A_309] {strides = array<i32>} : memref<80xi32, #tpu.memory_space<vmem>>, vector<16xi32>,
    %swap3A_311 = vector.shape_cast %swap3A_310 : vector<16xi32> to vector<16xi32>
    %swap3A_312 = vector.shape_cast %add3A_308 : vector<16xi32> to vector<16xi32>
    tpu.vector_store %arg11[%swap3A_309], %swap3A_312 {strides = array<i32>} : memref<80xi32, #tpu.memory_space<vmem>>, vector<16xi32>,
    %get3A_313 = arith.constant 2 : i32
    %get3A_314 = arith.index_cast %get3A_313 : i32 to index
    %get3A_315 = arith.constant 64 : index
    %get3A_316 = tpu.vector_load %arg8[%get3A_314, %get3A_315] {strides = array<i32>} : memref<125x80xi32, #tpu.memory_space<vmem>>, vector<1x16xi32>,
    %get3A_317 = vector.shape_cast %get3A_316 : vector<1x16xi32> to vector<16xi32>
    %shift_right_logical3A_318 = arith.constant 14 : i32
    %shift_right_logical3A_319 = vector.broadcast %shift_right_logical3A_318 : i32 to vector<16xi32>
    %shift_right_logical3A_320 = arith.shrui %get3A_317, %shift_right_logical3A_319 : vector<16xi32>
    %swap3A_321 = arith.constant 64 : index
    %swap3A_322 = tpu.vector_load %arg14[%swap3A_321] {strides = array<i32>} : memref<80xi32, #tpu.memory_space<vmem>>, vector<16xi32>,
    %swap3A_323 = vector.shape_cast %swap3A_322 : vector<16xi32> to vector<16xi32>
    %swap3A_324 = vector.shape_cast %shift_right_logical3A_320 : vector<16xi32> to vector<16xi32>
    tpu.vector_store %arg14[%swap3A_321], %swap3A_324 {strides = array<i32>} : memref<80xi32, #tpu.memory_space<vmem>>, vector<16xi32>,
    %and3A_325 = arith.constant 16383 : i32
    %and3A_326 = vector.broadcast %and3A_325 : i32 to vector<16xi32>
    %and3A_327 = arith.andi %get3A_317, %and3A_326 : vector<16xi32>
    %add3A_328 = vector.broadcast %mul3A_2 : i32 to vector<16xi32>
    %add3A_329 = arith.addi %and3A_327, %add3A_328 : vector<16xi32>
    %swap3A_330 = arith.constant 64 : index
    %swap3A_331 = tpu.vector_load %arg11[%swap3A_330] {strides = array<i32>} : memref<80xi32, #tpu.memory_space<vmem>>, vector<16xi32>,
    %swap3A_332 = vector.shape_cast %swap3A_331 : vector<16xi32> to vector<16xi32>
    %swap3A_333 = vector.shape_cast %add3A_329 : vector<16xi32> to vector<16xi32>
    tpu.vector_store %arg11[%swap3A_330], %swap3A_333 {strides = array<i32>} : memref<80xi32, #tpu.memory_space<vmem>>, vector<16xi32>,
    %dma_start3A_334 = arith.constant 0 : i32
    %dma_start3A_335 = arith.constant 0 : i32
    %dma_start3A_336 = tpu.memref_slice %arg2[%dma_start3A_334, %dma_start3A_335] : memref<20000x128xf32, #tpu.memory_space<hbm>> -> memref<20000x128xf32, #tpu.memory_space<hbm>>
    tpu.enqueue_indirect_dma source(%dma_start3A_336 : memref<20000x128xf32, #tpu.memory_space<hbm>>) target(%arg17 : memref<80x128xf32, #tpu.memory_space<vmem>>) offsets(%arg11 : memref<80xi32, #tpu.memory_space<vmem>>) semaphore(%arg25 : memref<!tpu.dma_semaphore, #tpu.memory_space<semaphore_mem>>)
    %dma_start3A_337 = arith.constant 0 : i32
    %dma_start3A_338 = tpu.memref_slice %arg3[%dma_start3A_337] : memref<20000xf32, #tpu.memory_space<hbm>> -> memref<20000xf32, #tpu.memory_space<hbm>>
    tpu.enqueue_indirect_dma source(%dma_start3A_338 : memref<20000xf32, #tpu.memory_space<hbm>>) target(%arg20 : memref<80xf32, #tpu.memory_space<vmem>>) offsets(%arg11 : memref<80xi32, #tpu.memory_space<vmem>>) semaphore(%arg28 : memref<!tpu.dma_semaphore, #tpu.memory_space<semaphore_mem>>)
    %dma_wait3A = arith.constant 0 : i32
    %dma_wait3A_339 = arith.constant 0 : i32
    %dma_wait3A_340 = tpu.memref_slice %arg2[%dma_wait3A, %dma_wait3A_339] : memref<20000x128xf32, #tpu.memory_space<hbm>> -> memref<20000x128xf32, #tpu.memory_space<hbm>>
    tpu.wait_indirect_dma semaphore(%arg23 : memref<!tpu.dma_semaphore, #tpu.memory_space<semaphore_mem>>) src(%dma_wait3A_340 : memref<20000x128xf32, #tpu.memory_space<hbm>>) dst(%arg15 : memref<80x128xf32, #tpu.memory_space<vmem>>)
    %dma_wait3A_341 = arith.constant 0 : i32
    %dma_wait3A_342 = tpu.memref_slice %arg3[%dma_wait3A_341] : memref<20000xf32, #tpu.memory_space<hbm>> -> memref<20000xf32, #tpu.memory_space<hbm>>
    tpu.wait_indirect_dma semaphore(%arg26 : memref<!tpu.dma_semaphore, #tpu.memory_space<semaphore_mem>>) src(%dma_wait3A_342 : memref<20000xf32, #tpu.memory_space<hbm>>) dst(%arg18 : memref<80xf32, #tpu.memory_space<vmem>>)
    %dma_start3A_343 = arith.constant 0 : i32
    %dma_start3A_344 = arith.constant 0 : i32
    %dma_start3A_345 = tpu.memref_slice %arg22[%dma_start3A_343, %dma_start3A_344] : memref<10240x128xf32, #tpu.memory_space<vmem_shared>> -> memref<10240x128xf32, #tpu.memory_space<vmem_shared>>
    tpu.enqueue_indirect_dma source(%arg15 : memref<80x128xf32, #tpu.memory_space<vmem>>) target(%dma_start3A_345 : memref<10240x128xf32, #tpu.memory_space<vmem_shared>>) offsets(%arg12 : memref<80xi32, #tpu.memory_space<vmem>>) semaphore(%arg29 : memref<!tpu.dma_semaphore, #tpu.memory_space<semaphore_mem>>) {add = true}
    %get3A_346 = arith.constant 0 : index
    %get3A_347 = tpu.vector_load %arg21[%get3A_346] {strides = array<i32>} : memref<16xf32, #tpu.memory_space<vmem>>, vector<16xf32>,
    %get3A_348 = vector.shape_cast %get3A_347 : vector<16xf32> to vector<16xf32>
    %get3A_349 = arith.constant 0 : index
    %get3A_350 = tpu.vector_load %arg18[%get3A_349] {strides = array<i32>} : memref<80xf32, #tpu.memory_space<vmem>>, vector<16xf32>,
    %get3A_351 = vector.shape_cast %get3A_350 : vector<16xf32> to vector<16xf32>
    %add3A_352 = arith.addf %get3A_348, %get3A_351 : vector<16xf32>
    %get3A_353 = arith.constant 16 : index
    %get3A_354 = tpu.vector_load %arg18[%get3A_353] {strides = array<i32>} : memref<80xf32, #tpu.memory_space<vmem>>, vector<16xf32>,
    %get3A_355 = vector.shape_cast %get3A_354 : vector<16xf32> to vector<16xf32>
    %add3A_356 = arith.addf %add3A_352, %get3A_355 : vector<16xf32>
    %get3A_357 = arith.constant 32 : index
    %get3A_358 = tpu.vector_load %arg18[%get3A_357] {strides = array<i32>} : memref<80xf32, #tpu.memory_space<vmem>>, vector<16xf32>,
    %get3A_359 = vector.shape_cast %get3A_358 : vector<16xf32> to vector<16xf32>
    %add3A_360 = arith.addf %add3A_356, %get3A_359 : vector<16xf32>
    %get3A_361 = arith.constant 48 : index
    %get3A_362 = tpu.vector_load %arg18[%get3A_361] {strides = array<i32>} : memref<80xf32, #tpu.memory_space<vmem>>, vector<16xf32>,
    %get3A_363 = vector.shape_cast %get3A_362 : vector<16xf32> to vector<16xf32>
    %add3A_364 = arith.addf %add3A_360, %get3A_363 : vector<16xf32>
    %get3A_365 = arith.constant 64 : index
    %get3A_366 = tpu.vector_load %arg18[%get3A_365] {strides = array<i32>} : memref<80xf32, #tpu.memory_space<vmem>>, vector<16xf32>,
    %get3A_367 = vector.shape_cast %get3A_366 : vector<16xf32> to vector<16xf32>
    %add3A_368 = arith.addf %add3A_364, %get3A_367 : vector<16xf32>
    %swap3A_369 = arith.constant 0 : index
    %swap3A_370 = tpu.vector_load %arg21[%swap3A_369] {strides = array<i32>} : memref<16xf32, #tpu.memory_space<vmem>>, vector<16xf32>,
    %swap3A_371 = vector.shape_cast %swap3A_370 : vector<16xf32> to vector<16xf32>
    %swap3A_372 = vector.shape_cast %add3A_368 : vector<16xf32> to vector<16xf32>
    tpu.vector_store %arg21[%swap3A_369], %swap3A_372 {strides = array<i32>} : memref<16xf32, #tpu.memory_space<vmem>>, vector<16xf32>,
    %dma_wait3A_373 = arith.constant 0 : i32
    %dma_wait3A_374 = arith.constant 0 : i32
    %dma_wait3A_375 = tpu.memref_slice %arg22[%dma_wait3A_373, %dma_wait3A_374] : memref<10240x128xf32, #tpu.memory_space<vmem_shared>> -> memref<10240x128xf32, #tpu.memory_space<vmem_shared>>
    tpu.wait_indirect_dma semaphore(%arg29 : memref<!tpu.dma_semaphore, #tpu.memory_space<semaphore_mem>>) src(%arg15 : memref<80x128xf32, #tpu.memory_space<vmem>>) dst(%dma_wait3A_375 : memref<10240x128xf32, #tpu.memory_space<vmem_shared>>)
    %get3A_376 = arith.constant 3 : i32
    %get3A_377 = arith.index_cast %get3A_376 : i32 to index
    %get3A_378 = arith.constant 0 : index
    %get3A_379 = tpu.vector_load %arg8[%get3A_377, %get3A_378] {strides = array<i32>} : memref<125x80xi32, #tpu.memory_space<vmem>>, vector<1x16xi32>,
    %get3A_380 = vector.shape_cast %get3A_379 : vector<1x16xi32> to vector<16xi32>
    %shift_right_logical3A_381 = arith.constant 14 : i32
    %shift_right_logical3A_382 = vector.broadcast %shift_right_logical3A_381 : i32 to vector<16xi32>
    %shift_right_logical3A_383 = arith.shrui %get3A_380, %shift_right_logical3A_382 : vector<16xi32>
    %swap3A_384 = arith.constant 0 : index
    %swap3A_385 = tpu.vector_load %arg12[%swap3A_384] {strides = array<i32>} : memref<80xi32, #tpu.memory_space<vmem>>, vector<16xi32>,
    %swap3A_386 = vector.shape_cast %swap3A_385 : vector<16xi32> to vector<16xi32>
    %swap3A_387 = vector.shape_cast %shift_right_logical3A_383 : vector<16xi32> to vector<16xi32>
    tpu.vector_store %arg12[%swap3A_384], %swap3A_387 {strides = array<i32>} : memref<80xi32, #tpu.memory_space<vmem>>, vector<16xi32>,
    %and3A_388 = arith.constant 16383 : i32
    %and3A_389 = vector.broadcast %and3A_388 : i32 to vector<16xi32>
    %and3A_390 = arith.andi %get3A_380, %and3A_389 : vector<16xi32>
    %add3A_391 = vector.broadcast %mul3A_2 : i32 to vector<16xi32>
    %add3A_392 = arith.addi %and3A_390, %add3A_391 : vector<16xi32>
    %swap3A_393 = arith.constant 0 : index
    %swap3A_394 = tpu.vector_load %arg9[%swap3A_393] {strides = array<i32>} : memref<80xi32, #tpu.memory_space<vmem>>, vector<16xi32>,
    %swap3A_395 = vector.shape_cast %swap3A_394 : vector<16xi32> to vector<16xi32>
    %swap3A_396 = vector.shape_cast %add3A_392 : vector<16xi32> to vector<16xi32>
    tpu.vector_store %arg9[%swap3A_393], %swap3A_396 {strides = array<i32>} : memref<80xi32, #tpu.memory_space<vmem>>, vector<16xi32>,
    %get3A_397 = arith.constant 3 : i32
    %get3A_398 = arith.index_cast %get3A_397 : i32 to index
    %get3A_399 = arith.constant 16 : index
    %get3A_400 = tpu.vector_load %arg8[%get3A_398, %get3A_399] {strides = array<i32>} : memref<125x80xi32, #tpu.memory_space<vmem>>, vector<1x16xi32>,
    %get3A_401 = vector.shape_cast %get3A_400 : vector<1x16xi32> to vector<16xi32>
    %shift_right_logical3A_402 = arith.constant 14 : i32
    %shift_right_logical3A_403 = vector.broadcast %shift_right_logical3A_402 : i32 to vector<16xi32>
    %shift_right_logical3A_404 = arith.shrui %get3A_401, %shift_right_logical3A_403 : vector<16xi32>
    %swap3A_405 = arith.constant 16 : index
    %swap3A_406 = tpu.vector_load %arg12[%swap3A_405] {strides = array<i32>} : memref<80xi32, #tpu.memory_space<vmem>>, vector<16xi32>,
    %swap3A_407 = vector.shape_cast %swap3A_406 : vector<16xi32> to vector<16xi32>
    %swap3A_408 = vector.shape_cast %shift_right_logical3A_404 : vector<16xi32> to vector<16xi32>
    tpu.vector_store %arg12[%swap3A_405], %swap3A_408 {strides = array<i32>} : memref<80xi32, #tpu.memory_space<vmem>>, vector<16xi32>,
    %and3A_409 = arith.constant 16383 : i32
    %and3A_410 = vector.broadcast %and3A_409 : i32 to vector<16xi32>
    %and3A_411 = arith.andi %get3A_401, %and3A_410 : vector<16xi32>
    %add3A_412 = vector.broadcast %mul3A_2 : i32 to vector<16xi32>
    %add3A_413 = arith.addi %and3A_411, %add3A_412 : vector<16xi32>
    %swap3A_414 = arith.constant 16 : index
    %swap3A_415 = tpu.vector_load %arg9[%swap3A_414] {strides = array<i32>} : memref<80xi32, #tpu.memory_space<vmem>>, vector<16xi32>,
    %swap3A_416 = vector.shape_cast %swap3A_415 : vector<16xi32> to vector<16xi32>
    %swap3A_417 = vector.shape_cast %add3A_413 : vector<16xi32> to vector<16xi32>
    tpu.vector_store %arg9[%swap3A_414], %swap3A_417 {strides = array<i32>} : memref<80xi32, #tpu.memory_space<vmem>>, vector<16xi32>,
    %get3A_418 = arith.constant 3 : i32
    %get3A_419 = arith.index_cast %get3A_418 : i32 to index
    %get3A_420 = arith.constant 32 : index
    %get3A_421 = tpu.vector_load %arg8[%get3A_419, %get3A_420] {strides = array<i32>} : memref<125x80xi32, #tpu.memory_space<vmem>>, vector<1x16xi32>,
    %get3A_422 = vector.shape_cast %get3A_421 : vector<1x16xi32> to vector<16xi32>
    %shift_right_logical3A_423 = arith.constant 14 : i32
    %shift_right_logical3A_424 = vector.broadcast %shift_right_logical3A_423 : i32 to vector<16xi32>
    %shift_right_logical3A_425 = arith.shrui %get3A_422, %shift_right_logical3A_424 : vector<16xi32>
    %swap3A_426 = arith.constant 32 : index
    %swap3A_427 = tpu.vector_load %arg12[%swap3A_426] {strides = array<i32>} : memref<80xi32, #tpu.memory_space<vmem>>, vector<16xi32>,
    %swap3A_428 = vector.shape_cast %swap3A_427 : vector<16xi32> to vector<16xi32>
    %swap3A_429 = vector.shape_cast %shift_right_logical3A_425 : vector<16xi32> to vector<16xi32>
    tpu.vector_store %arg12[%swap3A_426], %swap3A_429 {strides = array<i32>} : memref<80xi32, #tpu.memory_space<vmem>>, vector<16xi32>,
    %and3A_430 = arith.constant 16383 : i32
    %and3A_431 = vector.broadcast %and3A_430 : i32 to vector<16xi32>
    %and3A_432 = arith.andi %get3A_422, %and3A_431 : vector<16xi32>
    %add3A_433 = vector.broadcast %mul3A_2 : i32 to vector<16xi32>
    %add3A_434 = arith.addi %and3A_432, %add3A_433 : vector<16xi32>
    %swap3A_435 = arith.constant 32 : index
    %swap3A_436 = tpu.vector_load %arg9[%swap3A_435] {strides = array<i32>} : memref<80xi32, #tpu.memory_space<vmem>>, vector<16xi32>,
    %swap3A_437 = vector.shape_cast %swap3A_436 : vector<16xi32> to vector<16xi32>
    %swap3A_438 = vector.shape_cast %add3A_434 : vector<16xi32> to vector<16xi32>
    tpu.vector_store %arg9[%swap3A_435], %swap3A_438 {strides = array<i32>} : memref<80xi32, #tpu.memory_space<vmem>>, vector<16xi32>,
    %get3A_439 = arith.constant 3 : i32
    %get3A_440 = arith.index_cast %get3A_439 : i32 to index
    %get3A_441 = arith.constant 48 : index
    %get3A_442 = tpu.vector_load %arg8[%get3A_440, %get3A_441] {strides = array<i32>} : memref<125x80xi32, #tpu.memory_space<vmem>>, vector<1x16xi32>,
    %get3A_443 = vector.shape_cast %get3A_442 : vector<1x16xi32> to vector<16xi32>
    %shift_right_logical3A_444 = arith.constant 14 : i32
    %shift_right_logical3A_445 = vector.broadcast %shift_right_logical3A_444 : i32 to vector<16xi32>
    %shift_right_logical3A_446 = arith.shrui %get3A_443, %shift_right_logical3A_445 : vector<16xi32>
    %swap3A_447 = arith.constant 48 : index
    %swap3A_448 = tpu.vector_load %arg12[%swap3A_447] {strides = array<i32>} : memref<80xi32, #tpu.memory_space<vmem>>, vector<16xi32>,
    %swap3A_449 = vector.shape_cast %swap3A_448 : vector<16xi32> to vector<16xi32>
    %swap3A_450 = vector.shape_cast %shift_right_logical3A_446 : vector<16xi32> to vector<16xi32>
    tpu.vector_store %arg12[%swap3A_447], %swap3A_450 {strides = array<i32>} : memref<80xi32, #tpu.memory_space<vmem>>, vector<16xi32>,
    %and3A_451 = arith.constant 16383 : i32
    %and3A_452 = vector.broadcast %and3A_451 : i32 to vector<16xi32>
    %and3A_453 = arith.andi %get3A_443, %and3A_452 : vector<16xi32>
    %add3A_454 = vector.broadcast %mul3A_2 : i32 to vector<16xi32>
    %add3A_455 = arith.addi %and3A_453, %add3A_454 : vector<16xi32>
    %swap3A_456 = arith.constant 48 : index
    %swap3A_457 = tpu.vector_load %arg9[%swap3A_456] {strides = array<i32>} : memref<80xi32, #tpu.memory_space<vmem>>, vector<16xi32>,
    %swap3A_458 = vector.shape_cast %swap3A_457 : vector<16xi32> to vector<16xi32>
    %swap3A_459 = vector.shape_cast %add3A_455 : vector<16xi32> to vector<16xi32>
    tpu.vector_store %arg9[%swap3A_456], %swap3A_459 {strides = array<i32>} : memref<80xi32, #tpu.memory_space<vmem>>, vector<16xi32>,
    %get3A_460 = arith.constant 3 : i32
    %get3A_461 = arith.index_cast %get3A_460 : i32 to index
    %get3A_462 = arith.constant 64 : index
    %get3A_463 = tpu.vector_load %arg8[%get3A_461, %get3A_462] {strides = array<i32>} : memref<125x80xi32, #tpu.memory_space<vmem>>, vector<1x16xi32>,
    %get3A_464 = vector.shape_cast %get3A_463 : vector<1x16xi32> to vector<16xi32>
    %shift_right_logical3A_465 = arith.constant 14 : i32
    %shift_right_logical3A_466 = vector.broadcast %shift_right_logical3A_465 : i32 to vector<16xi32>
    %shift_right_logical3A_467 = arith.shrui %get3A_464, %shift_right_logical3A_466 : vector<16xi32>
    %swap3A_468 = arith.constant 64 : index
    %swap3A_469 = tpu.vector_load %arg12[%swap3A_468] {strides = array<i32>} : memref<80xi32, #tpu.memory_space<vmem>>, vector<16xi32>,
    %swap3A_470 = vector.shape_cast %swap3A_469 : vector<16xi32> to vector<16xi32>
    %swap3A_471 = vector.shape_cast %shift_right_logical3A_467 : vector<16xi32> to vector<16xi32>
    tpu.vector_store %arg12[%swap3A_468], %swap3A_471 {strides = array<i32>} : memref<80xi32, #tpu.memory_space<vmem>>, vector<16xi32>,
    %and3A_472 = arith.constant 16383 : i32
    %and3A_473 = vector.broadcast %and3A_472 : i32 to vector<16xi32>
    %and3A_474 = arith.andi %get3A_464, %and3A_473 : vector<16xi32>
    %add3A_475 = vector.broadcast %mul3A_2 : i32 to vector<16xi32>
    %add3A_476 = arith.addi %and3A_474, %add3A_475 : vector<16xi32>
    %swap3A_477 = arith.constant 64 : index
    %swap3A_478 = tpu.vector_load %arg9[%swap3A_477] {strides = array<i32>} : memref<80xi32, #tpu.memory_space<vmem>>, vector<16xi32>,
    %swap3A_479 = vector.shape_cast %swap3A_478 : vector<16xi32> to vector<16xi32>
    %swap3A_480 = vector.shape_cast %add3A_476 : vector<16xi32> to vector<16xi32>
    tpu.vector_store %arg9[%swap3A_477], %swap3A_480 {strides = array<i32>} : memref<80xi32, #tpu.memory_space<vmem>>, vector<16xi32>,
    %dma_start3A_481 = arith.constant 0 : i32
    %dma_start3A_482 = arith.constant 0 : i32
    %dma_start3A_483 = tpu.memref_slice %arg2[%dma_start3A_481, %dma_start3A_482] : memref<20000x128xf32, #tpu.memory_space<hbm>> -> memref<20000x128xf32, #tpu.memory_space<hbm>>
    tpu.enqueue_indirect_dma source(%dma_start3A_483 : memref<20000x128xf32, #tpu.memory_space<hbm>>) target(%arg15 : memref<80x128xf32, #tpu.memory_space<vmem>>) offsets(%arg9 : memref<80xi32, #tpu.memory_space<vmem>>) semaphore(%arg23 : memref<!tpu.dma_semaphore, #tpu.memory_space<semaphore_mem>>)
    %dma_start3A_484 = arith.constant 0 : i32
    %dma_start3A_485 = tpu.memref_slice %arg3[%dma_start3A_484] : memref<20000xf32, #tpu.memory_space<hbm>> -> memref<20000xf32, #tpu.memory_space<hbm>>
    tpu.enqueue_indirect_dma source(%dma_start3A_485 : memref<20000xf32, #tpu.memory_space<hbm>>) target(%arg18 : memref<80xf32, #tpu.memory_space<vmem>>) offsets(%arg9 : memref<80xi32, #tpu.memory_space<vmem>>) semaphore(%arg26 : memref<!tpu.dma_semaphore, #tpu.memory_space<semaphore_mem>>)
    %dma_wait3A_486 = arith.constant 0 : i32
    %dma_wait3A_487 = arith.constant 0 : i32
    %dma_wait3A_488 = tpu.memref_slice %arg2[%dma_wait3A_486, %dma_wait3A_487] : memref<20000x128xf32, #tpu.memory_space<hbm>> -> memref<20000x128xf32, #tpu.memory_space<hbm>>
    tpu.wait_indirect_dma semaphore(%arg24 : memref<!tpu.dma_semaphore, #tpu.memory_space<semaphore_mem>>) src(%dma_wait3A_488 : memref<20000x128xf32, #tpu.memory_space<hbm>>) dst(%arg16 : memref<80x128xf32, #tpu.memory_space<vmem>>)
    %dma_wait3A_489 = arith.constant 0 : i32
    %dma_wait3A_490 = tpu.memref_slice %arg3[%dma_wait3A_489] : memref<20000xf32, #tpu.memory_space<hbm>> -> memref<20000xf32, #tpu.memory_space<hbm>>
    tpu.wait_indirect_dma semaphore(%arg27 : memref<!tpu.dma_semaphore, #tpu.memory_space<semaphore_mem>>) src(%dma_wait3A_490 : memref<20000xf32, #tpu.memory_space<hbm>>) dst(%arg19 : memref<80xf32, #tpu.memory_space<vmem>>)
    %dma_start3A_491 = arith.constant 0 : i32
    %dma_start3A_492 = arith.constant 0 : i32
    %dma_start3A_493 = tpu.memref_slice %arg22[%dma_start3A_491, %dma_start3A_492] : memref<10240x128xf32, #tpu.memory_space<vmem_shared>> -> memref<10240x128xf32, #tpu.memory_space<vmem_shared>>
    tpu.enqueue_indirect_dma source(%arg16 : memref<80x128xf32, #tpu.memory_space<vmem>>) target(%dma_start3A_493 : memref<10240x128xf32, #tpu.memory_space<vmem_shared>>) offsets(%arg13 : memref<80xi32, #tpu.memory_space<vmem>>) semaphore(%arg30 : memref<!tpu.dma_semaphore, #tpu.memory_space<semaphore_mem>>) {add = true}
    %get3A_494 = arith.constant 0 : index
    %get3A_495 = tpu.vector_load %arg21[%get3A_494] {strides = array<i32>} : memref<16xf32, #tpu.memory_space<vmem>>, vector<16xf32>,
    %get3A_496 = vector.shape_cast %get3A_495 : vector<16xf32> to vector<16xf32>
    %get3A_497 = arith.constant 0 : index
    %get3A_498 = tpu.vector_load %arg19[%get3A_497] {strides = array<i32>} : memref<80xf32, #tpu.memory_space<vmem>>, vector<16xf32>,
    %get3A_499 = vector.shape_cast %get3A_498 : vector<16xf32> to vector<16xf32>
    %add3A_500 = arith.addf %get3A_496, %get3A_499 : vector<16xf32>
    %get3A_501 = arith.constant 16 : index
    %get3A_502 = tpu.vector_load %arg19[%get3A_501] {strides = array<i32>} : memref<80xf32, #tpu.memory_space<vmem>>, vector<16xf32>,
    %get3A_503 = vector.shape_cast %get3A_502 : vector<16xf32> to vector<16xf32>
    %add3A_504 = arith.addf %add3A_500, %get3A_503 : vector<16xf32>
    %get3A_505 = arith.constant 32 : index
    %get3A_506 = tpu.vector_load %arg19[%get3A_505] {strides = array<i32>} : memref<80xf32, #tpu.memory_space<vmem>>, vector<16xf32>,
    %get3A_507 = vector.shape_cast %get3A_506 : vector<16xf32> to vector<16xf32>
    %add3A_508 = arith.addf %add3A_504, %get3A_507 : vector<16xf32>
    %get3A_509 = arith.constant 48 : index
    %get3A_510 = tpu.vector_load %arg19[%get3A_509] {strides = array<i32>} : memref<80xf32, #tpu.memory_space<vmem>>, vector<16xf32>,
    %get3A_511 = vector.shape_cast %get3A_510 : vector<16xf32> to vector<16xf32>
    %add3A_512 = arith.addf %add3A_508, %get3A_511 : vector<16xf32>
    %get3A_513 = arith.constant 64 : index
    %get3A_514 = tpu.vector_load %arg19[%get3A_513] {strides = array<i32>} : memref<80xf32, #tpu.memory_space<vmem>>, vector<16xf32>,
    %get3A_515 = vector.shape_cast %get3A_514 : vector<16xf32> to vector<16xf32>
    %add3A_516 = arith.addf %add3A_512, %get3A_515 : vector<16xf32>
    %swap3A_517 = arith.constant 0 : index
    %swap3A_518 = tpu.vector_load %arg21[%swap3A_517] {strides = array<i32>} : memref<16xf32, #tpu.memory_space<vmem>>, vector<16xf32>,
    %swap3A_519 = vector.shape_cast %swap3A_518 : vector<16xf32> to vector<16xf32>
    %swap3A_520 = vector.shape_cast %add3A_516 : vector<16xf32> to vector<16xf32>
    tpu.vector_store %arg21[%swap3A_517], %swap3A_520 {strides = array<i32>} : memref<16xf32, #tpu.memory_space<vmem>>, vector<16xf32>,
    %dma_wait3A_521 = arith.constant 0 : i32
    %dma_wait3A_522 = arith.constant 0 : i32
    %dma_wait3A_523 = tpu.memref_slice %arg22[%dma_wait3A_521, %dma_wait3A_522] : memref<10240x128xf32, #tpu.memory_space<vmem_shared>> -> memref<10240x128xf32, #tpu.memory_space<vmem_shared>>
    tpu.wait_indirect_dma semaphore(%arg30 : memref<!tpu.dma_semaphore, #tpu.memory_space<semaphore_mem>>) src(%arg16 : memref<80x128xf32, #tpu.memory_space<vmem>>) dst(%dma_wait3A_523 : memref<10240x128xf32, #tpu.memory_space<vmem_shared>>)
    %get3A_524 = arith.constant 4 : i32
    %get3A_525 = arith.index_cast %get3A_524 : i32 to index
    %get3A_526 = arith.constant 0 : index
    %get3A_527 = tpu.vector_load %arg8[%get3A_525, %get3A_526] {strides = array<i32>} : memref<125x80xi32, #tpu.memory_space<vmem>>, vector<1x16xi32>,
    %get3A_528 = vector.shape_cast %get3A_527 : vector<1x16xi32> to vector<16xi32>
    %shift_right_logical3A_529 = arith.constant 14 : i32
    %shift_right_logical3A_530 = vector.broadcast %shift_right_logical3A_529 : i32 to vector<16xi32>
    %shift_right_logical3A_531 = arith.shrui %get3A_528, %shift_right_logical3A_530 : vector<16xi32>
    %swap3A_532 = arith.constant 0 : index
    %swap3A_533 = tpu.vector_load %arg13[%swap3A_532] {strides = array<i32>} : memref<80xi32, #tpu.memory_space<vmem>>, vector<16xi32>,
    %swap3A_534 = vector.shape_cast %swap3A_533 : vector<16xi32> to vector<16xi32>
    %swap3A_535 = vector.shape_cast %shift_right_logical3A_531 : vector<16xi32> to vector<16xi32>
    tpu.vector_store %arg13[%swap3A_532], %swap3A_535 {strides = array<i32>} : memref<80xi32, #tpu.memory_space<vmem>>, vector<16xi32>,
    %and3A_536 = arith.constant 16383 : i32
    %and3A_537 = vector.broadcast %and3A_536 : i32 to vector<16xi32>
    %and3A_538 = arith.andi %get3A_528, %and3A_537 : vector<16xi32>
    %add3A_539 = vector.broadcast %mul3A_2 : i32 to vector<16xi32>
    %add3A_540 = arith.addi %and3A_538, %add3A_539 : vector<16xi32>
    %swap3A_541 = arith.constant 0 : index
    %swap3A_542 = tpu.vector_load %arg10[%swap3A_541] {strides = array<i32>} : memref<80xi32, #tpu.memory_space<vmem>>, vector<16xi32>,
    %swap3A_543 = vector.shape_cast %swap3A_542 : vector<16xi32> to vector<16xi32>
    %swap3A_544 = vector.shape_cast %add3A_540 : vector<16xi32> to vector<16xi32>
    tpu.vector_store %arg10[%swap3A_541], %swap3A_544 {strides = array<i32>} : memref<80xi32, #tpu.memory_space<vmem>>, vector<16xi32>,
    %get3A_545 = arith.constant 4 : i32
    %get3A_546 = arith.index_cast %get3A_545 : i32 to index
    %get3A_547 = arith.constant 16 : index
    %get3A_548 = tpu.vector_load %arg8[%get3A_546, %get3A_547] {strides = array<i32>} : memref<125x80xi32, #tpu.memory_space<vmem>>, vector<1x16xi32>,
    %get3A_549 = vector.shape_cast %get3A_548 : vector<1x16xi32> to vector<16xi32>
    %shift_right_logical3A_550 = arith.constant 14 : i32
    %shift_right_logical3A_551 = vector.broadcast %shift_right_logical3A_550 : i32 to vector<16xi32>
    %shift_right_logical3A_552 = arith.shrui %get3A_549, %shift_right_logical3A_551 : vector<16xi32>
    %swap3A_553 = arith.constant 16 : index
    %swap3A_554 = tpu.vector_load %arg13[%swap3A_553] {strides = array<i32>} : memref<80xi32, #tpu.memory_space<vmem>>, vector<16xi32>,
    %swap3A_555 = vector.shape_cast %swap3A_554 : vector<16xi32> to vector<16xi32>
    %swap3A_556 = vector.shape_cast %shift_right_logical3A_552 : vector<16xi32> to vector<16xi32>
    tpu.vector_store %arg13[%swap3A_553], %swap3A_556 {strides = array<i32>} : memref<80xi32, #tpu.memory_space<vmem>>, vector<16xi32>,
    %and3A_557 = arith.constant 16383 : i32
    %and3A_558 = vector.broadcast %and3A_557 : i32 to vector<16xi32>
    %and3A_559 = arith.andi %get3A_549, %and3A_558 : vector<16xi32>
    %add3A_560 = vector.broadcast %mul3A_2 : i32 to vector<16xi32>
    %add3A_561 = arith.addi %and3A_559, %add3A_560 : vector<16xi32>
    %swap3A_562 = arith.constant 16 : index
    %swap3A_563 = tpu.vector_load %arg10[%swap3A_562] {strides = array<i32>} : memref<80xi32, #tpu.memory_space<vmem>>, vector<16xi32>,
    %swap3A_564 = vector.shape_cast %swap3A_563 : vector<16xi32> to vector<16xi32>
    %swap3A_565 = vector.shape_cast %add3A_561 : vector<16xi32> to vector<16xi32>
    tpu.vector_store %arg10[%swap3A_562], %swap3A_565 {strides = array<i32>} : memref<80xi32, #tpu.memory_space<vmem>>, vector<16xi32>,
    %get3A_566 = arith.constant 4 : i32
    %get3A_567 = arith.index_cast %get3A_566 : i32 to index
    %get3A_568 = arith.constant 32 : index
    %get3A_569 = tpu.vector_load %arg8[%get3A_567, %get3A_568] {strides = array<i32>} : memref<125x80xi32, #tpu.memory_space<vmem>>, vector<1x16xi32>,
    %get3A_570 = vector.shape_cast %get3A_569 : vector<1x16xi32> to vector<16xi32>
    %shift_right_logical3A_571 = arith.constant 14 : i32
    %shift_right_logical3A_572 = vector.broadcast %shift_right_logical3A_571 : i32 to vector<16xi32>
    %shift_right_logical3A_573 = arith.shrui %get3A_570, %shift_right_logical3A_572 : vector<16xi32>
    %swap3A_574 = arith.constant 32 : index
    %swap3A_575 = tpu.vector_load %arg13[%swap3A_574] {strides = array<i32>} : memref<80xi32, #tpu.memory_space<vmem>>, vector<16xi32>,
    %swap3A_576 = vector.shape_cast %swap3A_575 : vector<16xi32> to vector<16xi32>
    %swap3A_577 = vector.shape_cast %shift_right_logical3A_573 : vector<16xi32> to vector<16xi32>
    tpu.vector_store %arg13[%swap3A_574], %swap3A_577 {strides = array<i32>} : memref<80xi32, #tpu.memory_space<vmem>>, vector<16xi32>,
    %and3A_578 = arith.constant 16383 : i32
    %and3A_579 = vector.broadcast %and3A_578 : i32 to vector<16xi32>
    %and3A_580 = arith.andi %get3A_570, %and3A_579 : vector<16xi32>
    %add3A_581 = vector.broadcast %mul3A_2 : i32 to vector<16xi32>
    %add3A_582 = arith.addi %and3A_580, %add3A_581 : vector<16xi32>
    %swap3A_583 = arith.constant 32 : index
    %swap3A_584 = tpu.vector_load %arg10[%swap3A_583] {strides = array<i32>} : memref<80xi32, #tpu.memory_space<vmem>>, vector<16xi32>,
    %swap3A_585 = vector.shape_cast %swap3A_584 : vector<16xi32> to vector<16xi32>
    %swap3A_586 = vector.shape_cast %add3A_582 : vector<16xi32> to vector<16xi32>
    tpu.vector_store %arg10[%swap3A_583], %swap3A_586 {strides = array<i32>} : memref<80xi32, #tpu.memory_space<vmem>>, vector<16xi32>,
    %get3A_587 = arith.constant 4 : i32
    %get3A_588 = arith.index_cast %get3A_587 : i32 to index
    %get3A_589 = arith.constant 48 : index
    %get3A_590 = tpu.vector_load %arg8[%get3A_588, %get3A_589] {strides = array<i32>} : memref<125x80xi32, #tpu.memory_space<vmem>>, vector<1x16xi32>,
    %get3A_591 = vector.shape_cast %get3A_590 : vector<1x16xi32> to vector<16xi32>
    %shift_right_logical3A_592 = arith.constant 14 : i32
    %shift_right_logical3A_593 = vector.broadcast %shift_right_logical3A_592 : i32 to vector<16xi32>
    %shift_right_logical3A_594 = arith.shrui %get3A_591, %shift_right_logical3A_593 : vector<16xi32>
    %swap3A_595 = arith.constant 48 : index
    %swap3A_596 = tpu.vector_load %arg13[%swap3A_595] {strides = array<i32>} : memref<80xi32, #tpu.memory_space<vmem>>, vector<16xi32>,
    %swap3A_597 = vector.shape_cast %swap3A_596 : vector<16xi32> to vector<16xi32>
    %swap3A_598 = vector.shape_cast %shift_right_logical3A_594 : vector<16xi32> to vector<16xi32>
    tpu.vector_store %arg13[%swap3A_595], %swap3A_598 {strides = array<i32>} : memref<80xi32, #tpu.memory_space<vmem>>, vector<16xi32>,
    %and3A_599 = arith.constant 16383 : i32
    %and3A_600 = vector.broadcast %and3A_599 : i32 to vector<16xi32>
    %and3A_601 = arith.andi %get3A_591, %and3A_600 : vector<16xi32>
    %add3A_602 = vector.broadcast %mul3A_2 : i32 to vector<16xi32>
    %add3A_603 = arith.addi %and3A_601, %add3A_602 : vector<16xi32>
    %swap3A_604 = arith.constant 48 : index
    %swap3A_605 = tpu.vector_load %arg10[%swap3A_604] {strides = array<i32>} : memref<80xi32, #tpu.memory_space<vmem>>, vector<16xi32>,
    %swap3A_606 = vector.shape_cast %swap3A_605 : vector<16xi32> to vector<16xi32>
    %swap3A_607 = vector.shape_cast %add3A_603 : vector<16xi32> to vector<16xi32>
    tpu.vector_store %arg10[%swap3A_604], %swap3A_607 {strides = array<i32>} : memref<80xi32, #tpu.memory_space<vmem>>, vector<16xi32>,
    %get3A_608 = arith.constant 4 : i32
    %get3A_609 = arith.index_cast %get3A_608 : i32 to index
    %get3A_610 = arith.constant 64 : index
    %get3A_611 = tpu.vector_load %arg8[%get3A_609, %get3A_610] {strides = array<i32>} : memref<125x80xi32, #tpu.memory_space<vmem>>, vector<1x16xi32>,
    %get3A_612 = vector.shape_cast %get3A_611 : vector<1x16xi32> to vector<16xi32>
    %shift_right_logical3A_613 = arith.constant 14 : i32
    %shift_right_logical3A_614 = vector.broadcast %shift_right_logical3A_613 : i32 to vector<16xi32>
    %shift_right_logical3A_615 = arith.shrui %get3A_612, %shift_right_logical3A_614 : vector<16xi32>
    %swap3A_616 = arith.constant 64 : index
    %swap3A_617 = tpu.vector_load %arg13[%swap3A_616] {strides = array<i32>} : memref<80xi32, #tpu.memory_space<vmem>>, vector<16xi32>,
    %swap3A_618 = vector.shape_cast %swap3A_617 : vector<16xi32> to vector<16xi32>
    %swap3A_619 = vector.shape_cast %shift_right_logical3A_615 : vector<16xi32> to vector<16xi32>
    tpu.vector_store %arg13[%swap3A_616], %swap3A_619 {strides = array<i32>} : memref<80xi32, #tpu.memory_space<vmem>>, vector<16xi32>,
    %and3A_620 = arith.constant 16383 : i32
    %and3A_621 = vector.broadcast %and3A_620 : i32 to vector<16xi32>
    %and3A_622 = arith.andi %get3A_612, %and3A_621 : vector<16xi32>
    %add3A_623 = vector.broadcast %mul3A_2 : i32 to vector<16xi32>
    %add3A_624 = arith.addi %and3A_622, %add3A_623 : vector<16xi32>
    %swap3A_625 = arith.constant 64 : index
    %swap3A_626 = tpu.vector_load %arg10[%swap3A_625] {strides = array<i32>} : memref<80xi32, #tpu.memory_space<vmem>>, vector<16xi32>,
    %swap3A_627 = vector.shape_cast %swap3A_626 : vector<16xi32> to vector<16xi32>
    %swap3A_628 = vector.shape_cast %add3A_624 : vector<16xi32> to vector<16xi32>
    tpu.vector_store %arg10[%swap3A_625], %swap3A_628 {strides = array<i32>} : memref<80xi32, #tpu.memory_space<vmem>>, vector<16xi32>,
    %dma_start3A_629 = arith.constant 0 : i32
    %dma_start3A_630 = arith.constant 0 : i32
    %dma_start3A_631 = tpu.memref_slice %arg2[%dma_start3A_629, %dma_start3A_630] : memref<20000x128xf32, #tpu.memory_space<hbm>> -> memref<20000x128xf32, #tpu.memory_space<hbm>>
    tpu.enqueue_indirect_dma source(%dma_start3A_631 : memref<20000x128xf32, #tpu.memory_space<hbm>>) target(%arg16 : memref<80x128xf32, #tpu.memory_space<vmem>>) offsets(%arg10 : memref<80xi32, #tpu.memory_space<vmem>>) semaphore(%arg24 : memref<!tpu.dma_semaphore, #tpu.memory_space<semaphore_mem>>)
    %dma_start3A_632 = arith.constant 0 : i32
    %dma_start3A_633 = tpu.memref_slice %arg3[%dma_start3A_632] : memref<20000xf32, #tpu.memory_space<hbm>> -> memref<20000xf32, #tpu.memory_space<hbm>>
    tpu.enqueue_indirect_dma source(%dma_start3A_633 : memref<20000xf32, #tpu.memory_space<hbm>>) target(%arg19 : memref<80xf32, #tpu.memory_space<vmem>>) offsets(%arg10 : memref<80xi32, #tpu.memory_space<vmem>>) semaphore(%arg27 : memref<!tpu.dma_semaphore, #tpu.memory_space<semaphore_mem>>)
    %dma_wait3A_634 = arith.constant 0 : i32
    %dma_wait3A_635 = arith.constant 0 : i32
    %dma_wait3A_636 = tpu.memref_slice %arg2[%dma_wait3A_634, %dma_wait3A_635] : memref<20000x128xf32, #tpu.memory_space<hbm>> -> memref<20000x128xf32, #tpu.memory_space<hbm>>
    tpu.wait_indirect_dma semaphore(%arg25 : memref<!tpu.dma_semaphore, #tpu.memory_space<semaphore_mem>>) src(%dma_wait3A_636 : memref<20000x128xf32, #tpu.memory_space<hbm>>) dst(%arg17 : memref<80x128xf32, #tpu.memory_space<vmem>>)
    %dma_wait3A_637 = arith.constant 0 : i32
    %dma_wait3A_638 = tpu.memref_slice %arg3[%dma_wait3A_637] : memref<20000xf32, #tpu.memory_space<hbm>> -> memref<20000xf32, #tpu.memory_space<hbm>>
    tpu.wait_indirect_dma semaphore(%arg28 : memref<!tpu.dma_semaphore, #tpu.memory_space<semaphore_mem>>) src(%dma_wait3A_638 : memref<20000xf32, #tpu.memory_space<hbm>>) dst(%arg20 : memref<80xf32, #tpu.memory_space<vmem>>)
    %dma_start3A_639 = arith.constant 0 : i32
    %dma_start3A_640 = arith.constant 0 : i32
    %dma_start3A_641 = tpu.memref_slice %arg22[%dma_start3A_639, %dma_start3A_640] : memref<10240x128xf32, #tpu.memory_space<vmem_shared>> -> memref<10240x128xf32, #tpu.memory_space<vmem_shared>>
    tpu.enqueue_indirect_dma source(%arg17 : memref<80x128xf32, #tpu.memory_space<vmem>>) target(%dma_start3A_641 : memref<10240x128xf32, #tpu.memory_space<vmem_shared>>) offsets(%arg14 : memref<80xi32, #tpu.memory_space<vmem>>) semaphore(%arg31 : memref<!tpu.dma_semaphore, #tpu.memory_space<semaphore_mem>>) {add = true}
    %get3A_642 = arith.constant 0 : index
    %get3A_643 = tpu.vector_load %arg21[%get3A_642] {strides = array<i32>} : memref<16xf32, #tpu.memory_space<vmem>>, vector<16xf32>,
    %get3A_644 = vector.shape_cast %get3A_643 : vector<16xf32> to vector<16xf32>
    %get3A_645 = arith.constant 0 : index
    %get3A_646 = tpu.vector_load %arg20[%get3A_645] {strides = array<i32>} : memref<80xf32, #tpu.memory_space<vmem>>, vector<16xf32>,
    %get3A_647 = vector.shape_cast %get3A_646 : vector<16xf32> to vector<16xf32>
    %add3A_648 = arith.addf %get3A_644, %get3A_647 : vector<16xf32>
    %get3A_649 = arith.constant 16 : index
    %get3A_650 = tpu.vector_load %arg20[%get3A_649] {strides = array<i32>} : memref<80xf32, #tpu.memory_space<vmem>>, vector<16xf32>,
    %get3A_651 = vector.shape_cast %get3A_650 : vector<16xf32> to vector<16xf32>
    %add3A_652 = arith.addf %add3A_648, %get3A_651 : vector<16xf32>
    %get3A_653 = arith.constant 32 : index
    %get3A_654 = tpu.vector_load %arg20[%get3A_653] {strides = array<i32>} : memref<80xf32, #tpu.memory_space<vmem>>, vector<16xf32>,
    %get3A_655 = vector.shape_cast %get3A_654 : vector<16xf32> to vector<16xf32>
    %add3A_656 = arith.addf %add3A_652, %get3A_655 : vector<16xf32>
    %get3A_657 = arith.constant 48 : index
    %get3A_658 = tpu.vector_load %arg20[%get3A_657] {strides = array<i32>} : memref<80xf32, #tpu.memory_space<vmem>>, vector<16xf32>,
    %get3A_659 = vector.shape_cast %get3A_658 : vector<16xf32> to vector<16xf32>
    %add3A_660 = arith.addf %add3A_656, %get3A_659 : vector<16xf32>
    %get3A_661 = arith.constant 64 : index
    %get3A_662 = tpu.vector_load %arg20[%get3A_661] {strides = array<i32>} : memref<80xf32, #tpu.memory_space<vmem>>, vector<16xf32>,
    %get3A_663 = vector.shape_cast %get3A_662 : vector<16xf32> to vector<16xf32>
    %add3A_664 = arith.addf %add3A_660, %get3A_663 : vector<16xf32>
    %swap3A_665 = arith.constant 0 : index
    %swap3A_666 = tpu.vector_load %arg21[%swap3A_665] {strides = array<i32>} : memref<16xf32, #tpu.memory_space<vmem>>, vector<16xf32>,
    %swap3A_667 = vector.shape_cast %swap3A_666 : vector<16xf32> to vector<16xf32>
    %swap3A_668 = vector.shape_cast %add3A_664 : vector<16xf32> to vector<16xf32>
    tpu.vector_store %arg21[%swap3A_665], %swap3A_668 {strides = array<i32>} : memref<16xf32, #tpu.memory_space<vmem>>, vector<16xf32>,
    %scan3A = arith.constant 0 : i32
    %scan3A_669 = arith.constant 1 : i32
    %scan3A_670 = arith.constant 40 : i32
    %scan3A_671 = arith.addi %scan3A_669, %scan3A_670 : i32
    %scan3A_672 = arith.constant 1 : i32
    scf.for %scan3A_761 = %scan3A_669 to %scan3A_671 step %scan3A_672  : i32 {
      %mul3A_762 = arith.constant 3 : i32
      %mul3A_763 = arith.muli %scan3A_761, %mul3A_762 : i32
      %add3A_764 = arith.constant 0 : i32
      %add3A_765 = arith.addi %mul3A_763, %add3A_764 : i32
      %sub3A = arith.constant 1 : i32
      %sub3A_766 = arith.subi %add3A_765, %sub3A : i32
      %dma_wait3A_767 = arith.constant 0 : i32
      %dma_wait3A_768 = arith.constant 0 : i32
      %dma_wait3A_769 = tpu.memref_slice %arg22[%dma_wait3A_767, %dma_wait3A_768] : memref<10240x128xf32, #tpu.memory_space<vmem_shared>> -> memref<10240x128xf32, #tpu.memory_space<vmem_shared>>
      tpu.wait_indirect_dma semaphore(%arg31 : memref<!tpu.dma_semaphore, #tpu.memory_space<semaphore_mem>>) src(%arg17 : memref<80x128xf32, #tpu.memory_space<vmem>>) dst(%dma_wait3A_769 : memref<10240x128xf32, #tpu.memory_space<vmem_shared>>)
      %add3A_770 = arith.constant 2 : i32
      %add3A_771 = arith.addi %add3A_765, %add3A_770 : i32
      %get3A_772 = arith.index_cast %add3A_771 : i32 to index
      %get3A_773 = arith.constant 0 : index
      %get3A_774 = tpu.vector_load %arg8[%get3A_772, %get3A_773] {strides = array<i32>} : memref<125x80xi32, #tpu.memory_space<vmem>>, vector<1x16xi32>,
      %get3A_775 = vector.shape_cast %get3A_774 : vector<1x16xi32> to vector<16xi32>
      %shift_right_logical3A_776 = arith.constant 14 : i32
      %shift_right_logical3A_777 = vector.broadcast %shift_right_logical3A_776 : i32 to vector<16xi32>
      %shift_right_logical3A_778 = arith.shrui %get3A_775, %shift_right_logical3A_777 : vector<16xi32>
      %swap3A_779 = arith.constant 0 : index
      %swap3A_780 = tpu.vector_load %arg14[%swap3A_779] {strides = array<i32>} : memref<80xi32, #tpu.memory_space<vmem>>, vector<16xi32>,
      %swap3A_781 = vector.shape_cast %swap3A_780 : vector<16xi32> to vector<16xi32>
      %swap3A_782 = vector.shape_cast %shift_right_logical3A_778 : vector<16xi32> to vector<16xi32>
      tpu.vector_store %arg14[%swap3A_779], %swap3A_782 {strides = array<i32>} : memref<80xi32, #tpu.memory_space<vmem>>, vector<16xi32>,
      %and3A_783 = arith.constant 16383 : i32
      %and3A_784 = vector.broadcast %and3A_783 : i32 to vector<16xi32>
      %and3A_785 = arith.andi %get3A_775, %and3A_784 : vector<16xi32>
      %add3A_786 = vector.broadcast %mul3A_2 : i32 to vector<16xi32>
      %add3A_787 = arith.addi %and3A_785, %add3A_786 : vector<16xi32>
      %swap3A_788 = arith.constant 0 : index
      %swap3A_789 = tpu.vector_load %arg11[%swap3A_788] {strides = array<i32>} : memref<80xi32, #tpu.memory_space<vmem>>, vector<16xi32>,
      %swap3A_790 = vector.shape_cast %swap3A_789 : vector<16xi32> to vector<16xi32>
      %swap3A_791 = vector.shape_cast %add3A_787 : vector<16xi32> to vector<16xi32>
      tpu.vector_store %arg11[%swap3A_788], %swap3A_791 {strides = array<i32>} : memref<80xi32, #tpu.memory_space<vmem>>, vector<16xi32>,
      %get3A_792 = arith.index_cast %add3A_771 : i32 to index
      %get3A_793 = arith.constant 16 : index
      %get3A_794 = tpu.vector_load %arg8[%get3A_792, %get3A_793] {strides = array<i32>} : memref<125x80xi32, #tpu.memory_space<vmem>>, vector<1x16xi32>,
      %get3A_795 = vector.shape_cast %get3A_794 : vector<1x16xi32> to vector<16xi32>
      %shift_right_logical3A_796 = arith.constant 14 : i32
      %shift_right_logical3A_797 = vector.broadcast %shift_right_logical3A_796 : i32 to vector<16xi32>
      %shift_right_logical3A_798 = arith.shrui %get3A_795, %shift_right_logical3A_797 : vector<16xi32>
      %swap3A_799 = arith.constant 16 : index
      %swap3A_800 = tpu.vector_load %arg14[%swap3A_799] {strides = array<i32>} : memref<80xi32, #tpu.memory_space<vmem>>, vector<16xi32>,
      %swap3A_801 = vector.shape_cast %swap3A_800 : vector<16xi32> to vector<16xi32>
      %swap3A_802 = vector.shape_cast %shift_right_logical3A_798 : vector<16xi32> to vector<16xi32>
      tpu.vector_store %arg14[%swap3A_799], %swap3A_802 {strides = array<i32>} : memref<80xi32, #tpu.memory_space<vmem>>, vector<16xi32>,
      %and3A_803 = arith.constant 16383 : i32
      %and3A_804 = vector.broadcast %and3A_803 : i32 to vector<16xi32>
      %and3A_805 = arith.andi %get3A_795, %and3A_804 : vector<16xi32>
      %add3A_806 = vector.broadcast %mul3A_2 : i32 to vector<16xi32>
      %add3A_807 = arith.addi %and3A_805, %add3A_806 : vector<16xi32>
      %swap3A_808 = arith.constant 16 : index
      %swap3A_809 = tpu.vector_load %arg11[%swap3A_808] {strides = array<i32>} : memref<80xi32, #tpu.memory_space<vmem>>, vector<16xi32>,
      %swap3A_810 = vector.shape_cast %swap3A_809 : vector<16xi32> to vector<16xi32>
      %swap3A_811 = vector.shape_cast %add3A_807 : vector<16xi32> to vector<16xi32>
      tpu.vector_store %arg11[%swap3A_808], %swap3A_811 {strides = array<i32>} : memref<80xi32, #tpu.memory_space<vmem>>, vector<16xi32>,
      %get3A_812 = arith.index_cast %add3A_771 : i32 to index
      %get3A_813 = arith.constant 32 : index
      %get3A_814 = tpu.vector_load %arg8[%get3A_812, %get3A_813] {strides = array<i32>} : memref<125x80xi32, #tpu.memory_space<vmem>>, vector<1x16xi32>,
      %get3A_815 = vector.shape_cast %get3A_814 : vector<1x16xi32> to vector<16xi32>
      %shift_right_logical3A_816 = arith.constant 14 : i32
      %shift_right_logical3A_817 = vector.broadcast %shift_right_logical3A_816 : i32 to vector<16xi32>
      %shift_right_logical3A_818 = arith.shrui %get3A_815, %shift_right_logical3A_817 : vector<16xi32>
      %swap3A_819 = arith.constant 32 : index
      %swap3A_820 = tpu.vector_load %arg14[%swap3A_819] {strides = array<i32>} : memref<80xi32, #tpu.memory_space<vmem>>, vector<16xi32>,
      %swap3A_821 = vector.shape_cast %swap3A_820 : vector<16xi32> to vector<16xi32>
      %swap3A_822 = vector.shape_cast %shift_right_logical3A_818 : vector<16xi32> to vector<16xi32>
      tpu.vector_store %arg14[%swap3A_819], %swap3A_822 {strides = array<i32>} : memref<80xi32, #tpu.memory_space<vmem>>, vector<16xi32>,
      %and3A_823 = arith.constant 16383 : i32
      %and3A_824 = vector.broadcast %and3A_823 : i32 to vector<16xi32>
      %and3A_825 = arith.andi %get3A_815, %and3A_824 : vector<16xi32>
      %add3A_826 = vector.broadcast %mul3A_2 : i32 to vector<16xi32>
      %add3A_827 = arith.addi %and3A_825, %add3A_826 : vector<16xi32>
      %swap3A_828 = arith.constant 32 : index
      %swap3A_829 = tpu.vector_load %arg11[%swap3A_828] {strides = array<i32>} : memref<80xi32, #tpu.memory_space<vmem>>, vector<16xi32>,
      %swap3A_830 = vector.shape_cast %swap3A_829 : vector<16xi32> to vector<16xi32>
      %swap3A_831 = vector.shape_cast %add3A_827 : vector<16xi32> to vector<16xi32>
      tpu.vector_store %arg11[%swap3A_828], %swap3A_831 {strides = array<i32>} : memref<80xi32, #tpu.memory_space<vmem>>, vector<16xi32>,
      %get3A_832 = arith.index_cast %add3A_771 : i32 to index
      %get3A_833 = arith.constant 48 : index
      %get3A_834 = tpu.vector_load %arg8[%get3A_832, %get3A_833] {strides = array<i32>} : memref<125x80xi32, #tpu.memory_space<vmem>>, vector<1x16xi32>,
      %get3A_835 = vector.shape_cast %get3A_834 : vector<1x16xi32> to vector<16xi32>
      %shift_right_logical3A_836 = arith.constant 14 : i32
      %shift_right_logical3A_837 = vector.broadcast %shift_right_logical3A_836 : i32 to vector<16xi32>
      %shift_right_logical3A_838 = arith.shrui %get3A_835, %shift_right_logical3A_837 : vector<16xi32>
      %swap3A_839 = arith.constant 48 : index
      %swap3A_840 = tpu.vector_load %arg14[%swap3A_839] {strides = array<i32>} : memref<80xi32, #tpu.memory_space<vmem>>, vector<16xi32>,
      %swap3A_841 = vector.shape_cast %swap3A_840 : vector<16xi32> to vector<16xi32>
      %swap3A_842 = vector.shape_cast %shift_right_logical3A_838 : vector<16xi32> to vector<16xi32>
      tpu.vector_store %arg14[%swap3A_839], %swap3A_842 {strides = array<i32>} : memref<80xi32, #tpu.memory_space<vmem>>, vector<16xi32>,
      %and3A_843 = arith.constant 16383 : i32
      %and3A_844 = vector.broadcast %and3A_843 : i32 to vector<16xi32>
      %and3A_845 = arith.andi %get3A_835, %and3A_844 : vector<16xi32>
      %add3A_846 = vector.broadcast %mul3A_2 : i32 to vector<16xi32>
      %add3A_847 = arith.addi %and3A_845, %add3A_846 : vector<16xi32>
      %swap3A_848 = arith.constant 48 : index
      %swap3A_849 = tpu.vector_load %arg11[%swap3A_848] {strides = array<i32>} : memref<80xi32, #tpu.memory_space<vmem>>, vector<16xi32>,
      %swap3A_850 = vector.shape_cast %swap3A_849 : vector<16xi32> to vector<16xi32>
      %swap3A_851 = vector.shape_cast %add3A_847 : vector<16xi32> to vector<16xi32>
      tpu.vector_store %arg11[%swap3A_848], %swap3A_851 {strides = array<i32>} : memref<80xi32, #tpu.memory_space<vmem>>, vector<16xi32>,
      %get3A_852 = arith.index_cast %add3A_771 : i32 to index
      %get3A_853 = arith.constant 64 : index
      %get3A_854 = tpu.vector_load %arg8[%get3A_852, %get3A_853] {strides = array<i32>} : memref<125x80xi32, #tpu.memory_space<vmem>>, vector<1x16xi32>,
      %get3A_855 = vector.shape_cast %get3A_854 : vector<1x16xi32> to vector<16xi32>
      %shift_right_logical3A_856 = arith.constant 14 : i32
      %shift_right_logical3A_857 = vector.broadcast %shift_right_logical3A_856 : i32 to vector<16xi32>
      %shift_right_logical3A_858 = arith.shrui %get3A_855, %shift_right_logical3A_857 : vector<16xi32>
      %swap3A_859 = arith.constant 64 : index
      %swap3A_860 = tpu.vector_load %arg14[%swap3A_859] {strides = array<i32>} : memref<80xi32, #tpu.memory_space<vmem>>, vector<16xi32>,
      %swap3A_861 = vector.shape_cast %swap3A_860 : vector<16xi32> to vector<16xi32>
      %swap3A_862 = vector.shape_cast %shift_right_logical3A_858 : vector<16xi32> to vector<16xi32>
      tpu.vector_store %arg14[%swap3A_859], %swap3A_862 {strides = array<i32>} : memref<80xi32, #tpu.memory_space<vmem>>, vector<16xi32>,
      %and3A_863 = arith.constant 16383 : i32
      %and3A_864 = vector.broadcast %and3A_863 : i32 to vector<16xi32>
      %and3A_865 = arith.andi %get3A_855, %and3A_864 : vector<16xi32>
      %add3A_866 = vector.broadcast %mul3A_2 : i32 to vector<16xi32>
      %add3A_867 = arith.addi %and3A_865, %add3A_866 : vector<16xi32>
      %swap3A_868 = arith.constant 64 : index
      %swap3A_869 = tpu.vector_load %arg11[%swap3A_868] {strides = array<i32>} : memref<80xi32, #tpu.memory_space<vmem>>, vector<16xi32>,
      %swap3A_870 = vector.shape_cast %swap3A_869 : vector<16xi32> to vector<16xi32>
      %swap3A_871 = vector.shape_cast %add3A_867 : vector<16xi32> to vector<16xi32>
      tpu.vector_store %arg11[%swap3A_868], %swap3A_871 {strides = array<i32>} : memref<80xi32, #tpu.memory_space<vmem>>, vector<16xi32>,
      %dma_start3A_872 = arith.constant 0 : i32
      %dma_start3A_873 = arith.constant 0 : i32
      %dma_start3A_874 = tpu.memref_slice %arg2[%dma_start3A_872, %dma_start3A_873] : memref<20000x128xf32, #tpu.memory_space<hbm>> -> memref<20000x128xf32, #tpu.memory_space<hbm>>
      tpu.enqueue_indirect_dma source(%dma_start3A_874 : memref<20000x128xf32, #tpu.memory_space<hbm>>) target(%arg17 : memref<80x128xf32, #tpu.memory_space<vmem>>) offsets(%arg11 : memref<80xi32, #tpu.memory_space<vmem>>) semaphore(%arg25 : memref<!tpu.dma_semaphore, #tpu.memory_space<semaphore_mem>>)
      %dma_start3A_875 = arith.constant 0 : i32
      %dma_start3A_876 = tpu.memref_slice %arg3[%dma_start3A_875] : memref<20000xf32, #tpu.memory_space<hbm>> -> memref<20000xf32, #tpu.memory_space<hbm>>
      tpu.enqueue_indirect_dma source(%dma_start3A_876 : memref<20000xf32, #tpu.memory_space<hbm>>) target(%arg20 : memref<80xf32, #tpu.memory_space<vmem>>) offsets(%arg11 : memref<80xi32, #tpu.memory_space<vmem>>) semaphore(%arg28 : memref<!tpu.dma_semaphore, #tpu.memory_space<semaphore_mem>>)
      %dma_wait3A_877 = arith.constant 0 : i32
      %dma_wait3A_878 = arith.constant 0 : i32
      %dma_wait3A_879 = tpu.memref_slice %arg2[%dma_wait3A_877, %dma_wait3A_878] : memref<20000x128xf32, #tpu.memory_space<hbm>> -> memref<20000x128xf32, #tpu.memory_space<hbm>>
      tpu.wait_indirect_dma semaphore(%arg23 : memref<!tpu.dma_semaphore, #tpu.memory_space<semaphore_mem>>) src(%dma_wait3A_879 : memref<20000x128xf32, #tpu.memory_space<hbm>>) dst(%arg15 : memref<80x128xf32, #tpu.memory_space<vmem>>)
      %dma_wait3A_880 = arith.constant 0 : i32
      %dma_wait3A_881 = tpu.memref_slice %arg3[%dma_wait3A_880] : memref<20000xf32, #tpu.memory_space<hbm>> -> memref<20000xf32, #tpu.memory_space<hbm>>
      tpu.wait_indirect_dma semaphore(%arg26 : memref<!tpu.dma_semaphore, #tpu.memory_space<semaphore_mem>>) src(%dma_wait3A_881 : memref<20000xf32, #tpu.memory_space<hbm>>) dst(%arg18 : memref<80xf32, #tpu.memory_space<vmem>>)
      %dma_start3A_882 = arith.constant 0 : i32
      %dma_start3A_883 = arith.constant 0 : i32
      %dma_start3A_884 = tpu.memref_slice %arg22[%dma_start3A_882, %dma_start3A_883] : memref<10240x128xf32, #tpu.memory_space<vmem_shared>> -> memref<10240x128xf32, #tpu.memory_space<vmem_shared>>
      tpu.enqueue_indirect_dma source(%arg15 : memref<80x128xf32, #tpu.memory_space<vmem>>) target(%dma_start3A_884 : memref<10240x128xf32, #tpu.memory_space<vmem_shared>>) offsets(%arg12 : memref<80xi32, #tpu.memory_space<vmem>>) semaphore(%arg29 : memref<!tpu.dma_semaphore, #tpu.memory_space<semaphore_mem>>) {add = true}
      %get3A_885 = arith.constant 0 : index
      %get3A_886 = tpu.vector_load %arg21[%get3A_885] {strides = array<i32>} : memref<16xf32, #tpu.memory_space<vmem>>, vector<16xf32>,
      %get3A_887 = vector.shape_cast %get3A_886 : vector<16xf32> to vector<16xf32>
      %get3A_888 = arith.constant 0 : index
      %get3A_889 = tpu.vector_load %arg18[%get3A_888] {strides = array<i32>} : memref<80xf32, #tpu.memory_space<vmem>>, vector<16xf32>,
      %get3A_890 = vector.shape_cast %get3A_889 : vector<16xf32> to vector<16xf32>
      %add3A_891 = arith.addf %get3A_887, %get3A_890 : vector<16xf32>
      %get3A_892 = arith.constant 16 : index
      %get3A_893 = tpu.vector_load %arg18[%get3A_892] {strides = array<i32>} : memref<80xf32, #tpu.memory_space<vmem>>, vector<16xf32>,
      %get3A_894 = vector.shape_cast %get3A_893 : vector<16xf32> to vector<16xf32>
      %add3A_895 = arith.addf %add3A_891, %get3A_894 : vector<16xf32>
      %get3A_896 = arith.constant 32 : index
      %get3A_897 = tpu.vector_load %arg18[%get3A_896] {strides = array<i32>} : memref<80xf32, #tpu.memory_space<vmem>>, vector<16xf32>,
      %get3A_898 = vector.shape_cast %get3A_897 : vector<16xf32> to vector<16xf32>
      %add3A_899 = arith.addf %add3A_895, %get3A_898 : vector<16xf32>
      %get3A_900 = arith.constant 48 : index
      %get3A_901 = tpu.vector_load %arg18[%get3A_900] {strides = array<i32>} : memref<80xf32, #tpu.memory_space<vmem>>, vector<16xf32>,
      %get3A_902 = vector.shape_cast %get3A_901 : vector<16xf32> to vector<16xf32>
      %add3A_903 = arith.addf %add3A_899, %get3A_902 : vector<16xf32>
      %get3A_904 = arith.constant 64 : index
      %get3A_905 = tpu.vector_load %arg18[%get3A_904] {strides = array<i32>} : memref<80xf32, #tpu.memory_space<vmem>>, vector<16xf32>,
      %get3A_906 = vector.shape_cast %get3A_905 : vector<16xf32> to vector<16xf32>
      %add3A_907 = arith.addf %add3A_903, %get3A_906 : vector<16xf32>
      %swap3A_908 = arith.constant 0 : index
      %swap3A_909 = tpu.vector_load %arg21[%swap3A_908] {strides = array<i32>} : memref<16xf32, #tpu.memory_space<vmem>>, vector<16xf32>,
      %swap3A_910 = vector.shape_cast %swap3A_909 : vector<16xf32> to vector<16xf32>
      %swap3A_911 = vector.shape_cast %add3A_907 : vector<16xf32> to vector<16xf32>
      tpu.vector_store %arg21[%swap3A_908], %swap3A_911 {strides = array<i32>} : memref<16xf32, #tpu.memory_space<vmem>>, vector<16xf32>,
      %mul3A_912 = arith.constant 3 : i32
      %mul3A_913 = arith.muli %scan3A_761, %mul3A_912 : i32
      %add3A_914 = arith.constant 1 : i32
      %add3A_915 = arith.addi %mul3A_913, %add3A_914 : i32
      %sub3A_916 = arith.constant 1 : i32
      %sub3A_917 = arith.subi %add3A_915, %sub3A_916 : i32
      %dma_wait3A_918 = arith.constant 0 : i32
      %dma_wait3A_919 = arith.constant 0 : i32
      %dma_wait3A_920 = tpu.memref_slice %arg22[%dma_wait3A_918, %dma_wait3A_919] : memref<10240x128xf32, #tpu.memory_space<vmem_shared>> -> memref<10240x128xf32, #tpu.memory_space<vmem_shared>>
      tpu.wait_indirect_dma semaphore(%arg29 : memref<!tpu.dma_semaphore, #tpu.memory_space<semaphore_mem>>) src(%arg15 : memref<80x128xf32, #tpu.memory_space<vmem>>) dst(%dma_wait3A_920 : memref<10240x128xf32, #tpu.memory_space<vmem_shared>>)
      %add3A_921 = arith.constant 2 : i32
      %add3A_922 = arith.addi %add3A_915, %add3A_921 : i32
      %get3A_923 = arith.index_cast %add3A_922 : i32 to index
      %get3A_924 = arith.constant 0 : index
      %get3A_925 = tpu.vector_load %arg8[%get3A_923, %get3A_924] {strides = array<i32>} : memref<125x80xi32, #tpu.memory_space<vmem>>, vector<1x16xi32>,
      %get3A_926 = vector.shape_cast %get3A_925 : vector<1x16xi32> to vector<16xi32>
      %shift_right_logical3A_927 = arith.constant 14 : i32
      %shift_right_logical3A_928 = vector.broadcast %shift_right_logical3A_927 : i32 to vector<16xi32>
      %shift_right_logical3A_929 = arith.shrui %get3A_926, %shift_right_logical3A_928 : vector<16xi32>
      %swap3A_930 = arith.constant 0 : index
      %swap3A_931 = tpu.vector_load %arg12[%swap3A_930] {strides = array<i32>} : memref<80xi32, #tpu.memory_space<vmem>>, vector<16xi32>,
      %swap3A_932 = vector.shape_cast %swap3A_931 : vector<16xi32> to vector<16xi32>
      %swap3A_933 = vector.shape_cast %shift_right_logical3A_929 : vector<16xi32> to vector<16xi32>
      tpu.vector_store %arg12[%swap3A_930], %swap3A_933 {strides = array<i32>} : memref<80xi32, #tpu.memory_space<vmem>>, vector<16xi32>,
      %and3A_934 = arith.constant 16383 : i32
      %and3A_935 = vector.broadcast %and3A_934 : i32 to vector<16xi32>
      %and3A_936 = arith.andi %get3A_926, %and3A_935 : vector<16xi32>
      %add3A_937 = vector.broadcast %mul3A_2 : i32 to vector<16xi32>
      %add3A_938 = arith.addi %and3A_936, %add3A_937 : vector<16xi32>
      %swap3A_939 = arith.constant 0 : index
      %swap3A_940 = tpu.vector_load %arg9[%swap3A_939] {strides = array<i32>} : memref<80xi32, #tpu.memory_space<vmem>>, vector<16xi32>,
      %swap3A_941 = vector.shape_cast %swap3A_940 : vector<16xi32> to vector<16xi32>
      %swap3A_942 = vector.shape_cast %add3A_938 : vector<16xi32> to vector<16xi32>
      tpu.vector_store %arg9[%swap3A_939], %swap3A_942 {strides = array<i32>} : memref<80xi32, #tpu.memory_space<vmem>>, vector<16xi32>,
      %get3A_943 = arith.index_cast %add3A_922 : i32 to index
      %get3A_944 = arith.constant 16 : index
      %get3A_945 = tpu.vector_load %arg8[%get3A_943, %get3A_944] {strides = array<i32>} : memref<125x80xi32, #tpu.memory_space<vmem>>, vector<1x16xi32>,
      %get3A_946 = vector.shape_cast %get3A_945 : vector<1x16xi32> to vector<16xi32>
      %shift_right_logical3A_947 = arith.constant 14 : i32
      %shift_right_logical3A_948 = vector.broadcast %shift_right_logical3A_947 : i32 to vector<16xi32>
      %shift_right_logical3A_949 = arith.shrui %get3A_946, %shift_right_logical3A_948 : vector<16xi32>
      %swap3A_950 = arith.constant 16 : index
      %swap3A_951 = tpu.vector_load %arg12[%swap3A_950] {strides = array<i32>} : memref<80xi32, #tpu.memory_space<vmem>>, vector<16xi32>,
      %swap3A_952 = vector.shape_cast %swap3A_951 : vector<16xi32> to vector<16xi32>
      %swap3A_953 = vector.shape_cast %shift_right_logical3A_949 : vector<16xi32> to vector<16xi32>
      tpu.vector_store %arg12[%swap3A_950], %swap3A_953 {strides = array<i32>} : memref<80xi32, #tpu.memory_space<vmem>>, vector<16xi32>,
      %and3A_954 = arith.constant 16383 : i32
      %and3A_955 = vector.broadcast %and3A_954 : i32 to vector<16xi32>
      %and3A_956 = arith.andi %get3A_946, %and3A_955 : vector<16xi32>
      %add3A_957 = vector.broadcast %mul3A_2 : i32 to vector<16xi32>
      %add3A_958 = arith.addi %and3A_956, %add3A_957 : vector<16xi32>
      %swap3A_959 = arith.constant 16 : index
      %swap3A_960 = tpu.vector_load %arg9[%swap3A_959] {strides = array<i32>} : memref<80xi32, #tpu.memory_space<vmem>>, vector<16xi32>,
      %swap3A_961 = vector.shape_cast %swap3A_960 : vector<16xi32> to vector<16xi32>
      %swap3A_962 = vector.shape_cast %add3A_958 : vector<16xi32> to vector<16xi32>
      tpu.vector_store %arg9[%swap3A_959], %swap3A_962 {strides = array<i32>} : memref<80xi32, #tpu.memory_space<vmem>>, vector<16xi32>,
      %get3A_963 = arith.index_cast %add3A_922 : i32 to index
      %get3A_964 = arith.constant 32 : index
      %get3A_965 = tpu.vector_load %arg8[%get3A_963, %get3A_964] {strides = array<i32>} : memref<125x80xi32, #tpu.memory_space<vmem>>, vector<1x16xi32>,
      %get3A_966 = vector.shape_cast %get3A_965 : vector<1x16xi32> to vector<16xi32>
      %shift_right_logical3A_967 = arith.constant 14 : i32
      %shift_right_logical3A_968 = vector.broadcast %shift_right_logical3A_967 : i32 to vector<16xi32>
      %shift_right_logical3A_969 = arith.shrui %get3A_966, %shift_right_logical3A_968 : vector<16xi32>
      %swap3A_970 = arith.constant 32 : index
      %swap3A_971 = tpu.vector_load %arg12[%swap3A_970] {strides = array<i32>} : memref<80xi32, #tpu.memory_space<vmem>>, vector<16xi32>,
      %swap3A_972 = vector.shape_cast %swap3A_971 : vector<16xi32> to vector<16xi32>
      %swap3A_973 = vector.shape_cast %shift_right_logical3A_969 : vector<16xi32> to vector<16xi32>
      tpu.vector_store %arg12[%swap3A_970], %swap3A_973 {strides = array<i32>} : memref<80xi32, #tpu.memory_space<vmem>>, vector<16xi32>,
      %and3A_974 = arith.constant 16383 : i32
      %and3A_975 = vector.broadcast %and3A_974 : i32 to vector<16xi32>
      %and3A_976 = arith.andi %get3A_966, %and3A_975 : vector<16xi32>
      %add3A_977 = vector.broadcast %mul3A_2 : i32 to vector<16xi32>
      %add3A_978 = arith.addi %and3A_976, %add3A_977 : vector<16xi32>
      %swap3A_979 = arith.constant 32 : index
      %swap3A_980 = tpu.vector_load %arg9[%swap3A_979] {strides = array<i32>} : memref<80xi32, #tpu.memory_space<vmem>>, vector<16xi32>,
      %swap3A_981 = vector.shape_cast %swap3A_980 : vector<16xi32> to vector<16xi32>
      %swap3A_982 = vector.shape_cast %add3A_978 : vector<16xi32> to vector<16xi32>
      tpu.vector_store %arg9[%swap3A_979], %swap3A_982 {strides = array<i32>} : memref<80xi32, #tpu.memory_space<vmem>>, vector<16xi32>,
      %get3A_983 = arith.index_cast %add3A_922 : i32 to index
      %get3A_984 = arith.constant 48 : index
      %get3A_985 = tpu.vector_load %arg8[%get3A_983, %get3A_984] {strides = array<i32>} : memref<125x80xi32, #tpu.memory_space<vmem>>, vector<1x16xi32>,
      %get3A_986 = vector.shape_cast %get3A_985 : vector<1x16xi32> to vector<16xi32>
      %shift_right_logical3A_987 = arith.constant 14 : i32
      %shift_right_logical3A_988 = vector.broadcast %shift_right_logical3A_987 : i32 to vector<16xi32>
      %shift_right_logical3A_989 = arith.shrui %get3A_986, %shift_right_logical3A_988 : vector<16xi32>
      %swap3A_990 = arith.constant 48 : index
      %swap3A_991 = tpu.vector_load %arg12[%swap3A_990] {strides = array<i32>} : memref<80xi32, #tpu.memory_space<vmem>>, vector<16xi32>,
      %swap3A_992 = vector.shape_cast %swap3A_991 : vector<16xi32> to vector<16xi32>
      %swap3A_993 = vector.shape_cast %shift_right_logical3A_989 : vector<16xi32> to vector<16xi32>
      tpu.vector_store %arg12[%swap3A_990], %swap3A_993 {strides = array<i32>} : memref<80xi32, #tpu.memory_space<vmem>>, vector<16xi32>,
      %and3A_994 = arith.constant 16383 : i32
      %and3A_995 = vector.broadcast %and3A_994 : i32 to vector<16xi32>
      %and3A_996 = arith.andi %get3A_986, %and3A_995 : vector<16xi32>
      %add3A_997 = vector.broadcast %mul3A_2 : i32 to vector<16xi32>
      %add3A_998 = arith.addi %and3A_996, %add3A_997 : vector<16xi32>
      %swap3A_999 = arith.constant 48 : index
      %swap3A_1000 = tpu.vector_load %arg9[%swap3A_999] {strides = array<i32>} : memref<80xi32, #tpu.memory_space<vmem>>, vector<16xi32>,
      %swap3A_1001 = vector.shape_cast %swap3A_1000 : vector<16xi32> to vector<16xi32>
      %swap3A_1002 = vector.shape_cast %add3A_998 : vector<16xi32> to vector<16xi32>
      tpu.vector_store %arg9[%swap3A_999], %swap3A_1002 {strides = array<i32>} : memref<80xi32, #tpu.memory_space<vmem>>, vector<16xi32>,
      %get3A_1003 = arith.index_cast %add3A_922 : i32 to index
      %get3A_1004 = arith.constant 64 : index
      %get3A_1005 = tpu.vector_load %arg8[%get3A_1003, %get3A_1004] {strides = array<i32>} : memref<125x80xi32, #tpu.memory_space<vmem>>, vector<1x16xi32>,
      %get3A_1006 = vector.shape_cast %get3A_1005 : vector<1x16xi32> to vector<16xi32>
      %shift_right_logical3A_1007 = arith.constant 14 : i32
      %shift_right_logical3A_1008 = vector.broadcast %shift_right_logical3A_1007 : i32 to vector<16xi32>
      %shift_right_logical3A_1009 = arith.shrui %get3A_1006, %shift_right_logical3A_1008 : vector<16xi32>
      %swap3A_1010 = arith.constant 64 : index
      %swap3A_1011 = tpu.vector_load %arg12[%swap3A_1010] {strides = array<i32>} : memref<80xi32, #tpu.memory_space<vmem>>, vector<16xi32>,
      %swap3A_1012 = vector.shape_cast %swap3A_1011 : vector<16xi32> to vector<16xi32>
      %swap3A_1013 = vector.shape_cast %shift_right_logical3A_1009 : vector<16xi32> to vector<16xi32>
      tpu.vector_store %arg12[%swap3A_1010], %swap3A_1013 {strides = array<i32>} : memref<80xi32, #tpu.memory_space<vmem>>, vector<16xi32>,
      %and3A_1014 = arith.constant 16383 : i32
      %and3A_1015 = vector.broadcast %and3A_1014 : i32 to vector<16xi32>
      %and3A_1016 = arith.andi %get3A_1006, %and3A_1015 : vector<16xi32>
      %add3A_1017 = vector.broadcast %mul3A_2 : i32 to vector<16xi32>
      %add3A_1018 = arith.addi %and3A_1016, %add3A_1017 : vector<16xi32>
      %swap3A_1019 = arith.constant 64 : index
      %swap3A_1020 = tpu.vector_load %arg9[%swap3A_1019] {strides = array<i32>} : memref<80xi32, #tpu.memory_space<vmem>>, vector<16xi32>,
      %swap3A_1021 = vector.shape_cast %swap3A_1020 : vector<16xi32> to vector<16xi32>
      %swap3A_1022 = vector.shape_cast %add3A_1018 : vector<16xi32> to vector<16xi32>
      tpu.vector_store %arg9[%swap3A_1019], %swap3A_1022 {strides = array<i32>} : memref<80xi32, #tpu.memory_space<vmem>>, vector<16xi32>,
      %dma_start3A_1023 = arith.constant 0 : i32
      %dma_start3A_1024 = arith.constant 0 : i32
      %dma_start3A_1025 = tpu.memref_slice %arg2[%dma_start3A_1023, %dma_start3A_1024] : memref<20000x128xf32, #tpu.memory_space<hbm>> -> memref<20000x128xf32, #tpu.memory_space<hbm>>
      tpu.enqueue_indirect_dma source(%dma_start3A_1025 : memref<20000x128xf32, #tpu.memory_space<hbm>>) target(%arg15 : memref<80x128xf32, #tpu.memory_space<vmem>>) offsets(%arg9 : memref<80xi32, #tpu.memory_space<vmem>>) semaphore(%arg23 : memref<!tpu.dma_semaphore, #tpu.memory_space<semaphore_mem>>)
      %dma_start3A_1026 = arith.constant 0 : i32
      %dma_start3A_1027 = tpu.memref_slice %arg3[%dma_start3A_1026] : memref<20000xf32, #tpu.memory_space<hbm>> -> memref<20000xf32, #tpu.memory_space<hbm>>
      tpu.enqueue_indirect_dma source(%dma_start3A_1027 : memref<20000xf32, #tpu.memory_space<hbm>>) target(%arg18 : memref<80xf32, #tpu.memory_space<vmem>>) offsets(%arg9 : memref<80xi32, #tpu.memory_space<vmem>>) semaphore(%arg26 : memref<!tpu.dma_semaphore, #tpu.memory_space<semaphore_mem>>)
      %dma_wait3A_1028 = arith.constant 0 : i32
      %dma_wait3A_1029 = arith.constant 0 : i32
      %dma_wait3A_1030 = tpu.memref_slice %arg2[%dma_wait3A_1028, %dma_wait3A_1029] : memref<20000x128xf32, #tpu.memory_space<hbm>> -> memref<20000x128xf32, #tpu.memory_space<hbm>>
      tpu.wait_indirect_dma semaphore(%arg24 : memref<!tpu.dma_semaphore, #tpu.memory_space<semaphore_mem>>) src(%dma_wait3A_1030 : memref<20000x128xf32, #tpu.memory_space<hbm>>) dst(%arg16 : memref<80x128xf32, #tpu.memory_space<vmem>>)
      %dma_wait3A_1031 = arith.constant 0 : i32
      %dma_wait3A_1032 = tpu.memref_slice %arg3[%dma_wait3A_1031] : memref<20000xf32, #tpu.memory_space<hbm>> -> memref<20000xf32, #tpu.memory_space<hbm>>
      tpu.wait_indirect_dma semaphore(%arg27 : memref<!tpu.dma_semaphore, #tpu.memory_space<semaphore_mem>>) src(%dma_wait3A_1032 : memref<20000xf32, #tpu.memory_space<hbm>>) dst(%arg19 : memref<80xf32, #tpu.memory_space<vmem>>)
      %dma_start3A_1033 = arith.constant 0 : i32
      %dma_start3A_1034 = arith.constant 0 : i32
      %dma_start3A_1035 = tpu.memref_slice %arg22[%dma_start3A_1033, %dma_start3A_1034] : memref<10240x128xf32, #tpu.memory_space<vmem_shared>> -> memref<10240x128xf32, #tpu.memory_space<vmem_shared>>
      tpu.enqueue_indirect_dma source(%arg16 : memref<80x128xf32, #tpu.memory_space<vmem>>) target(%dma_start3A_1035 : memref<10240x128xf32, #tpu.memory_space<vmem_shared>>) offsets(%arg13 : memref<80xi32, #tpu.memory_space<vmem>>) semaphore(%arg30 : memref<!tpu.dma_semaphore, #tpu.memory_space<semaphore_mem>>) {add = true}
      %get3A_1036 = arith.constant 0 : index
      %get3A_1037 = tpu.vector_load %arg21[%get3A_1036] {strides = array<i32>} : memref<16xf32, #tpu.memory_space<vmem>>, vector<16xf32>,
      %get3A_1038 = vector.shape_cast %get3A_1037 : vector<16xf32> to vector<16xf32>
      %get3A_1039 = arith.constant 0 : index
      %get3A_1040 = tpu.vector_load %arg19[%get3A_1039] {strides = array<i32>} : memref<80xf32, #tpu.memory_space<vmem>>, vector<16xf32>,
      %get3A_1041 = vector.shape_cast %get3A_1040 : vector<16xf32> to vector<16xf32>
      %add3A_1042 = arith.addf %get3A_1038, %get3A_1041 : vector<16xf32>
      %get3A_1043 = arith.constant 16 : index
      %get3A_1044 = tpu.vector_load %arg19[%get3A_1043] {strides = array<i32>} : memref<80xf32, #tpu.memory_space<vmem>>, vector<16xf32>,
      %get3A_1045 = vector.shape_cast %get3A_1044 : vector<16xf32> to vector<16xf32>
      %add3A_1046 = arith.addf %add3A_1042, %get3A_1045 : vector<16xf32>
      %get3A_1047 = arith.constant 32 : index
      %get3A_1048 = tpu.vector_load %arg19[%get3A_1047] {strides = array<i32>} : memref<80xf32, #tpu.memory_space<vmem>>, vector<16xf32>,
      %get3A_1049 = vector.shape_cast %get3A_1048 : vector<16xf32> to vector<16xf32>
      %add3A_1050 = arith.addf %add3A_1046, %get3A_1049 : vector<16xf32>
      %get3A_1051 = arith.constant 48 : index
      %get3A_1052 = tpu.vector_load %arg19[%get3A_1051] {strides = array<i32>} : memref<80xf32, #tpu.memory_space<vmem>>, vector<16xf32>,
      %get3A_1053 = vector.shape_cast %get3A_1052 : vector<16xf32> to vector<16xf32>
      %add3A_1054 = arith.addf %add3A_1050, %get3A_1053 : vector<16xf32>
      %get3A_1055 = arith.constant 64 : index
      %get3A_1056 = tpu.vector_load %arg19[%get3A_1055] {strides = array<i32>} : memref<80xf32, #tpu.memory_space<vmem>>, vector<16xf32>,
      %get3A_1057 = vector.shape_cast %get3A_1056 : vector<16xf32> to vector<16xf32>
      %add3A_1058 = arith.addf %add3A_1054, %get3A_1057 : vector<16xf32>
      %swap3A_1059 = arith.constant 0 : index
      %swap3A_1060 = tpu.vector_load %arg21[%swap3A_1059] {strides = array<i32>} : memref<16xf32, #tpu.memory_space<vmem>>, vector<16xf32>,
      %swap3A_1061 = vector.shape_cast %swap3A_1060 : vector<16xf32> to vector<16xf32>
      %swap3A_1062 = vector.shape_cast %add3A_1058 : vector<16xf32> to vector<16xf32>
      tpu.vector_store %arg21[%swap3A_1059], %swap3A_1062 {strides = array<i32>} : memref<16xf32, #tpu.memory_space<vmem>>, vector<16xf32>,
      %mul3A_1063 = arith.constant 3 : i32
      %mul3A_1064 = arith.muli %scan3A_761, %mul3A_1063 : i32
      %add3A_1065 = arith.constant 2 : i32
      %add3A_1066 = arith.addi %mul3A_1064, %add3A_1065 : i32
      %sub3A_1067 = arith.constant 1 : i32
      %sub3A_1068 = arith.subi %add3A_1066, %sub3A_1067 : i32
      %dma_wait3A_1069 = arith.constant 0 : i32
      %dma_wait3A_1070 = arith.constant 0 : i32
      %dma_wait3A_1071 = tpu.memref_slice %arg22[%dma_wait3A_1069, %dma_wait3A_1070] : memref<10240x128xf32, #tpu.memory_space<vmem_shared>> -> memref<10240x128xf32, #tpu.memory_space<vmem_shared>>
      tpu.wait_indirect_dma semaphore(%arg30 : memref<!tpu.dma_semaphore, #tpu.memory_space<semaphore_mem>>) src(%arg16 : memref<80x128xf32, #tpu.memory_space<vmem>>) dst(%dma_wait3A_1071 : memref<10240x128xf32, #tpu.memory_space<vmem_shared>>)
      %add3A_1072 = arith.constant 2 : i32
      %add3A_1073 = arith.addi %add3A_1066, %add3A_1072 : i32
      %get3A_1074 = arith.index_cast %add3A_1073 : i32 to index
      %get3A_1075 = arith.constant 0 : index
      %get3A_1076 = tpu.vector_load %arg8[%get3A_1074, %get3A_1075] {strides = array<i32>} : memref<125x80xi32, #tpu.memory_space<vmem>>, vector<1x16xi32>,
      %get3A_1077 = vector.shape_cast %get3A_1076 : vector<1x16xi32> to vector<16xi32>
      %shift_right_logical3A_1078 = arith.constant 14 : i32
      %shift_right_logical3A_1079 = vector.broadcast %shift_right_logical3A_1078 : i32 to vector<16xi32>
      %shift_right_logical3A_1080 = arith.shrui %get3A_1077, %shift_right_logical3A_1079 : vector<16xi32>
      %swap3A_1081 = arith.constant 0 : index
      %swap3A_1082 = tpu.vector_load %arg13[%swap3A_1081] {strides = array<i32>} : memref<80xi32, #tpu.memory_space<vmem>>, vector<16xi32>,
      %swap3A_1083 = vector.shape_cast %swap3A_1082 : vector<16xi32> to vector<16xi32>
      %swap3A_1084 = vector.shape_cast %shift_right_logical3A_1080 : vector<16xi32> to vector<16xi32>
      tpu.vector_store %arg13[%swap3A_1081], %swap3A_1084 {strides = array<i32>} : memref<80xi32, #tpu.memory_space<vmem>>, vector<16xi32>,
      %and3A_1085 = arith.constant 16383 : i32
      %and3A_1086 = vector.broadcast %and3A_1085 : i32 to vector<16xi32>
      %and3A_1087 = arith.andi %get3A_1077, %and3A_1086 : vector<16xi32>
      %add3A_1088 = vector.broadcast %mul3A_2 : i32 to vector<16xi32>
      %add3A_1089 = arith.addi %and3A_1087, %add3A_1088 : vector<16xi32>
      %swap3A_1090 = arith.constant 0 : index
      %swap3A_1091 = tpu.vector_load %arg10[%swap3A_1090] {strides = array<i32>} : memref<80xi32, #tpu.memory_space<vmem>>, vector<16xi32>,
      %swap3A_1092 = vector.shape_cast %swap3A_1091 : vector<16xi32> to vector<16xi32>
      %swap3A_1093 = vector.shape_cast %add3A_1089 : vector<16xi32> to vector<16xi32>
      tpu.vector_store %arg10[%swap3A_1090], %swap3A_1093 {strides = array<i32>} : memref<80xi32, #tpu.memory_space<vmem>>, vector<16xi32>,
      %get3A_1094 = arith.index_cast %add3A_1073 : i32 to index
      %get3A_1095 = arith.constant 16 : index
      %get3A_1096 = tpu.vector_load %arg8[%get3A_1094, %get3A_1095] {strides = array<i32>} : memref<125x80xi32, #tpu.memory_space<vmem>>, vector<1x16xi32>,
      %get3A_1097 = vector.shape_cast %get3A_1096 : vector<1x16xi32> to vector<16xi32>
      %shift_right_logical3A_1098 = arith.constant 14 : i32
      %shift_right_logical3A_1099 = vector.broadcast %shift_right_logical3A_1098 : i32 to vector<16xi32>
      %shift_right_logical3A_1100 = arith.shrui %get3A_1097, %shift_right_logical3A_1099 : vector<16xi32>
      %swap3A_1101 = arith.constant 16 : index
      %swap3A_1102 = tpu.vector_load %arg13[%swap3A_1101] {strides = array<i32>} : memref<80xi32, #tpu.memory_space<vmem>>, vector<16xi32>,
      %swap3A_1103 = vector.shape_cast %swap3A_1102 : vector<16xi32> to vector<16xi32>
      %swap3A_1104 = vector.shape_cast %shift_right_logical3A_1100 : vector<16xi32> to vector<16xi32>
      tpu.vector_store %arg13[%swap3A_1101], %swap3A_1104 {strides = array<i32>} : memref<80xi32, #tpu.memory_space<vmem>>, vector<16xi32>,
      %and3A_1105 = arith.constant 16383 : i32
      %and3A_1106 = vector.broadcast %and3A_1105 : i32 to vector<16xi32>
      %and3A_1107 = arith.andi %get3A_1097, %and3A_1106 : vector<16xi32>
      %add3A_1108 = vector.broadcast %mul3A_2 : i32 to vector<16xi32>
      %add3A_1109 = arith.addi %and3A_1107, %add3A_1108 : vector<16xi32>
      %swap3A_1110 = arith.constant 16 : index
      %swap3A_1111 = tpu.vector_load %arg10[%swap3A_1110] {strides = array<i32>} : memref<80xi32, #tpu.memory_space<vmem>>, vector<16xi32>,
      %swap3A_1112 = vector.shape_cast %swap3A_1111 : vector<16xi32> to vector<16xi32>
      %swap3A_1113 = vector.shape_cast %add3A_1109 : vector<16xi32> to vector<16xi32>
      tpu.vector_store %arg10[%swap3A_1110], %swap3A_1113 {strides = array<i32>} : memref<80xi32, #tpu.memory_space<vmem>>, vector<16xi32>,
      %get3A_1114 = arith.index_cast %add3A_1073 : i32 to index
      %get3A_1115 = arith.constant 32 : index
      %get3A_1116 = tpu.vector_load %arg8[%get3A_1114, %get3A_1115] {strides = array<i32>} : memref<125x80xi32, #tpu.memory_space<vmem>>, vector<1x16xi32>,
      %get3A_1117 = vector.shape_cast %get3A_1116 : vector<1x16xi32> to vector<16xi32>
      %shift_right_logical3A_1118 = arith.constant 14 : i32
      %shift_right_logical3A_1119 = vector.broadcast %shift_right_logical3A_1118 : i32 to vector<16xi32>
      %shift_right_logical3A_1120 = arith.shrui %get3A_1117, %shift_right_logical3A_1119 : vector<16xi32>
      %swap3A_1121 = arith.constant 32 : index
      %swap3A_1122 = tpu.vector_load %arg13[%swap3A_1121] {strides = array<i32>} : memref<80xi32, #tpu.memory_space<vmem>>, vector<16xi32>,
      %swap3A_1123 = vector.shape_cast %swap3A_1122 : vector<16xi32> to vector<16xi32>
      %swap3A_1124 = vector.shape_cast %shift_right_logical3A_1120 : vector<16xi32> to vector<16xi32>
      tpu.vector_store %arg13[%swap3A_1121], %swap3A_1124 {strides = array<i32>} : memref<80xi32, #tpu.memory_space<vmem>>, vector<16xi32>,
      %and3A_1125 = arith.constant 16383 : i32
      %and3A_1126 = vector.broadcast %and3A_1125 : i32 to vector<16xi32>
      %and3A_1127 = arith.andi %get3A_1117, %and3A_1126 : vector<16xi32>
      %add3A_1128 = vector.broadcast %mul3A_2 : i32 to vector<16xi32>
      %add3A_1129 = arith.addi %and3A_1127, %add3A_1128 : vector<16xi32>
      %swap3A_1130 = arith.constant 32 : index
      %swap3A_1131 = tpu.vector_load %arg10[%swap3A_1130] {strides = array<i32>} : memref<80xi32, #tpu.memory_space<vmem>>, vector<16xi32>,
      %swap3A_1132 = vector.shape_cast %swap3A_1131 : vector<16xi32> to vector<16xi32>
      %swap3A_1133 = vector.shape_cast %add3A_1129 : vector<16xi32> to vector<16xi32>
      tpu.vector_store %arg10[%swap3A_1130], %swap3A_1133 {strides = array<i32>} : memref<80xi32, #tpu.memory_space<vmem>>, vector<16xi32>,
      %get3A_1134 = arith.index_cast %add3A_1073 : i32 to index
      %get3A_1135 = arith.constant 48 : index
      %get3A_1136 = tpu.vector_load %arg8[%get3A_1134, %get3A_1135] {strides = array<i32>} : memref<125x80xi32, #tpu.memory_space<vmem>>, vector<1x16xi32>,
      %get3A_1137 = vector.shape_cast %get3A_1136 : vector<1x16xi32> to vector<16xi32>
      %shift_right_logical3A_1138 = arith.constant 14 : i32
      %shift_right_logical3A_1139 = vector.broadcast %shift_right_logical3A_1138 : i32 to vector<16xi32>
      %shift_right_logical3A_1140 = arith.shrui %get3A_1137, %shift_right_logical3A_1139 : vector<16xi32>
      %swap3A_1141 = arith.constant 48 : index
      %swap3A_1142 = tpu.vector_load %arg13[%swap3A_1141] {strides = array<i32>} : memref<80xi32, #tpu.memory_space<vmem>>, vector<16xi32>,
      %swap3A_1143 = vector.shape_cast %swap3A_1142 : vector<16xi32> to vector<16xi32>
      %swap3A_1144 = vector.shape_cast %shift_right_logical3A_1140 : vector<16xi32> to vector<16xi32>
      tpu.vector_store %arg13[%swap3A_1141], %swap3A_1144 {strides = array<i32>} : memref<80xi32, #tpu.memory_space<vmem>>, vector<16xi32>,
      %and3A_1145 = arith.constant 16383 : i32
      %and3A_1146 = vector.broadcast %and3A_1145 : i32 to vector<16xi32>
      %and3A_1147 = arith.andi %get3A_1137, %and3A_1146 : vector<16xi32>
      %add3A_1148 = vector.broadcast %mul3A_2 : i32 to vector<16xi32>
      %add3A_1149 = arith.addi %and3A_1147, %add3A_1148 : vector<16xi32>
      %swap3A_1150 = arith.constant 48 : index
      %swap3A_1151 = tpu.vector_load %arg10[%swap3A_1150] {strides = array<i32>} : memref<80xi32, #tpu.memory_space<vmem>>, vector<16xi32>,
      %swap3A_1152 = vector.shape_cast %swap3A_1151 : vector<16xi32> to vector<16xi32>
      %swap3A_1153 = vector.shape_cast %add3A_1149 : vector<16xi32> to vector<16xi32>
      tpu.vector_store %arg10[%swap3A_1150], %swap3A_1153 {strides = array<i32>} : memref<80xi32, #tpu.memory_space<vmem>>, vector<16xi32>,
      %get3A_1154 = arith.index_cast %add3A_1073 : i32 to index
      %get3A_1155 = arith.constant 64 : index
      %get3A_1156 = tpu.vector_load %arg8[%get3A_1154, %get3A_1155] {strides = array<i32>} : memref<125x80xi32, #tpu.memory_space<vmem>>, vector<1x16xi32>,
      %get3A_1157 = vector.shape_cast %get3A_1156 : vector<1x16xi32> to vector<16xi32>
      %shift_right_logical3A_1158 = arith.constant 14 : i32
      %shift_right_logical3A_1159 = vector.broadcast %shift_right_logical3A_1158 : i32 to vector<16xi32>
      %shift_right_logical3A_1160 = arith.shrui %get3A_1157, %shift_right_logical3A_1159 : vector<16xi32>
      %swap3A_1161 = arith.constant 64 : index
      %swap3A_1162 = tpu.vector_load %arg13[%swap3A_1161] {strides = array<i32>} : memref<80xi32, #tpu.memory_space<vmem>>, vector<16xi32>,
      %swap3A_1163 = vector.shape_cast %swap3A_1162 : vector<16xi32> to vector<16xi32>
      %swap3A_1164 = vector.shape_cast %shift_right_logical3A_1160 : vector<16xi32> to vector<16xi32>
      tpu.vector_store %arg13[%swap3A_1161], %swap3A_1164 {strides = array<i32>} : memref<80xi32, #tpu.memory_space<vmem>>, vector<16xi32>,
      %and3A_1165 = arith.constant 16383 : i32
      %and3A_1166 = vector.broadcast %and3A_1165 : i32 to vector<16xi32>
      %and3A_1167 = arith.andi %get3A_1157, %and3A_1166 : vector<16xi32>
      %add3A_1168 = vector.broadcast %mul3A_2 : i32 to vector<16xi32>
      %add3A_1169 = arith.addi %and3A_1167, %add3A_1168 : vector<16xi32>
      %swap3A_1170 = arith.constant 64 : index
      %swap3A_1171 = tpu.vector_load %arg10[%swap3A_1170] {strides = array<i32>} : memref<80xi32, #tpu.memory_space<vmem>>, vector<16xi32>,
      %swap3A_1172 = vector.shape_cast %swap3A_1171 : vector<16xi32> to vector<16xi32>
      %swap3A_1173 = vector.shape_cast %add3A_1169 : vector<16xi32> to vector<16xi32>
      tpu.vector_store %arg10[%swap3A_1170], %swap3A_1173 {strides = array<i32>} : memref<80xi32, #tpu.memory_space<vmem>>, vector<16xi32>,
      %dma_start3A_1174 = arith.constant 0 : i32
      %dma_start3A_1175 = arith.constant 0 : i32
      %dma_start3A_1176 = tpu.memref_slice %arg2[%dma_start3A_1174, %dma_start3A_1175] : memref<20000x128xf32, #tpu.memory_space<hbm>> -> memref<20000x128xf32, #tpu.memory_space<hbm>>
      tpu.enqueue_indirect_dma source(%dma_start3A_1176 : memref<20000x128xf32, #tpu.memory_space<hbm>>) target(%arg16 : memref<80x128xf32, #tpu.memory_space<vmem>>) offsets(%arg10 : memref<80xi32, #tpu.memory_space<vmem>>) semaphore(%arg24 : memref<!tpu.dma_semaphore, #tpu.memory_space<semaphore_mem>>)
      %dma_start3A_1177 = arith.constant 0 : i32
      %dma_start3A_1178 = tpu.memref_slice %arg3[%dma_start3A_1177] : memref<20000xf32, #tpu.memory_space<hbm>> -> memref<20000xf32, #tpu.memory_space<hbm>>
      tpu.enqueue_indirect_dma source(%dma_start3A_1178 : memref<20000xf32, #tpu.memory_space<hbm>>) target(%arg19 : memref<80xf32, #tpu.memory_space<vmem>>) offsets(%arg10 : memref<80xi32, #tpu.memory_space<vmem>>) semaphore(%arg27 : memref<!tpu.dma_semaphore, #tpu.memory_space<semaphore_mem>>)
      %dma_wait3A_1179 = arith.constant 0 : i32
      %dma_wait3A_1180 = arith.constant 0 : i32
      %dma_wait3A_1181 = tpu.memref_slice %arg2[%dma_wait3A_1179, %dma_wait3A_1180] : memref<20000x128xf32, #tpu.memory_space<hbm>> -> memref<20000x128xf32, #tpu.memory_space<hbm>>
      tpu.wait_indirect_dma semaphore(%arg25 : memref<!tpu.dma_semaphore, #tpu.memory_space<semaphore_mem>>) src(%dma_wait3A_1181 : memref<20000x128xf32, #tpu.memory_space<hbm>>) dst(%arg17 : memref<80x128xf32, #tpu.memory_space<vmem>>)
      %dma_wait3A_1182 = arith.constant 0 : i32
      %dma_wait3A_1183 = tpu.memref_slice %arg3[%dma_wait3A_1182] : memref<20000xf32, #tpu.memory_space<hbm>> -> memref<20000xf32, #tpu.memory_space<hbm>>
      tpu.wait_indirect_dma semaphore(%arg28 : memref<!tpu.dma_semaphore, #tpu.memory_space<semaphore_mem>>) src(%dma_wait3A_1183 : memref<20000xf32, #tpu.memory_space<hbm>>) dst(%arg20 : memref<80xf32, #tpu.memory_space<vmem>>)
      %dma_start3A_1184 = arith.constant 0 : i32
      %dma_start3A_1185 = arith.constant 0 : i32
      %dma_start3A_1186 = tpu.memref_slice %arg22[%dma_start3A_1184, %dma_start3A_1185] : memref<10240x128xf32, #tpu.memory_space<vmem_shared>> -> memref<10240x128xf32, #tpu.memory_space<vmem_shared>>
      tpu.enqueue_indirect_dma source(%arg17 : memref<80x128xf32, #tpu.memory_space<vmem>>) target(%dma_start3A_1186 : memref<10240x128xf32, #tpu.memory_space<vmem_shared>>) offsets(%arg14 : memref<80xi32, #tpu.memory_space<vmem>>) semaphore(%arg31 : memref<!tpu.dma_semaphore, #tpu.memory_space<semaphore_mem>>) {add = true}
      %get3A_1187 = arith.constant 0 : index
      %get3A_1188 = tpu.vector_load %arg21[%get3A_1187] {strides = array<i32>} : memref<16xf32, #tpu.memory_space<vmem>>, vector<16xf32>,
      %get3A_1189 = vector.shape_cast %get3A_1188 : vector<16xf32> to vector<16xf32>
      %get3A_1190 = arith.constant 0 : index
      %get3A_1191 = tpu.vector_load %arg20[%get3A_1190] {strides = array<i32>} : memref<80xf32, #tpu.memory_space<vmem>>, vector<16xf32>,
      %get3A_1192 = vector.shape_cast %get3A_1191 : vector<16xf32> to vector<16xf32>
      %add3A_1193 = arith.addf %get3A_1189, %get3A_1192 : vector<16xf32>
      %get3A_1194 = arith.constant 16 : index
      %get3A_1195 = tpu.vector_load %arg20[%get3A_1194] {strides = array<i32>} : memref<80xf32, #tpu.memory_space<vmem>>, vector<16xf32>,
      %get3A_1196 = vector.shape_cast %get3A_1195 : vector<16xf32> to vector<16xf32>
      %add3A_1197 = arith.addf %add3A_1193, %get3A_1196 : vector<16xf32>
      %get3A_1198 = arith.constant 32 : index
      %get3A_1199 = tpu.vector_load %arg20[%get3A_1198] {strides = array<i32>} : memref<80xf32, #tpu.memory_space<vmem>>, vector<16xf32>,
      %get3A_1200 = vector.shape_cast %get3A_1199 : vector<16xf32> to vector<16xf32>
      %add3A_1201 = arith.addf %add3A_1197, %get3A_1200 : vector<16xf32>
      %get3A_1202 = arith.constant 48 : index
      %get3A_1203 = tpu.vector_load %arg20[%get3A_1202] {strides = array<i32>} : memref<80xf32, #tpu.memory_space<vmem>>, vector<16xf32>,
      %get3A_1204 = vector.shape_cast %get3A_1203 : vector<16xf32> to vector<16xf32>
      %add3A_1205 = arith.addf %add3A_1201, %get3A_1204 : vector<16xf32>
      %get3A_1206 = arith.constant 64 : index
      %get3A_1207 = tpu.vector_load %arg20[%get3A_1206] {strides = array<i32>} : memref<80xf32, #tpu.memory_space<vmem>>, vector<16xf32>,
      %get3A_1208 = vector.shape_cast %get3A_1207 : vector<16xf32> to vector<16xf32>
      %add3A_1209 = arith.addf %add3A_1205, %get3A_1208 : vector<16xf32>
      %swap3A_1210 = arith.constant 0 : index
      %swap3A_1211 = tpu.vector_load %arg21[%swap3A_1210] {strides = array<i32>} : memref<16xf32, #tpu.memory_space<vmem>>, vector<16xf32>,
      %swap3A_1212 = vector.shape_cast %swap3A_1211 : vector<16xf32> to vector<16xf32>
      %swap3A_1213 = vector.shape_cast %add3A_1209 : vector<16xf32> to vector<16xf32>
      tpu.vector_store %arg21[%swap3A_1210], %swap3A_1213 {strides = array<i32>} : memref<16xf32, #tpu.memory_space<vmem>>, vector<16xf32>,
    }
    %scan3A_673 = arith.constant 40 : i32
    %dma_wait3A_674 = arith.constant 0 : i32
    %dma_wait3A_675 = arith.constant 0 : i32
    %dma_wait3A_676 = tpu.memref_slice %arg22[%dma_wait3A_674, %dma_wait3A_675] : memref<10240x128xf32, #tpu.memory_space<vmem_shared>> -> memref<10240x128xf32, #tpu.memory_space<vmem_shared>>
    tpu.wait_indirect_dma semaphore(%arg31 : memref<!tpu.dma_semaphore, #tpu.memory_space<semaphore_mem>>) src(%arg17 : memref<80x128xf32, #tpu.memory_space<vmem>>) dst(%dma_wait3A_676 : memref<10240x128xf32, #tpu.memory_space<vmem_shared>>)
    %dma_wait3A_677 = arith.constant 0 : i32
    %dma_wait3A_678 = arith.constant 0 : i32
    %dma_wait3A_679 = tpu.memref_slice %arg2[%dma_wait3A_677, %dma_wait3A_678] : memref<20000x128xf32, #tpu.memory_space<hbm>> -> memref<20000x128xf32, #tpu.memory_space<hbm>>
    tpu.wait_indirect_dma semaphore(%arg23 : memref<!tpu.dma_semaphore, #tpu.memory_space<semaphore_mem>>) src(%dma_wait3A_679 : memref<20000x128xf32, #tpu.memory_space<hbm>>) dst(%arg15 : memref<80x128xf32, #tpu.memory_space<vmem>>)
    %dma_wait3A_680 = arith.constant 0 : i32
    %dma_wait3A_681 = tpu.memref_slice %arg3[%dma_wait3A_680] : memref<20000xf32, #tpu.memory_space<hbm>> -> memref<20000xf32, #tpu.memory_space<hbm>>
    tpu.wait_indirect_dma semaphore(%arg26 : memref<!tpu.dma_semaphore, #tpu.memory_space<semaphore_mem>>) src(%dma_wait3A_681 : memref<20000xf32, #tpu.memory_space<hbm>>) dst(%arg18 : memref<80xf32, #tpu.memory_space<vmem>>)
    %dma_start3A_682 = arith.constant 0 : i32
    %dma_start3A_683 = arith.constant 0 : i32
    %dma_start3A_684 = tpu.memref_slice %arg22[%dma_start3A_682, %dma_start3A_683] : memref<10240x128xf32, #tpu.memory_space<vmem_shared>> -> memref<10240x128xf32, #tpu.memory_space<vmem_shared>>
    tpu.enqueue_indirect_dma source(%arg15 : memref<80x128xf32, #tpu.memory_space<vmem>>) target(%dma_start3A_684 : memref<10240x128xf32, #tpu.memory_space<vmem_shared>>) offsets(%arg12 : memref<80xi32, #tpu.memory_space<vmem>>) semaphore(%arg29 : memref<!tpu.dma_semaphore, #tpu.memory_space<semaphore_mem>>) {add = true}
    %get3A_685 = arith.constant 0 : index
    %get3A_686 = tpu.vector_load %arg21[%get3A_685] {strides = array<i32>} : memref<16xf32, #tpu.memory_space<vmem>>, vector<16xf32>,
    %get3A_687 = vector.shape_cast %get3A_686 : vector<16xf32> to vector<16xf32>
    %get3A_688 = arith.constant 0 : index
    %get3A_689 = tpu.vector_load %arg18[%get3A_688] {strides = array<i32>} : memref<80xf32, #tpu.memory_space<vmem>>, vector<16xf32>,
    %get3A_690 = vector.shape_cast %get3A_689 : vector<16xf32> to vector<16xf32>
    %add3A_691 = arith.addf %get3A_687, %get3A_690 : vector<16xf32>
    %get3A_692 = arith.constant 16 : index
    %get3A_693 = tpu.vector_load %arg18[%get3A_692] {strides = array<i32>} : memref<80xf32, #tpu.memory_space<vmem>>, vector<16xf32>,
    %get3A_694 = vector.shape_cast %get3A_693 : vector<16xf32> to vector<16xf32>
    %add3A_695 = arith.addf %add3A_691, %get3A_694 : vector<16xf32>
    %get3A_696 = arith.constant 32 : index
    %get3A_697 = tpu.vector_load %arg18[%get3A_696] {strides = array<i32>} : memref<80xf32, #tpu.memory_space<vmem>>, vector<16xf32>,
    %get3A_698 = vector.shape_cast %get3A_697 : vector<16xf32> to vector<16xf32>
    %add3A_699 = arith.addf %add3A_695, %get3A_698 : vector<16xf32>
    %get3A_700 = arith.constant 48 : index
    %get3A_701 = tpu.vector_load %arg18[%get3A_700] {strides = array<i32>} : memref<80xf32, #tpu.memory_space<vmem>>, vector<16xf32>,
    %get3A_702 = vector.shape_cast %get3A_701 : vector<16xf32> to vector<16xf32>
    %add3A_703 = arith.addf %add3A_699, %get3A_702 : vector<16xf32>
    %get3A_704 = arith.constant 64 : index
    %get3A_705 = tpu.vector_load %arg18[%get3A_704] {strides = array<i32>} : memref<80xf32, #tpu.memory_space<vmem>>, vector<16xf32>,
    %get3A_706 = vector.shape_cast %get3A_705 : vector<16xf32> to vector<16xf32>
    %add3A_707 = arith.addf %add3A_703, %get3A_706 : vector<16xf32>
    %swap3A_708 = arith.constant 0 : index
    %swap3A_709 = tpu.vector_load %arg21[%swap3A_708] {strides = array<i32>} : memref<16xf32, #tpu.memory_space<vmem>>, vector<16xf32>,
    %swap3A_710 = vector.shape_cast %swap3A_709 : vector<16xf32> to vector<16xf32>
    %swap3A_711 = vector.shape_cast %add3A_707 : vector<16xf32> to vector<16xf32>
    tpu.vector_store %arg21[%swap3A_708], %swap3A_711 {strides = array<i32>} : memref<16xf32, #tpu.memory_space<vmem>>, vector<16xf32>,
    %dma_wait3A_712 = arith.constant 0 : i32
    %dma_wait3A_713 = arith.constant 0 : i32
    %dma_wait3A_714 = tpu.memref_slice %arg22[%dma_wait3A_712, %dma_wait3A_713] : memref<10240x128xf32, #tpu.memory_space<vmem_shared>> -> memref<10240x128xf32, #tpu.memory_space<vmem_shared>>
    tpu.wait_indirect_dma semaphore(%arg29 : memref<!tpu.dma_semaphore, #tpu.memory_space<semaphore_mem>>) src(%arg15 : memref<80x128xf32, #tpu.memory_space<vmem>>) dst(%dma_wait3A_714 : memref<10240x128xf32, #tpu.memory_space<vmem_shared>>)
    %dma_wait3A_715 = arith.constant 0 : i32
    %dma_wait3A_716 = arith.constant 0 : i32
    %dma_wait3A_717 = tpu.memref_slice %arg2[%dma_wait3A_715, %dma_wait3A_716] : memref<20000x128xf32, #tpu.memory_space<hbm>> -> memref<20000x128xf32, #tpu.memory_space<hbm>>
    tpu.wait_indirect_dma semaphore(%arg24 : memref<!tpu.dma_semaphore, #tpu.memory_space<semaphore_mem>>) src(%dma_wait3A_717 : memref<20000x128xf32, #tpu.memory_space<hbm>>) dst(%arg16 : memref<80x128xf32, #tpu.memory_space<vmem>>)
    %dma_wait3A_718 = arith.constant 0 : i32
    %dma_wait3A_719 = tpu.memref_slice %arg3[%dma_wait3A_718] : memref<20000xf32, #tpu.memory_space<hbm>> -> memref<20000xf32, #tpu.memory_space<hbm>>
    tpu.wait_indirect_dma semaphore(%arg27 : memref<!tpu.dma_semaphore, #tpu.memory_space<semaphore_mem>>) src(%dma_wait3A_719 : memref<20000xf32, #tpu.memory_space<hbm>>) dst(%arg19 : memref<80xf32, #tpu.memory_space<vmem>>)
    %dma_start3A_720 = arith.constant 0 : i32
    %dma_start3A_721 = arith.constant 0 : i32
    %dma_start3A_722 = tpu.memref_slice %arg22[%dma_start3A_720, %dma_start3A_721] : memref<10240x128xf32, #tpu.memory_space<vmem_shared>> -> memref<10240x128xf32, #tpu.memory_space<vmem_shared>>
    tpu.enqueue_indirect_dma source(%arg16 : memref<80x128xf32, #tpu.memory_space<vmem>>) target(%dma_start3A_722 : memref<10240x128xf32, #tpu.memory_space<vmem_shared>>) offsets(%arg13 : memref<80xi32, #tpu.memory_space<vmem>>) semaphore(%arg30 : memref<!tpu.dma_semaphore, #tpu.memory_space<semaphore_mem>>) {add = true}
    %get3A_723 = arith.constant 0 : index
    %get3A_724 = tpu.vector_load %arg21[%get3A_723] {strides = array<i32>} : memref<16xf32, #tpu.memory_space<vmem>>, vector<16xf32>,
    %get3A_725 = vector.shape_cast %get3A_724 : vector<16xf32> to vector<16xf32>
    %get3A_726 = arith.constant 0 : index
    %get3A_727 = tpu.vector_load %arg19[%get3A_726] {strides = array<i32>} : memref<80xf32, #tpu.memory_space<vmem>>, vector<16xf32>,
    %get3A_728 = vector.shape_cast %get3A_727 : vector<16xf32> to vector<16xf32>
    %add3A_729 = arith.addf %get3A_725, %get3A_728 : vector<16xf32>
    %get3A_730 = arith.constant 16 : index
    %get3A_731 = tpu.vector_load %arg19[%get3A_730] {strides = array<i32>} : memref<80xf32, #tpu.memory_space<vmem>>, vector<16xf32>,
    %get3A_732 = vector.shape_cast %get3A_731 : vector<16xf32> to vector<16xf32>
    %add3A_733 = arith.addf %add3A_729, %get3A_732 : vector<16xf32>
    %get3A_734 = arith.constant 32 : index
    %get3A_735 = tpu.vector_load %arg19[%get3A_734] {strides = array<i32>} : memref<80xf32, #tpu.memory_space<vmem>>, vector<16xf32>,
    %get3A_736 = vector.shape_cast %get3A_735 : vector<16xf32> to vector<16xf32>
    %add3A_737 = arith.addf %add3A_733, %get3A_736 : vector<16xf32>
    %get3A_738 = arith.constant 48 : index
    %get3A_739 = tpu.vector_load %arg19[%get3A_738] {strides = array<i32>} : memref<80xf32, #tpu.memory_space<vmem>>, vector<16xf32>,
    %get3A_740 = vector.shape_cast %get3A_739 : vector<16xf32> to vector<16xf32>
    %add3A_741 = arith.addf %add3A_737, %get3A_740 : vector<16xf32>
    %get3A_742 = arith.constant 64 : index
    %get3A_743 = tpu.vector_load %arg19[%get3A_742] {strides = array<i32>} : memref<80xf32, #tpu.memory_space<vmem>>, vector<16xf32>,
    %get3A_744 = vector.shape_cast %get3A_743 : vector<16xf32> to vector<16xf32>
    %add3A_745 = arith.addf %add3A_741, %get3A_744 : vector<16xf32>
    %swap3A_746 = arith.constant 0 : index
    %swap3A_747 = tpu.vector_load %arg21[%swap3A_746] {strides = array<i32>} : memref<16xf32, #tpu.memory_space<vmem>>, vector<16xf32>,
    %swap3A_748 = vector.shape_cast %swap3A_747 : vector<16xf32> to vector<16xf32>
    %swap3A_749 = vector.shape_cast %add3A_745 : vector<16xf32> to vector<16xf32>
    tpu.vector_store %arg21[%swap3A_746], %swap3A_749 {strides = array<i32>} : memref<16xf32, #tpu.memory_space<vmem>>, vector<16xf32>,
    %dma_wait3A_750 = arith.constant 0 : i32
    %dma_wait3A_751 = arith.constant 0 : i32
    %dma_wait3A_752 = tpu.memref_slice %arg22[%dma_wait3A_750, %dma_wait3A_751] : memref<10240x128xf32, #tpu.memory_space<vmem_shared>> -> memref<10240x128xf32, #tpu.memory_space<vmem_shared>>
    tpu.wait_indirect_dma semaphore(%arg30 : memref<!tpu.dma_semaphore, #tpu.memory_space<semaphore_mem>>) src(%arg16 : memref<80x128xf32, #tpu.memory_space<vmem>>) dst(%dma_wait3A_752 : memref<10240x128xf32, #tpu.memory_space<vmem_shared>>)
    %barrier3A_753 = arith.constant 0 : index
    tpu.barrier barrier_id(%barrier3A_753)
    %mul3A_754 = arith.constant 640 : i32
    %mul3A_755 = arith.muli %arg1, %mul3A_754 : i32
    %mul3A_756 = arith.constant 640 : i32
    %mul3A_757 = arith.muli %arg1, %mul3A_756 : i32
    %add3A_758 = arith.addi %mul3A_4, %mul3A_757 : i32
    "tpu.region"() ({
      %run_scoped3A = tpu.sem_alloc : memref<!tpu.dma_semaphore, #tpu.memory_space<semaphore_mem>>
      %dma_start3A_761 = arith.constant 0 : i32
      %dma_start3A_762 = tpu.memref_slice %arg6[%add3A_758, %dma_start3A_761] : memref<20480x128xf32, #tpu.memory_space<hbm>> -> memref<640x128xf32, #tpu.memory_space<hbm>>
      %dma_start3A_763 = arith.constant 0 : i32
      %dma_start3A_764 = tpu.memref_slice %arg22[%mul3A_755, %dma_start3A_763] : memref<10240x128xf32, #tpu.memory_space<vmem_shared>> -> memref<640x128xf32, #tpu.memory_space<vmem_shared>>
      tpu.enqueue_dma source(%dma_start3A_764 : memref<640x128xf32, #tpu.memory_space<vmem_shared>>) target(%dma_start3A_762 : memref<640x128xf32, #tpu.memory_space<hbm>>) target_semaphore(%run_scoped3A : memref<!tpu.dma_semaphore, #tpu.memory_space<semaphore_mem>>)
      %dma_wait3A_765 = arith.constant 0 : i32
      %dma_wait3A_766 = tpu.memref_slice %arg6[%add3A_758, %dma_wait3A_765] : memref<20480x128xf32, #tpu.memory_space<hbm>> -> memref<640x128xf32, #tpu.memory_space<hbm>>
      %dma_wait3A_767 = arith.constant 0 : i32
      %dma_wait3A_768 = tpu.memref_slice %arg22[%mul3A_755, %dma_wait3A_767] : memref<10240x128xf32, #tpu.memory_space<vmem_shared>> -> memref<640x128xf32, #tpu.memory_space<vmem_shared>>
      tpu.wait_dma2 semaphore(%run_scoped3A : memref<!tpu.dma_semaphore, #tpu.memory_space<semaphore_mem>>) src(%dma_wait3A_768 : memref<640x128xf32, #tpu.memory_space<vmem_shared>>) dst(%dma_wait3A_766 : memref<640x128xf32, #tpu.memory_space<hbm>>)
      tpu.yield
    }) : () -> ()
    %mul3A_759 = arith.constant 16 : i32
    %mul3A_760 = arith.muli %add3A, %mul3A_759 : i32
    "tpu.region"() ({
      %run_scoped3A = tpu.sem_alloc : memref<!tpu.dma_semaphore, #tpu.memory_space<semaphore_mem>>
      %dma_start3A_761 = tpu.memref_slice %arg7[%mul3A_760] : memref<512xf32, #tpu.memory_space<hbm>> -> memref<16xf32, #tpu.memory_space<hbm>>
      %dma_start3A_762 = tpu.memref_slice %arg7[%mul3A_760] : memref<512xf32, #tpu.memory_space<hbm>> -> memref<16xf32, #tpu.memory_space<hbm>>
      tpu.enqueue_dma source(%arg21 : memref<16xf32, #tpu.memory_space<vmem>>) target(%dma_start3A_762 : memref<16xf32, #tpu.memory_space<hbm>>) target_semaphore(%run_scoped3A : memref<!tpu.dma_semaphore, #tpu.memory_space<semaphore_mem>>)
      %dma_wait3A_763 = tpu.memref_slice %arg7[%mul3A_760] : memref<512xf32, #tpu.memory_space<hbm>> -> memref<16xf32, #tpu.memory_space<hbm>>
      %dma_wait3A_764 = tpu.memref_slice %arg7[%mul3A_760] : memref<512xf32, #tpu.memory_space<hbm>> -> memref<16xf32, #tpu.memory_space<hbm>>
      tpu.wait_dma2 semaphore(%run_scoped3A : memref<!tpu.dma_semaphore, #tpu.memory_space<semaphore_mem>>) src(%arg21 : memref<16xf32, #tpu.memory_space<vmem>>) dst(%dma_wait3A_764 : memref<16xf32, #tpu.memory_space<hbm>>)
      tpu.yield
    }) : () -> ()
    return
  }
}

#map = affine_map<(d0, d1) -> (0, 0)>
#map1 = affine_map<(d0, d1) -> (0)>
#map2 = affine_map<(d0, d1) -> (0, 0, 0)>
module attributes {stable_mosaic.version = 14 : i64} {
  func.func @k(%arg0: i32, %arg1: i32, %arg2: memref<20000x128xf32, #tpu.memory_space<hbm>>, %arg3: memref<20000xf32, #tpu.memory_space<hbm>>, %arg4: memref<16x125x80xi32, #tpu.memory_space<hbm>>, %arg5: memref<10240x128xf32, #tpu.memory_space<hbm>>, %arg6: memref<20480x128xf32, #tpu.memory_space<hbm>>, %arg7: memref<512xf32, #tpu.memory_space<hbm>>, %arg8: memref<125x80xi32, #tpu.memory_space<vmem>>, %arg9: memref<80xi32, #tpu.memory_space<vmem>>, %arg10: memref<80xi32, #tpu.memory_space<vmem>>, %arg11: memref<80xi32, #tpu.memory_space<vmem>>, %arg12: memref<80xi32, #tpu.memory_space<vmem>>, %arg13: memref<80xi32, #tpu.memory_space<vmem>>, %arg14: memref<80xi32, #tpu.memory_space<vmem>>, %arg15: memref<80x128xf32, #tpu.memory_space<vmem>>, %arg16: memref<80x128xf32, #tpu.memory_space<vmem>>, %arg17: memref<80x128xf32, #tpu.memory_space<vmem>>, %arg18: memref<80xf32, #tpu.memory_space<vmem>>, %arg19: memref<80xf32, #tpu.memory_space<vmem>>, %arg20: memref<80xf32, #tpu.memory_space<vmem>>, %arg21: memref<16xf32, #tpu.memory_space<vmem>>, %arg22: memref<10240x128xf32, #tpu.memory_space<vmem_shared>>, %arg23: memref<!tpu.dma_semaphore, #tpu.memory_space<semaphore_mem>>, %arg24: memref<!tpu.dma_semaphore, #tpu.memory_space<semaphore_mem>>, %arg25: memref<!tpu.dma_semaphore, #tpu.memory_space<semaphore_mem>>, %arg26: memref<!tpu.dma_semaphore, #tpu.memory_space<semaphore_mem>>, %arg27: memref<!tpu.dma_semaphore, #tpu.memory_space<semaphore_mem>>, %arg28: memref<!tpu.dma_semaphore, #tpu.memory_space<semaphore_mem>>, %arg29: memref<!tpu.dma_semaphore, #tpu.memory_space<semaphore_mem>>, %arg30: memref<!tpu.dma_semaphore, #tpu.memory_space<semaphore_mem>>, %arg31: memref<!tpu.dma_semaphore, #tpu.memory_space<semaphore_mem>>) attributes {dimension_semantics = [#tpu.dimension_semantics<core_parallel>, #tpu.dimension_semantics<subcore_parallel>], iteration_bounds = array<i64: 2, 16>, scalar_prefetch = 0 : i64, scratch_operands = 24 : i64, tpu.core_type = #tpu.core_type<sc_vector_subcore>, window_params = [{transform_indices = #map}, {transform_indices = #map1}, {transform_indices = #map2}, {transform_indices = #map}, {transform_indices = #map}, {transform_indices = #map1}]} {
    %mul3A = arith.constant 16 : i32
    %mul3A_0 = arith.muli %arg0, %mul3A : i32
    %add3A = arith.addi %mul3A_0, %arg1 : i32
    %mul3A_1 = arith.constant 10000 : i32
    %mul3A_2 = arith.muli %arg0, %mul3A_1 : i32
    %mul3A_3 = arith.constant 10240 : i32
    %mul3A_4 = arith.muli %arg0, %mul3A_3 : i32
    %mul3A_5 = arith.constant 640 : i32
    %mul3A_6 = arith.muli %arg1, %mul3A_5 : i32
    %mul3A_7 = arith.constant 640 : i32
    %mul3A_8 = arith.muli %arg1, %mul3A_7 : i32
    "tpu.region"() ({
      %run_scoped3A = tpu.sem_alloc : memref<!tpu.dma_semaphore, #tpu.memory_space<semaphore_mem>>
      %dma_start3A_761 = arith.constant 0 : i32
      %dma_start3A_762 = tpu.memref_slice %arg22[%mul3A_8, %dma_start3A_761] : memref<10240x128xf32, #tpu.memory_space<vmem_shared>> -> memref<640x128xf32, #tpu.memory_space<vmem_shared>>
      %dma_start3A_763 = arith.constant 0 : i32
      %dma_start3A_764 = tpu.memref_slice %arg5[%mul3A_6, %dma_start3A_763] : memref<10240x128xf32, #tpu.memory_space<hbm>> -> memref<640x128xf32, #tpu.memory_space<hbm>>
      tpu.enqueue_dma source(%dma_start3A_764 : memref<640x128xf32, #tpu.memory_space<hbm>>) target(%dma_start3A_762 : memref<640x128xf32, #tpu.memory_space<vmem_shared>>) target_semaphore(%run_scoped3A : memref<!tpu.dma_semaphore, #tpu.memory_space<semaphore_mem>>)
      %dma_wait3A_765 = arith.constant 0 : i32
      %dma_wait3A_766 = tpu.memref_slice %arg22[%mul3A_8, %dma_wait3A_765] : memref<10240x128xf32, #tpu.memory_space<vmem_shared>> -> memref<640x128xf32, #tpu.memory_space<vmem_shared>>
      %dma_wait3A_767 = arith.constant 0 : i32
      %dma_wait3A_768 = tpu.memref_slice %arg5[%mul3A_6, %dma_wait3A_767] : memref<10240x128xf32, #tpu.memory_space<hbm>> -> memref<640x128xf32, #tpu.memory_space<hbm>>
      tpu.wait_dma2 semaphore(%run_scoped3A : memref<!tpu.dma_semaphore, #tpu.memory_space<semaphore_mem>>) src(%dma_wait3A_768 : memref<640x128xf32, #tpu.memory_space<hbm>>) dst(%dma_wait3A_766 : memref<640x128xf32, #tpu.memory_space<vmem_shared>>)
      tpu.yield
    }) : () -> ()
    "tpu.region"() ({
      %run_scoped3A = tpu.sem_alloc : memref<!tpu.dma_semaphore, #tpu.memory_space<semaphore_mem>>
      %dma_start3A_761 = arith.constant 0 : i32
      %dma_start3A_762 = arith.constant 0 : i32
      %dma_start3A_763 = tpu.memref_slice %arg4[%arg1, %dma_start3A_761, %dma_start3A_762] : memref<16x125x80xi32, #tpu.memory_space<hbm>> -> memref<1x125x80xi32, #tpu.memory_space<hbm>>
      %dma_start3A_764 = tpu.memref_squeeze %dma_start3A_763 : memref<1x125x80xi32, #tpu.memory_space<hbm>> -> memref<125x80xi32, #tpu.memory_space<hbm>>
      %dma_start3A_765 = arith.constant 0 : i32
      %dma_start3A_766 = arith.constant 0 : i32
      %dma_start3A_767 = tpu.memref_slice %arg4[%arg1, %dma_start3A_765, %dma_start3A_766] : memref<16x125x80xi32, #tpu.memory_space<hbm>> -> memref<1x125x80xi32, #tpu.memory_space<hbm>>
      %dma_start3A_768 = tpu.memref_squeeze %dma_start3A_767 : memref<1x125x80xi32, #tpu.memory_space<hbm>> -> memref<125x80xi32, #tpu.memory_space<hbm>>
      tpu.enqueue_dma source(%dma_start3A_768 : memref<125x80xi32, #tpu.memory_space<hbm>>) target(%arg8 : memref<125x80xi32, #tpu.memory_space<vmem>>) target_semaphore(%run_scoped3A : memref<!tpu.dma_semaphore, #tpu.memory_space<semaphore_mem>>)
      %dma_wait3A_769 = arith.constant 0 : i32
      %dma_wait3A_770 = arith.constant 0 : i32
      %dma_wait3A_771 = tpu.memref_slice %arg4[%arg1, %dma_wait3A_769, %dma_wait3A_770] : memref<16x125x80xi32, #tpu.memory_space<hbm>> -> memref<1x125x80xi32, #tpu.memory_space<hbm>>
      %dma_wait3A_772 = tpu.memref_squeeze %dma_wait3A_771 : memref<1x125x80xi32, #tpu.memory_space<hbm>> -> memref<125x80xi32, #tpu.memory_space<hbm>>
      %dma_wait3A_773 = arith.constant 0 : i32
      %dma_wait3A_774 = arith.constant 0 : i32
      %dma_wait3A_775 = tpu.memref_slice %arg4[%arg1, %dma_wait3A_773, %dma_wait3A_774] : memref<16x125x80xi32, #tpu.memory_space<hbm>> -> memref<1x125x80xi32, #tpu.memory_space<hbm>>
      %dma_wait3A_776 = tpu.memref_squeeze %dma_wait3A_775 : memref<1x125x80xi32, #tpu.memory_space<hbm>> -> memref<125x80xi32, #tpu.memory_space<hbm>>
      tpu.wait_dma2 semaphore(%run_scoped3A : memref<!tpu.dma_semaphore, #tpu.memory_space<semaphore_mem>>) src(%dma_wait3A_776 : memref<125x80xi32, #tpu.memory_space<hbm>>) dst(%arg8 : memref<125x80xi32, #tpu.memory_space<vmem>>)
      tpu.yield
    }) : () -> ()
    %broadcast_in_dim3A = arith.constant 0.000000e+00 : f32
    %broadcast_in_dim3A_9 = vector.broadcast %broadcast_in_dim3A : f32 to vector<16xf32>
    %swap3A = arith.constant 0 : index
    %swap3A_10 = tpu.vector_load %arg21[%swap3A] {strides = array<i32>} : memref<16xf32, #tpu.memory_space<vmem>>, vector<16xf32>,
    %swap3A_11 = vector.shape_cast %swap3A_10 : vector<16xf32> to vector<16xf32>
    %swap3A_12 = vector.shape_cast %broadcast_in_dim3A_9 : vector<16xf32> to vector<16xf32>
    tpu.vector_store %arg21[%swap3A], %swap3A_12 {strides = array<i32>} : memref<16xf32, #tpu.memory_space<vmem>>, vector<16xf32>,
    %barrier3A = arith.constant 0 : index
    tpu.barrier barrier_id(%barrier3A)
    %get3A = arith.constant 0 : i32
    %get3A_13 = arith.index_cast %get3A : i32 to index
    %get3A_14 = arith.constant 0 : index
    %get3A_15 = tpu.vector_load %arg8[%get3A_13, %get3A_14] {strides = array<i32>} : memref<125x80xi32, #tpu.memory_space<vmem>>, vector<1x16xi32>,
    %get3A_16 = vector.shape_cast %get3A_15 : vector<1x16xi32> to vector<16xi32>
    %shift_right_logical3A = arith.constant 14 : i32
    %shift_right_logical3A_17 = vector.broadcast %shift_right_logical3A : i32 to vector<16xi32>
    %shift_right_logical3A_18 = arith.shrui %get3A_16, %shift_right_logical3A_17 : vector<16xi32>
    %swap3A_19 = arith.constant 0 : index
    %swap3A_20 = tpu.vector_load %arg12[%swap3A_19] {strides = array<i32>} : memref<80xi32, #tpu.memory_space<vmem>>, vector<16xi32>,
    %swap3A_21 = vector.shape_cast %swap3A_20 : vector<16xi32> to vector<16xi32>
    %swap3A_22 = vector.shape_cast %shift_right_logical3A_18 : vector<16xi32> to vector<16xi32>
    tpu.vector_store %arg12[%swap3A_19], %swap3A_22 {strides = array<i32>} : memref<80xi32, #tpu.memory_space<vmem>>, vector<16xi32>,
    %and3A = arith.constant 16383 : i32
    %and3A_23 = vector.broadcast %and3A : i32 to vector<16xi32>
    %and3A_24 = arith.andi %get3A_16, %and3A_23 : vector<16xi32>
    %add3A_25 = vector.broadcast %mul3A_2 : i32 to vector<16xi32>
    %add3A_26 = arith.addi %and3A_24, %add3A_25 : vector<16xi32>
    %swap3A_27 = arith.constant 0 : index
    %swap3A_28 = tpu.vector_load %arg9[%swap3A_27] {strides = array<i32>} : memref<80xi32, #tpu.memory_space<vmem>>, vector<16xi32>,
    %swap3A_29 = vector.shape_cast %swap3A_28 : vector<16xi32> to vector<16xi32>
    %swap3A_30 = vector.shape_cast %add3A_26 : vector<16xi32> to vector<16xi32>
    tpu.vector_store %arg9[%swap3A_27], %swap3A_30 {strides = array<i32>} : memref<80xi32, #tpu.memory_space<vmem>>, vector<16xi32>,
    %get3A_31 = arith.constant 0 : i32
    %get3A_32 = arith.index_cast %get3A_31 : i32 to index
    %get3A_33 = arith.constant 16 : index
    %get3A_34 = tpu.vector_load %arg8[%get3A_32, %get3A_33] {strides = array<i32>} : memref<125x80xi32, #tpu.memory_space<vmem>>, vector<1x16xi32>,
    %get3A_35 = vector.shape_cast %get3A_34 : vector<1x16xi32> to vector<16xi32>
    %shift_right_logical3A_36 = arith.constant 14 : i32
    %shift_right_logical3A_37 = vector.broadcast %shift_right_logical3A_36 : i32 to vector<16xi32>
    %shift_right_logical3A_38 = arith.shrui %get3A_35, %shift_right_logical3A_37 : vector<16xi32>
    %swap3A_39 = arith.constant 16 : index
    %swap3A_40 = tpu.vector_load %arg12[%swap3A_39] {strides = array<i32>} : memref<80xi32, #tpu.memory_space<vmem>>, vector<16xi32>,
    %swap3A_41 = vector.shape_cast %swap3A_40 : vector<16xi32> to vector<16xi32>
    %swap3A_42 = vector.shape_cast %shift_right_logical3A_38 : vector<16xi32> to vector<16xi32>
    tpu.vector_store %arg12[%swap3A_39], %swap3A_42 {strides = array<i32>} : memref<80xi32, #tpu.memory_space<vmem>>, vector<16xi32>,
    %and3A_43 = arith.constant 16383 : i32
    %and3A_44 = vector.broadcast %and3A_43 : i32 to vector<16xi32>
    %and3A_45 = arith.andi %get3A_35, %and3A_44 : vector<16xi32>
    %add3A_46 = vector.broadcast %mul3A_2 : i32 to vector<16xi32>
    %add3A_47 = arith.addi %and3A_45, %add3A_46 : vector<16xi32>
    %swap3A_48 = arith.constant 16 : index
    %swap3A_49 = tpu.vector_load %arg9[%swap3A_48] {strides = array<i32>} : memref<80xi32, #tpu.memory_space<vmem>>, vector<16xi32>,
    %swap3A_50 = vector.shape_cast %swap3A_49 : vector<16xi32> to vector<16xi32>
    %swap3A_51 = vector.shape_cast %add3A_47 : vector<16xi32> to vector<16xi32>
    tpu.vector_store %arg9[%swap3A_48], %swap3A_51 {strides = array<i32>} : memref<80xi32, #tpu.memory_space<vmem>>, vector<16xi32>,
    %get3A_52 = arith.constant 0 : i32
    %get3A_53 = arith.index_cast %get3A_52 : i32 to index
    %get3A_54 = arith.constant 32 : index
    %get3A_55 = tpu.vector_load %arg8[%get3A_53, %get3A_54] {strides = array<i32>} : memref<125x80xi32, #tpu.memory_space<vmem>>, vector<1x16xi32>,
    %get3A_56 = vector.shape_cast %get3A_55 : vector<1x16xi32> to vector<16xi32>
    %shift_right_logical3A_57 = arith.constant 14 : i32
    %shift_right_logical3A_58 = vector.broadcast %shift_right_logical3A_57 : i32 to vector<16xi32>
    %shift_right_logical3A_59 = arith.shrui %get3A_56, %shift_right_logical3A_58 : vector<16xi32>
    %swap3A_60 = arith.constant 32 : index
    %swap3A_61 = tpu.vector_load %arg12[%swap3A_60] {strides = array<i32>} : memref<80xi32, #tpu.memory_space<vmem>>, vector<16xi32>,
    %swap3A_62 = vector.shape_cast %swap3A_61 : vector<16xi32> to vector<16xi32>
    %swap3A_63 = vector.shape_cast %shift_right_logical3A_59 : vector<16xi32> to vector<16xi32>
    tpu.vector_store %arg12[%swap3A_60], %swap3A_63 {strides = array<i32>} : memref<80xi32, #tpu.memory_space<vmem>>, vector<16xi32>,
    %and3A_64 = arith.constant 16383 : i32
    %and3A_65 = vector.broadcast %and3A_64 : i32 to vector<16xi32>
    %and3A_66 = arith.andi %get3A_56, %and3A_65 : vector<16xi32>
    %add3A_67 = vector.broadcast %mul3A_2 : i32 to vector<16xi32>
    %add3A_68 = arith.addi %and3A_66, %add3A_67 : vector<16xi32>
    %swap3A_69 = arith.constant 32 : index
    %swap3A_70 = tpu.vector_load %arg9[%swap3A_69] {strides = array<i32>} : memref<80xi32, #tpu.memory_space<vmem>>, vector<16xi32>,
    %swap3A_71 = vector.shape_cast %swap3A_70 : vector<16xi32> to vector<16xi32>
    %swap3A_72 = vector.shape_cast %add3A_68 : vector<16xi32> to vector<16xi32>
    tpu.vector_store %arg9[%swap3A_69], %swap3A_72 {strides = array<i32>} : memref<80xi32, #tpu.memory_space<vmem>>, vector<16xi32>,
    %get3A_73 = arith.constant 0 : i32
    %get3A_74 = arith.index_cast %get3A_73 : i32 to index
    %get3A_75 = arith.constant 48 : index
    %get3A_76 = tpu.vector_load %arg8[%get3A_74, %get3A_75] {strides = array<i32>} : memref<125x80xi32, #tpu.memory_space<vmem>>, vector<1x16xi32>,
    %get3A_77 = vector.shape_cast %get3A_76 : vector<1x16xi32> to vector<16xi32>
    %shift_right_logical3A_78 = arith.constant 14 : i32
    %shift_right_logical3A_79 = vector.broadcast %shift_right_logical3A_78 : i32 to vector<16xi32>
    %shift_right_logical3A_80 = arith.shrui %get3A_77, %shift_right_logical3A_79 : vector<16xi32>
    %swap3A_81 = arith.constant 48 : index
    %swap3A_82 = tpu.vector_load %arg12[%swap3A_81] {strides = array<i32>} : memref<80xi32, #tpu.memory_space<vmem>>, vector<16xi32>,
    %swap3A_83 = vector.shape_cast %swap3A_82 : vector<16xi32> to vector<16xi32>
    %swap3A_84 = vector.shape_cast %shift_right_logical3A_80 : vector<16xi32> to vector<16xi32>
    tpu.vector_store %arg12[%swap3A_81], %swap3A_84 {strides = array<i32>} : memref<80xi32, #tpu.memory_space<vmem>>, vector<16xi32>,
    %and3A_85 = arith.constant 16383 : i32
    %and3A_86 = vector.broadcast %and3A_85 : i32 to vector<16xi32>
    %and3A_87 = arith.andi %get3A_77, %and3A_86 : vector<16xi32>
    %add3A_88 = vector.broadcast %mul3A_2 : i32 to vector<16xi32>
    %add3A_89 = arith.addi %and3A_87, %add3A_88 : vector<16xi32>
    %swap3A_90 = arith.constant 48 : index
    %swap3A_91 = tpu.vector_load %arg9[%swap3A_90] {strides = array<i32>} : memref<80xi32, #tpu.memory_space<vmem>>, vector<16xi32>,
    %swap3A_92 = vector.shape_cast %swap3A_91 : vector<16xi32> to vector<16xi32>
    %swap3A_93 = vector.shape_cast %add3A_89 : vector<16xi32> to vector<16xi32>
    tpu.vector_store %arg9[%swap3A_90], %swap3A_93 {strides = array<i32>} : memref<80xi32, #tpu.memory_space<vmem>>, vector<16xi32>,
    %get3A_94 = arith.constant 0 : i32
    %get3A_95 = arith.index_cast %get3A_94 : i32 to index
    %get3A_96 = arith.constant 64 : index
    %get3A_97 = tpu.vector_load %arg8[%get3A_95, %get3A_96] {strides = array<i32>} : memref<125x80xi32, #tpu.memory_space<vmem>>, vector<1x16xi32>,
    %get3A_98 = vector.shape_cast %get3A_97 : vector<1x16xi32> to vector<16xi32>
    %shift_right_logical3A_99 = arith.constant 14 : i32
    %shift_right_logical3A_100 = vector.broadcast %shift_right_logical3A_99 : i32 to vector<16xi32>
    %shift_right_logical3A_101 = arith.shrui %get3A_98, %shift_right_logical3A_100 : vector<16xi32>
    %swap3A_102 = arith.constant 64 : index
    %swap3A_103 = tpu.vector_load %arg12[%swap3A_102] {strides = array<i32>} : memref<80xi32, #tpu.memory_space<vmem>>, vector<16xi32>,
    %swap3A_104 = vector.shape_cast %swap3A_103 : vector<16xi32> to vector<16xi32>
    %swap3A_105 = vector.shape_cast %shift_right_logical3A_101 : vector<16xi32> to vector<16xi32>
    tpu.vector_store %arg12[%swap3A_102], %swap3A_105 {strides = array<i32>} : memref<80xi32, #tpu.memory_space<vmem>>, vector<16xi32>,
    %and3A_106 = arith.constant 16383 : i32
    %and3A_107 = vector.broadcast %and3A_106 : i32 to vector<16xi32>
    %and3A_108 = arith.andi %get3A_98, %and3A_107 : vector<16xi32>
    %add3A_109 = vector.broadcast %mul3A_2 : i32 to vector<16xi32>
    %add3A_110 = arith.addi %and3A_108, %add3A_109 : vector<16xi32>
    %swap3A_111 = arith.constant 64 : index
    %swap3A_112 = tpu.vector_load %arg9[%swap3A_111] {strides = array<i32>} : memref<80xi32, #tpu.memory_space<vmem>>, vector<16xi32>,
    %swap3A_113 = vector.shape_cast %swap3A_112 : vector<16xi32> to vector<16xi32>
    %swap3A_114 = vector.shape_cast %add3A_110 : vector<16xi32> to vector<16xi32>
    tpu.vector_store %arg9[%swap3A_111], %swap3A_114 {strides = array<i32>} : memref<80xi32, #tpu.memory_space<vmem>>, vector<16xi32>,
    %dma_start3A = arith.constant 0 : i32
    %dma_start3A_115 = arith.constant 0 : i32
    %dma_start3A_116 = tpu.memref_slice %arg2[%dma_start3A, %dma_start3A_115] : memref<20000x128xf32, #tpu.memory_space<hbm>> -> memref<20000x128xf32, #tpu.memory_space<hbm>>
    tpu.enqueue_indirect_dma source(%dma_start3A_116 : memref<20000x128xf32, #tpu.memory_space<hbm>>) target(%arg15 : memref<80x128xf32, #tpu.memory_space<vmem>>) offsets(%arg9 : memref<80xi32, #tpu.memory_space<vmem>>) semaphore(%arg23 : memref<!tpu.dma_semaphore, #tpu.memory_space<semaphore_mem>>)
    %dma_start3A_117 = arith.constant 0 : i32
    %dma_start3A_118 = tpu.memref_slice %arg3[%dma_start3A_117] : memref<20000xf32, #tpu.memory_space<hbm>> -> memref<20000xf32, #tpu.memory_space<hbm>>
    tpu.enqueue_indirect_dma source(%dma_start3A_118 : memref<20000xf32, #tpu.memory_space<hbm>>) target(%arg18 : memref<80xf32, #tpu.memory_space<vmem>>) offsets(%arg9 : memref<80xi32, #tpu.memory_space<vmem>>) semaphore(%arg26 : memref<!tpu.dma_semaphore, #tpu.memory_space<semaphore_mem>>)
    %get3A_119 = arith.constant 1 : i32
    %get3A_120 = arith.index_cast %get3A_119 : i32 to index
    %get3A_121 = arith.constant 0 : index
    %get3A_122 = tpu.vector_load %arg8[%get3A_120, %get3A_121] {strides = array<i32>} : memref<125x80xi32, #tpu.memory_space<vmem>>, vector<1x16xi32>,
    %get3A_123 = vector.shape_cast %get3A_122 : vector<1x16xi32> to vector<16xi32>
    %shift_right_logical3A_124 = arith.constant 14 : i32
    %shift_right_logical3A_125 = vector.broadcast %shift_right_logical3A_124 : i32 to vector<16xi32>
    %shift_right_logical3A_126 = arith.shrui %get3A_123, %shift_right_logical3A_125 : vector<16xi32>
    %swap3A_127 = arith.constant 0 : index
    %swap3A_128 = tpu.vector_load %arg13[%swap3A_127] {strides = array<i32>} : memref<80xi32, #tpu.memory_space<vmem>>, vector<16xi32>,
    %swap3A_129 = vector.shape_cast %swap3A_128 : vector<16xi32> to vector<16xi32>
    %swap3A_130 = vector.shape_cast %shift_right_logical3A_126 : vector<16xi32> to vector<16xi32>
    tpu.vector_store %arg13[%swap3A_127], %swap3A_130 {strides = array<i32>} : memref<80xi32, #tpu.memory_space<vmem>>, vector<16xi32>,
    %and3A_131 = arith.constant 16383 : i32
    %and3A_132 = vector.broadcast %and3A_131 : i32 to vector<16xi32>
    %and3A_133 = arith.andi %get3A_123, %and3A_132 : vector<16xi32>
    %add3A_134 = vector.broadcast %mul3A_2 : i32 to vector<16xi32>
    %add3A_135 = arith.addi %and3A_133, %add3A_134 : vector<16xi32>
    %swap3A_136 = arith.constant 0 : index
    %swap3A_137 = tpu.vector_load %arg10[%swap3A_136] {strides = array<i32>} : memref<80xi32, #tpu.memory_space<vmem>>, vector<16xi32>,
    %swap3A_138 = vector.shape_cast %swap3A_137 : vector<16xi32> to vector<16xi32>
    %swap3A_139 = vector.shape_cast %add3A_135 : vector<16xi32> to vector<16xi32>
    tpu.vector_store %arg10[%swap3A_136], %swap3A_139 {strides = array<i32>} : memref<80xi32, #tpu.memory_space<vmem>>, vector<16xi32>,
    %get3A_140 = arith.constant 1 : i32
    %get3A_141 = arith.index_cast %get3A_140 : i32 to index
    %get3A_142 = arith.constant 16 : index
    %get3A_143 = tpu.vector_load %arg8[%get3A_141, %get3A_142] {strides = array<i32>} : memref<125x80xi32, #tpu.memory_space<vmem>>, vector<1x16xi32>,
    %get3A_144 = vector.shape_cast %get3A_143 : vector<1x16xi32> to vector<16xi32>
    %shift_right_logical3A_145 = arith.constant 14 : i32
    %shift_right_logical3A_146 = vector.broadcast %shift_right_logical3A_145 : i32 to vector<16xi32>
    %shift_right_logical3A_147 = arith.shrui %get3A_144, %shift_right_logical3A_146 : vector<16xi32>
    %swap3A_148 = arith.constant 16 : index
    %swap3A_149 = tpu.vector_load %arg13[%swap3A_148] {strides = array<i32>} : memref<80xi32, #tpu.memory_space<vmem>>, vector<16xi32>,
    %swap3A_150 = vector.shape_cast %swap3A_149 : vector<16xi32> to vector<16xi32>
    %swap3A_151 = vector.shape_cast %shift_right_logical3A_147 : vector<16xi32> to vector<16xi32>
    tpu.vector_store %arg13[%swap3A_148], %swap3A_151 {strides = array<i32>} : memref<80xi32, #tpu.memory_space<vmem>>, vector<16xi32>,
    %and3A_152 = arith.constant 16383 : i32
    %and3A_153 = vector.broadcast %and3A_152 : i32 to vector<16xi32>
    %and3A_154 = arith.andi %get3A_144, %and3A_153 : vector<16xi32>
    %add3A_155 = vector.broadcast %mul3A_2 : i32 to vector<16xi32>
    %add3A_156 = arith.addi %and3A_154, %add3A_155 : vector<16xi32>
    %swap3A_157 = arith.constant 16 : index
    %swap3A_158 = tpu.vector_load %arg10[%swap3A_157] {strides = array<i32>} : memref<80xi32, #tpu.memory_space<vmem>>, vector<16xi32>,
    %swap3A_159 = vector.shape_cast %swap3A_158 : vector<16xi32> to vector<16xi32>
    %swap3A_160 = vector.shape_cast %add3A_156 : vector<16xi32> to vector<16xi32>
    tpu.vector_store %arg10[%swap3A_157], %swap3A_160 {strides = array<i32>} : memref<80xi32, #tpu.memory_space<vmem>>, vector<16xi32>,
    %get3A_161 = arith.constant 1 : i32
    %get3A_162 = arith.index_cast %get3A_161 : i32 to index
    %get3A_163 = arith.constant 32 : index
    %get3A_164 = tpu.vector_load %arg8[%get3A_162, %get3A_163] {strides = array<i32>} : memref<125x80xi32, #tpu.memory_space<vmem>>, vector<1x16xi32>,
    %get3A_165 = vector.shape_cast %get3A_164 : vector<1x16xi32> to vector<16xi32>
    %shift_right_logical3A_166 = arith.constant 14 : i32
    %shift_right_logical3A_167 = vector.broadcast %shift_right_logical3A_166 : i32 to vector<16xi32>
    %shift_right_logical3A_168 = arith.shrui %get3A_165, %shift_right_logical3A_167 : vector<16xi32>
    %swap3A_169 = arith.constant 32 : index
    %swap3A_170 = tpu.vector_load %arg13[%swap3A_169] {strides = array<i32>} : memref<80xi32, #tpu.memory_space<vmem>>, vector<16xi32>,
    %swap3A_171 = vector.shape_cast %swap3A_170 : vector<16xi32> to vector<16xi32>
    %swap3A_172 = vector.shape_cast %shift_right_logical3A_168 : vector<16xi32> to vector<16xi32>
    tpu.vector_store %arg13[%swap3A_169], %swap3A_172 {strides = array<i32>} : memref<80xi32, #tpu.memory_space<vmem>>, vector<16xi32>,
    %and3A_173 = arith.constant 16383 : i32
    %and3A_174 = vector.broadcast %and3A_173 : i32 to vector<16xi32>
    %and3A_175 = arith.andi %get3A_165, %and3A_174 : vector<16xi32>
    %add3A_176 = vector.broadcast %mul3A_2 : i32 to vector<16xi32>
    %add3A_177 = arith.addi %and3A_175, %add3A_176 : vector<16xi32>
    %swap3A_178 = arith.constant 32 : index
    %swap3A_179 = tpu.vector_load %arg10[%swap3A_178] {strides = array<i32>} : memref<80xi32, #tpu.memory_space<vmem>>, vector<16xi32>,
    %swap3A_180 = vector.shape_cast %swap3A_179 : vector<16xi32> to vector<16xi32>
    %swap3A_181 = vector.shape_cast %add3A_177 : vector<16xi32> to vector<16xi32>
    tpu.vector_store %arg10[%swap3A_178], %swap3A_181 {strides = array<i32>} : memref<80xi32, #tpu.memory_space<vmem>>, vector<16xi32>,
    %get3A_182 = arith.constant 1 : i32
    %get3A_183 = arith.index_cast %get3A_182 : i32 to index
    %get3A_184 = arith.constant 48 : index
    %get3A_185 = tpu.vector_load %arg8[%get3A_183, %get3A_184] {strides = array<i32>} : memref<125x80xi32, #tpu.memory_space<vmem>>, vector<1x16xi32>,
    %get3A_186 = vector.shape_cast %get3A_185 : vector<1x16xi32> to vector<16xi32>
    %shift_right_logical3A_187 = arith.constant 14 : i32
    %shift_right_logical3A_188 = vector.broadcast %shift_right_logical3A_187 : i32 to vector<16xi32>
    %shift_right_logical3A_189 = arith.shrui %get3A_186, %shift_right_logical3A_188 : vector<16xi32>
    %swap3A_190 = arith.constant 48 : index
    %swap3A_191 = tpu.vector_load %arg13[%swap3A_190] {strides = array<i32>} : memref<80xi32, #tpu.memory_space<vmem>>, vector<16xi32>,
    %swap3A_192 = vector.shape_cast %swap3A_191 : vector<16xi32> to vector<16xi32>
    %swap3A_193 = vector.shape_cast %shift_right_logical3A_189 : vector<16xi32> to vector<16xi32>
    tpu.vector_store %arg13[%swap3A_190], %swap3A_193 {strides = array<i32>} : memref<80xi32, #tpu.memory_space<vmem>>, vector<16xi32>,
    %and3A_194 = arith.constant 16383 : i32
    %and3A_195 = vector.broadcast %and3A_194 : i32 to vector<16xi32>
    %and3A_196 = arith.andi %get3A_186, %and3A_195 : vector<16xi32>
    %add3A_197 = vector.broadcast %mul3A_2 : i32 to vector<16xi32>
    %add3A_198 = arith.addi %and3A_196, %add3A_197 : vector<16xi32>
    %swap3A_199 = arith.constant 48 : index
    %swap3A_200 = tpu.vector_load %arg10[%swap3A_199] {strides = array<i32>} : memref<80xi32, #tpu.memory_space<vmem>>, vector<16xi32>,
    %swap3A_201 = vector.shape_cast %swap3A_200 : vector<16xi32> to vector<16xi32>
    %swap3A_202 = vector.shape_cast %add3A_198 : vector<16xi32> to vector<16xi32>
    tpu.vector_store %arg10[%swap3A_199], %swap3A_202 {strides = array<i32>} : memref<80xi32, #tpu.memory_space<vmem>>, vector<16xi32>,
    %get3A_203 = arith.constant 1 : i32
    %get3A_204 = arith.index_cast %get3A_203 : i32 to index
    %get3A_205 = arith.constant 64 : index
    %get3A_206 = tpu.vector_load %arg8[%get3A_204, %get3A_205] {strides = array<i32>} : memref<125x80xi32, #tpu.memory_space<vmem>>, vector<1x16xi32>,
    %get3A_207 = vector.shape_cast %get3A_206 : vector<1x16xi32> to vector<16xi32>
    %shift_right_logical3A_208 = arith.constant 14 : i32
    %shift_right_logical3A_209 = vector.broadcast %shift_right_logical3A_208 : i32 to vector<16xi32>
    %shift_right_logical3A_210 = arith.shrui %get3A_207, %shift_right_logical3A_209 : vector<16xi32>
    %swap3A_211 = arith.constant 64 : index
    %swap3A_212 = tpu.vector_load %arg13[%swap3A_211] {strides = array<i32>} : memref<80xi32, #tpu.memory_space<vmem>>, vector<16xi32>,
    %swap3A_213 = vector.shape_cast %swap3A_212 : vector<16xi32> to vector<16xi32>
    %swap3A_214 = vector.shape_cast %shift_right_logical3A_210 : vector<16xi32> to vector<16xi32>
    tpu.vector_store %arg13[%swap3A_211], %swap3A_214 {strides = array<i32>} : memref<80xi32, #tpu.memory_space<vmem>>, vector<16xi32>,
    %and3A_215 = arith.constant 16383 : i32
    %and3A_216 = vector.broadcast %and3A_215 : i32 to vector<16xi32>
    %and3A_217 = arith.andi %get3A_207, %and3A_216 : vector<16xi32>
    %add3A_218 = vector.broadcast %mul3A_2 : i32 to vector<16xi32>
    %add3A_219 = arith.addi %and3A_217, %add3A_218 : vector<16xi32>
    %swap3A_220 = arith.constant 64 : index
    %swap3A_221 = tpu.vector_load %arg10[%swap3A_220] {strides = array<i32>} : memref<80xi32, #tpu.memory_space<vmem>>, vector<16xi32>,
    %swap3A_222 = vector.shape_cast %swap3A_221 : vector<16xi32> to vector<16xi32>
    %swap3A_223 = vector.shape_cast %add3A_219 : vector<16xi32> to vector<16xi32>
    tpu.vector_store %arg10[%swap3A_220], %swap3A_223 {strides = array<i32>} : memref<80xi32, #tpu.memory_space<vmem>>, vector<16xi32>,
    %dma_start3A_224 = arith.constant 0 : i32
    %dma_start3A_225 = arith.constant 0 : i32
    %dma_start3A_226 = tpu.memref_slice %arg2[%dma_start3A_224, %dma_start3A_225] : memref<20000x128xf32, #tpu.memory_space<hbm>> -> memref<20000x128xf32, #tpu.memory_space<hbm>>
    tpu.enqueue_indirect_dma source(%dma_start3A_226 : memref<20000x128xf32, #tpu.memory_space<hbm>>) target(%arg16 : memref<80x128xf32, #tpu.memory_space<vmem>>) offsets(%arg10 : memref<80xi32, #tpu.memory_space<vmem>>) semaphore(%arg24 : memref<!tpu.dma_semaphore, #tpu.memory_space<semaphore_mem>>)
    %dma_start3A_227 = arith.constant 0 : i32
    %dma_start3A_228 = tpu.memref_slice %arg3[%dma_start3A_227] : memref<20000xf32, #tpu.memory_space<hbm>> -> memref<20000xf32, #tpu.memory_space<hbm>>
    tpu.enqueue_indirect_dma source(%dma_start3A_228 : memref<20000xf32, #tpu.memory_space<hbm>>) target(%arg19 : memref<80xf32, #tpu.memory_space<vmem>>) offsets(%arg10 : memref<80xi32, #tpu.memory_space<vmem>>) semaphore(%arg27 : memref<!tpu.dma_semaphore, #tpu.memory_space<semaphore_mem>>)
    %get3A_229 = arith.constant 2 : i32
    %get3A_230 = arith.index_cast %get3A_229 : i32 to index
    %get3A_231 = arith.constant 0 : index
    %get3A_232 = tpu.vector_load %arg8[%get3A_230, %get3A_231] {strides = array<i32>} : memref<125x80xi32, #tpu.memory_space<vmem>>, vector<1x16xi32>,
    %get3A_233 = vector.shape_cast %get3A_232 : vector<1x16xi32> to vector<16xi32>
    %shift_right_logical3A_234 = arith.constant 14 : i32
    %shift_right_logical3A_235 = vector.broadcast %shift_right_logical3A_234 : i32 to vector<16xi32>
    %shift_right_logical3A_236 = arith.shrui %get3A_233, %shift_right_logical3A_235 : vector<16xi32>
    %swap3A_237 = arith.constant 0 : index
    %swap3A_238 = tpu.vector_load %arg14[%swap3A_237] {strides = array<i32>} : memref<80xi32, #tpu.memory_space<vmem>>, vector<16xi32>,
    %swap3A_239 = vector.shape_cast %swap3A_238 : vector<16xi32> to vector<16xi32>
    %swap3A_240 = vector.shape_cast %shift_right_logical3A_236 : vector<16xi32> to vector<16xi32>
    tpu.vector_store %arg14[%swap3A_237], %swap3A_240 {strides = array<i32>} : memref<80xi32, #tpu.memory_space<vmem>>, vector<16xi32>,
    %and3A_241 = arith.constant 16383 : i32
    %and3A_242 = vector.broadcast %and3A_241 : i32 to vector<16xi32>
    %and3A_243 = arith.andi %get3A_233, %and3A_242 : vector<16xi32>
    %add3A_244 = vector.broadcast %mul3A_2 : i32 to vector<16xi32>
    %add3A_245 = arith.addi %and3A_243, %add3A_244 : vector<16xi32>
    %swap3A_246 = arith.constant 0 : index
    %swap3A_247 = tpu.vector_load %arg11[%swap3A_246] {strides = array<i32>} : memref<80xi32, #tpu.memory_space<vmem>>, vector<16xi32>,
    %swap3A_248 = vector.shape_cast %swap3A_247 : vector<16xi32> to vector<16xi32>
    %swap3A_249 = vector.shape_cast %add3A_245 : vector<16xi32> to vector<16xi32>
    tpu.vector_store %arg11[%swap3A_246], %swap3A_249 {strides = array<i32>} : memref<80xi32, #tpu.memory_space<vmem>>, vector<16xi32>,
    %get3A_250 = arith.constant 2 : i32
    %get3A_251 = arith.index_cast %get3A_250 : i32 to index
    %get3A_252 = arith.constant 16 : index
    %get3A_253 = tpu.vector_load %arg8[%get3A_251, %get3A_252] {strides = array<i32>} : memref<125x80xi32, #tpu.memory_space<vmem>>, vector<1x16xi32>,
    %get3A_254 = vector.shape_cast %get3A_253 : vector<1x16xi32> to vector<16xi32>
    %shift_right_logical3A_255 = arith.constant 14 : i32
    %shift_right_logical3A_256 = vector.broadcast %shift_right_logical3A_255 : i32 to vector<16xi32>
    %shift_right_logical3A_257 = arith.shrui %get3A_254, %shift_right_logical3A_256 : vector<16xi32>
    %swap3A_258 = arith.constant 16 : index
    %swap3A_259 = tpu.vector_load %arg14[%swap3A_258] {strides = array<i32>} : memref<80xi32, #tpu.memory_space<vmem>>, vector<16xi32>,
    %swap3A_260 = vector.shape_cast %swap3A_259 : vector<16xi32> to vector<16xi32>
    %swap3A_261 = vector.shape_cast %shift_right_logical3A_257 : vector<16xi32> to vector<16xi32>
    tpu.vector_store %arg14[%swap3A_258], %swap3A_261 {strides = array<i32>} : memref<80xi32, #tpu.memory_space<vmem>>, vector<16xi32>,
    %and3A_262 = arith.constant 16383 : i32
    %and3A_263 = vector.broadcast %and3A_262 : i32 to vector<16xi32>
    %and3A_264 = arith.andi %get3A_254, %and3A_263 : vector<16xi32>
    %add3A_265 = vector.broadcast %mul3A_2 : i32 to vector<16xi32>
    %add3A_266 = arith.addi %and3A_264, %add3A_265 : vector<16xi32>
    %swap3A_267 = arith.constant 16 : index
    %swap3A_268 = tpu.vector_load %arg11[%swap3A_267] {strides = array<i32>} : memref<80xi32, #tpu.memory_space<vmem>>, vector<16xi32>,
    %swap3A_269 = vector.shape_cast %swap3A_268 : vector<16xi32> to vector<16xi32>
    %swap3A_270 = vector.shape_cast %add3A_266 : vector<16xi32> to vector<16xi32>
    tpu.vector_store %arg11[%swap3A_267], %swap3A_270 {strides = array<i32>} : memref<80xi32, #tpu.memory_space<vmem>>, vector<16xi32>,
    %get3A_271 = arith.constant 2 : i32
    %get3A_272 = arith.index_cast %get3A_271 : i32 to index
    %get3A_273 = arith.constant 32 : index
    %get3A_274 = tpu.vector_load %arg8[%get3A_272, %get3A_273] {strides = array<i32>} : memref<125x80xi32, #tpu.memory_space<vmem>>, vector<1x16xi32>,
    %get3A_275 = vector.shape_cast %get3A_274 : vector<1x16xi32> to vector<16xi32>
    %shift_right_logical3A_276 = arith.constant 14 : i32
    %shift_right_logical3A_277 = vector.broadcast %shift_right_logical3A_276 : i32 to vector<16xi32>
    %shift_right_logical3A_278 = arith.shrui %get3A_275, %shift_right_logical3A_277 : vector<16xi32>
    %swap3A_279 = arith.constant 32 : index
    %swap3A_280 = tpu.vector_load %arg14[%swap3A_279] {strides = array<i32>} : memref<80xi32, #tpu.memory_space<vmem>>, vector<16xi32>,
    %swap3A_281 = vector.shape_cast %swap3A_280 : vector<16xi32> to vector<16xi32>
    %swap3A_282 = vector.shape_cast %shift_right_logical3A_278 : vector<16xi32> to vector<16xi32>
    tpu.vector_store %arg14[%swap3A_279], %swap3A_282 {strides = array<i32>} : memref<80xi32, #tpu.memory_space<vmem>>, vector<16xi32>,
    %and3A_283 = arith.constant 16383 : i32
    %and3A_284 = vector.broadcast %and3A_283 : i32 to vector<16xi32>
    %and3A_285 = arith.andi %get3A_275, %and3A_284 : vector<16xi32>
    %add3A_286 = vector.broadcast %mul3A_2 : i32 to vector<16xi32>
    %add3A_287 = arith.addi %and3A_285, %add3A_286 : vector<16xi32>
    %swap3A_288 = arith.constant 32 : index
    %swap3A_289 = tpu.vector_load %arg11[%swap3A_288] {strides = array<i32>} : memref<80xi32, #tpu.memory_space<vmem>>, vector<16xi32>,
    %swap3A_290 = vector.shape_cast %swap3A_289 : vector<16xi32> to vector<16xi32>
    %swap3A_291 = vector.shape_cast %add3A_287 : vector<16xi32> to vector<16xi32>
    tpu.vector_store %arg11[%swap3A_288], %swap3A_291 {strides = array<i32>} : memref<80xi32, #tpu.memory_space<vmem>>, vector<16xi32>,
    %get3A_292 = arith.constant 2 : i32
    %get3A_293 = arith.index_cast %get3A_292 : i32 to index
    %get3A_294 = arith.constant 48 : index
    %get3A_295 = tpu.vector_load %arg8[%get3A_293, %get3A_294] {strides = array<i32>} : memref<125x80xi32, #tpu.memory_space<vmem>>, vector<1x16xi32>,
    %get3A_296 = vector.shape_cast %get3A_295 : vector<1x16xi32> to vector<16xi32>
    %shift_right_logical3A_297 = arith.constant 14 : i32
    %shift_right_logical3A_298 = vector.broadcast %shift_right_logical3A_297 : i32 to vector<16xi32>
    %shift_right_logical3A_299 = arith.shrui %get3A_296, %shift_right_logical3A_298 : vector<16xi32>
    %swap3A_300 = arith.constant 48 : index
    %swap3A_301 = tpu.vector_load %arg14[%swap3A_300] {strides = array<i32>} : memref<80xi32, #tpu.memory_space<vmem>>, vector<16xi32>,
    %swap3A_302 = vector.shape_cast %swap3A_301 : vector<16xi32> to vector<16xi32>
    %swap3A_303 = vector.shape_cast %shift_right_logical3A_299 : vector<16xi32> to vector<16xi32>
    tpu.vector_store %arg14[%swap3A_300], %swap3A_303 {strides = array<i32>} : memref<80xi32, #tpu.memory_space<vmem>>, vector<16xi32>,
    %and3A_304 = arith.constant 16383 : i32
    %and3A_305 = vector.broadcast %and3A_304 : i32 to vector<16xi32>
    %and3A_306 = arith.andi %get3A_296, %and3A_305 : vector<16xi32>
    %add3A_307 = vector.broadcast %mul3A_2 : i32 to vector<16xi32>
    %add3A_308 = arith.addi %and3A_306, %add3A_307 : vector<16xi32>
    %swap3A_309 = arith.constant 48 : index
    %swap3A_310 = tpu.vector_load %arg11[%swap3A_309] {strides = array<i32>} : memref<80xi32, #tpu.memory_space<vmem>>, vector<16xi32>,
    %swap3A_311 = vector.shape_cast %swap3A_310 : vector<16xi32> to vector<16xi32>
    %swap3A_312 = vector.shape_cast %add3A_308 : vector<16xi32> to vector<16xi32>
    tpu.vector_store %arg11[%swap3A_309], %swap3A_312 {strides = array<i32>} : memref<80xi32, #tpu.memory_space<vmem>>, vector<16xi32>,
    %get3A_313 = arith.constant 2 : i32
    %get3A_314 = arith.index_cast %get3A_313 : i32 to index
    %get3A_315 = arith.constant 64 : index
    %get3A_316 = tpu.vector_load %arg8[%get3A_314, %get3A_315] {strides = array<i32>} : memref<125x80xi32, #tpu.memory_space<vmem>>, vector<1x16xi32>,
    %get3A_317 = vector.shape_cast %get3A_316 : vector<1x16xi32> to vector<16xi32>
    %shift_right_logical3A_318 = arith.constant 14 : i32
    %shift_right_logical3A_319 = vector.broadcast %shift_right_logical3A_318 : i32 to vector<16xi32>
    %shift_right_logical3A_320 = arith.shrui %get3A_317, %shift_right_logical3A_319 : vector<16xi32>
    %swap3A_321 = arith.constant 64 : index
    %swap3A_322 = tpu.vector_load %arg14[%swap3A_321] {strides = array<i32>} : memref<80xi32, #tpu.memory_space<vmem>>, vector<16xi32>,
    %swap3A_323 = vector.shape_cast %swap3A_322 : vector<16xi32> to vector<16xi32>
    %swap3A_324 = vector.shape_cast %shift_right_logical3A_320 : vector<16xi32> to vector<16xi32>
    tpu.vector_store %arg14[%swap3A_321], %swap3A_324 {strides = array<i32>} : memref<80xi32, #tpu.memory_space<vmem>>, vector<16xi32>,
    %and3A_325 = arith.constant 16383 : i32
    %and3A_326 = vector.broadcast %and3A_325 : i32 to vector<16xi32>
    %and3A_327 = arith.andi %get3A_317, %and3A_326 : vector<16xi32>
    %add3A_328 = vector.broadcast %mul3A_2 : i32 to vector<16xi32>
    %add3A_329 = arith.addi %and3A_327, %add3A_328 : vector<16xi32>
    %swap3A_330 = arith.constant 64 : index
    %swap3A_331 = tpu.vector_load %arg11[%swap3A_330] {strides = array<i32>} : memref<80xi32, #tpu.memory_space<vmem>>, vector<16xi32>,
    %swap3A_332 = vector.shape_cast %swap3A_331 : vector<16xi32> to vector<16xi32>
    %swap3A_333 = vector.shape_cast %add3A_329 : vector<16xi32> to vector<16xi32>
    tpu.vector_store %arg11[%swap3A_330], %swap3A_333 {strides = array<i32>} : memref<80xi32, #tpu.memory_space<vmem>>, vector<16xi32>,
    %dma_start3A_334 = arith.constant 0 : i32
    %dma_start3A_335 = arith.constant 0 : i32
    %dma_start3A_336 = tpu.memref_slice %arg2[%dma_start3A_334, %dma_start3A_335] : memref<20000x128xf32, #tpu.memory_space<hbm>> -> memref<20000x128xf32, #tpu.memory_space<hbm>>
    tpu.enqueue_indirect_dma source(%dma_start3A_336 : memref<20000x128xf32, #tpu.memory_space<hbm>>) target(%arg17 : memref<80x128xf32, #tpu.memory_space<vmem>>) offsets(%arg11 : memref<80xi32, #tpu.memory_space<vmem>>) semaphore(%arg25 : memref<!tpu.dma_semaphore, #tpu.memory_space<semaphore_mem>>)
    %dma_start3A_337 = arith.constant 0 : i32
    %dma_start3A_338 = tpu.memref_slice %arg3[%dma_start3A_337] : memref<20000xf32, #tpu.memory_space<hbm>> -> memref<20000xf32, #tpu.memory_space<hbm>>
    tpu.enqueue_indirect_dma source(%dma_start3A_338 : memref<20000xf32, #tpu.memory_space<hbm>>) target(%arg20 : memref<80xf32, #tpu.memory_space<vmem>>) offsets(%arg11 : memref<80xi32, #tpu.memory_space<vmem>>) semaphore(%arg28 : memref<!tpu.dma_semaphore, #tpu.memory_space<semaphore_mem>>)
    %dma_wait3A = arith.constant 0 : i32
    %dma_wait3A_339 = arith.constant 0 : i32
    %dma_wait3A_340 = tpu.memref_slice %arg2[%dma_wait3A, %dma_wait3A_339] : memref<20000x128xf32, #tpu.memory_space<hbm>> -> memref<20000x128xf32, #tpu.memory_space<hbm>>
    tpu.wait_indirect_dma semaphore(%arg23 : memref<!tpu.dma_semaphore, #tpu.memory_space<semaphore_mem>>) src(%dma_wait3A_340 : memref<20000x128xf32, #tpu.memory_space<hbm>>) dst(%arg15 : memref<80x128xf32, #tpu.memory_space<vmem>>)
    %dma_wait3A_341 = arith.constant 0 : i32
    %dma_wait3A_342 = tpu.memref_slice %arg3[%dma_wait3A_341] : memref<20000xf32, #tpu.memory_space<hbm>> -> memref<20000xf32, #tpu.memory_space<hbm>>
    tpu.wait_indirect_dma semaphore(%arg26 : memref<!tpu.dma_semaphore, #tpu.memory_space<semaphore_mem>>) src(%dma_wait3A_342 : memref<20000xf32, #tpu.memory_space<hbm>>) dst(%arg18 : memref<80xf32, #tpu.memory_space<vmem>>)
    %dma_start3A_343 = arith.constant 0 : i32
    %dma_start3A_344 = arith.constant 0 : i32
    %dma_start3A_345 = tpu.memref_slice %arg22[%dma_start3A_343, %dma_start3A_344] : memref<10240x128xf32, #tpu.memory_space<vmem_shared>> -> memref<10240x128xf32, #tpu.memory_space<vmem_shared>>
    tpu.enqueue_indirect_dma source(%arg15 : memref<80x128xf32, #tpu.memory_space<vmem>>) target(%dma_start3A_345 : memref<10240x128xf32, #tpu.memory_space<vmem_shared>>) offsets(%arg12 : memref<80xi32, #tpu.memory_space<vmem>>) semaphore(%arg29 : memref<!tpu.dma_semaphore, #tpu.memory_space<semaphore_mem>>) {add = true}
    %get3A_346 = arith.constant 0 : index
    %get3A_347 = tpu.vector_load %arg21[%get3A_346] {strides = array<i32>} : memref<16xf32, #tpu.memory_space<vmem>>, vector<16xf32>,
    %get3A_348 = vector.shape_cast %get3A_347 : vector<16xf32> to vector<16xf32>
    %get3A_349 = arith.constant 0 : index
    %get3A_350 = tpu.vector_load %arg18[%get3A_349] {strides = array<i32>} : memref<80xf32, #tpu.memory_space<vmem>>, vector<16xf32>,
    %get3A_351 = vector.shape_cast %get3A_350 : vector<16xf32> to vector<16xf32>
    %add3A_352 = arith.addf %get3A_348, %get3A_351 : vector<16xf32>
    %get3A_353 = arith.constant 16 : index
    %get3A_354 = tpu.vector_load %arg18[%get3A_353] {strides = array<i32>} : memref<80xf32, #tpu.memory_space<vmem>>, vector<16xf32>,
    %get3A_355 = vector.shape_cast %get3A_354 : vector<16xf32> to vector<16xf32>
    %add3A_356 = arith.addf %add3A_352, %get3A_355 : vector<16xf32>
    %get3A_357 = arith.constant 32 : index
    %get3A_358 = tpu.vector_load %arg18[%get3A_357] {strides = array<i32>} : memref<80xf32, #tpu.memory_space<vmem>>, vector<16xf32>,
    %get3A_359 = vector.shape_cast %get3A_358 : vector<16xf32> to vector<16xf32>
    %add3A_360 = arith.addf %add3A_356, %get3A_359 : vector<16xf32>
    %get3A_361 = arith.constant 48 : index
    %get3A_362 = tpu.vector_load %arg18[%get3A_361] {strides = array<i32>} : memref<80xf32, #tpu.memory_space<vmem>>, vector<16xf32>,
    %get3A_363 = vector.shape_cast %get3A_362 : vector<16xf32> to vector<16xf32>
    %add3A_364 = arith.addf %add3A_360, %get3A_363 : vector<16xf32>
    %get3A_365 = arith.constant 64 : index
    %get3A_366 = tpu.vector_load %arg18[%get3A_365] {strides = array<i32>} : memref<80xf32, #tpu.memory_space<vmem>>, vector<16xf32>,
    %get3A_367 = vector.shape_cast %get3A_366 : vector<16xf32> to vector<16xf32>
    %add3A_368 = arith.addf %add3A_364, %get3A_367 : vector<16xf32>
    %swap3A_369 = arith.constant 0 : index
    %swap3A_370 = tpu.vector_load %arg21[%swap3A_369] {strides = array<i32>} : memref<16xf32, #tpu.memory_space<vmem>>, vector<16xf32>,
    %swap3A_371 = vector.shape_cast %swap3A_370 : vector<16xf32> to vector<16xf32>
    %swap3A_372 = vector.shape_cast %add3A_368 : vector<16xf32> to vector<16xf32>
    tpu.vector_store %arg21[%swap3A_369], %swap3A_372 {strides = array<i32>} : memref<16xf32, #tpu.memory_space<vmem>>, vector<16xf32>,
    %dma_wait3A_373 = arith.constant 0 : i32
    %dma_wait3A_374 = arith.constant 0 : i32
    %dma_wait3A_375 = tpu.memref_slice %arg22[%dma_wait3A_373, %dma_wait3A_374] : memref<10240x128xf32, #tpu.memory_space<vmem_shared>> -> memref<10240x128xf32, #tpu.memory_space<vmem_shared>>
    tpu.wait_indirect_dma semaphore(%arg29 : memref<!tpu.dma_semaphore, #tpu.memory_space<semaphore_mem>>) src(%arg15 : memref<80x128xf32, #tpu.memory_space<vmem>>) dst(%dma_wait3A_375 : memref<10240x128xf32, #tpu.memory_space<vmem_shared>>)
    %get3A_376 = arith.constant 3 : i32
    %get3A_377 = arith.index_cast %get3A_376 : i32 to index
    %get3A_378 = arith.constant 0 : index
    %get3A_379 = tpu.vector_load %arg8[%get3A_377, %get3A_378] {strides = array<i32>} : memref<125x80xi32, #tpu.memory_space<vmem>>, vector<1x16xi32>,
    %get3A_380 = vector.shape_cast %get3A_379 : vector<1x16xi32> to vector<16xi32>
    %shift_right_logical3A_381 = arith.constant 14 : i32
    %shift_right_logical3A_382 = vector.broadcast %shift_right_logical3A_381 : i32 to vector<16xi32>
    %shift_right_logical3A_383 = arith.shrui %get3A_380, %shift_right_logical3A_382 : vector<16xi32>
    %swap3A_384 = arith.constant 0 : index
    %swap3A_385 = tpu.vector_load %arg12[%swap3A_384] {strides = array<i32>} : memref<80xi32, #tpu.memory_space<vmem>>, vector<16xi32>,
    %swap3A_386 = vector.shape_cast %swap3A_385 : vector<16xi32> to vector<16xi32>
    %swap3A_387 = vector.shape_cast %shift_right_logical3A_383 : vector<16xi32> to vector<16xi32>
    tpu.vector_store %arg12[%swap3A_384], %swap3A_387 {strides = array<i32>} : memref<80xi32, #tpu.memory_space<vmem>>, vector<16xi32>,
    %and3A_388 = arith.constant 16383 : i32
    %and3A_389 = vector.broadcast %and3A_388 : i32 to vector<16xi32>
    %and3A_390 = arith.andi %get3A_380, %and3A_389 : vector<16xi32>
    %add3A_391 = vector.broadcast %mul3A_2 : i32 to vector<16xi32>
    %add3A_392 = arith.addi %and3A_390, %add3A_391 : vector<16xi32>
    %swap3A_393 = arith.constant 0 : index
    %swap3A_394 = tpu.vector_load %arg9[%swap3A_393] {strides = array<i32>} : memref<80xi32, #tpu.memory_space<vmem>>, vector<16xi32>,
    %swap3A_395 = vector.shape_cast %swap3A_394 : vector<16xi32> to vector<16xi32>
    %swap3A_396 = vector.shape_cast %add3A_392 : vector<16xi32> to vector<16xi32>
    tpu.vector_store %arg9[%swap3A_393], %swap3A_396 {strides = array<i32>} : memref<80xi32, #tpu.memory_space<vmem>>, vector<16xi32>,
    %get3A_397 = arith.constant 3 : i32
    %get3A_398 = arith.index_cast %get3A_397 : i32 to index
    %get3A_399 = arith.constant 16 : index
    %get3A_400 = tpu.vector_load %arg8[%get3A_398, %get3A_399] {strides = array<i32>} : memref<125x80xi32, #tpu.memory_space<vmem>>, vector<1x16xi32>,
    %get3A_401 = vector.shape_cast %get3A_400 : vector<1x16xi32> to vector<16xi32>
    %shift_right_logical3A_402 = arith.constant 14 : i32
    %shift_right_logical3A_403 = vector.broadcast %shift_right_logical3A_402 : i32 to vector<16xi32>
    %shift_right_logical3A_404 = arith.shrui %get3A_401, %shift_right_logical3A_403 : vector<16xi32>
    %swap3A_405 = arith.constant 16 : index
    %swap3A_406 = tpu.vector_load %arg12[%swap3A_405] {strides = array<i32>} : memref<80xi32, #tpu.memory_space<vmem>>, vector<16xi32>,
    %swap3A_407 = vector.shape_cast %swap3A_406 : vector<16xi32> to vector<16xi32>
    %swap3A_408 = vector.shape_cast %shift_right_logical3A_404 : vector<16xi32> to vector<16xi32>
    tpu.vector_store %arg12[%swap3A_405], %swap3A_408 {strides = array<i32>} : memref<80xi32, #tpu.memory_space<vmem>>, vector<16xi32>,
    %and3A_409 = arith.constant 16383 : i32
    %and3A_410 = vector.broadcast %and3A_409 : i32 to vector<16xi32>
    %and3A_411 = arith.andi %get3A_401, %and3A_410 : vector<16xi32>
    %add3A_412 = vector.broadcast %mul3A_2 : i32 to vector<16xi32>
    %add3A_413 = arith.addi %and3A_411, %add3A_412 : vector<16xi32>
    %swap3A_414 = arith.constant 16 : index
    %swap3A_415 = tpu.vector_load %arg9[%swap3A_414] {strides = array<i32>} : memref<80xi32, #tpu.memory_space<vmem>>, vector<16xi32>,
    %swap3A_416 = vector.shape_cast %swap3A_415 : vector<16xi32> to vector<16xi32>
    %swap3A_417 = vector.shape_cast %add3A_413 : vector<16xi32> to vector<16xi32>
    tpu.vector_store %arg9[%swap3A_414], %swap3A_417 {strides = array<i32>} : memref<80xi32, #tpu.memory_space<vmem>>, vector<16xi32>,
    %get3A_418 = arith.constant 3 : i32
    %get3A_419 = arith.index_cast %get3A_418 : i32 to index
    %get3A_420 = arith.constant 32 : index
    %get3A_421 = tpu.vector_load %arg8[%get3A_419, %get3A_420] {strides = array<i32>} : memref<125x80xi32, #tpu.memory_space<vmem>>, vector<1x16xi32>,
    %get3A_422 = vector.shape_cast %get3A_421 : vector<1x16xi32> to vector<16xi32>
    %shift_right_logical3A_423 = arith.constant 14 : i32
    %shift_right_logical3A_424 = vector.broadcast %shift_right_logical3A_423 : i32 to vector<16xi32>
    %shift_right_logical3A_425 = arith.shrui %get3A_422, %shift_right_logical3A_424 : vector<16xi32>
    %swap3A_426 = arith.constant 32 : index
    %swap3A_427 = tpu.vector_load %arg12[%swap3A_426] {strides = array<i32>} : memref<80xi32, #tpu.memory_space<vmem>>, vector<16xi32>,
    %swap3A_428 = vector.shape_cast %swap3A_427 : vector<16xi32> to vector<16xi32>
    %swap3A_429 = vector.shape_cast %shift_right_logical3A_425 : vector<16xi32> to vector<16xi32>
    tpu.vector_store %arg12[%swap3A_426], %swap3A_429 {strides = array<i32>} : memref<80xi32, #tpu.memory_space<vmem>>, vector<16xi32>,
    %and3A_430 = arith.constant 16383 : i32
    %and3A_431 = vector.broadcast %and3A_430 : i32 to vector<16xi32>
    %and3A_432 = arith.andi %get3A_422, %and3A_431 : vector<16xi32>
    %add3A_433 = vector.broadcast %mul3A_2 : i32 to vector<16xi32>
    %add3A_434 = arith.addi %and3A_432, %add3A_433 : vector<16xi32>
    %swap3A_435 = arith.constant 32 : index
    %swap3A_436 = tpu.vector_load %arg9[%swap3A_435] {strides = array<i32>} : memref<80xi32, #tpu.memory_space<vmem>>, vector<16xi32>,
    %swap3A_437 = vector.shape_cast %swap3A_436 : vector<16xi32> to vector<16xi32>
    %swap3A_438 = vector.shape_cast %add3A_434 : vector<16xi32> to vector<16xi32>
    tpu.vector_store %arg9[%swap3A_435], %swap3A_438 {strides = array<i32>} : memref<80xi32, #tpu.memory_space<vmem>>, vector<16xi32>,
    %get3A_439 = arith.constant 3 : i32
    %get3A_440 = arith.index_cast %get3A_439 : i32 to index
    %get3A_441 = arith.constant 48 : index
    %get3A_442 = tpu.vector_load %arg8[%get3A_440, %get3A_441] {strides = array<i32>} : memref<125x80xi32, #tpu.memory_space<vmem>>, vector<1x16xi32>,
    %get3A_443 = vector.shape_cast %get3A_442 : vector<1x16xi32> to vector<16xi32>
    %shift_right_logical3A_444 = arith.constant 14 : i32
    %shift_right_logical3A_445 = vector.broadcast %shift_right_logical3A_444 : i32 to vector<16xi32>
    %shift_right_logical3A_446 = arith.shrui %get3A_443, %shift_right_logical3A_445 : vector<16xi32>
    %swap3A_447 = arith.constant 48 : index
    %swap3A_448 = tpu.vector_load %arg12[%swap3A_447] {strides = array<i32>} : memref<80xi32, #tpu.memory_space<vmem>>, vector<16xi32>,
    %swap3A_449 = vector.shape_cast %swap3A_448 : vector<16xi32> to vector<16xi32>
    %swap3A_450 = vector.shape_cast %shift_right_logical3A_446 : vector<16xi32> to vector<16xi32>
    tpu.vector_store %arg12[%swap3A_447], %swap3A_450 {strides = array<i32>} : memref<80xi32, #tpu.memory_space<vmem>>, vector<16xi32>,
    %and3A_451 = arith.constant 16383 : i32
    %and3A_452 = vector.broadcast %and3A_451 : i32 to vector<16xi32>
    %and3A_453 = arith.andi %get3A_443, %and3A_452 : vector<16xi32>
    %add3A_454 = vector.broadcast %mul3A_2 : i32 to vector<16xi32>
    %add3A_455 = arith.addi %and3A_453, %add3A_454 : vector<16xi32>
    %swap3A_456 = arith.constant 48 : index
    %swap3A_457 = tpu.vector_load %arg9[%swap3A_456] {strides = array<i32>} : memref<80xi32, #tpu.memory_space<vmem>>, vector<16xi32>,
    %swap3A_458 = vector.shape_cast %swap3A_457 : vector<16xi32> to vector<16xi32>
    %swap3A_459 = vector.shape_cast %add3A_455 : vector<16xi32> to vector<16xi32>
    tpu.vector_store %arg9[%swap3A_456], %swap3A_459 {strides = array<i32>} : memref<80xi32, #tpu.memory_space<vmem>>, vector<16xi32>,
    %get3A_460 = arith.constant 3 : i32
    %get3A_461 = arith.index_cast %get3A_460 : i32 to index
    %get3A_462 = arith.constant 64 : index
    %get3A_463 = tpu.vector_load %arg8[%get3A_461, %get3A_462] {strides = array<i32>} : memref<125x80xi32, #tpu.memory_space<vmem>>, vector<1x16xi32>,
    %get3A_464 = vector.shape_cast %get3A_463 : vector<1x16xi32> to vector<16xi32>
    %shift_right_logical3A_465 = arith.constant 14 : i32
    %shift_right_logical3A_466 = vector.broadcast %shift_right_logical3A_465 : i32 to vector<16xi32>
    %shift_right_logical3A_467 = arith.shrui %get3A_464, %shift_right_logical3A_466 : vector<16xi32>
    %swap3A_468 = arith.constant 64 : index
    %swap3A_469 = tpu.vector_load %arg12[%swap3A_468] {strides = array<i32>} : memref<80xi32, #tpu.memory_space<vmem>>, vector<16xi32>,
    %swap3A_470 = vector.shape_cast %swap3A_469 : vector<16xi32> to vector<16xi32>
    %swap3A_471 = vector.shape_cast %shift_right_logical3A_467 : vector<16xi32> to vector<16xi32>
    tpu.vector_store %arg12[%swap3A_468], %swap3A_471 {strides = array<i32>} : memref<80xi32, #tpu.memory_space<vmem>>, vector<16xi32>,
    %and3A_472 = arith.constant 16383 : i32
    %and3A_473 = vector.broadcast %and3A_472 : i32 to vector<16xi32>
    %and3A_474 = arith.andi %get3A_464, %and3A_473 : vector<16xi32>
    %add3A_475 = vector.broadcast %mul3A_2 : i32 to vector<16xi32>
    %add3A_476 = arith.addi %and3A_474, %add3A_475 : vector<16xi32>
    %swap3A_477 = arith.constant 64 : index
    %swap3A_478 = tpu.vector_load %arg9[%swap3A_477] {strides = array<i32>} : memref<80xi32, #tpu.memory_space<vmem>>, vector<16xi32>,
    %swap3A_479 = vector.shape_cast %swap3A_478 : vector<16xi32> to vector<16xi32>
    %swap3A_480 = vector.shape_cast %add3A_476 : vector<16xi32> to vector<16xi32>
    tpu.vector_store %arg9[%swap3A_477], %swap3A_480 {strides = array<i32>} : memref<80xi32, #tpu.memory_space<vmem>>, vector<16xi32>,
    %dma_start3A_481 = arith.constant 0 : i32
    %dma_start3A_482 = arith.constant 0 : i32
    %dma_start3A_483 = tpu.memref_slice %arg2[%dma_start3A_481, %dma_start3A_482] : memref<20000x128xf32, #tpu.memory_space<hbm>> -> memref<20000x128xf32, #tpu.memory_space<hbm>>
    tpu.enqueue_indirect_dma source(%dma_start3A_483 : memref<20000x128xf32, #tpu.memory_space<hbm>>) target(%arg15 : memref<80x128xf32, #tpu.memory_space<vmem>>) offsets(%arg9 : memref<80xi32, #tpu.memory_space<vmem>>) semaphore(%arg23 : memref<!tpu.dma_semaphore, #tpu.memory_space<semaphore_mem>>)
    %dma_start3A_484 = arith.constant 0 : i32
    %dma_start3A_485 = tpu.memref_slice %arg3[%dma_start3A_484] : memref<20000xf32, #tpu.memory_space<hbm>> -> memref<20000xf32, #tpu.memory_space<hbm>>
    tpu.enqueue_indirect_dma source(%dma_start3A_485 : memref<20000xf32, #tpu.memory_space<hbm>>) target(%arg18 : memref<80xf32, #tpu.memory_space<vmem>>) offsets(%arg9 : memref<80xi32, #tpu.memory_space<vmem>>) semaphore(%arg26 : memref<!tpu.dma_semaphore, #tpu.memory_space<semaphore_mem>>)
    %dma_wait3A_486 = arith.constant 0 : i32
    %dma_wait3A_487 = arith.constant 0 : i32
    %dma_wait3A_488 = tpu.memref_slice %arg2[%dma_wait3A_486, %dma_wait3A_487] : memref<20000x128xf32, #tpu.memory_space<hbm>> -> memref<20000x128xf32, #tpu.memory_space<hbm>>
    tpu.wait_indirect_dma semaphore(%arg24 : memref<!tpu.dma_semaphore, #tpu.memory_space<semaphore_mem>>) src(%dma_wait3A_488 : memref<20000x128xf32, #tpu.memory_space<hbm>>) dst(%arg16 : memref<80x128xf32, #tpu.memory_space<vmem>>)
    %dma_wait3A_489 = arith.constant 0 : i32
    %dma_wait3A_490 = tpu.memref_slice %arg3[%dma_wait3A_489] : memref<20000xf32, #tpu.memory_space<hbm>> -> memref<20000xf32, #tpu.memory_space<hbm>>
    tpu.wait_indirect_dma semaphore(%arg27 : memref<!tpu.dma_semaphore, #tpu.memory_space<semaphore_mem>>) src(%dma_wait3A_490 : memref<20000xf32, #tpu.memory_space<hbm>>) dst(%arg19 : memref<80xf32, #tpu.memory_space<vmem>>)
    %dma_start3A_491 = arith.constant 0 : i32
    %dma_start3A_492 = arith.constant 0 : i32
    %dma_start3A_493 = tpu.memref_slice %arg22[%dma_start3A_491, %dma_start3A_492] : memref<10240x128xf32, #tpu.memory_space<vmem_shared>> -> memref<10240x128xf32, #tpu.memory_space<vmem_shared>>
    tpu.enqueue_indirect_dma source(%arg16 : memref<80x128xf32, #tpu.memory_space<vmem>>) target(%dma_start3A_493 : memref<10240x128xf32, #tpu.memory_space<vmem_shared>>) offsets(%arg13 : memref<80xi32, #tpu.memory_space<vmem>>) semaphore(%arg30 : memref<!tpu.dma_semaphore, #tpu.memory_space<semaphore_mem>>) {add = true}
    %get3A_494 = arith.constant 0 : index
    %get3A_495 = tpu.vector_load %arg21[%get3A_494] {strides = array<i32>} : memref<16xf32, #tpu.memory_space<vmem>>, vector<16xf32>,
    %get3A_496 = vector.shape_cast %get3A_495 : vector<16xf32> to vector<16xf32>
    %get3A_497 = arith.constant 0 : index
    %get3A_498 = tpu.vector_load %arg19[%get3A_497] {strides = array<i32>} : memref<80xf32, #tpu.memory_space<vmem>>, vector<16xf32>,
    %get3A_499 = vector.shape_cast %get3A_498 : vector<16xf32> to vector<16xf32>
    %add3A_500 = arith.addf %get3A_496, %get3A_499 : vector<16xf32>
    %get3A_501 = arith.constant 16 : index
    %get3A_502 = tpu.vector_load %arg19[%get3A_501] {strides = array<i32>} : memref<80xf32, #tpu.memory_space<vmem>>, vector<16xf32>,
    %get3A_503 = vector.shape_cast %get3A_502 : vector<16xf32> to vector<16xf32>
    %add3A_504 = arith.addf %add3A_500, %get3A_503 : vector<16xf32>
    %get3A_505 = arith.constant 32 : index
    %get3A_506 = tpu.vector_load %arg19[%get3A_505] {strides = array<i32>} : memref<80xf32, #tpu.memory_space<vmem>>, vector<16xf32>,
    %get3A_507 = vector.shape_cast %get3A_506 : vector<16xf32> to vector<16xf32>
    %add3A_508 = arith.addf %add3A_504, %get3A_507 : vector<16xf32>
    %get3A_509 = arith.constant 48 : index
    %get3A_510 = tpu.vector_load %arg19[%get3A_509] {strides = array<i32>} : memref<80xf32, #tpu.memory_space<vmem>>, vector<16xf32>,
    %get3A_511 = vector.shape_cast %get3A_510 : vector<16xf32> to vector<16xf32>
    %add3A_512 = arith.addf %add3A_508, %get3A_511 : vector<16xf32>
    %get3A_513 = arith.constant 64 : index
    %get3A_514 = tpu.vector_load %arg19[%get3A_513] {strides = array<i32>} : memref<80xf32, #tpu.memory_space<vmem>>, vector<16xf32>,
    %get3A_515 = vector.shape_cast %get3A_514 : vector<16xf32> to vector<16xf32>
    %add3A_516 = arith.addf %add3A_512, %get3A_515 : vector<16xf32>
    %swap3A_517 = arith.constant 0 : index
    %swap3A_518 = tpu.vector_load %arg21[%swap3A_517] {strides = array<i32>} : memref<16xf32, #tpu.memory_space<vmem>>, vector<16xf32>,
    %swap3A_519 = vector.shape_cast %swap3A_518 : vector<16xf32> to vector<16xf32>
    %swap3A_520 = vector.shape_cast %add3A_516 : vector<16xf32> to vector<16xf32>
    tpu.vector_store %arg21[%swap3A_517], %swap3A_520 {strides = array<i32>} : memref<16xf32, #tpu.memory_space<vmem>>, vector<16xf32>,
    %dma_wait3A_521 = arith.constant 0 : i32
    %dma_wait3A_522 = arith.constant 0 : i32
    %dma_wait3A_523 = tpu.memref_slice %arg22[%dma_wait3A_521, %dma_wait3A_522] : memref<10240x128xf32, #tpu.memory_space<vmem_shared>> -> memref<10240x128xf32, #tpu.memory_space<vmem_shared>>
    tpu.wait_indirect_dma semaphore(%arg30 : memref<!tpu.dma_semaphore, #tpu.memory_space<semaphore_mem>>) src(%arg16 : memref<80x128xf32, #tpu.memory_space<vmem>>) dst(%dma_wait3A_523 : memref<10240x128xf32, #tpu.memory_space<vmem_shared>>)
    %get3A_524 = arith.constant 4 : i32
    %get3A_525 = arith.index_cast %get3A_524 : i32 to index
    %get3A_526 = arith.constant 0 : index
    %get3A_527 = tpu.vector_load %arg8[%get3A_525, %get3A_526] {strides = array<i32>} : memref<125x80xi32, #tpu.memory_space<vmem>>, vector<1x16xi32>,
    %get3A_528 = vector.shape_cast %get3A_527 : vector<1x16xi32> to vector<16xi32>
    %shift_right_logical3A_529 = arith.constant 14 : i32
    %shift_right_logical3A_530 = vector.broadcast %shift_right_logical3A_529 : i32 to vector<16xi32>
    %shift_right_logical3A_531 = arith.shrui %get3A_528, %shift_right_logical3A_530 : vector<16xi32>
    %swap3A_532 = arith.constant 0 : index
    %swap3A_533 = tpu.vector_load %arg13[%swap3A_532] {strides = array<i32>} : memref<80xi32, #tpu.memory_space<vmem>>, vector<16xi32>,
    %swap3A_534 = vector.shape_cast %swap3A_533 : vector<16xi32> to vector<16xi32>
    %swap3A_535 = vector.shape_cast %shift_right_logical3A_531 : vector<16xi32> to vector<16xi32>
    tpu.vector_store %arg13[%swap3A_532], %swap3A_535 {strides = array<i32>} : memref<80xi32, #tpu.memory_space<vmem>>, vector<16xi32>,
    %and3A_536 = arith.constant 16383 : i32
    %and3A_537 = vector.broadcast %and3A_536 : i32 to vector<16xi32>
    %and3A_538 = arith.andi %get3A_528, %and3A_537 : vector<16xi32>
    %add3A_539 = vector.broadcast %mul3A_2 : i32 to vector<16xi32>
    %add3A_540 = arith.addi %and3A_538, %add3A_539 : vector<16xi32>
    %swap3A_541 = arith.constant 0 : index
    %swap3A_542 = tpu.vector_load %arg10[%swap3A_541] {strides = array<i32>} : memref<80xi32, #tpu.memory_space<vmem>>, vector<16xi32>,
    %swap3A_543 = vector.shape_cast %swap3A_542 : vector<16xi32> to vector<16xi32>
    %swap3A_544 = vector.shape_cast %add3A_540 : vector<16xi32> to vector<16xi32>
    tpu.vector_store %arg10[%swap3A_541], %swap3A_544 {strides = array<i32>} : memref<80xi32, #tpu.memory_space<vmem>>, vector<16xi32>,
    %get3A_545 = arith.constant 4 : i32
    %get3A_546 = arith.index_cast %get3A_545 : i32 to index
    %get3A_547 = arith.constant 16 : index
    %get3A_548 = tpu.vector_load %arg8[%get3A_546, %get3A_547] {strides = array<i32>} : memref<125x80xi32, #tpu.memory_space<vmem>>, vector<1x16xi32>,
    %get3A_549 = vector.shape_cast %get3A_548 : vector<1x16xi32> to vector<16xi32>
    %shift_right_logical3A_550 = arith.constant 14 : i32
    %shift_right_logical3A_551 = vector.broadcast %shift_right_logical3A_550 : i32 to vector<16xi32>
    %shift_right_logical3A_552 = arith.shrui %get3A_549, %shift_right_logical3A_551 : vector<16xi32>
    %swap3A_553 = arith.constant 16 : index
    %swap3A_554 = tpu.vector_load %arg13[%swap3A_553] {strides = array<i32>} : memref<80xi32, #tpu.memory_space<vmem>>, vector<16xi32>,
    %swap3A_555 = vector.shape_cast %swap3A_554 : vector<16xi32> to vector<16xi32>
    %swap3A_556 = vector.shape_cast %shift_right_logical3A_552 : vector<16xi32> to vector<16xi32>
    tpu.vector_store %arg13[%swap3A_553], %swap3A_556 {strides = array<i32>} : memref<80xi32, #tpu.memory_space<vmem>>, vector<16xi32>,
    %and3A_557 = arith.constant 16383 : i32
    %and3A_558 = vector.broadcast %and3A_557 : i32 to vector<16xi32>
    %and3A_559 = arith.andi %get3A_549, %and3A_558 : vector<16xi32>
    %add3A_560 = vector.broadcast %mul3A_2 : i32 to vector<16xi32>
    %add3A_561 = arith.addi %and3A_559, %add3A_560 : vector<16xi32>
    %swap3A_562 = arith.constant 16 : index
    %swap3A_563 = tpu.vector_load %arg10[%swap3A_562] {strides = array<i32>} : memref<80xi32, #tpu.memory_space<vmem>>, vector<16xi32>,
    %swap3A_564 = vector.shape_cast %swap3A_563 : vector<16xi32> to vector<16xi32>
    %swap3A_565 = vector.shape_cast %add3A_561 : vector<16xi32> to vector<16xi32>
    tpu.vector_store %arg10[%swap3A_562], %swap3A_565 {strides = array<i32>} : memref<80xi32, #tpu.memory_space<vmem>>, vector<16xi32>,
    %get3A_566 = arith.constant 4 : i32
    %get3A_567 = arith.index_cast %get3A_566 : i32 to index
    %get3A_568 = arith.constant 32 : index
    %get3A_569 = tpu.vector_load %arg8[%get3A_567, %get3A_568] {strides = array<i32>} : memref<125x80xi32, #tpu.memory_space<vmem>>, vector<1x16xi32>,
    %get3A_570 = vector.shape_cast %get3A_569 : vector<1x16xi32> to vector<16xi32>
    %shift_right_logical3A_571 = arith.constant 14 : i32
    %shift_right_logical3A_572 = vector.broadcast %shift_right_logical3A_571 : i32 to vector<16xi32>
    %shift_right_logical3A_573 = arith.shrui %get3A_570, %shift_right_logical3A_572 : vector<16xi32>
    %swap3A_574 = arith.constant 32 : index
    %swap3A_575 = tpu.vector_load %arg13[%swap3A_574] {strides = array<i32>} : memref<80xi32, #tpu.memory_space<vmem>>, vector<16xi32>,
    %swap3A_576 = vector.shape_cast %swap3A_575 : vector<16xi32> to vector<16xi32>
    %swap3A_577 = vector.shape_cast %shift_right_logical3A_573 : vector<16xi32> to vector<16xi32>
    tpu.vector_store %arg13[%swap3A_574], %swap3A_577 {strides = array<i32>} : memref<80xi32, #tpu.memory_space<vmem>>, vector<16xi32>,
    %and3A_578 = arith.constant 16383 : i32
    %and3A_579 = vector.broadcast %and3A_578 : i32 to vector<16xi32>
    %and3A_580 = arith.andi %get3A_570, %and3A_579 : vector<16xi32>
    %add3A_581 = vector.broadcast %mul3A_2 : i32 to vector<16xi32>
    %add3A_582 = arith.addi %and3A_580, %add3A_581 : vector<16xi32>
    %swap3A_583 = arith.constant 32 : index
    %swap3A_584 = tpu.vector_load %arg10[%swap3A_583] {strides = array<i32>} : memref<80xi32, #tpu.memory_space<vmem>>, vector<16xi32>,
    %swap3A_585 = vector.shape_cast %swap3A_584 : vector<16xi32> to vector<16xi32>
    %swap3A_586 = vector.shape_cast %add3A_582 : vector<16xi32> to vector<16xi32>
    tpu.vector_store %arg10[%swap3A_583], %swap3A_586 {strides = array<i32>} : memref<80xi32, #tpu.memory_space<vmem>>, vector<16xi32>,
    %get3A_587 = arith.constant 4 : i32
    %get3A_588 = arith.index_cast %get3A_587 : i32 to index
    %get3A_589 = arith.constant 48 : index
    %get3A_590 = tpu.vector_load %arg8[%get3A_588, %get3A_589] {strides = array<i32>} : memref<125x80xi32, #tpu.memory_space<vmem>>, vector<1x16xi32>,
    %get3A_591 = vector.shape_cast %get3A_590 : vector<1x16xi32> to vector<16xi32>
    %shift_right_logical3A_592 = arith.constant 14 : i32
    %shift_right_logical3A_593 = vector.broadcast %shift_right_logical3A_592 : i32 to vector<16xi32>
    %shift_right_logical3A_594 = arith.shrui %get3A_591, %shift_right_logical3A_593 : vector<16xi32>
    %swap3A_595 = arith.constant 48 : index
    %swap3A_596 = tpu.vector_load %arg13[%swap3A_595] {strides = array<i32>} : memref<80xi32, #tpu.memory_space<vmem>>, vector<16xi32>,
    %swap3A_597 = vector.shape_cast %swap3A_596 : vector<16xi32> to vector<16xi32>
    %swap3A_598 = vector.shape_cast %shift_right_logical3A_594 : vector<16xi32> to vector<16xi32>
    tpu.vector_store %arg13[%swap3A_595], %swap3A_598 {strides = array<i32>} : memref<80xi32, #tpu.memory_space<vmem>>, vector<16xi32>,
    %and3A_599 = arith.constant 16383 : i32
    %and3A_600 = vector.broadcast %and3A_599 : i32 to vector<16xi32>
    %and3A_601 = arith.andi %get3A_591, %and3A_600 : vector<16xi32>
    %add3A_602 = vector.broadcast %mul3A_2 : i32 to vector<16xi32>
    %add3A_603 = arith.addi %and3A_601, %add3A_602 : vector<16xi32>
    %swap3A_604 = arith.constant 48 : index
    %swap3A_605 = tpu.vector_load %arg10[%swap3A_604] {strides = array<i32>} : memref<80xi32, #tpu.memory_space<vmem>>, vector<16xi32>,
    %swap3A_606 = vector.shape_cast %swap3A_605 : vector<16xi32> to vector<16xi32>
    %swap3A_607 = vector.shape_cast %add3A_603 : vector<16xi32> to vector<16xi32>
    tpu.vector_store %arg10[%swap3A_604], %swap3A_607 {strides = array<i32>} : memref<80xi32, #tpu.memory_space<vmem>>, vector<16xi32>,
    %get3A_608 = arith.constant 4 : i32
    %get3A_609 = arith.index_cast %get3A_608 : i32 to index
    %get3A_610 = arith.constant 64 : index
    %get3A_611 = tpu.vector_load %arg8[%get3A_609, %get3A_610] {strides = array<i32>} : memref<125x80xi32, #tpu.memory_space<vmem>>, vector<1x16xi32>,
    %get3A_612 = vector.shape_cast %get3A_611 : vector<1x16xi32> to vector<16xi32>
    %shift_right_logical3A_613 = arith.constant 14 : i32
    %shift_right_logical3A_614 = vector.broadcast %shift_right_logical3A_613 : i32 to vector<16xi32>
    %shift_right_logical3A_615 = arith.shrui %get3A_612, %shift_right_logical3A_614 : vector<16xi32>
    %swap3A_616 = arith.constant 64 : index
    %swap3A_617 = tpu.vector_load %arg13[%swap3A_616] {strides = array<i32>} : memref<80xi32, #tpu.memory_space<vmem>>, vector<16xi32>,
    %swap3A_618 = vector.shape_cast %swap3A_617 : vector<16xi32> to vector<16xi32>
    %swap3A_619 = vector.shape_cast %shift_right_logical3A_615 : vector<16xi32> to vector<16xi32>
    tpu.vector_store %arg13[%swap3A_616], %swap3A_619 {strides = array<i32>} : memref<80xi32, #tpu.memory_space<vmem>>, vector<16xi32>,
    %and3A_620 = arith.constant 16383 : i32
    %and3A_621 = vector.broadcast %and3A_620 : i32 to vector<16xi32>
    %and3A_622 = arith.andi %get3A_612, %and3A_621 : vector<16xi32>
    %add3A_623 = vector.broadcast %mul3A_2 : i32 to vector<16xi32>
    %add3A_624 = arith.addi %and3A_622, %add3A_623 : vector<16xi32>
    %swap3A_625 = arith.constant 64 : index
    %swap3A_626 = tpu.vector_load %arg10[%swap3A_625] {strides = array<i32>} : memref<80xi32, #tpu.memory_space<vmem>>, vector<16xi32>,
    %swap3A_627 = vector.shape_cast %swap3A_626 : vector<16xi32> to vector<16xi32>
    %swap3A_628 = vector.shape_cast %add3A_624 : vector<16xi32> to vector<16xi32>
    tpu.vector_store %arg10[%swap3A_625], %swap3A_628 {strides = array<i32>} : memref<80xi32, #tpu.memory_space<vmem>>, vector<16xi32>,
    %dma_start3A_629 = arith.constant 0 : i32
    %dma_start3A_630 = arith.constant 0 : i32
    %dma_start3A_631 = tpu.memref_slice %arg2[%dma_start3A_629, %dma_start3A_630] : memref<20000x128xf32, #tpu.memory_space<hbm>> -> memref<20000x128xf32, #tpu.memory_space<hbm>>
    tpu.enqueue_indirect_dma source(%dma_start3A_631 : memref<20000x128xf32, #tpu.memory_space<hbm>>) target(%arg16 : memref<80x128xf32, #tpu.memory_space<vmem>>) offsets(%arg10 : memref<80xi32, #tpu.memory_space<vmem>>) semaphore(%arg24 : memref<!tpu.dma_semaphore, #tpu.memory_space<semaphore_mem>>)
    %dma_start3A_632 = arith.constant 0 : i32
    %dma_start3A_633 = tpu.memref_slice %arg3[%dma_start3A_632] : memref<20000xf32, #tpu.memory_space<hbm>> -> memref<20000xf32, #tpu.memory_space<hbm>>
    tpu.enqueue_indirect_dma source(%dma_start3A_633 : memref<20000xf32, #tpu.memory_space<hbm>>) target(%arg19 : memref<80xf32, #tpu.memory_space<vmem>>) offsets(%arg10 : memref<80xi32, #tpu.memory_space<vmem>>) semaphore(%arg27 : memref<!tpu.dma_semaphore, #tpu.memory_space<semaphore_mem>>)
    %dma_wait3A_634 = arith.constant 0 : i32
    %dma_wait3A_635 = arith.constant 0 : i32
    %dma_wait3A_636 = tpu.memref_slice %arg2[%dma_wait3A_634, %dma_wait3A_635] : memref<20000x128xf32, #tpu.memory_space<hbm>> -> memref<20000x128xf32, #tpu.memory_space<hbm>>
    tpu.wait_indirect_dma semaphore(%arg25 : memref<!tpu.dma_semaphore, #tpu.memory_space<semaphore_mem>>) src(%dma_wait3A_636 : memref<20000x128xf32, #tpu.memory_space<hbm>>) dst(%arg17 : memref<80x128xf32, #tpu.memory_space<vmem>>)
    %dma_wait3A_637 = arith.constant 0 : i32
    %dma_wait3A_638 = tpu.memref_slice %arg3[%dma_wait3A_637] : memref<20000xf32, #tpu.memory_space<hbm>> -> memref<20000xf32, #tpu.memory_space<hbm>>
    tpu.wait_indirect_dma semaphore(%arg28 : memref<!tpu.dma_semaphore, #tpu.memory_space<semaphore_mem>>) src(%dma_wait3A_638 : memref<20000xf32, #tpu.memory_space<hbm>>) dst(%arg20 : memref<80xf32, #tpu.memory_space<vmem>>)
    %dma_start3A_639 = arith.constant 0 : i32
    %dma_start3A_640 = arith.constant 0 : i32
    %dma_start3A_641 = tpu.memref_slice %arg22[%dma_start3A_639, %dma_start3A_640] : memref<10240x128xf32, #tpu.memory_space<vmem_shared>> -> memref<10240x128xf32, #tpu.memory_space<vmem_shared>>
    tpu.enqueue_indirect_dma source(%arg17 : memref<80x128xf32, #tpu.memory_space<vmem>>) target(%dma_start3A_641 : memref<10240x128xf32, #tpu.memory_space<vmem_shared>>) offsets(%arg14 : memref<80xi32, #tpu.memory_space<vmem>>) semaphore(%arg31 : memref<!tpu.dma_semaphore, #tpu.memory_space<semaphore_mem>>) {add = true}
    %get3A_642 = arith.constant 0 : index
    %get3A_643 = tpu.vector_load %arg21[%get3A_642] {strides = array<i32>} : memref<16xf32, #tpu.memory_space<vmem>>, vector<16xf32>,
    %get3A_644 = vector.shape_cast %get3A_643 : vector<16xf32> to vector<16xf32>
    %get3A_645 = arith.constant 0 : index
    %get3A_646 = tpu.vector_load %arg20[%get3A_645] {strides = array<i32>} : memref<80xf32, #tpu.memory_space<vmem>>, vector<16xf32>,
    %get3A_647 = vector.shape_cast %get3A_646 : vector<16xf32> to vector<16xf32>
    %add3A_648 = arith.addf %get3A_644, %get3A_647 : vector<16xf32>
    %get3A_649 = arith.constant 16 : index
    %get3A_650 = tpu.vector_load %arg20[%get3A_649] {strides = array<i32>} : memref<80xf32, #tpu.memory_space<vmem>>, vector<16xf32>,
    %get3A_651 = vector.shape_cast %get3A_650 : vector<16xf32> to vector<16xf32>
    %add3A_652 = arith.addf %add3A_648, %get3A_651 : vector<16xf32>
    %get3A_653 = arith.constant 32 : index
    %get3A_654 = tpu.vector_load %arg20[%get3A_653] {strides = array<i32>} : memref<80xf32, #tpu.memory_space<vmem>>, vector<16xf32>,
    %get3A_655 = vector.shape_cast %get3A_654 : vector<16xf32> to vector<16xf32>
    %add3A_656 = arith.addf %add3A_652, %get3A_655 : vector<16xf32>
    %get3A_657 = arith.constant 48 : index
    %get3A_658 = tpu.vector_load %arg20[%get3A_657] {strides = array<i32>} : memref<80xf32, #tpu.memory_space<vmem>>, vector<16xf32>,
    %get3A_659 = vector.shape_cast %get3A_658 : vector<16xf32> to vector<16xf32>
    %add3A_660 = arith.addf %add3A_656, %get3A_659 : vector<16xf32>
    %get3A_661 = arith.constant 64 : index
    %get3A_662 = tpu.vector_load %arg20[%get3A_661] {strides = array<i32>} : memref<80xf32, #tpu.memory_space<vmem>>, vector<16xf32>,
    %get3A_663 = vector.shape_cast %get3A_662 : vector<16xf32> to vector<16xf32>
    %add3A_664 = arith.addf %add3A_660, %get3A_663 : vector<16xf32>
    %swap3A_665 = arith.constant 0 : index
    %swap3A_666 = tpu.vector_load %arg21[%swap3A_665] {strides = array<i32>} : memref<16xf32, #tpu.memory_space<vmem>>, vector<16xf32>,
    %swap3A_667 = vector.shape_cast %swap3A_666 : vector<16xf32> to vector<16xf32>
    %swap3A_668 = vector.shape_cast %add3A_664 : vector<16xf32> to vector<16xf32>
    tpu.vector_store %arg21[%swap3A_665], %swap3A_668 {strides = array<i32>} : memref<16xf32, #tpu.memory_space<vmem>>, vector<16xf32>,
    %scan3A = arith.constant 0 : i32
    %scan3A_669 = arith.constant 1 : i32
    %scan3A_670 = arith.constant 40 : i32
    %scan3A_671 = arith.addi %scan3A_669, %scan3A_670 : i32
    %scan3A_672 = arith.constant 1 : i32
    scf.for %scan3A_761 = %scan3A_669 to %scan3A_671 step %scan3A_672  : i32 {
      %mul3A_762 = arith.constant 3 : i32
      %mul3A_763 = arith.muli %scan3A_761, %mul3A_762 : i32
      %add3A_764 = arith.constant 0 : i32
      %add3A_765 = arith.addi %mul3A_763, %add3A_764 : i32
      %sub3A = arith.constant 1 : i32
      %sub3A_766 = arith.subi %add3A_765, %sub3A : i32
      %dma_wait3A_767 = arith.constant 0 : i32
      %dma_wait3A_768 = arith.constant 0 : i32
      %dma_wait3A_769 = tpu.memref_slice %arg22[%dma_wait3A_767, %dma_wait3A_768] : memref<10240x128xf32, #tpu.memory_space<vmem_shared>> -> memref<10240x128xf32, #tpu.memory_space<vmem_shared>>
      tpu.wait_indirect_dma semaphore(%arg31 : memref<!tpu.dma_semaphore, #tpu.memory_space<semaphore_mem>>) src(%arg17 : memref<80x128xf32, #tpu.memory_space<vmem>>) dst(%dma_wait3A_769 : memref<10240x128xf32, #tpu.memory_space<vmem_shared>>)
      %add3A_770 = arith.constant 2 : i32
      %add3A_771 = arith.addi %add3A_765, %add3A_770 : i32
      %get3A_772 = arith.index_cast %add3A_771 : i32 to index
      %get3A_773 = arith.constant 0 : index
      %get3A_774 = tpu.vector_load %arg8[%get3A_772, %get3A_773] {strides = array<i32>} : memref<125x80xi32, #tpu.memory_space<vmem>>, vector<1x16xi32>,
      %get3A_775 = vector.shape_cast %get3A_774 : vector<1x16xi32> to vector<16xi32>
      %shift_right_logical3A_776 = arith.constant 14 : i32
      %shift_right_logical3A_777 = vector.broadcast %shift_right_logical3A_776 : i32 to vector<16xi32>
      %shift_right_logical3A_778 = arith.shrui %get3A_775, %shift_right_logical3A_777 : vector<16xi32>
      %swap3A_779 = arith.constant 0 : index
      %swap3A_780 = tpu.vector_load %arg14[%swap3A_779] {strides = array<i32>} : memref<80xi32, #tpu.memory_space<vmem>>, vector<16xi32>,
      %swap3A_781 = vector.shape_cast %swap3A_780 : vector<16xi32> to vector<16xi32>
      %swap3A_782 = vector.shape_cast %shift_right_logical3A_778 : vector<16xi32> to vector<16xi32>
      tpu.vector_store %arg14[%swap3A_779], %swap3A_782 {strides = array<i32>} : memref<80xi32, #tpu.memory_space<vmem>>, vector<16xi32>,
      %and3A_783 = arith.constant 16383 : i32
      %and3A_784 = vector.broadcast %and3A_783 : i32 to vector<16xi32>
      %and3A_785 = arith.andi %get3A_775, %and3A_784 : vector<16xi32>
      %add3A_786 = vector.broadcast %mul3A_2 : i32 to vector<16xi32>
      %add3A_787 = arith.addi %and3A_785, %add3A_786 : vector<16xi32>
      %swap3A_788 = arith.constant 0 : index
      %swap3A_789 = tpu.vector_load %arg11[%swap3A_788] {strides = array<i32>} : memref<80xi32, #tpu.memory_space<vmem>>, vector<16xi32>,
      %swap3A_790 = vector.shape_cast %swap3A_789 : vector<16xi32> to vector<16xi32>
      %swap3A_791 = vector.shape_cast %add3A_787 : vector<16xi32> to vector<16xi32>
      tpu.vector_store %arg11[%swap3A_788], %swap3A_791 {strides = array<i32>} : memref<80xi32, #tpu.memory_space<vmem>>, vector<16xi32>,
      %get3A_792 = arith.index_cast %add3A_771 : i32 to index
      %get3A_793 = arith.constant 16 : index
      %get3A_794 = tpu.vector_load %arg8[%get3A_792, %get3A_793] {strides = array<i32>} : memref<125x80xi32, #tpu.memory_space<vmem>>, vector<1x16xi32>,
      %get3A_795 = vector.shape_cast %get3A_794 : vector<1x16xi32> to vector<16xi32>
      %shift_right_logical3A_796 = arith.constant 14 : i32
      %shift_right_logical3A_797 = vector.broadcast %shift_right_logical3A_796 : i32 to vector<16xi32>
      %shift_right_logical3A_798 = arith.shrui %get3A_795, %shift_right_logical3A_797 : vector<16xi32>
      %swap3A_799 = arith.constant 16 : index
      %swap3A_800 = tpu.vector_load %arg14[%swap3A_799] {strides = array<i32>} : memref<80xi32, #tpu.memory_space<vmem>>, vector<16xi32>,
      %swap3A_801 = vector.shape_cast %swap3A_800 : vector<16xi32> to vector<16xi32>
      %swap3A_802 = vector.shape_cast %shift_right_logical3A_798 : vector<16xi32> to vector<16xi32>
      tpu.vector_store %arg14[%swap3A_799], %swap3A_802 {strides = array<i32>} : memref<80xi32, #tpu.memory_space<vmem>>, vector<16xi32>,
      %and3A_803 = arith.constant 16383 : i32
      %and3A_804 = vector.broadcast %and3A_803 : i32 to vector<16xi32>
      %and3A_805 = arith.andi %get3A_795, %and3A_804 : vector<16xi32>
      %add3A_806 = vector.broadcast %mul3A_2 : i32 to vector<16xi32>
      %add3A_807 = arith.addi %and3A_805, %add3A_806 : vector<16xi32>
      %swap3A_808 = arith.constant 16 : index
      %swap3A_809 = tpu.vector_load %arg11[%swap3A_808] {strides = array<i32>} : memref<80xi32, #tpu.memory_space<vmem>>, vector<16xi32>,
      %swap3A_810 = vector.shape_cast %swap3A_809 : vector<16xi32> to vector<16xi32>
      %swap3A_811 = vector.shape_cast %add3A_807 : vector<16xi32> to vector<16xi32>
      tpu.vector_store %arg11[%swap3A_808], %swap3A_811 {strides = array<i32>} : memref<80xi32, #tpu.memory_space<vmem>>, vector<16xi32>,
      %get3A_812 = arith.index_cast %add3A_771 : i32 to index
      %get3A_813 = arith.constant 32 : index
      %get3A_814 = tpu.vector_load %arg8[%get3A_812, %get3A_813] {strides = array<i32>} : memref<125x80xi32, #tpu.memory_space<vmem>>, vector<1x16xi32>,
      %get3A_815 = vector.shape_cast %get3A_814 : vector<1x16xi32> to vector<16xi32>
      %shift_right_logical3A_816 = arith.constant 14 : i32
      %shift_right_logical3A_817 = vector.broadcast %shift_right_logical3A_816 : i32 to vector<16xi32>
      %shift_right_logical3A_818 = arith.shrui %get3A_815, %shift_right_logical3A_817 : vector<16xi32>
      %swap3A_819 = arith.constant 32 : index
      %swap3A_820 = tpu.vector_load %arg14[%swap3A_819] {strides = array<i32>} : memref<80xi32, #tpu.memory_space<vmem>>, vector<16xi32>,
      %swap3A_821 = vector.shape_cast %swap3A_820 : vector<16xi32> to vector<16xi32>
      %swap3A_822 = vector.shape_cast %shift_right_logical3A_818 : vector<16xi32> to vector<16xi32>
      tpu.vector_store %arg14[%swap3A_819], %swap3A_822 {strides = array<i32>} : memref<80xi32, #tpu.memory_space<vmem>>, vector<16xi32>,
      %and3A_823 = arith.constant 16383 : i32
      %and3A_824 = vector.broadcast %and3A_823 : i32 to vector<16xi32>
      %and3A_825 = arith.andi %get3A_815, %and3A_824 : vector<16xi32>
      %add3A_826 = vector.broadcast %mul3A_2 : i32 to vector<16xi32>
      %add3A_827 = arith.addi %and3A_825, %add3A_826 : vector<16xi32>
      %swap3A_828 = arith.constant 32 : index
      %swap3A_829 = tpu.vector_load %arg11[%swap3A_828] {strides = array<i32>} : memref<80xi32, #tpu.memory_space<vmem>>, vector<16xi32>,
      %swap3A_830 = vector.shape_cast %swap3A_829 : vector<16xi32> to vector<16xi32>
      %swap3A_831 = vector.shape_cast %add3A_827 : vector<16xi32> to vector<16xi32>
      tpu.vector_store %arg11[%swap3A_828], %swap3A_831 {strides = array<i32>} : memref<80xi32, #tpu.memory_space<vmem>>, vector<16xi32>,
      %get3A_832 = arith.index_cast %add3A_771 : i32 to index
      %get3A_833 = arith.constant 48 : index
      %get3A_834 = tpu.vector_load %arg8[%get3A_832, %get3A_833] {strides = array<i32>} : memref<125x80xi32, #tpu.memory_space<vmem>>, vector<1x16xi32>,
      %get3A_835 = vector.shape_cast %get3A_834 : vector<1x16xi32> to vector<16xi32>
      %shift_right_logical3A_836 = arith.constant 14 : i32
      %shift_right_logical3A_837 = vector.broadcast %shift_right_logical3A_836 : i32 to vector<16xi32>
      %shift_right_logical3A_838 = arith.shrui %get3A_835, %shift_right_logical3A_837 : vector<16xi32>
      %swap3A_839 = arith.constant 48 : index
      %swap3A_840 = tpu.vector_load %arg14[%swap3A_839] {strides = array<i32>} : memref<80xi32, #tpu.memory_space<vmem>>, vector<16xi32>,
      %swap3A_841 = vector.shape_cast %swap3A_840 : vector<16xi32> to vector<16xi32>
      %swap3A_842 = vector.shape_cast %shift_right_logical3A_838 : vector<16xi32> to vector<16xi32>
      tpu.vector_store %arg14[%swap3A_839], %swap3A_842 {strides = array<i32>} : memref<80xi32, #tpu.memory_space<vmem>>, vector<16xi32>,
      %and3A_843 = arith.constant 16383 : i32
      %and3A_844 = vector.broadcast %and3A_843 : i32 to vector<16xi32>
      %and3A_845 = arith.andi %get3A_835, %and3A_844 : vector<16xi32>
      %add3A_846 = vector.broadcast %mul3A_2 : i32 to vector<16xi32>
      %add3A_847 = arith.addi %and3A_845, %add3A_846 : vector<16xi32>
      %swap3A_848 = arith.constant 48 : index
      %swap3A_849 = tpu.vector_load %arg11[%swap3A_848] {strides = array<i32>} : memref<80xi32, #tpu.memory_space<vmem>>, vector<16xi32>,
      %swap3A_850 = vector.shape_cast %swap3A_849 : vector<16xi32> to vector<16xi32>
      %swap3A_851 = vector.shape_cast %add3A_847 : vector<16xi32> to vector<16xi32>
      tpu.vector_store %arg11[%swap3A_848], %swap3A_851 {strides = array<i32>} : memref<80xi32, #tpu.memory_space<vmem>>, vector<16xi32>,
      %get3A_852 = arith.index_cast %add3A_771 : i32 to index
      %get3A_853 = arith.constant 64 : index
      %get3A_854 = tpu.vector_load %arg8[%get3A_852, %get3A_853] {strides = array<i32>} : memref<125x80xi32, #tpu.memory_space<vmem>>, vector<1x16xi32>,
      %get3A_855 = vector.shape_cast %get3A_854 : vector<1x16xi32> to vector<16xi32>
      %shift_right_logical3A_856 = arith.constant 14 : i32
      %shift_right_logical3A_857 = vector.broadcast %shift_right_logical3A_856 : i32 to vector<16xi32>
      %shift_right_logical3A_858 = arith.shrui %get3A_855, %shift_right_logical3A_857 : vector<16xi32>
      %swap3A_859 = arith.constant 64 : index
      %swap3A_860 = tpu.vector_load %arg14[%swap3A_859] {strides = array<i32>} : memref<80xi32, #tpu.memory_space<vmem>>, vector<16xi32>,
      %swap3A_861 = vector.shape_cast %swap3A_860 : vector<16xi32> to vector<16xi32>
      %swap3A_862 = vector.shape_cast %shift_right_logical3A_858 : vector<16xi32> to vector<16xi32>
      tpu.vector_store %arg14[%swap3A_859], %swap3A_862 {strides = array<i32>} : memref<80xi32, #tpu.memory_space<vmem>>, vector<16xi32>,
      %and3A_863 = arith.constant 16383 : i32
      %and3A_864 = vector.broadcast %and3A_863 : i32 to vector<16xi32>
      %and3A_865 = arith.andi %get3A_855, %and3A_864 : vector<16xi32>
      %add3A_866 = vector.broadcast %mul3A_2 : i32 to vector<16xi32>
      %add3A_867 = arith.addi %and3A_865, %add3A_866 : vector<16xi32>
      %swap3A_868 = arith.constant 64 : index
      %swap3A_869 = tpu.vector_load %arg11[%swap3A_868] {strides = array<i32>} : memref<80xi32, #tpu.memory_space<vmem>>, vector<16xi32>,
      %swap3A_870 = vector.shape_cast %swap3A_869 : vector<16xi32> to vector<16xi32>
      %swap3A_871 = vector.shape_cast %add3A_867 : vector<16xi32> to vector<16xi32>
      tpu.vector_store %arg11[%swap3A_868], %swap3A_871 {strides = array<i32>} : memref<80xi32, #tpu.memory_space<vmem>>, vector<16xi32>,
      %dma_start3A_872 = arith.constant 0 : i32
      %dma_start3A_873 = arith.constant 0 : i32
      %dma_start3A_874 = tpu.memref_slice %arg2[%dma_start3A_872, %dma_start3A_873] : memref<20000x128xf32, #tpu.memory_space<hbm>> -> memref<20000x128xf32, #tpu.memory_space<hbm>>
      tpu.enqueue_indirect_dma source(%dma_start3A_874 : memref<20000x128xf32, #tpu.memory_space<hbm>>) target(%arg17 : memref<80x128xf32, #tpu.memory_space<vmem>>) offsets(%arg11 : memref<80xi32, #tpu.memory_space<vmem>>) semaphore(%arg25 : memref<!tpu.dma_semaphore, #tpu.memory_space<semaphore_mem>>)
      %dma_start3A_875 = arith.constant 0 : i32
      %dma_start3A_876 = tpu.memref_slice %arg3[%dma_start3A_875] : memref<20000xf32, #tpu.memory_space<hbm>> -> memref<20000xf32, #tpu.memory_space<hbm>>
      tpu.enqueue_indirect_dma source(%dma_start3A_876 : memref<20000xf32, #tpu.memory_space<hbm>>) target(%arg20 : memref<80xf32, #tpu.memory_space<vmem>>) offsets(%arg11 : memref<80xi32, #tpu.memory_space<vmem>>) semaphore(%arg28 : memref<!tpu.dma_semaphore, #tpu.memory_space<semaphore_mem>>)
      %dma_wait3A_877 = arith.constant 0 : i32
      %dma_wait3A_878 = arith.constant 0 : i32
      %dma_wait3A_879 = tpu.memref_slice %arg2[%dma_wait3A_877, %dma_wait3A_878] : memref<20000x128xf32, #tpu.memory_space<hbm>> -> memref<20000x128xf32, #tpu.memory_space<hbm>>
      tpu.wait_indirect_dma semaphore(%arg23 : memref<!tpu.dma_semaphore, #tpu.memory_space<semaphore_mem>>) src(%dma_wait3A_879 : memref<20000x128xf32, #tpu.memory_space<hbm>>) dst(%arg15 : memref<80x128xf32, #tpu.memory_space<vmem>>)
      %dma_wait3A_880 = arith.constant 0 : i32
      %dma_wait3A_881 = tpu.memref_slice %arg3[%dma_wait3A_880] : memref<20000xf32, #tpu.memory_space<hbm>> -> memref<20000xf32, #tpu.memory_space<hbm>>
      tpu.wait_indirect_dma semaphore(%arg26 : memref<!tpu.dma_semaphore, #tpu.memory_space<semaphore_mem>>) src(%dma_wait3A_881 : memref<20000xf32, #tpu.memory_space<hbm>>) dst(%arg18 : memref<80xf32, #tpu.memory_space<vmem>>)
      %dma_start3A_882 = arith.constant 0 : i32
      %dma_start3A_883 = arith.constant 0 : i32
      %dma_start3A_884 = tpu.memref_slice %arg22[%dma_start3A_882, %dma_start3A_883] : memref<10240x128xf32, #tpu.memory_space<vmem_shared>> -> memref<10240x128xf32, #tpu.memory_space<vmem_shared>>
      tpu.enqueue_indirect_dma source(%arg15 : memref<80x128xf32, #tpu.memory_space<vmem>>) target(%dma_start3A_884 : memref<10240x128xf32, #tpu.memory_space<vmem_shared>>) offsets(%arg12 : memref<80xi32, #tpu.memory_space<vmem>>) semaphore(%arg29 : memref<!tpu.dma_semaphore, #tpu.memory_space<semaphore_mem>>) {add = true}
      %get3A_885 = arith.constant 0 : index
      %get3A_886 = tpu.vector_load %arg21[%get3A_885] {strides = array<i32>} : memref<16xf32, #tpu.memory_space<vmem>>, vector<16xf32>,
      %get3A_887 = vector.shape_cast %get3A_886 : vector<16xf32> to vector<16xf32>
      %get3A_888 = arith.constant 0 : index
      %get3A_889 = tpu.vector_load %arg18[%get3A_888] {strides = array<i32>} : memref<80xf32, #tpu.memory_space<vmem>>, vector<16xf32>,
      %get3A_890 = vector.shape_cast %get3A_889 : vector<16xf32> to vector<16xf32>
      %add3A_891 = arith.addf %get3A_887, %get3A_890 : vector<16xf32>
      %get3A_892 = arith.constant 16 : index
      %get3A_893 = tpu.vector_load %arg18[%get3A_892] {strides = array<i32>} : memref<80xf32, #tpu.memory_space<vmem>>, vector<16xf32>,
      %get3A_894 = vector.shape_cast %get3A_893 : vector<16xf32> to vector<16xf32>
      %add3A_895 = arith.addf %add3A_891, %get3A_894 : vector<16xf32>
      %get3A_896 = arith.constant 32 : index
      %get3A_897 = tpu.vector_load %arg18[%get3A_896] {strides = array<i32>} : memref<80xf32, #tpu.memory_space<vmem>>, vector<16xf32>,
      %get3A_898 = vector.shape_cast %get3A_897 : vector<16xf32> to vector<16xf32>
      %add3A_899 = arith.addf %add3A_895, %get3A_898 : vector<16xf32>
      %get3A_900 = arith.constant 48 : index
      %get3A_901 = tpu.vector_load %arg18[%get3A_900] {strides = array<i32>} : memref<80xf32, #tpu.memory_space<vmem>>, vector<16xf32>,
      %get3A_902 = vector.shape_cast %get3A_901 : vector<16xf32> to vector<16xf32>
      %add3A_903 = arith.addf %add3A_899, %get3A_902 : vector<16xf32>
      %get3A_904 = arith.constant 64 : index
      %get3A_905 = tpu.vector_load %arg18[%get3A_904] {strides = array<i32>} : memref<80xf32, #tpu.memory_space<vmem>>, vector<16xf32>,
      %get3A_906 = vector.shape_cast %get3A_905 : vector<16xf32> to vector<16xf32>
      %add3A_907 = arith.addf %add3A_903, %get3A_906 : vector<16xf32>
      %swap3A_908 = arith.constant 0 : index
      %swap3A_909 = tpu.vector_load %arg21[%swap3A_908] {strides = array<i32>} : memref<16xf32, #tpu.memory_space<vmem>>, vector<16xf32>,
      %swap3A_910 = vector.shape_cast %swap3A_909 : vector<16xf32> to vector<16xf32>
      %swap3A_911 = vector.shape_cast %add3A_907 : vector<16xf32> to vector<16xf32>
      tpu.vector_store %arg21[%swap3A_908], %swap3A_911 {strides = array<i32>} : memref<16xf32, #tpu.memory_space<vmem>>, vector<16xf32>,
      %mul3A_912 = arith.constant 3 : i32
      %mul3A_913 = arith.muli %scan3A_761, %mul3A_912 : i32
      %add3A_914 = arith.constant 1 : i32
      %add3A_915 = arith.addi %mul3A_913, %add3A_914 : i32
      %sub3A_916 = arith.constant 1 : i32
      %sub3A_917 = arith.subi %add3A_915, %sub3A_916 : i32
      %dma_wait3A_918 = arith.constant 0 : i32
      %dma_wait3A_919 = arith.constant 0 : i32
      %dma_wait3A_920 = tpu.memref_slice %arg22[%dma_wait3A_918, %dma_wait3A_919] : memref<10240x128xf32, #tpu.memory_space<vmem_shared>> -> memref<10240x128xf32, #tpu.memory_space<vmem_shared>>
      tpu.wait_indirect_dma semaphore(%arg29 : memref<!tpu.dma_semaphore, #tpu.memory_space<semaphore_mem>>) src(%arg15 : memref<80x128xf32, #tpu.memory_space<vmem>>) dst(%dma_wait3A_920 : memref<10240x128xf32, #tpu.memory_space<vmem_shared>>)
      %add3A_921 = arith.constant 2 : i32
      %add3A_922 = arith.addi %add3A_915, %add3A_921 : i32
      %get3A_923 = arith.index_cast %add3A_922 : i32 to index
      %get3A_924 = arith.constant 0 : index
      %get3A_925 = tpu.vector_load %arg8[%get3A_923, %get3A_924] {strides = array<i32>} : memref<125x80xi32, #tpu.memory_space<vmem>>, vector<1x16xi32>,
      %get3A_926 = vector.shape_cast %get3A_925 : vector<1x16xi32> to vector<16xi32>
      %shift_right_logical3A_927 = arith.constant 14 : i32
      %shift_right_logical3A_928 = vector.broadcast %shift_right_logical3A_927 : i32 to vector<16xi32>
      %shift_right_logical3A_929 = arith.shrui %get3A_926, %shift_right_logical3A_928 : vector<16xi32>
      %swap3A_930 = arith.constant 0 : index
      %swap3A_931 = tpu.vector_load %arg12[%swap3A_930] {strides = array<i32>} : memref<80xi32, #tpu.memory_space<vmem>>, vector<16xi32>,
      %swap3A_932 = vector.shape_cast %swap3A_931 : vector<16xi32> to vector<16xi32>
      %swap3A_933 = vector.shape_cast %shift_right_logical3A_929 : vector<16xi32> to vector<16xi32>
      tpu.vector_store %arg12[%swap3A_930], %swap3A_933 {strides = array<i32>} : memref<80xi32, #tpu.memory_space<vmem>>, vector<16xi32>,
      %and3A_934 = arith.constant 16383 : i32
      %and3A_935 = vector.broadcast %and3A_934 : i32 to vector<16xi32>
      %and3A_936 = arith.andi %get3A_926, %and3A_935 : vector<16xi32>
      %add3A_937 = vector.broadcast %mul3A_2 : i32 to vector<16xi32>
      %add3A_938 = arith.addi %and3A_936, %add3A_937 : vector<16xi32>
      %swap3A_939 = arith.constant 0 : index
      %swap3A_940 = tpu.vector_load %arg9[%swap3A_939] {strides = array<i32>} : memref<80xi32, #tpu.memory_space<vmem>>, vector<16xi32>,
      %swap3A_941 = vector.shape_cast %swap3A_940 : vector<16xi32> to vector<16xi32>
      %swap3A_942 = vector.shape_cast %add3A_938 : vector<16xi32> to vector<16xi32>
      tpu.vector_store %arg9[%swap3A_939], %swap3A_942 {strides = array<i32>} : memref<80xi32, #tpu.memory_space<vmem>>, vector<16xi32>,
      %get3A_943 = arith.index_cast %add3A_922 : i32 to index
      %get3A_944 = arith.constant 16 : index
      %get3A_945 = tpu.vector_load %arg8[%get3A_943, %get3A_944] {strides = array<i32>} : memref<125x80xi32, #tpu.memory_space<vmem>>, vector<1x16xi32>,
      %get3A_946 = vector.shape_cast %get3A_945 : vector<1x16xi32> to vector<16xi32>
      %shift_right_logical3A_947 = arith.constant 14 : i32
      %shift_right_logical3A_948 = vector.broadcast %shift_right_logical3A_947 : i32 to vector<16xi32>
      %shift_right_logical3A_949 = arith.shrui %get3A_946, %shift_right_logical3A_948 : vector<16xi32>
      %swap3A_950 = arith.constant 16 : index
      %swap3A_951 = tpu.vector_load %arg12[%swap3A_950] {strides = array<i32>} : memref<80xi32, #tpu.memory_space<vmem>>, vector<16xi32>,
      %swap3A_952 = vector.shape_cast %swap3A_951 : vector<16xi32> to vector<16xi32>
      %swap3A_953 = vector.shape_cast %shift_right_logical3A_949 : vector<16xi32> to vector<16xi32>
      tpu.vector_store %arg12[%swap3A_950], %swap3A_953 {strides = array<i32>} : memref<80xi32, #tpu.memory_space<vmem>>, vector<16xi32>,
      %and3A_954 = arith.constant 16383 : i32
      %and3A_955 = vector.broadcast %and3A_954 : i32 to vector<16xi32>
      %and3A_956 = arith.andi %get3A_946, %and3A_955 : vector<16xi32>
      %add3A_957 = vector.broadcast %mul3A_2 : i32 to vector<16xi32>
      %add3A_958 = arith.addi %and3A_956, %add3A_957 : vector<16xi32>
      %swap3A_959 = arith.constant 16 : index
      %swap3A_960 = tpu.vector_load %arg9[%swap3A_959] {strides = array<i32>} : memref<80xi32, #tpu.memory_space<vmem>>, vector<16xi32>,
      %swap3A_961 = vector.shape_cast %swap3A_960 : vector<16xi32> to vector<16xi32>
      %swap3A_962 = vector.shape_cast %add3A_958 : vector<16xi32> to vector<16xi32>
      tpu.vector_store %arg9[%swap3A_959], %swap3A_962 {strides = array<i32>} : memref<80xi32, #tpu.memory_space<vmem>>, vector<16xi32>,
      %get3A_963 = arith.index_cast %add3A_922 : i32 to index
      %get3A_964 = arith.constant 32 : index
      %get3A_965 = tpu.vector_load %arg8[%get3A_963, %get3A_964] {strides = array<i32>} : memref<125x80xi32, #tpu.memory_space<vmem>>, vector<1x16xi32>,
      %get3A_966 = vector.shape_cast %get3A_965 : vector<1x16xi32> to vector<16xi32>
      %shift_right_logical3A_967 = arith.constant 14 : i32
      %shift_right_logical3A_968 = vector.broadcast %shift_right_logical3A_967 : i32 to vector<16xi32>
      %shift_right_logical3A_969 = arith.shrui %get3A_966, %shift_right_logical3A_968 : vector<16xi32>
      %swap3A_970 = arith.constant 32 : index
      %swap3A_971 = tpu.vector_load %arg12[%swap3A_970] {strides = array<i32>} : memref<80xi32, #tpu.memory_space<vmem>>, vector<16xi32>,
      %swap3A_972 = vector.shape_cast %swap3A_971 : vector<16xi32> to vector<16xi32>
      %swap3A_973 = vector.shape_cast %shift_right_logical3A_969 : vector<16xi32> to vector<16xi32>
      tpu.vector_store %arg12[%swap3A_970], %swap3A_973 {strides = array<i32>} : memref<80xi32, #tpu.memory_space<vmem>>, vector<16xi32>,
      %and3A_974 = arith.constant 16383 : i32
      %and3A_975 = vector.broadcast %and3A_974 : i32 to vector<16xi32>
      %and3A_976 = arith.andi %get3A_966, %and3A_975 : vector<16xi32>
      %add3A_977 = vector.broadcast %mul3A_2 : i32 to vector<16xi32>
      %add3A_978 = arith.addi %and3A_976, %add3A_977 : vector<16xi32>
      %swap3A_979 = arith.constant 32 : index
      %swap3A_980 = tpu.vector_load %arg9[%swap3A_979] {strides = array<i32>} : memref<80xi32, #tpu.memory_space<vmem>>, vector<16xi32>,
      %swap3A_981 = vector.shape_cast %swap3A_980 : vector<16xi32> to vector<16xi32>
      %swap3A_982 = vector.shape_cast %add3A_978 : vector<16xi32> to vector<16xi32>
      tpu.vector_store %arg9[%swap3A_979], %swap3A_982 {strides = array<i32>} : memref<80xi32, #tpu.memory_space<vmem>>, vector<16xi32>,
      %get3A_983 = arith.index_cast %add3A_922 : i32 to index
      %get3A_984 = arith.constant 48 : index
      %get3A_985 = tpu.vector_load %arg8[%get3A_983, %get3A_984] {strides = array<i32>} : memref<125x80xi32, #tpu.memory_space<vmem>>, vector<1x16xi32>,
      %get3A_986 = vector.shape_cast %get3A_985 : vector<1x16xi32> to vector<16xi32>
      %shift_right_logical3A_987 = arith.constant 14 : i32
      %shift_right_logical3A_988 = vector.broadcast %shift_right_logical3A_987 : i32 to vector<16xi32>
      %shift_right_logical3A_989 = arith.shrui %get3A_986, %shift_right_logical3A_988 : vector<16xi32>
      %swap3A_990 = arith.constant 48 : index
      %swap3A_991 = tpu.vector_load %arg12[%swap3A_990] {strides = array<i32>} : memref<80xi32, #tpu.memory_space<vmem>>, vector<16xi32>,
      %swap3A_992 = vector.shape_cast %swap3A_991 : vector<16xi32> to vector<16xi32>
      %swap3A_993 = vector.shape_cast %shift_right_logical3A_989 : vector<16xi32> to vector<16xi32>
      tpu.vector_store %arg12[%swap3A_990], %swap3A_993 {strides = array<i32>} : memref<80xi32, #tpu.memory_space<vmem>>, vector<16xi32>,
      %and3A_994 = arith.constant 16383 : i32
      %and3A_995 = vector.broadcast %and3A_994 : i32 to vector<16xi32>
      %and3A_996 = arith.andi %get3A_986, %and3A_995 : vector<16xi32>
      %add3A_997 = vector.broadcast %mul3A_2 : i32 to vector<16xi32>
      %add3A_998 = arith.addi %and3A_996, %add3A_997 : vector<16xi32>
      %swap3A_999 = arith.constant 48 : index
      %swap3A_1000 = tpu.vector_load %arg9[%swap3A_999] {strides = array<i32>} : memref<80xi32, #tpu.memory_space<vmem>>, vector<16xi32>,
      %swap3A_1001 = vector.shape_cast %swap3A_1000 : vector<16xi32> to vector<16xi32>
      %swap3A_1002 = vector.shape_cast %add3A_998 : vector<16xi32> to vector<16xi32>
      tpu.vector_store %arg9[%swap3A_999], %swap3A_1002 {strides = array<i32>} : memref<80xi32, #tpu.memory_space<vmem>>, vector<16xi32>,
      %get3A_1003 = arith.index_cast %add3A_922 : i32 to index
      %get3A_1004 = arith.constant 64 : index
      %get3A_1005 = tpu.vector_load %arg8[%get3A_1003, %get3A_1004] {strides = array<i32>} : memref<125x80xi32, #tpu.memory_space<vmem>>, vector<1x16xi32>,
      %get3A_1006 = vector.shape_cast %get3A_1005 : vector<1x16xi32> to vector<16xi32>
      %shift_right_logical3A_1007 = arith.constant 14 : i32
      %shift_right_logical3A_1008 = vector.broadcast %shift_right_logical3A_1007 : i32 to vector<16xi32>
      %shift_right_logical3A_1009 = arith.shrui %get3A_1006, %shift_right_logical3A_1008 : vector<16xi32>
      %swap3A_1010 = arith.constant 64 : index
      %swap3A_1011 = tpu.vector_load %arg12[%swap3A_1010] {strides = array<i32>} : memref<80xi32, #tpu.memory_space<vmem>>, vector<16xi32>,
      %swap3A_1012 = vector.shape_cast %swap3A_1011 : vector<16xi32> to vector<16xi32>
      %swap3A_1013 = vector.shape_cast %shift_right_logical3A_1009 : vector<16xi32> to vector<16xi32>
      tpu.vector_store %arg12[%swap3A_1010], %swap3A_1013 {strides = array<i32>} : memref<80xi32, #tpu.memory_space<vmem>>, vector<16xi32>,
      %and3A_1014 = arith.constant 16383 : i32
      %and3A_1015 = vector.broadcast %and3A_1014 : i32 to vector<16xi32>
      %and3A_1016 = arith.andi %get3A_1006, %and3A_1015 : vector<16xi32>
      %add3A_1017 = vector.broadcast %mul3A_2 : i32 to vector<16xi32>
      %add3A_1018 = arith.addi %and3A_1016, %add3A_1017 : vector<16xi32>
      %swap3A_1019 = arith.constant 64 : index
      %swap3A_1020 = tpu.vector_load %arg9[%swap3A_1019] {strides = array<i32>} : memref<80xi32, #tpu.memory_space<vmem>>, vector<16xi32>,
      %swap3A_1021 = vector.shape_cast %swap3A_1020 : vector<16xi32> to vector<16xi32>
      %swap3A_1022 = vector.shape_cast %add3A_1018 : vector<16xi32> to vector<16xi32>
      tpu.vector_store %arg9[%swap3A_1019], %swap3A_1022 {strides = array<i32>} : memref<80xi32, #tpu.memory_space<vmem>>, vector<16xi32>,
      %dma_start3A_1023 = arith.constant 0 : i32
      %dma_start3A_1024 = arith.constant 0 : i32
      %dma_start3A_1025 = tpu.memref_slice %arg2[%dma_start3A_1023, %dma_start3A_1024] : memref<20000x128xf32, #tpu.memory_space<hbm>> -> memref<20000x128xf32, #tpu.memory_space<hbm>>
      tpu.enqueue_indirect_dma source(%dma_start3A_1025 : memref<20000x128xf32, #tpu.memory_space<hbm>>) target(%arg15 : memref<80x128xf32, #tpu.memory_space<vmem>>) offsets(%arg9 : memref<80xi32, #tpu.memory_space<vmem>>) semaphore(%arg23 : memref<!tpu.dma_semaphore, #tpu.memory_space<semaphore_mem>>)
      %dma_start3A_1026 = arith.constant 0 : i32
      %dma_start3A_1027 = tpu.memref_slice %arg3[%dma_start3A_1026] : memref<20000xf32, #tpu.memory_space<hbm>> -> memref<20000xf32, #tpu.memory_space<hbm>>
      tpu.enqueue_indirect_dma source(%dma_start3A_1027 : memref<20000xf32, #tpu.memory_space<hbm>>) target(%arg18 : memref<80xf32, #tpu.memory_space<vmem>>) offsets(%arg9 : memref<80xi32, #tpu.memory_space<vmem>>) semaphore(%arg26 : memref<!tpu.dma_semaphore, #tpu.memory_space<semaphore_mem>>)
      %dma_wait3A_1028 = arith.constant 0 : i32
      %dma_wait3A_1029 = arith.constant 0 : i32
      %dma_wait3A_1030 = tpu.memref_slice %arg2[%dma_wait3A_1028, %dma_wait3A_1029] : memref<20000x128xf32, #tpu.memory_space<hbm>> -> memref<20000x128xf32, #tpu.memory_space<hbm>>
      tpu.wait_indirect_dma semaphore(%arg24 : memref<!tpu.dma_semaphore, #tpu.memory_space<semaphore_mem>>) src(%dma_wait3A_1030 : memref<20000x128xf32, #tpu.memory_space<hbm>>) dst(%arg16 : memref<80x128xf32, #tpu.memory_space<vmem>>)
      %dma_wait3A_1031 = arith.constant 0 : i32
      %dma_wait3A_1032 = tpu.memref_slice %arg3[%dma_wait3A_1031] : memref<20000xf32, #tpu.memory_space<hbm>> -> memref<20000xf32, #tpu.memory_space<hbm>>
      tpu.wait_indirect_dma semaphore(%arg27 : memref<!tpu.dma_semaphore, #tpu.memory_space<semaphore_mem>>) src(%dma_wait3A_1032 : memref<20000xf32, #tpu.memory_space<hbm>>) dst(%arg19 : memref<80xf32, #tpu.memory_space<vmem>>)
      %dma_start3A_1033 = arith.constant 0 : i32
      %dma_start3A_1034 = arith.constant 0 : i32
      %dma_start3A_1035 = tpu.memref_slice %arg22[%dma_start3A_1033, %dma_start3A_1034] : memref<10240x128xf32, #tpu.memory_space<vmem_shared>> -> memref<10240x128xf32, #tpu.memory_space<vmem_shared>>
      tpu.enqueue_indirect_dma source(%arg16 : memref<80x128xf32, #tpu.memory_space<vmem>>) target(%dma_start3A_1035 : memref<10240x128xf32, #tpu.memory_space<vmem_shared>>) offsets(%arg13 : memref<80xi32, #tpu.memory_space<vmem>>) semaphore(%arg30 : memref<!tpu.dma_semaphore, #tpu.memory_space<semaphore_mem>>) {add = true}
      %get3A_1036 = arith.constant 0 : index
      %get3A_1037 = tpu.vector_load %arg21[%get3A_1036] {strides = array<i32>} : memref<16xf32, #tpu.memory_space<vmem>>, vector<16xf32>,
      %get3A_1038 = vector.shape_cast %get3A_1037 : vector<16xf32> to vector<16xf32>
      %get3A_1039 = arith.constant 0 : index
      %get3A_1040 = tpu.vector_load %arg19[%get3A_1039] {strides = array<i32>} : memref<80xf32, #tpu.memory_space<vmem>>, vector<16xf32>,
      %get3A_1041 = vector.shape_cast %get3A_1040 : vector<16xf32> to vector<16xf32>
      %add3A_1042 = arith.addf %get3A_1038, %get3A_1041 : vector<16xf32>
      %get3A_1043 = arith.constant 16 : index
      %get3A_1044 = tpu.vector_load %arg19[%get3A_1043] {strides = array<i32>} : memref<80xf32, #tpu.memory_space<vmem>>, vector<16xf32>,
      %get3A_1045 = vector.shape_cast %get3A_1044 : vector<16xf32> to vector<16xf32>
      %add3A_1046 = arith.addf %add3A_1042, %get3A_1045 : vector<16xf32>
      %get3A_1047 = arith.constant 32 : index
      %get3A_1048 = tpu.vector_load %arg19[%get3A_1047] {strides = array<i32>} : memref<80xf32, #tpu.memory_space<vmem>>, vector<16xf32>,
      %get3A_1049 = vector.shape_cast %get3A_1048 : vector<16xf32> to vector<16xf32>
      %add3A_1050 = arith.addf %add3A_1046, %get3A_1049 : vector<16xf32>
      %get3A_1051 = arith.constant 48 : index
      %get3A_1052 = tpu.vector_load %arg19[%get3A_1051] {strides = array<i32>} : memref<80xf32, #tpu.memory_space<vmem>>, vector<16xf32>,
      %get3A_1053 = vector.shape_cast %get3A_1052 : vector<16xf32> to vector<16xf32>
      %add3A_1054 = arith.addf %add3A_1050, %get3A_1053 : vector<16xf32>
      %get3A_1055 = arith.constant 64 : index
      %get3A_1056 = tpu.vector_load %arg19[%get3A_1055] {strides = array<i32>} : memref<80xf32, #tpu.memory_space<vmem>>, vector<16xf32>,
      %get3A_1057 = vector.shape_cast %get3A_1056 : vector<16xf32> to vector<16xf32>
      %add3A_1058 = arith.addf %add3A_1054, %get3A_1057 : vector<16xf32>
      %swap3A_1059 = arith.constant 0 : index
      %swap3A_1060 = tpu.vector_load %arg21[%swap3A_1059] {strides = array<i32>} : memref<16xf32, #tpu.memory_space<vmem>>, vector<16xf32>,
      %swap3A_1061 = vector.shape_cast %swap3A_1060 : vector<16xf32> to vector<16xf32>
      %swap3A_1062 = vector.shape_cast %add3A_1058 : vector<16xf32> to vector<16xf32>
      tpu.vector_store %arg21[%swap3A_1059], %swap3A_1062 {strides = array<i32>} : memref<16xf32, #tpu.memory_space<vmem>>, vector<16xf32>,
      %mul3A_1063 = arith.constant 3 : i32
      %mul3A_1064 = arith.muli %scan3A_761, %mul3A_1063 : i32
      %add3A_1065 = arith.constant 2 : i32
      %add3A_1066 = arith.addi %mul3A_1064, %add3A_1065 : i32
      %sub3A_1067 = arith.constant 1 : i32
      %sub3A_1068 = arith.subi %add3A_1066, %sub3A_1067 : i32
      %dma_wait3A_1069 = arith.constant 0 : i32
      %dma_wait3A_1070 = arith.constant 0 : i32
      %dma_wait3A_1071 = tpu.memref_slice %arg22[%dma_wait3A_1069, %dma_wait3A_1070] : memref<10240x128xf32, #tpu.memory_space<vmem_shared>> -> memref<10240x128xf32, #tpu.memory_space<vmem_shared>>
      tpu.wait_indirect_dma semaphore(%arg30 : memref<!tpu.dma_semaphore, #tpu.memory_space<semaphore_mem>>) src(%arg16 : memref<80x128xf32, #tpu.memory_space<vmem>>) dst(%dma_wait3A_1071 : memref<10240x128xf32, #tpu.memory_space<vmem_shared>>)
      %add3A_1072 = arith.constant 2 : i32
      %add3A_1073 = arith.addi %add3A_1066, %add3A_1072 : i32
      %get3A_1074 = arith.index_cast %add3A_1073 : i32 to index
      %get3A_1075 = arith.constant 0 : index
      %get3A_1076 = tpu.vector_load %arg8[%get3A_1074, %get3A_1075] {strides = array<i32>} : memref<125x80xi32, #tpu.memory_space<vmem>>, vector<1x16xi32>,
      %get3A_1077 = vector.shape_cast %get3A_1076 : vector<1x16xi32> to vector<16xi32>
      %shift_right_logical3A_1078 = arith.constant 14 : i32
      %shift_right_logical3A_1079 = vector.broadcast %shift_right_logical3A_1078 : i32 to vector<16xi32>
      %shift_right_logical3A_1080 = arith.shrui %get3A_1077, %shift_right_logical3A_1079 : vector<16xi32>
      %swap3A_1081 = arith.constant 0 : index
      %swap3A_1082 = tpu.vector_load %arg13[%swap3A_1081] {strides = array<i32>} : memref<80xi32, #tpu.memory_space<vmem>>, vector<16xi32>,
      %swap3A_1083 = vector.shape_cast %swap3A_1082 : vector<16xi32> to vector<16xi32>
      %swap3A_1084 = vector.shape_cast %shift_right_logical3A_1080 : vector<16xi32> to vector<16xi32>
      tpu.vector_store %arg13[%swap3A_1081], %swap3A_1084 {strides = array<i32>} : memref<80xi32, #tpu.memory_space<vmem>>, vector<16xi32>,
      %and3A_1085 = arith.constant 16383 : i32
      %and3A_1086 = vector.broadcast %and3A_1085 : i32 to vector<16xi32>
      %and3A_1087 = arith.andi %get3A_1077, %and3A_1086 : vector<16xi32>
      %add3A_1088 = vector.broadcast %mul3A_2 : i32 to vector<16xi32>
      %add3A_1089 = arith.addi %and3A_1087, %add3A_1088 : vector<16xi32>
      %swap3A_1090 = arith.constant 0 : index
      %swap3A_1091 = tpu.vector_load %arg10[%swap3A_1090] {strides = array<i32>} : memref<80xi32, #tpu.memory_space<vmem>>, vector<16xi32>,
      %swap3A_1092 = vector.shape_cast %swap3A_1091 : vector<16xi32> to vector<16xi32>
      %swap3A_1093 = vector.shape_cast %add3A_1089 : vector<16xi32> to vector<16xi32>
      tpu.vector_store %arg10[%swap3A_1090], %swap3A_1093 {strides = array<i32>} : memref<80xi32, #tpu.memory_space<vmem>>, vector<16xi32>,
      %get3A_1094 = arith.index_cast %add3A_1073 : i32 to index
      %get3A_1095 = arith.constant 16 : index
      %get3A_1096 = tpu.vector_load %arg8[%get3A_1094, %get3A_1095] {strides = array<i32>} : memref<125x80xi32, #tpu.memory_space<vmem>>, vector<1x16xi32>,
      %get3A_1097 = vector.shape_cast %get3A_1096 : vector<1x16xi32> to vector<16xi32>
      %shift_right_logical3A_1098 = arith.constant 14 : i32
      %shift_right_logical3A_1099 = vector.broadcast %shift_right_logical3A_1098 : i32 to vector<16xi32>
      %shift_right_logical3A_1100 = arith.shrui %get3A_1097, %shift_right_logical3A_1099 : vector<16xi32>
      %swap3A_1101 = arith.constant 16 : index
      %swap3A_1102 = tpu.vector_load %arg13[%swap3A_1101] {strides = array<i32>} : memref<80xi32, #tpu.memory_space<vmem>>, vector<16xi32>,
      %swap3A_1103 = vector.shape_cast %swap3A_1102 : vector<16xi32> to vector<16xi32>
      %swap3A_1104 = vector.shape_cast %shift_right_logical3A_1100 : vector<16xi32> to vector<16xi32>
      tpu.vector_store %arg13[%swap3A_1101], %swap3A_1104 {strides = array<i32>} : memref<80xi32, #tpu.memory_space<vmem>>, vector<16xi32>,
      %and3A_1105 = arith.constant 16383 : i32
      %and3A_1106 = vector.broadcast %and3A_1105 : i32 to vector<16xi32>
      %and3A_1107 = arith.andi %get3A_1097, %and3A_1106 : vector<16xi32>
      %add3A_1108 = vector.broadcast %mul3A_2 : i32 to vector<16xi32>
      %add3A_1109 = arith.addi %and3A_1107, %add3A_1108 : vector<16xi32>
      %swap3A_1110 = arith.constant 16 : index
      %swap3A_1111 = tpu.vector_load %arg10[%swap3A_1110] {strides = array<i32>} : memref<80xi32, #tpu.memory_space<vmem>>, vector<16xi32>,
      %swap3A_1112 = vector.shape_cast %swap3A_1111 : vector<16xi32> to vector<16xi32>
      %swap3A_1113 = vector.shape_cast %add3A_1109 : vector<16xi32> to vector<16xi32>
      tpu.vector_store %arg10[%swap3A_1110], %swap3A_1113 {strides = array<i32>} : memref<80xi32, #tpu.memory_space<vmem>>, vector<16xi32>,
      %get3A_1114 = arith.index_cast %add3A_1073 : i32 to index
      %get3A_1115 = arith.constant 32 : index
      %get3A_1116 = tpu.vector_load %arg8[%get3A_1114, %get3A_1115] {strides = array<i32>} : memref<125x80xi32, #tpu.memory_space<vmem>>, vector<1x16xi32>,
      %get3A_1117 = vector.shape_cast %get3A_1116 : vector<1x16xi32> to vector<16xi32>
      %shift_right_logical3A_1118 = arith.constant 14 : i32
      %shift_right_logical3A_1119 = vector.broadcast %shift_right_logical3A_1118 : i32 to vector<16xi32>
      %shift_right_logical3A_1120 = arith.shrui %get3A_1117, %shift_right_logical3A_1119 : vector<16xi32>
      %swap3A_1121 = arith.constant 32 : index
      %swap3A_1122 = tpu.vector_load %arg13[%swap3A_1121] {strides = array<i32>} : memref<80xi32, #tpu.memory_space<vmem>>, vector<16xi32>,
      %swap3A_1123 = vector.shape_cast %swap3A_1122 : vector<16xi32> to vector<16xi32>
      %swap3A_1124 = vector.shape_cast %shift_right_logical3A_1120 : vector<16xi32> to vector<16xi32>
      tpu.vector_store %arg13[%swap3A_1121], %swap3A_1124 {strides = array<i32>} : memref<80xi32, #tpu.memory_space<vmem>>, vector<16xi32>,
      %and3A_1125 = arith.constant 16383 : i32
      %and3A_1126 = vector.broadcast %and3A_1125 : i32 to vector<16xi32>
      %and3A_1127 = arith.andi %get3A_1117, %and3A_1126 : vector<16xi32>
      %add3A_1128 = vector.broadcast %mul3A_2 : i32 to vector<16xi32>
      %add3A_1129 = arith.addi %and3A_1127, %add3A_1128 : vector<16xi32>
      %swap3A_1130 = arith.constant 32 : index
      %swap3A_1131 = tpu.vector_load %arg10[%swap3A_1130] {strides = array<i32>} : memref<80xi32, #tpu.memory_space<vmem>>, vector<16xi32>,
      %swap3A_1132 = vector.shape_cast %swap3A_1131 : vector<16xi32> to vector<16xi32>
      %swap3A_1133 = vector.shape_cast %add3A_1129 : vector<16xi32> to vector<16xi32>
      tpu.vector_store %arg10[%swap3A_1130], %swap3A_1133 {strides = array<i32>} : memref<80xi32, #tpu.memory_space<vmem>>, vector<16xi32>,
      %get3A_1134 = arith.index_cast %add3A_1073 : i32 to index
      %get3A_1135 = arith.constant 48 : index
      %get3A_1136 = tpu.vector_load %arg8[%get3A_1134, %get3A_1135] {strides = array<i32>} : memref<125x80xi32, #tpu.memory_space<vmem>>, vector<1x16xi32>,
      %get3A_1137 = vector.shape_cast %get3A_1136 : vector<1x16xi32> to vector<16xi32>
      %shift_right_logical3A_1138 = arith.constant 14 : i32
      %shift_right_logical3A_1139 = vector.broadcast %shift_right_logical3A_1138 : i32 to vector<16xi32>
      %shift_right_logical3A_1140 = arith.shrui %get3A_1137, %shift_right_logical3A_1139 : vector<16xi32>
      %swap3A_1141 = arith.constant 48 : index
      %swap3A_1142 = tpu.vector_load %arg13[%swap3A_1141] {strides = array<i32>} : memref<80xi32, #tpu.memory_space<vmem>>, vector<16xi32>,
      %swap3A_1143 = vector.shape_cast %swap3A_1142 : vector<16xi32> to vector<16xi32>
      %swap3A_1144 = vector.shape_cast %shift_right_logical3A_1140 : vector<16xi32> to vector<16xi32>
      tpu.vector_store %arg13[%swap3A_1141], %swap3A_1144 {strides = array<i32>} : memref<80xi32, #tpu.memory_space<vmem>>, vector<16xi32>,
      %and3A_1145 = arith.constant 16383 : i32
      %and3A_1146 = vector.broadcast %and3A_1145 : i32 to vector<16xi32>
      %and3A_1147 = arith.andi %get3A_1137, %and3A_1146 : vector<16xi32>
      %add3A_1148 = vector.broadcast %mul3A_2 : i32 to vector<16xi32>
      %add3A_1149 = arith.addi %and3A_1147, %add3A_1148 : vector<16xi32>
      %swap3A_1150 = arith.constant 48 : index
      %swap3A_1151 = tpu.vector_load %arg10[%swap3A_1150] {strides = array<i32>} : memref<80xi32, #tpu.memory_space<vmem>>, vector<16xi32>,
      %swap3A_1152 = vector.shape_cast %swap3A_1151 : vector<16xi32> to vector<16xi32>
      %swap3A_1153 = vector.shape_cast %add3A_1149 : vector<16xi32> to vector<16xi32>
      tpu.vector_store %arg10[%swap3A_1150], %swap3A_1153 {strides = array<i32>} : memref<80xi32, #tpu.memory_space<vmem>>, vector<16xi32>,
      %get3A_1154 = arith.index_cast %add3A_1073 : i32 to index
      %get3A_1155 = arith.constant 64 : index
      %get3A_1156 = tpu.vector_load %arg8[%get3A_1154, %get3A_1155] {strides = array<i32>} : memref<125x80xi32, #tpu.memory_space<vmem>>, vector<1x16xi32>,
      %get3A_1157 = vector.shape_cast %get3A_1156 : vector<1x16xi32> to vector<16xi32>
      %shift_right_logical3A_1158 = arith.constant 14 : i32
      %shift_right_logical3A_1159 = vector.broadcast %shift_right_logical3A_1158 : i32 to vector<16xi32>
      %shift_right_logical3A_1160 = arith.shrui %get3A_1157, %shift_right_logical3A_1159 : vector<16xi32>
      %swap3A_1161 = arith.constant 64 : index
      %swap3A_1162 = tpu.vector_load %arg13[%swap3A_1161] {strides = array<i32>} : memref<80xi32, #tpu.memory_space<vmem>>, vector<16xi32>,
      %swap3A_1163 = vector.shape_cast %swap3A_1162 : vector<16xi32> to vector<16xi32>
      %swap3A_1164 = vector.shape_cast %shift_right_logical3A_1160 : vector<16xi32> to vector<16xi32>
      tpu.vector_store %arg13[%swap3A_1161], %swap3A_1164 {strides = array<i32>} : memref<80xi32, #tpu.memory_space<vmem>>, vector<16xi32>,
      %and3A_1165 = arith.constant 16383 : i32
      %and3A_1166 = vector.broadcast %and3A_1165 : i32 to vector<16xi32>
      %and3A_1167 = arith.andi %get3A_1157, %and3A_1166 : vector<16xi32>
      %add3A_1168 = vector.broadcast %mul3A_2 : i32 to vector<16xi32>
      %add3A_1169 = arith.addi %and3A_1167, %add3A_1168 : vector<16xi32>
      %swap3A_1170 = arith.constant 64 : index
      %swap3A_1171 = tpu.vector_load %arg10[%swap3A_1170] {strides = array<i32>} : memref<80xi32, #tpu.memory_space<vmem>>, vector<16xi32>,
      %swap3A_1172 = vector.shape_cast %swap3A_1171 : vector<16xi32> to vector<16xi32>
      %swap3A_1173 = vector.shape_cast %add3A_1169 : vector<16xi32> to vector<16xi32>
      tpu.vector_store %arg10[%swap3A_1170], %swap3A_1173 {strides = array<i32>} : memref<80xi32, #tpu.memory_space<vmem>>, vector<16xi32>,
      %dma_start3A_1174 = arith.constant 0 : i32
      %dma_start3A_1175 = arith.constant 0 : i32
      %dma_start3A_1176 = tpu.memref_slice %arg2[%dma_start3A_1174, %dma_start3A_1175] : memref<20000x128xf32, #tpu.memory_space<hbm>> -> memref<20000x128xf32, #tpu.memory_space<hbm>>
      tpu.enqueue_indirect_dma source(%dma_start3A_1176 : memref<20000x128xf32, #tpu.memory_space<hbm>>) target(%arg16 : memref<80x128xf32, #tpu.memory_space<vmem>>) offsets(%arg10 : memref<80xi32, #tpu.memory_space<vmem>>) semaphore(%arg24 : memref<!tpu.dma_semaphore, #tpu.memory_space<semaphore_mem>>)
      %dma_start3A_1177 = arith.constant 0 : i32
      %dma_start3A_1178 = tpu.memref_slice %arg3[%dma_start3A_1177] : memref<20000xf32, #tpu.memory_space<hbm>> -> memref<20000xf32, #tpu.memory_space<hbm>>
      tpu.enqueue_indirect_dma source(%dma_start3A_1178 : memref<20000xf32, #tpu.memory_space<hbm>>) target(%arg19 : memref<80xf32, #tpu.memory_space<vmem>>) offsets(%arg10 : memref<80xi32, #tpu.memory_space<vmem>>) semaphore(%arg27 : memref<!tpu.dma_semaphore, #tpu.memory_space<semaphore_mem>>)
      %dma_wait3A_1179 = arith.constant 0 : i32
      %dma_wait3A_1180 = arith.constant 0 : i32
      %dma_wait3A_1181 = tpu.memref_slice %arg2[%dma_wait3A_1179, %dma_wait3A_1180] : memref<20000x128xf32, #tpu.memory_space<hbm>> -> memref<20000x128xf32, #tpu.memory_space<hbm>>
      tpu.wait_indirect_dma semaphore(%arg25 : memref<!tpu.dma_semaphore, #tpu.memory_space<semaphore_mem>>) src(%dma_wait3A_1181 : memref<20000x128xf32, #tpu.memory_space<hbm>>) dst(%arg17 : memref<80x128xf32, #tpu.memory_space<vmem>>)
      %dma_wait3A_1182 = arith.constant 0 : i32
      %dma_wait3A_1183 = tpu.memref_slice %arg3[%dma_wait3A_1182] : memref<20000xf32, #tpu.memory_space<hbm>> -> memref<20000xf32, #tpu.memory_space<hbm>>
      tpu.wait_indirect_dma semaphore(%arg28 : memref<!tpu.dma_semaphore, #tpu.memory_space<semaphore_mem>>) src(%dma_wait3A_1183 : memref<20000xf32, #tpu.memory_space<hbm>>) dst(%arg20 : memref<80xf32, #tpu.memory_space<vmem>>)
      %dma_start3A_1184 = arith.constant 0 : i32
      %dma_start3A_1185 = arith.constant 0 : i32
      %dma_start3A_1186 = tpu.memref_slice %arg22[%dma_start3A_1184, %dma_start3A_1185] : memref<10240x128xf32, #tpu.memory_space<vmem_shared>> -> memref<10240x128xf32, #tpu.memory_space<vmem_shared>>
      tpu.enqueue_indirect_dma source(%arg17 : memref<80x128xf32, #tpu.memory_space<vmem>>) target(%dma_start3A_1186 : memref<10240x128xf32, #tpu.memory_space<vmem_shared>>) offsets(%arg14 : memref<80xi32, #tpu.memory_space<vmem>>) semaphore(%arg31 : memref<!tpu.dma_semaphore, #tpu.memory_space<semaphore_mem>>) {add = true}
      %get3A_1187 = arith.constant 0 : index
      %get3A_1188 = tpu.vector_load %arg21[%get3A_1187] {strides = array<i32>} : memref<16xf32, #tpu.memory_space<vmem>>, vector<16xf32>,
      %get3A_1189 = vector.shape_cast %get3A_1188 : vector<16xf32> to vector<16xf32>
      %get3A_1190 = arith.constant 0 : index
      %get3A_1191 = tpu.vector_load %arg20[%get3A_1190] {strides = array<i32>} : memref<80xf32, #tpu.memory_space<vmem>>, vector<16xf32>,
      %get3A_1192 = vector.shape_cast %get3A_1191 : vector<16xf32> to vector<16xf32>
      %add3A_1193 = arith.addf %get3A_1189, %get3A_1192 : vector<16xf32>
      %get3A_1194 = arith.constant 16 : index
      %get3A_1195 = tpu.vector_load %arg20[%get3A_1194] {strides = array<i32>} : memref<80xf32, #tpu.memory_space<vmem>>, vector<16xf32>,
      %get3A_1196 = vector.shape_cast %get3A_1195 : vector<16xf32> to vector<16xf32>
      %add3A_1197 = arith.addf %add3A_1193, %get3A_1196 : vector<16xf32>
      %get3A_1198 = arith.constant 32 : index
      %get3A_1199 = tpu.vector_load %arg20[%get3A_1198] {strides = array<i32>} : memref<80xf32, #tpu.memory_space<vmem>>, vector<16xf32>,
      %get3A_1200 = vector.shape_cast %get3A_1199 : vector<16xf32> to vector<16xf32>
      %add3A_1201 = arith.addf %add3A_1197, %get3A_1200 : vector<16xf32>
      %get3A_1202 = arith.constant 48 : index
      %get3A_1203 = tpu.vector_load %arg20[%get3A_1202] {strides = array<i32>} : memref<80xf32, #tpu.memory_space<vmem>>, vector<16xf32>,
      %get3A_1204 = vector.shape_cast %get3A_1203 : vector<16xf32> to vector<16xf32>
      %add3A_1205 = arith.addf %add3A_1201, %get3A_1204 : vector<16xf32>
      %get3A_1206 = arith.constant 64 : index
      %get3A_1207 = tpu.vector_load %arg20[%get3A_1206] {strides = array<i32>} : memref<80xf32, #tpu.memory_space<vmem>>, vector<16xf32>,
      %get3A_1208 = vector.shape_cast %get3A_1207 : vector<16xf32> to vector<16xf32>
      %add3A_1209 = arith.addf %add3A_1205, %get3A_1208 : vector<16xf32>
      %swap3A_1210 = arith.constant 0 : index
      %swap3A_1211 = tpu.vector_load %arg21[%swap3A_1210] {strides = array<i32>} : memref<16xf32, #tpu.memory_space<vmem>>, vector<16xf32>,
      %swap3A_1212 = vector.shape_cast %swap3A_1211 : vector<16xf32> to vector<16xf32>
      %swap3A_1213 = vector.shape_cast %add3A_1209 : vector<16xf32> to vector<16xf32>
      tpu.vector_store %arg21[%swap3A_1210], %swap3A_1213 {strides = array<i32>} : memref<16xf32, #tpu.memory_space<vmem>>, vector<16xf32>,
    }
    %scan3A_673 = arith.constant 40 : i32
    %dma_wait3A_674 = arith.constant 0 : i32
    %dma_wait3A_675 = arith.constant 0 : i32
    %dma_wait3A_676 = tpu.memref_slice %arg22[%dma_wait3A_674, %dma_wait3A_675] : memref<10240x128xf32, #tpu.memory_space<vmem_shared>> -> memref<10240x128xf32, #tpu.memory_space<vmem_shared>>
    tpu.wait_indirect_dma semaphore(%arg31 : memref<!tpu.dma_semaphore, #tpu.memory_space<semaphore_mem>>) src(%arg17 : memref<80x128xf32, #tpu.memory_space<vmem>>) dst(%dma_wait3A_676 : memref<10240x128xf32, #tpu.memory_space<vmem_shared>>)
    %dma_wait3A_677 = arith.constant 0 : i32
    %dma_wait3A_678 = arith.constant 0 : i32
    %dma_wait3A_679 = tpu.memref_slice %arg2[%dma_wait3A_677, %dma_wait3A_678] : memref<20000x128xf32, #tpu.memory_space<hbm>> -> memref<20000x128xf32, #tpu.memory_space<hbm>>
    tpu.wait_indirect_dma semaphore(%arg23 : memref<!tpu.dma_semaphore, #tpu.memory_space<semaphore_mem>>) src(%dma_wait3A_679 : memref<20000x128xf32, #tpu.memory_space<hbm>>) dst(%arg15 : memref<80x128xf32, #tpu.memory_space<vmem>>)
    %dma_wait3A_680 = arith.constant 0 : i32
    %dma_wait3A_681 = tpu.memref_slice %arg3[%dma_wait3A_680] : memref<20000xf32, #tpu.memory_space<hbm>> -> memref<20000xf32, #tpu.memory_space<hbm>>
    tpu.wait_indirect_dma semaphore(%arg26 : memref<!tpu.dma_semaphore, #tpu.memory_space<semaphore_mem>>) src(%dma_wait3A_681 : memref<20000xf32, #tpu.memory_space<hbm>>) dst(%arg18 : memref<80xf32, #tpu.memory_space<vmem>>)
    %dma_start3A_682 = arith.constant 0 : i32
    %dma_start3A_683 = arith.constant 0 : i32
    %dma_start3A_684 = tpu.memref_slice %arg22[%dma_start3A_682, %dma_start3A_683] : memref<10240x128xf32, #tpu.memory_space<vmem_shared>> -> memref<10240x128xf32, #tpu.memory_space<vmem_shared>>
    tpu.enqueue_indirect_dma source(%arg15 : memref<80x128xf32, #tpu.memory_space<vmem>>) target(%dma_start3A_684 : memref<10240x128xf32, #tpu.memory_space<vmem_shared>>) offsets(%arg12 : memref<80xi32, #tpu.memory_space<vmem>>) semaphore(%arg29 : memref<!tpu.dma_semaphore, #tpu.memory_space<semaphore_mem>>) {add = true}
    %get3A_685 = arith.constant 0 : index
    %get3A_686 = tpu.vector_load %arg21[%get3A_685] {strides = array<i32>} : memref<16xf32, #tpu.memory_space<vmem>>, vector<16xf32>,
    %get3A_687 = vector.shape_cast %get3A_686 : vector<16xf32> to vector<16xf32>
    %get3A_688 = arith.constant 0 : index
    %get3A_689 = tpu.vector_load %arg18[%get3A_688] {strides = array<i32>} : memref<80xf32, #tpu.memory_space<vmem>>, vector<16xf32>,
    %get3A_690 = vector.shape_cast %get3A_689 : vector<16xf32> to vector<16xf32>
    %add3A_691 = arith.addf %get3A_687, %get3A_690 : vector<16xf32>
    %get3A_692 = arith.constant 16 : index
    %get3A_693 = tpu.vector_load %arg18[%get3A_692] {strides = array<i32>} : memref<80xf32, #tpu.memory_space<vmem>>, vector<16xf32>,
    %get3A_694 = vector.shape_cast %get3A_693 : vector<16xf32> to vector<16xf32>
    %add3A_695 = arith.addf %add3A_691, %get3A_694 : vector<16xf32>
    %get3A_696 = arith.constant 32 : index
    %get3A_697 = tpu.vector_load %arg18[%get3A_696] {strides = array<i32>} : memref<80xf32, #tpu.memory_space<vmem>>, vector<16xf32>,
    %get3A_698 = vector.shape_cast %get3A_697 : vector<16xf32> to vector<16xf32>
    %add3A_699 = arith.addf %add3A_695, %get3A_698 : vector<16xf32>
    %get3A_700 = arith.constant 48 : index
    %get3A_701 = tpu.vector_load %arg18[%get3A_700] {strides = array<i32>} : memref<80xf32, #tpu.memory_space<vmem>>, vector<16xf32>,
    %get3A_702 = vector.shape_cast %get3A_701 : vector<16xf32> to vector<16xf32>
    %add3A_703 = arith.addf %add3A_699, %get3A_702 : vector<16xf32>
    %get3A_704 = arith.constant 64 : index
    %get3A_705 = tpu.vector_load %arg18[%get3A_704] {strides = array<i32>} : memref<80xf32, #tpu.memory_space<vmem>>, vector<16xf32>,
    %get3A_706 = vector.shape_cast %get3A_705 : vector<16xf32> to vector<16xf32>
    %add3A_707 = arith.addf %add3A_703, %get3A_706 : vector<16xf32>
    %swap3A_708 = arith.constant 0 : index
    %swap3A_709 = tpu.vector_load %arg21[%swap3A_708] {strides = array<i32>} : memref<16xf32, #tpu.memory_space<vmem>>, vector<16xf32>,
    %swap3A_710 = vector.shape_cast %swap3A_709 : vector<16xf32> to vector<16xf32>
    %swap3A_711 = vector.shape_cast %add3A_707 : vector<16xf32> to vector<16xf32>
    tpu.vector_store %arg21[%swap3A_708], %swap3A_711 {strides = array<i32>} : memref<16xf32, #tpu.memory_space<vmem>>, vector<16xf32>,
    %dma_wait3A_712 = arith.constant 0 : i32
    %dma_wait3A_713 = arith.constant 0 : i32
    %dma_wait3A_714 = tpu.memref_slice %arg22[%dma_wait3A_712, %dma_wait3A_713] : memref<10240x128xf32, #tpu.memory_space<vmem_shared>> -> memref<10240x128xf32, #tpu.memory_space<vmem_shared>>
    tpu.wait_indirect_dma semaphore(%arg29 : memref<!tpu.dma_semaphore, #tpu.memory_space<semaphore_mem>>) src(%arg15 : memref<80x128xf32, #tpu.memory_space<vmem>>) dst(%dma_wait3A_714 : memref<10240x128xf32, #tpu.memory_space<vmem_shared>>)
    %dma_wait3A_715 = arith.constant 0 : i32
    %dma_wait3A_716 = arith.constant 0 : i32
    %dma_wait3A_717 = tpu.memref_slice %arg2[%dma_wait3A_715, %dma_wait3A_716] : memref<20000x128xf32, #tpu.memory_space<hbm>> -> memref<20000x128xf32, #tpu.memory_space<hbm>>
    tpu.wait_indirect_dma semaphore(%arg24 : memref<!tpu.dma_semaphore, #tpu.memory_space<semaphore_mem>>) src(%dma_wait3A_717 : memref<20000x128xf32, #tpu.memory_space<hbm>>) dst(%arg16 : memref<80x128xf32, #tpu.memory_space<vmem>>)
    %dma_wait3A_718 = arith.constant 0 : i32
    %dma_wait3A_719 = tpu.memref_slice %arg3[%dma_wait3A_718] : memref<20000xf32, #tpu.memory_space<hbm>> -> memref<20000xf32, #tpu.memory_space<hbm>>
    tpu.wait_indirect_dma semaphore(%arg27 : memref<!tpu.dma_semaphore, #tpu.memory_space<semaphore_mem>>) src(%dma_wait3A_719 : memref<20000xf32, #tpu.memory_space<hbm>>) dst(%arg19 : memref<80xf32, #tpu.memory_space<vmem>>)
    %dma_start3A_720 = arith.constant 0 : i32
    %dma_start3A_721 = arith.constant 0 : i32
    %dma_start3A_722 = tpu.memref_slice %arg22[%dma_start3A_720, %dma_start3A_721] : memref<10240x128xf32, #tpu.memory_space<vmem_shared>> -> memref<10240x128xf32, #tpu.memory_space<vmem_shared>>
    tpu.enqueue_indirect_dma source(%arg16 : memref<80x128xf32, #tpu.memory_space<vmem>>) target(%dma_start3A_722 : memref<10240x128xf32, #tpu.memory_space<vmem_shared>>) offsets(%arg13 : memref<80xi32, #tpu.memory_space<vmem>>) semaphore(%arg30 : memref<!tpu.dma_semaphore, #tpu.memory_space<semaphore_mem>>) {add = true}
    %get3A_723 = arith.constant 0 : index
    %get3A_724 = tpu.vector_load %arg21[%get3A_723] {strides = array<i32>} : memref<16xf32, #tpu.memory_space<vmem>>, vector<16xf32>,
    %get3A_725 = vector.shape_cast %get3A_724 : vector<16xf32> to vector<16xf32>
    %get3A_726 = arith.constant 0 : index
    %get3A_727 = tpu.vector_load %arg19[%get3A_726] {strides = array<i32>} : memref<80xf32, #tpu.memory_space<vmem>>, vector<16xf32>,
    %get3A_728 = vector.shape_cast %get3A_727 : vector<16xf32> to vector<16xf32>
    %add3A_729 = arith.addf %get3A_725, %get3A_728 : vector<16xf32>
    %get3A_730 = arith.constant 16 : index
    %get3A_731 = tpu.vector_load %arg19[%get3A_730] {strides = array<i32>} : memref<80xf32, #tpu.memory_space<vmem>>, vector<16xf32>,
    %get3A_732 = vector.shape_cast %get3A_731 : vector<16xf32> to vector<16xf32>
    %add3A_733 = arith.addf %add3A_729, %get3A_732 : vector<16xf32>
    %get3A_734 = arith.constant 32 : index
    %get3A_735 = tpu.vector_load %arg19[%get3A_734] {strides = array<i32>} : memref<80xf32, #tpu.memory_space<vmem>>, vector<16xf32>,
    %get3A_736 = vector.shape_cast %get3A_735 : vector<16xf32> to vector<16xf32>
    %add3A_737 = arith.addf %add3A_733, %get3A_736 : vector<16xf32>
    %get3A_738 = arith.constant 48 : index
    %get3A_739 = tpu.vector_load %arg19[%get3A_738] {strides = array<i32>} : memref<80xf32, #tpu.memory_space<vmem>>, vector<16xf32>,
    %get3A_740 = vector.shape_cast %get3A_739 : vector<16xf32> to vector<16xf32>
    %add3A_741 = arith.addf %add3A_737, %get3A_740 : vector<16xf32>
    %get3A_742 = arith.constant 64 : index
    %get3A_743 = tpu.vector_load %arg19[%get3A_742] {strides = array<i32>} : memref<80xf32, #tpu.memory_space<vmem>>, vector<16xf32>,
    %get3A_744 = vector.shape_cast %get3A_743 : vector<16xf32> to vector<16xf32>
    %add3A_745 = arith.addf %add3A_741, %get3A_744 : vector<16xf32>
    %swap3A_746 = arith.constant 0 : index
    %swap3A_747 = tpu.vector_load %arg21[%swap3A_746] {strides = array<i32>} : memref<16xf32, #tpu.memory_space<vmem>>, vector<16xf32>,
    %swap3A_748 = vector.shape_cast %swap3A_747 : vector<16xf32> to vector<16xf32>
    %swap3A_749 = vector.shape_cast %add3A_745 : vector<16xf32> to vector<16xf32>
    tpu.vector_store %arg21[%swap3A_746], %swap3A_749 {strides = array<i32>} : memref<16xf32, #tpu.memory_space<vmem>>, vector<16xf32>,
    %dma_wait3A_750 = arith.constant 0 : i32
    %dma_wait3A_751 = arith.constant 0 : i32
    %dma_wait3A_752 = tpu.memref_slice %arg22[%dma_wait3A_750, %dma_wait3A_751] : memref<10240x128xf32, #tpu.memory_space<vmem_shared>> -> memref<10240x128xf32, #tpu.memory_space<vmem_shared>>
    tpu.wait_indirect_dma semaphore(%arg30 : memref<!tpu.dma_semaphore, #tpu.memory_space<semaphore_mem>>) src(%arg16 : memref<80x128xf32, #tpu.memory_space<vmem>>) dst(%dma_wait3A_752 : memref<10240x128xf32, #tpu.memory_space<vmem_shared>>)
    %barrier3A_753 = arith.constant 0 : index
    tpu.barrier barrier_id(%barrier3A_753)
    %mul3A_754 = arith.constant 640 : i32
    %mul3A_755 = arith.muli %arg1, %mul3A_754 : i32
    %mul3A_756 = arith.constant 640 : i32
    %mul3A_757 = arith.muli %arg1, %mul3A_756 : i32
    %add3A_758 = arith.addi %mul3A_4, %mul3A_757 : i32
    "tpu.region"() ({
      %run_scoped3A = tpu.sem_alloc : memref<!tpu.dma_semaphore, #tpu.memory_space<semaphore_mem>>
      %dma_start3A_761 = arith.constant 0 : i32
      %dma_start3A_762 = tpu.memref_slice %arg6[%add3A_758, %dma_start3A_761] : memref<20480x128xf32, #tpu.memory_space<hbm>> -> memref<640x128xf32, #tpu.memory_space<hbm>>
      %dma_start3A_763 = arith.constant 0 : i32
      %dma_start3A_764 = tpu.memref_slice %arg22[%mul3A_755, %dma_start3A_763] : memref<10240x128xf32, #tpu.memory_space<vmem_shared>> -> memref<640x128xf32, #tpu.memory_space<vmem_shared>>
      tpu.enqueue_dma source(%dma_start3A_764 : memref<640x128xf32, #tpu.memory_space<vmem_shared>>) target(%dma_start3A_762 : memref<640x128xf32, #tpu.memory_space<hbm>>) target_semaphore(%run_scoped3A : memref<!tpu.dma_semaphore, #tpu.memory_space<semaphore_mem>>)
      %dma_wait3A_765 = arith.constant 0 : i32
      %dma_wait3A_766 = tpu.memref_slice %arg6[%add3A_758, %dma_wait3A_765] : memref<20480x128xf32, #tpu.memory_space<hbm>> -> memref<640x128xf32, #tpu.memory_space<hbm>>
      %dma_wait3A_767 = arith.constant 0 : i32
      %dma_wait3A_768 = tpu.memref_slice %arg22[%mul3A_755, %dma_wait3A_767] : memref<10240x128xf32, #tpu.memory_space<vmem_shared>> -> memref<640x128xf32, #tpu.memory_space<vmem_shared>>
      tpu.wait_dma2 semaphore(%run_scoped3A : memref<!tpu.dma_semaphore, #tpu.memory_space<semaphore_mem>>) src(%dma_wait3A_768 : memref<640x128xf32, #tpu.memory_space<vmem_shared>>) dst(%dma_wait3A_766 : memref<640x128xf32, #tpu.memory_space<hbm>>)
      tpu.yield
    }) : () -> ()
    %mul3A_759 = arith.constant 16 : i32
    %mul3A_760 = arith.muli %add3A, %mul3A_759 : i32
    "tpu.region"() ({
      %run_scoped3A = tpu.sem_alloc : memref<!tpu.dma_semaphore, #tpu.memory_space<semaphore_mem>>
      %dma_start3A_761 = tpu.memref_slice %arg7[%mul3A_760] : memref<512xf32, #tpu.memory_space<hbm>> -> memref<16xf32, #tpu.memory_space<hbm>>
      %dma_start3A_762 = tpu.memref_slice %arg7[%mul3A_760] : memref<512xf32, #tpu.memory_space<hbm>> -> memref<16xf32, #tpu.memory_space<hbm>>
      tpu.enqueue_dma source(%arg21 : memref<16xf32, #tpu.memory_space<vmem>>) target(%dma_start3A_762 : memref<16xf32, #tpu.memory_space<hbm>>) target_semaphore(%run_scoped3A : memref<!tpu.dma_semaphore, #tpu.memory_space<semaphore_mem>>)
      %dma_wait3A_763 = tpu.memref_slice %arg7[%mul3A_760] : memref<512xf32, #tpu.memory_space<hbm>> -> memref<16xf32, #tpu.memory_space<hbm>>
      %dma_wait3A_764 = tpu.memref_slice %arg7[%mul3A_760] : memref<512xf32, #tpu.memory_space<hbm>> -> memref<16xf32, #tpu.memory_space<hbm>>
      tpu.wait_dma2 semaphore(%run_scoped3A : memref<!tpu.dma_semaphore, #tpu.memory_space<semaphore_mem>>) src(%arg21 : memref<16xf32, #tpu.memory_space<vmem>>) dst(%dma_wait3A_764 : memref<16xf32, #tpu.memory_space<hbm>>)
      tpu.yield
    }) : () -> ()
    return
  }
}

module attributes {stable_mosaic.version = 14 : i64} {
  func.func @_weight_body(%arg0: i32, %arg1: memref<2000x256xf32, #tpu.memory_space<vmem>>, %arg2: memref<2000x1xf32, #tpu.memory_space<vmem>>, %arg3: memref<1x1xf32, #tpu.memory_space<vmem>>, %arg4: memref<2x2000x128xf32, #tpu.memory_space<vmem>>, %arg5: memref<2x2000x1xf32, #tpu.memory_space<vmem>>) attributes {dimension_semantics = [#tpu.dimension_semantics<arbitrary>], iteration_bounds = array<i64: 5>, scalar_prefetch = 0 : i64, scratch_operands = 0 : i64, tpu.core_type = #tpu.core_type<tc>, window_params = [{transform_indices = @transform_0, window_bounds = array<i64: 2000, 256>}, {transform_indices = @transform_1, window_bounds = array<i64: 2000, 1>}, {pipeline_mode = #tpu.pipeline_mode<synchronous>, transform_indices = @transform_2, window_bounds = array<i64: 1, 1>}, {transform_indices = @transform_3, window_bounds = array<i64: 2, 2000, 128>}, {transform_indices = @transform_4, window_bounds = array<i64: 2, 2000, 1>}]} {
    %get3A = arith.constant 0 : index
    %get3A_0 = arith.constant 0 : index
    %get3A_1 = vector.load %arg2[%get3A, %get3A_0] : memref<2000x1xf32, #tpu.memory_space<vmem>>, vector<2000x1xf32>
    %get3A_2 = arith.constant 0 : index
    %get3A_3 = arith.constant 0 : index
    %get3A_4 = vector.load %arg3[%get3A_2, %get3A_3] : memref<1x1xf32, #tpu.memory_space<vmem>>, vector<1x1xf32>
    %get3A_5 = vector.extract %get3A_4[0, 0] : f32 from vector<1x1xf32>
    %sub3A = vector.broadcast %get3A_5 : f32 to vector<2000x1xf32>
    %sub3A_6 = arith.subf %get3A_1, %sub3A : vector<2000x1xf32>
    %exp3A = math.exp %sub3A_6 : vector<2000x1xf32>
    %swap3A = arith.constant 0 : index
    %swap3A_7 = arith.constant 0 : index
    %swap3A_8 = arith.constant 0 : index
    %swap3A_9 = vector.load %arg5[%swap3A, %swap3A_7, %swap3A_8] : memref<2x2000x1xf32, #tpu.memory_space<vmem>>, vector<1x2000x1xf32>
    %swap3A_10 = vector.shape_cast %swap3A_9 : vector<1x2000x1xf32> to vector<2000x1xf32>
    %swap3A_11 = vector.shape_cast %exp3A : vector<2000x1xf32> to vector<1x2000x1xf32>
    tpu.vector_store %arg5[%swap3A, %swap3A_7, %swap3A_8], %swap3A_11 {strides = array<i32>} : memref<2x2000x1xf32, #tpu.memory_space<vmem>>, vector<1x2000x1xf32>,
    %swap3A_12 = arith.constant 1 : index
    %swap3A_13 = arith.constant 0 : index
    %swap3A_14 = arith.constant 0 : index
    %swap3A_15 = vector.load %arg5[%swap3A_12, %swap3A_13, %swap3A_14] : memref<2x2000x1xf32, #tpu.memory_space<vmem>>, vector<1x2000x1xf32>
    %swap3A_16 = vector.shape_cast %swap3A_15 : vector<1x2000x1xf32> to vector<2000x1xf32>
    %swap3A_17 = vector.shape_cast %exp3A : vector<2000x1xf32> to vector<1x2000x1xf32>
    tpu.vector_store %arg5[%swap3A_12, %swap3A_13, %swap3A_14], %swap3A_17 {strides = array<i32>} : memref<2x2000x1xf32, #tpu.memory_space<vmem>>, vector<1x2000x1xf32>,
    %get3A_18 = arith.constant 0 : index
    %get3A_19 = arith.constant 0 : index
    %get3A_20 = vector.load %arg1[%get3A_18, %get3A_19] : memref<2000x256xf32, #tpu.memory_space<vmem>>, vector<2000x256xf32>
    %mul3A = vector.broadcast %exp3A : vector<2000x1xf32> to vector<2000x256xf32>
    %mul3A_21 = arith.mulf %get3A_20, %mul3A : vector<2000x256xf32>
    %slice3A = vector.extract_strided_slice %mul3A_21 {offsets = [0, 0], sizes = [2000, 128], strides = [1, 1]} : vector<2000x256xf32> to vector<2000x128xf32>
    %swap3A_22 = arith.constant 0 : index
    %swap3A_23 = arith.constant 0 : index
    %swap3A_24 = arith.constant 0 : index
    %swap3A_25 = vector.load %arg4[%swap3A_22, %swap3A_23, %swap3A_24] : memref<2x2000x128xf32, #tpu.memory_space<vmem>>, vector<1x2000x128xf32>
    %swap3A_26 = vector.shape_cast %swap3A_25 : vector<1x2000x128xf32> to vector<2000x128xf32>
    %swap3A_27 = vector.shape_cast %slice3A : vector<2000x128xf32> to vector<1x2000x128xf32>
    tpu.vector_store %arg4[%swap3A_22, %swap3A_23, %swap3A_24], %swap3A_27 {strides = array<i32>} : memref<2x2000x128xf32, #tpu.memory_space<vmem>>, vector<1x2000x128xf32>,
    %slice3A_28 = vector.extract_strided_slice %mul3A_21 {offsets = [0, 128], sizes = [2000, 128], strides = [1, 1]} : vector<2000x256xf32> to vector<2000x128xf32>
    %swap3A_29 = arith.constant 1 : index
    %swap3A_30 = arith.constant 0 : index
    %swap3A_31 = arith.constant 0 : index
    %swap3A_32 = vector.load %arg4[%swap3A_29, %swap3A_30, %swap3A_31] : memref<2x2000x128xf32, #tpu.memory_space<vmem>>, vector<1x2000x128xf32>
    %swap3A_33 = vector.shape_cast %swap3A_32 : vector<1x2000x128xf32> to vector<2000x128xf32>
    %swap3A_34 = vector.shape_cast %slice3A_28 : vector<2000x128xf32> to vector<1x2000x128xf32>
    tpu.vector_store %arg4[%swap3A_29, %swap3A_30, %swap3A_31], %swap3A_34 {strides = array<i32>} : memref<2x2000x128xf32, #tpu.memory_space<vmem>>, vector<1x2000x128xf32>,
    return
  }
  func.func @transform_0(%arg0: i32) -> (i32, i32) {
    %c0_i32 = arith.constant 0 : i32
    %c0_i32_0 = arith.constant 0 : i32
    return %arg0, %c0_i32 : i32, i32
  }
  func.func @transform_1(%arg0: i32) -> (i32, i32) {
    %c0_i32 = arith.constant 0 : i32
    %c0_i32_0 = arith.constant 0 : i32
    return %arg0, %c0_i32 : i32, i32
  }
  func.func @transform_2(%arg0: i32) -> (i32, i32) {
    %c0_i32 = arith.constant 0 : i32
    %c0_i32_0 = arith.constant 0 : i32
    %c0_i32_1 = arith.constant 0 : i32
    return %c0_i32, %c0_i32_0 : i32, i32
  }
  func.func @transform_3(%arg0: i32) -> (i32, i32, i32) {
    %c0_i32 = arith.constant 0 : i32
    %c0_i32_0 = arith.constant 0 : i32
    %c0_i32_1 = arith.constant 0 : i32
    return %c0_i32, %arg0, %c0_i32_0 : i32, i32, i32
  }
  func.func @transform_4(%arg0: i32) -> (i32, i32, i32) {
    %c0_i32 = arith.constant 0 : i32
    %c0_i32_0 = arith.constant 0 : i32
    %c0_i32_1 = arith.constant 0 : i32
    return %c0_i32, %arg0, %c0_i32_0 : i32, i32, i32
  }
}

module attributes {stable_mosaic.version = 14 : i64} {
  func.func @_transform_body(%arg0: i32, %arg1: memref<2000x256xf32, #tpu.memory_space<vmem>>, %arg2: memref<256x256xf32, #tpu.memory_space<vmem>>, %arg3: memref<1x256xf32, #tpu.memory_space<vmem>>, %arg4: memref<256x1xf32, #tpu.memory_space<vmem>>, %arg5: memref<1x1xf32, #tpu.memory_space<vmem>>, %arg6: memref<2000x256xf32, #tpu.memory_space<vmem>>, %arg7: memref<2000x1xf32, #tpu.memory_space<vmem>>, %arg8: memref<1x1xf32, #tpu.memory_space<vmem>>, %arg9: memref<1x1xf32, #tpu.memory_space<smem>>) attributes {dimension_semantics = [#tpu.dimension_semantics<arbitrary>], iteration_bounds = array<i64: 5>, scalar_prefetch = 0 : i64, scratch_operands = 1 : i64, tpu.core_type = #tpu.core_type<tc>, window_params = [{transform_indices = @transform_0, window_bounds = array<i64: 2000, 256>}, {pipeline_mode = #tpu.pipeline_mode<synchronous>, transform_indices = @transform_1, window_bounds = array<i64: 256, 256>}, {pipeline_mode = #tpu.pipeline_mode<synchronous>, transform_indices = @transform_2, window_bounds = array<i64: 1, 256>}, {pipeline_mode = #tpu.pipeline_mode<synchronous>, transform_indices = @transform_3, window_bounds = array<i64: 256, 1>}, {pipeline_mode = #tpu.pipeline_mode<synchronous>, transform_indices = @transform_4, window_bounds = array<i64: 1, 1>}, {transform_indices = @transform_5, window_bounds = array<i64: 2000, 256>}, {transform_indices = @transform_6, window_bounds = array<i64: 2000, 1>}, {pipeline_mode = #tpu.pipeline_mode<synchronous>, transform_indices = @transform_7, window_bounds = array<i64: 1, 1>}]} {
    %get3A = arith.constant 0 : index
    %get3A_0 = arith.constant 0 : index
    %get3A_1 = vector.load %arg1[%get3A, %get3A_0] : memref<2000x256xf32, #tpu.memory_space<vmem>>, vector<2000x256xf32>
    %get3A_2 = arith.constant 0 : index
    %get3A_3 = arith.constant 0 : index
    %get3A_4 = vector.load %arg2[%get3A_2, %get3A_3] : memref<256x256xf32, #tpu.memory_space<vmem>>, vector<256x256xf32>
    %dot_general3A = arith.constant dense<0.000000e+00> : vector<2000x256xf32>
    %dot_general3A_5 = tpu.matmul %get3A_1, %get3A_4, %dot_general3A {dimension_numbers = #tpu.dot_dimension_numbers<[1], [0], [0], [1], [0, 0, 1, 1], [], []>, transpose_lhs_hint = false} : vector<2000x256xf32>, vector<256x256xf32>, vector<2000x256xf32> -> vector<2000x256xf32>
    %get3A_6 = arith.constant 0 : index
    %get3A_7 = arith.constant 0 : index
    %get3A_8 = vector.load %arg3[%get3A_6, %get3A_7] : memref<1x256xf32, #tpu.memory_space<vmem>>, vector<1x256xf32>
    %add3A = vector.broadcast %get3A_8 : vector<1x256xf32> to vector<2000x256xf32>
    %add3A_9 = arith.addf %dot_general3A_5, %add3A : vector<2000x256xf32>
    %swap3A = arith.constant 0 : index
    %swap3A_10 = arith.constant 0 : index
    %swap3A_11 = vector.load %arg6[%swap3A, %swap3A_10] : memref<2000x256xf32, #tpu.memory_space<vmem>>, vector<2000x256xf32>
    tpu.vector_store %arg6[%swap3A, %swap3A_10], %add3A_9 {strides = array<i32>} : memref<2000x256xf32, #tpu.memory_space<vmem>>, vector<2000x256xf32>,
    %get3A_12 = arith.constant 0 : index
    %get3A_13 = arith.constant 0 : index
    %get3A_14 = vector.load %arg4[%get3A_12, %get3A_13] : memref<256x1xf32, #tpu.memory_space<vmem>>, vector<256x1xf32>
    %dot_general3A_15 = arith.constant dense<0.000000e+00> : vector<2000x1xf32>
    %dot_general3A_16 = tpu.matmul %add3A_9, %get3A_14, %dot_general3A_15 {dimension_numbers = #tpu.dot_dimension_numbers<[1], [0], [0], [1], [0, 0, 1, 1], [], []>, transpose_lhs_hint = false} : vector<2000x256xf32>, vector<256x1xf32>, vector<2000x1xf32> -> vector<2000x1xf32>
    %get3A_17 = arith.constant 0 : index
    %get3A_18 = arith.constant 0 : index
    %get3A_19 = vector.load %arg5[%get3A_17, %get3A_18] : memref<1x1xf32, #tpu.memory_space<vmem>>, vector<1x1xf32>
    %add3A_20 = vector.broadcast %get3A_19 : vector<1x1xf32> to vector<2000x1xf32>
    %add3A_21 = arith.addf %dot_general3A_16, %add3A_20 : vector<2000x1xf32>
    %swap3A_22 = arith.constant 0 : index
    %swap3A_23 = arith.constant 0 : index
    %swap3A_24 = vector.load %arg7[%swap3A_22, %swap3A_23] : memref<2000x1xf32, #tpu.memory_space<vmem>>, vector<2000x1xf32>
    tpu.vector_store %arg7[%swap3A_22, %swap3A_23], %add3A_21 {strides = array<i32>} : memref<2000x1xf32, #tpu.memory_space<vmem>>, vector<2000x1xf32>,
    %reduce_max3A = vector.shape_cast %add3A_21 : vector<2000x1xf32> to vector<1x2000x1xf32>
    %reduce_max3A_25 = arith.constant dense<0xFF800000> : vector<1xf32>
    %reduce_max3A_26 = vector.multi_reduction <maximumf>, %reduce_max3A, %reduce_max3A_25 [1, 2] : vector<1x2000x1xf32> to vector<1xf32>
    %reduce_max3A_27 = vector.shape_cast %reduce_max3A_26 : vector<1xf32> to vector<1x1x1xf32>
    %reduce_max3A_28 = vector.extract %reduce_max3A_27[0, 0, 0] : f32 from vector<1x1x1xf32>
    %eq3A = arith.constant 0 : i32
    %eq3A_29 = arith.cmpi eq, %arg0, %eq3A : i32
    %convert_element_type3A = arith.extui %eq3A_29 : i1 to i32
    %cond3A = arith.constant 0 : i32
    %cond3A_30 = arith.cmpi ne, %convert_element_type3A, %cond3A : i32
    scf.if %cond3A_30 {
      %swap3A_41 = arith.constant 0 : index
      %swap3A_42 = arith.constant 0 : index
      %swap3A_43 = memref.load %arg9[%swap3A_41, %swap3A_42] : memref<1x1xf32, #tpu.memory_space<smem>>
      memref.store %reduce_max3A_28, %arg9[%swap3A_41, %swap3A_42] : memref<1x1xf32, #tpu.memory_space<smem>>
    } else {
    }
    %gt3A = arith.constant 0 : i32
    %gt3A_31 = arith.cmpi sgt, %arg0, %gt3A : i32
    %convert_element_type3A_32 = arith.extui %gt3A_31 : i1 to i32
    %cond3A_33 = arith.constant 0 : i32
    %cond3A_34 = arith.cmpi ne, %convert_element_type3A_32, %cond3A_33 : i32
    scf.if %cond3A_34 {
      %get3A_41 = arith.constant 0 : index
      %get3A_42 = arith.constant 0 : index
      %get3A_43 = memref.load %arg9[%get3A_41, %get3A_42] : memref<1x1xf32, #tpu.memory_space<smem>>
      %max3A = arith.maximumf %get3A_43, %reduce_max3A_28 : f32
      %swap3A_44 = arith.constant 0 : index
      %swap3A_45 = arith.constant 0 : index
      %swap3A_46 = memref.load %arg9[%swap3A_44, %swap3A_45] : memref<1x1xf32, #tpu.memory_space<smem>>
      memref.store %max3A, %arg9[%swap3A_44, %swap3A_45] : memref<1x1xf32, #tpu.memory_space<smem>>
    } else {
    }
    %get3A_35 = arith.constant 0 : index
    %get3A_36 = arith.constant 0 : index
    %get3A_37 = memref.load %arg9[%get3A_35, %get3A_36] : memref<1x1xf32, #tpu.memory_space<smem>>
    %broadcast_in_dim3A = vector.broadcast %get3A_37 : f32 to vector<1x1xf32>
    %swap3A_38 = arith.constant 0 : index
    %swap3A_39 = arith.constant 0 : index
    %swap3A_40 = vector.load %arg8[%swap3A_38, %swap3A_39] : memref<1x1xf32, #tpu.memory_space<vmem>>, vector<1x1xf32>
    tpu.vector_store %arg8[%swap3A_38, %swap3A_39], %broadcast_in_dim3A {strides = array<i32>} : memref<1x1xf32, #tpu.memory_space<vmem>>, vector<1x1xf32>,
    return
  }
  func.func @transform_0(%arg0: i32) -> (i32, i32) {
    %c0_i32 = arith.constant 0 : i32
    %c0_i32_0 = arith.constant 0 : i32
    return %arg0, %c0_i32 : i32, i32
  }
  func.func @transform_1(%arg0: i32) -> (i32, i32) {
    %c0_i32 = arith.constant 0 : i32
    %c0_i32_0 = arith.constant 0 : i32
    %c0_i32_1 = arith.constant 0 : i32
    return %c0_i32, %c0_i32_0 : i32, i32
  }
  func.func @transform_2(%arg0: i32) -> (i32, i32) {
    %c0_i32 = arith.constant 0 : i32
    %c0_i32_0 = arith.constant 0 : i32
    %c0_i32_1 = arith.constant 0 : i32
    return %c0_i32, %c0_i32_0 : i32, i32
  }
  func.func @transform_3(%arg0: i32) -> (i32, i32) {
    %c0_i32 = arith.constant 0 : i32
    %c0_i32_0 = arith.constant 0 : i32
    %c0_i32_1 = arith.constant 0 : i32
    return %c0_i32, %c0_i32_0 : i32, i32
  }
  func.func @transform_4(%arg0: i32) -> (i32, i32) {
    %c0_i32 = arith.constant 0 : i32
    %c0_i32_0 = arith.constant 0 : i32
    %c0_i32_1 = arith.constant 0 : i32
    return %c0_i32, %c0_i32_0 : i32, i32
  }
  func.func @transform_5(%arg0: i32) -> (i32, i32) {
    %c0_i32 = arith.constant 0 : i32
    %c0_i32_0 = arith.constant 0 : i32
    return %arg0, %c0_i32 : i32, i32
  }
  func.func @transform_6(%arg0: i32) -> (i32, i32) {
    %c0_i32 = arith.constant 0 : i32
    %c0_i32_0 = arith.constant 0 : i32
    return %arg0, %c0_i32 : i32, i32
  }
  func.func @transform_7(%arg0: i32) -> (i32, i32) {
    %c0_i32 = arith.constant 0 : i32
    %c0_i32_0 = arith.constant 0 : i32
    %c0_i32_1 = arith.constant 0 : i32
    return %c0_i32, %c0_i32_0 : i32, i32
  }
}

module attributes {stable_mosaic.version = 14 : i64} {
  func.func @_update_body(%arg0: i32, %arg1: memref<2000x256xf32, #tpu.memory_space<vmem>>, %arg2: memref<2000x128xf32, #tpu.memory_space<vmem>>, %arg3: memref<2000x128xf32, #tpu.memory_space<vmem>>, %arg4: memref<1x512xf32, #tpu.memory_space<vmem>>, %arg5: memref<512x256xf32, #tpu.memory_space<vmem>>, %arg6: memref<1x256xf32, #tpu.memory_space<vmem>>, %arg7: memref<2000x256xf32, #tpu.memory_space<vmem>>) attributes {dimension_semantics = [#tpu.dimension_semantics<arbitrary>], iteration_bounds = array<i64: 5>, scalar_prefetch = 0 : i64, scratch_operands = 0 : i64, tpu.core_type = #tpu.core_type<tc>, window_params = [{transform_indices = @transform_0, window_bounds = array<i64: 2000, 256>}, {transform_indices = @transform_1, window_bounds = array<i64: 2000, 128>}, {transform_indices = @transform_2, window_bounds = array<i64: 2000, 128>}, {pipeline_mode = #tpu.pipeline_mode<synchronous>, transform_indices = @transform_3, window_bounds = array<i64: 1, 512>}, {pipeline_mode = #tpu.pipeline_mode<synchronous>, transform_indices = @transform_4, window_bounds = array<i64: 512, 256>}, {pipeline_mode = #tpu.pipeline_mode<synchronous>, transform_indices = @transform_5, window_bounds = array<i64: 1, 256>}, {transform_indices = @transform_6, window_bounds = array<i64: 2000, 256>}]} {
    %get3A = arith.constant 0 : index
    %get3A_0 = arith.constant 0 : index
    %get3A_1 = vector.load %arg4[%get3A, %get3A_0] : memref<1x512xf32, #tpu.memory_space<vmem>>, vector<1x512xf32>
    %reduce_sum3A = vector.shape_cast %get3A_1 : vector<1x512xf32> to vector<1x1x512xf32>
    %reduce_sum3A_2 = arith.constant dense<0.000000e+00> : vector<1xf32>
    %reduce_sum3A_3 = vector.multi_reduction <add>, %reduce_sum3A, %reduce_sum3A_2 [1, 2] : vector<1x1x512xf32> to vector<1xf32>
    %reduce_sum3A_4 = vector.shape_cast %reduce_sum3A_3 : vector<1xf32> to vector<1x1x1xf32>
    %reduce_sum3A_5 = vector.extract %reduce_sum3A_4[0, 0, 0] : f32 from vector<1x1x1xf32>
    %div3A = arith.constant 2.000000e+00 : f32
    %div3A_6 = arith.divf %div3A, %reduce_sum3A_5 : f32
    %get3A_7 = arith.constant 0 : index
    %get3A_8 = arith.constant 0 : index
    %get3A_9 = vector.load %arg1[%get3A_7, %get3A_8] : memref<2000x256xf32, #tpu.memory_space<vmem>>, vector<2000x256xf32>
    %get3A_10 = arith.constant 0 : index
    %get3A_11 = arith.constant 0 : index
    %get3A_12 = vector.load %arg5[%get3A_10, %get3A_11] : memref<512x256xf32, #tpu.memory_space<vmem>>, vector<256x256xf32>
    %dot_general3A = arith.constant dense<0.000000e+00> : vector<2000x256xf32>
    %dot_general3A_13 = tpu.matmul %get3A_9, %get3A_12, %dot_general3A {dimension_numbers = #tpu.dot_dimension_numbers<[1], [0], [0], [1], [0, 0, 1, 1], [], []>, transpose_lhs_hint = false} : vector<2000x256xf32>, vector<256x256xf32>, vector<2000x256xf32> -> vector<2000x256xf32>
    %get3A_14 = arith.constant 0 : index
    %get3A_15 = arith.constant 0 : index
    %get3A_16 = vector.load %arg2[%get3A_14, %get3A_15] : memref<2000x128xf32, #tpu.memory_space<vmem>>, vector<2000x128xf32>
    %get3A_17 = arith.constant 256 : index
    %get3A_18 = arith.constant 0 : index
    %get3A_19 = vector.load %arg5[%get3A_17, %get3A_18] : memref<512x256xf32, #tpu.memory_space<vmem>>, vector<128x256xf32>
    %dot_general3A_20 = arith.constant dense<0.000000e+00> : vector<2000x256xf32>
    %dot_general3A_21 = tpu.matmul %get3A_16, %get3A_19, %dot_general3A_20 {dimension_numbers = #tpu.dot_dimension_numbers<[1], [0], [0], [1], [0, 0, 1, 1], [], []>, transpose_lhs_hint = false} : vector<2000x128xf32>, vector<128x256xf32>, vector<2000x256xf32> -> vector<2000x256xf32>
    %get3A_22 = arith.constant 0 : index
    %get3A_23 = arith.constant 0 : index
    %get3A_24 = vector.load %arg3[%get3A_22, %get3A_23] : memref<2000x128xf32, #tpu.memory_space<vmem>>, vector<2000x128xf32>
    %get3A_25 = arith.constant 384 : index
    %get3A_26 = arith.constant 0 : index
    %get3A_27 = vector.load %arg5[%get3A_25, %get3A_26] : memref<512x256xf32, #tpu.memory_space<vmem>>, vector<128x256xf32>
    %dot_general3A_28 = arith.constant dense<0.000000e+00> : vector<2000x256xf32>
    %dot_general3A_29 = tpu.matmul %get3A_24, %get3A_27, %dot_general3A_28 {dimension_numbers = #tpu.dot_dimension_numbers<[1], [0], [0], [1], [0, 0, 1, 1], [], []>, transpose_lhs_hint = false} : vector<2000x128xf32>, vector<128x256xf32>, vector<2000x256xf32> -> vector<2000x256xf32>
    %add3A = arith.addf %dot_general3A_21, %dot_general3A_29 : vector<2000x256xf32>
    %add3A_30 = arith.addf %get3A_9, %dot_general3A_13 : vector<2000x256xf32>
    %mul3A = vector.broadcast %div3A_6 : f32 to vector<2000x256xf32>
    %mul3A_31 = arith.mulf %add3A, %mul3A : vector<2000x256xf32>
    %add3A_32 = arith.addf %add3A_30, %mul3A_31 : vector<2000x256xf32>
    %get3A_33 = arith.constant 0 : index
    %get3A_34 = arith.constant 0 : index
    %get3A_35 = vector.load %arg6[%get3A_33, %get3A_34] : memref<1x256xf32, #tpu.memory_space<vmem>>, vector<1x256xf32>
    %add3A_36 = vector.broadcast %get3A_35 : vector<1x256xf32> to vector<2000x256xf32>
    %add3A_37 = arith.addf %add3A_32, %add3A_36 : vector<2000x256xf32>
    %max3A = arith.constant 0.000000e+00 : f32
    %max3A_38 = vector.broadcast %max3A : f32 to vector<2000x256xf32>
    %max3A_39 = arith.maximumf %add3A_37, %max3A_38 : vector<2000x256xf32>
    %swap3A = arith.constant 0 : index
    %swap3A_40 = arith.constant 0 : index
    %swap3A_41 = vector.load %arg7[%swap3A, %swap3A_40] : memref<2000x256xf32, #tpu.memory_space<vmem>>, vector<2000x256xf32>
    tpu.vector_store %arg7[%swap3A, %swap3A_40], %max3A_39 {strides = array<i32>} : memref<2000x256xf32, #tpu.memory_space<vmem>>, vector<2000x256xf32>,
    return
  }
  func.func @transform_0(%arg0: i32) -> (i32, i32) {
    %c0_i32 = arith.constant 0 : i32
    %c0_i32_0 = arith.constant 0 : i32
    return %arg0, %c0_i32 : i32, i32
  }
  func.func @transform_1(%arg0: i32) -> (i32, i32) {
    %c0_i32 = arith.constant 0 : i32
    %c0_i32_0 = arith.constant 0 : i32
    return %arg0, %c0_i32 : i32, i32
  }
  func.func @transform_2(%arg0: i32) -> (i32, i32) {
    %c0_i32 = arith.constant 0 : i32
    %c0_i32_0 = arith.constant 0 : i32
    return %arg0, %c0_i32 : i32, i32
  }
  func.func @transform_3(%arg0: i32) -> (i32, i32) {
    %c0_i32 = arith.constant 0 : i32
    %c0_i32_0 = arith.constant 0 : i32
    %c0_i32_1 = arith.constant 0 : i32
    return %c0_i32, %c0_i32_0 : i32, i32
  }
  func.func @transform_4(%arg0: i32) -> (i32, i32) {
    %c0_i32 = arith.constant 0 : i32
    %c0_i32_0 = arith.constant 0 : i32
    %c0_i32_1 = arith.constant 0 : i32
    return %c0_i32, %c0_i32_0 : i32, i32
  }
  func.func @transform_5(%arg0: i32) -> (i32, i32) {
    %c0_i32 = arith.constant 0 : i32
    %c0_i32_0 = arith.constant 0 : i32
    %c0_i32_1 = arith.constant 0 : i32
    return %c0_i32, %c0_i32_0 : i32, i32
  }
  func.func @transform_6(%arg0: i32) -> (i32, i32) {
    %c0_i32 = arith.constant 0 : i32
    %c0_i32_0 = arith.constant 0 : i32
    return %arg0, %c0_i32 : i32, i32
  }
}

</mosaic_0001>

<sc_bundles>
// kernel: kernel.10.cloned.1.call-start
scs
__scs_entry_jumppad:
0x0: {  	(pc) =	sbr.rel $0x88, $3  }
0x1: {  	(tag) =	ssettag $0x0;
	lr =	simm.s32 $0x1  }
0x2: {  	[smem:$0x3F91] =	sst lr;
	_ =	strace $0xD0000000  }
0x3: {  	_ = 	snop  }
0x4: {  	_ = 	snop  }
0x5: {  	_ = 	snop  }
0x6: {  	_ = 	snop  }
0x7: {  	_ = 	snop  }
__scs_overlays_trampoline_lowered:
0x8: {  	[smem:$0x3FA0] =	sst s0  }
0x9: {  	[smem:$0x3FA1] =	sst s1  }
0xa: {  	[smem:$0x3FA2] =	sst s2  }
0xb: {  	[smem:$0x3FA3] =	sst s3  }
0xc: {  	[smem:$0x3FA4] =	sst s4  }
0xd: {  	[smem:$0x3FA5] =	sst s5  }
0xe: {  	[smem:$0x3FA6] =	sst s6  }
0xf: {  	[smem:$0x3FA7] =	sst s7  }
0x10: {  	[smem:$0x3FA8] =	sst s8  }
0x11: {  	[smem:$0x3FA9] =	sst s9;
	s0 =	simm.s32 @!p0 $0x0  }
0x12: {  	s1 =	sld [smem:$0x3F8F];
	s0 =	simm.s32 @p0 $0x1  }
0x13: {  	[smem:$0x3FAA] =	sst s0;
	s0 =	simm.s32 @!p1 $0x0  }
0x14: {  	s2 =	sld [smem:$0x3F8E];
	s0 =	simm.s32 @p1 $0x1  }
0x15: {  	[smem:$0x3FAB] =	sst s0;
	s0 =	simm.s32 @!p2 $0x0  }
0x16: {  	s3 =	sld [smem:$0x3FDB];
	s0 =	simm.s32 @p2 $0x1  }
0x17: {  	s4 =	simm.s32 $0x1BF5;
	[smem:$0x3FAD] =	sst s0  }
0x18: {  	s0 =	sld [smem:$0x3F90];
	_ =	swait.ge [sflag:s4], $0x0  }
0x19: {  	s7 =	sld [smem:$0x3F91]  }
0x1a: {  	s8 =	sadd.s32 $0xFFFFE003, lr  }
0x1b: {  	s9 =	sadd.s32 $0xFFFFFEF7, lr;
	s5 =	simm.s32 $0xFFFFFFFF;
	p2 =	slt.u32 s8, $0xFFFFF086  }
0x1c: {  	p1 =	slt.u32 s9, $0xF7A;
	s5 =	simm.s32 @!p2 $0x0  }
0x1d: {  	s5 =	simm.s32 @p1 $0x1;
	p0 =	seq.s32 s7, s2  }
0x1e: {  	s7 =	smul.u32 @!p0 $0xF7A, s2;
	p2 =	seq.s32 @!p0 s5, $0x0  }
0x1f: {  	s9 =	smul.u32 $0xF7A, s1;
	s8 =	simm.s32 @!p0 $0x1BF5;
	p2 =	por !p2, p0  }
0x20: {  	[sflag:s8] =	ssyncset.s32 @!p0 $0xFFFFF086;
	s6 =	sadd.s32 @!p0 s3, s7;
	s7 =	simm.s32 @!p0 $0x108  }
0x21: {  	s3 =	sadd.s32 s3, s9;
	s6 =	sadd.s32 @!p0 $0x88, s6;
	s7 =	simm.s32 @p2 $0x1082  }
0x22: {  	[simem:s7], [sflag:s8] =	dma.local @!p0 [hbm:s6], $0xF7A  }
0x23: {  	s9 =	sor.u32 $0xD0000000, s2;
	s6 =	simm.s32 $0x108;
	_ =	swait.ge @!p0 [sflag:s8], $0x0  }
0x24: {  	s3 =	sadd.s32 $0x88, s3;
	s6 =	simm.s32 @!p1 $0x1082;
	[sflag:s4] =	ssyncset.s32 $0xFFFFF086  }
0x25: {  	[simem:s6], [sflag:s4] =	dma.local [hbm:s3], $0xF7A  }
0x26: {  	[smem:$0x3F91] =	sst s1;
	(tag) =	ssettag s2;
	_ =	strace s9  }
0x27: {  	s1 =	sld [smem:$0x3FA1]  }
0x28: {  	s2 =	sld [smem:$0x3FA2]  }
0x29: {  	s4 =	sld [smem:$0x3FA4]  }
0x2a: {  	p0 =	seq.s32 s5, $0x0;
	s5 =	sld [smem:$0x3FA5]  }
0x2b: {  	s6 =	sld [smem:$0x3FA6]  }
0x2c: {  	s7 =	sld [smem:$0x3FA7]  }
0x2d: {  	s3 =	simm.s32 $0x108;
	s8 =	sld [smem:$0x3FA8]  }
0x2e: {  	s3 =	simm.s32 @!p0 $0x1082;
	s9 =	sld [smem:$0x3FA9]  }
0x2f: {  	lr =	sadd.s32 s0, s3;
	s0 =	sld [smem:$0x3FA0]  }
0x30: {  	s3 =	sld [smem:$0x3FA3]  }
0x31: {  	[smem:$0x3FAC] =	sst s10  }
0x32: {  	s10 =	sld [smem:$0x3FAA];
	_ =	sdelay $0x3  }
0x33: {  	p0 =	seq.s32 s10, $0x1;
	s10 =	sld [smem:$0x3FAC];
	_ =	sdelay $0x3  }
0x34: {  	[smem:$0x3FAC] =	sst s10  }
0x35: {  	s10 =	sld [smem:$0x3FAB];
	_ =	sdelay $0x3  }
0x36: {  	p1 =	seq.s32 s10, $0x1;
	s10 =	sld [smem:$0x3FAC];
	_ =	sdelay $0x3  }
0x37: {  	[smem:$0x3FAC] =	sst s10  }
0x38: {  	s10 =	sld [smem:$0x3FAD]  }
0x39: {  	_ = 	snop;
	(pc) =	sbr.ind lr, $3  }
0x3a: {  	_ = 	snop  }
0x3b: {  	_ = 	snop  }
0x3c: {  	p2 =	seq.s32 s10, $0x1;
	s10 =	sld [smem:$0x3FAC]  }
0x3d: {  	_ =	shalt  }
0x3e: {  	_ =	shalt  }
0x3f: {  	_ =	shalt  }
0x40: {  	_ =	shalt  }
0x41: {  	_ =	shalt  }
0x42: {  	_ =	shalt  }
0x43: {  	_ =	shalt  }
0x44: {  	_ =	shalt  }
0x45: {  	_ =	shalt  }
0x46: {  	_ =	shalt  }
0x47: {  	_ =	shalt  }
0x48: {  	_ =	shalt  }
0x49: {  	_ =	shalt  }
0x4a: {  	_ =	shalt  }
0x4b: {  	_ =	shalt  }
0x4c: {  	_ =	shalt  }
0x4d: {  	_ =	shalt  }
0x4e: {  	_ =	shalt  }
0x4f: {  	_ =	shalt  }
0x50: {  	_ =	shalt  }
0x51: {  	_ =	shalt  }
0x52: {  	_ =	shalt  }
0x53: {  	_ =	shalt  }
0x54: {  	_ =	shalt  }
0x55: {  	_ =	shalt  }
0x56: {  	_ =	shalt  }
0x57: {  	_ =	shalt  }
0x58: {  	_ =	shalt  }
0x59: {  	_ =	shalt  }
0x5a: {  	_ =	shalt  }
0x5b: {  	_ =	shalt  }
0x5c: {  	_ =	shalt  }
0x5d: {  	_ =	shalt  }
0x5e: {  	_ =	shalt  }
0x5f: {  	_ =	shalt  }
0x60: {  	_ =	shalt  }
0x61: {  	_ =	shalt  }
0x62: {  	_ =	shalt  }
0x63: {  	_ =	shalt  }
0x64: {  	_ =	shalt  }
0x65: {  	_ =	shalt  }
0x66: {  	_ =	shalt  }
0x67: {  	_ =	shalt  }
0x68: {  	_ =	shalt  }
0x69: {  	_ =	shalt  }
0x6a: {  	_ =	shalt  }
0x6b: {  	_ =	shalt  }
0x6c: {  	_ =	shalt  }
0x6d: {  	_ =	shalt  }
0x6e: {  	_ =	shalt  }
0x6f: {  	_ =	shalt  }
0x70: {  	_ =	shalt  }
0x71: {  	_ =	shalt  }
0x72: {  	_ =	shalt  }
0x73: {  	_ =	shalt  }
0x74: {  	_ =	shalt  }
0x75: {  	_ =	shalt  }
0x76: {  	_ =	shalt  }
0x77: {  	_ =	shalt  }
0x78: {  	_ =	shalt  }
0x79: {  	_ =	shalt  }
0x7a: {  	_ =	shalt  }
0x7b: {  	_ =	shalt  }
0x7c: {  	_ =	shalt  }
0x7d: {  	_ =	shalt  }
0x7e: {  	_ =	shalt  }
0x7f: {  	_ =	shalt  }
0x80: {  	_ =	shalt  }
0x81: {  	_ =	shalt  }
0x82: {  	_ =	shalt  }
0x83: {  	_ =	shalt  }
0x84: {  	_ =	shalt  }
0x85: {  	_ =	shalt  }
0x86: {  	_ =	shalt  }
0x87: {  	_ =	shalt  }
.Lfunc_end0:
.L_simem_size_0:
called_computation_lowered:
.L_overlay_start_0:
0x88: {  	s2 =	sld [smem:$0x3FD9]  }
0x89: {  	s3 =	sld [smem:$0x3FFE];
	_ =	sdelay $0x1  }
0x8a: {  	s1 =	srdreg.scid  }
0x8b: {  	s0 =	sand.u32 $0x1, s1  }
0x8c: {  	s16 =	sshll.u32 s0, $0xA;
	s2 =	sadd.s32 s3, s2  }
0x8d: {  	s2 =	sadd.s32 s2, s16  }
0x8e: {  	[smem:$0x3FB8] =	sst s2  }
0x8f: {  	_ = 	snop  }
0x90: {  	(tm) =	ssettm $0x1  }
0x91: {  	s17 =	sld [smem:$0x3FFB];
	_ =	sdelay $0x3  }
0x92: {  	_ =	strace s17  }
0x93: {  	s2 =	sld [smem:$0x3FFC];
	_ =	sdelay $0x3  }
0x94: {  	_ =	strace s2  }
0x95: {  	s2 =	sld [smem:$0x3FFD];
	_ =	sdelay $0x3  }
0x96: {  	_ =	strace s2  }
0x97: {  	_ =	strace $0x8FFFFFFF  }
0x98: {  	s18 =	sld [smem:$0x3FDB];
	_ =	sdelay $0x1  }
0x99: {  	s19 =	simm.s32 $_scs_section_size  }
0x9a: {  	s4 =	simm.s32 $_size__tile_overlayer_lowered;
	s5 =	simm.s32 $_tile_overlayer_lowered  }
0x9b: {  	s22 =	simm.s32 $0x1BFF;
	s21 =	sshll.u32 s5, $0x1;
	s2 =	sadd.s32 s19, s18  }
0x9c: {  	s6 =	simm.s32 $0x0;
	s20 =	sshll.u32 s4, $0x1;
	s4 =	sadd.s32 s21, s2  }
0x9d: {  	[timem:s6], [sflag:s22] =	dma.local [hbm:s4], s20  }
0x9e: {  	_ =	swait.ge [sflag:s22], s20  }
0x9f: {  	s3 =	ssub.s32 $0x0, s20;
	[sflag:s22] =	ssyncset.done $0x0  }
0xa0: {  	[sflag:s22] =	ssyncadd.s32 s3;
	_ =	sdelay $0x1  }
0xa1: {  	s23 =	simm.s32 $0x1B8B  }
0xa2: {  	_ =	swait.ge [sflag:s23], $0x1  }
0xa3: {  	[sflag:s23] =	ssyncset.done $0x0  }
0xa4: {  	s25 =	simm.s32 $0x1B8E;
	s24 =	sld [smem:$0x3FFE];
	[sflag:s23] =	ssyncadd.s32 $0xFFFFFFFF  }
0xa5: {  	s26 =	simm.s32 $execute0_lowered;
	[smem:$0x3FD2] =	sst s25  }
0xa6: {  	s4 =	sshll.u32 s26, $0x1;
	_ =	strace $0x80000046;
	[dreg:$0x1] =	wrdreg $0xFFFFFFFF  }
0xa7: {  	s28 =	simm.s32 $_size_execute0_lowered;
	s2 =	sadd.s32 s2, s4;
	[dreg:$0x0] =	wrdreg $0x0  }
0xa8: {  	s4 =	sshll.u32 s28, $0x1;
	[dreg:$0x2] =	wrdreg s2  }
0xa9: {  	[dreg:$0x3] =	wrdreg s4  }
0xaa: {  	[dreg:$0x4] =	wrdreg $0xC0  }
0xab: {  	_ =	task [dreg:s6], $0x5FFFF  }
0xac: {  	[dreg:$0x1] =	wrdreg $0xFFFFFFFF  }
0xad: {  	[dreg:$0x0] =	wrdreg $0x60  }
0xae: {  	[dreg:$0x2] =	wrdreg s24  }
0xaf: {  	[dreg:$0x3] =	wrdreg $0xBD000  }
0xb0: {  	[dreg:$0x4] =	wrdreg $0x9  }
0xb1: {  	_ =	task.clear_ibuf [dreg:s6], $0x5FFFF;
	_ =	strace $0x90000046  }
0xb2: {  	s29 =	simm.s32 $0x9;
	_ =	strace $0x80000048  }
0xb3: {  	_ =	swait.ge [sflag:s29], $0x1  }
0xb4: {  	[sflag:s29] =	ssyncadd.s32 $0xFFFFFFFF  }
0xb5: {  	_ =	strace $0x90000048  }
0xb6: {  	_ =	sfence  }
0xb7: {  	s30 =	sld [smem:$0x0];
	_ =	sdelay $0x2  }
0xb8: {  	s31 =	sshll.u32 s1, $0xD;
	s1 =	sshrl.u32 s1, $0x2  }
0xb9: {  	s3 =	sand.u32 $0x4000, s31;
	s1 =	sadd.s32 s1, s30  }
0xba: {  	s0 =	sor.u32 s3, s0;
	s1 =	sshll.u32 s1, $0x11  }
0xbb: {  	s0 =	sor.u32 s1, s0  }
0xbc: {  	s0 =	sadd.s32 $0x8F2B, s0  }
0xbd: {  	[sflag:s0] =	ssyncadd.remote.s32 $0x1  }
0xbe: {  	_ =	sfence.sel $0xFFFF  }
0xbf: {  	[dreg:$0x0] =	wrdreg $0xFFFFFFFF;
	(pc) =	sbr.abs _section_cstart, $3  }
0xc0: {  	[dreg:$0x1] =	wrdreg $0xFFFFFFFF  }
0xc1: {  	_ =	task.clear_ibuf [dreg:s6], $0x2FFFF;
	_ =	strace $0x9FFFFFFF  }
0xc2: {  	(tm) =	ssettm $0x7FFFFFFF  }
0xc3: {  	_ =	shalt  }
tec
execute0_lowered:
.L_overlay_start_1:
0x0: {  	(tag) =	ssettag $0x1  }
0x1: {  	s0 =	rddreg [dreg:$0x0]  }
0x2: {  	s2 =	rddreg [dreg:$0x1];
	s3 =	simm.s32 $0x0  }
0x3: {  	s11 =	stileid.u32;
	s1 =	srdreg.scid;
	s13 =	simm.s32 $0xA  }
0x4: {  	s14 =	simm.s32 $0x50;
	s15 =	simm.s32 $0x4000;
	s16 =	simm.s32 $0x4300  }
0x5: {  	s17 =	simm.s32 $0xBB00;
	s18 =	simm.s32 $0x4080;
	s19 =	simm.s32 $0x6B00  }
0x6: {  	s28 =	simm.s32 $0x7;
	s29 =	simm.s32 $0x2;
	s30 =	simm.s32 $0x5  }
0x7: {  	s31 =	simm.s32 $0x4200;
	[smem:$0x7FF] =	sst s3;
	s20 =	smul.u32 $0x2800, s11  }
0x8: {  	s1 =	sand.u32 $0x1, s1;
	s4 =	sadd.s32 $0x4400, s0;
	s5 =	sadd.s32 $0x52600, s0  }
0x9: {  	s7 =	sshll.u32 s11, $0xB;
	s22 =	sshll.u32 s11, $0x1;
	s10 =	smul.u32 $0x50000, s11  }
0xa: {  	s11 =	sshll.u32 s11, $0x6;
	_ =	strace $0x80000047;
	s6 =	smul.u32 $0x28000, s1  }
0xb: {  	s8 =	sadd.s32 s7, s0;
	s9 =	ssub.s32 $0x2, s1;
	s21 =	sadd.s32 s20, s0  }
0xc: {  	s23 =	sshrl.u32 s9, $0x1;
	s10 =	sshrl.u32 s10, $0x2;
	s24 =	sadd.s32 $0x53000, s8  }
0xd: {  	s8 =	simm.s32 $0x9;
	s3 =	sadd.s32 s20, s6;
	s6 =	ssub.s32 s9, s23  }
0xe: {  	s9 =	smul.u32 $0x2710, s1;
	s10 =	sadd.s32 s10, s2;
	s1 =	sshll.u32 s1, $0x5  }
0xf: {  	s7 =	sadd.s32 $0x5B000, s21;
	[dreg:$0x4] =	wrdreg s24;
	s20 =	simm.s32 $0xBB80  }
0x10: {  	s21 =	simm.s32 $0x4100;
	s23 =	simm.s32 $0xBC00;
	s24 =	simm.s32 $0x1  }
0x11: {  	s3 =	sadd.s32 s3, s0;
	s0 =	sadd.s32 s22, s0;
	[dreg:$0x3] =	wrdreg s7  }
0x12: {  	s7 =	sor.u32 $0x1C0A, s11;
	s26 =	smax.u32 s6, $0x1;
	s12 =	sshrl.u32 s10, $0x3  }
0x13: {  	s10 =	simm.s32 $0x0;
	s22 =	simm.s32 $0x9300;
	s6 =	simm.s32 $0x4280  }
0x14: {  	s0 =	sadd.s32 s1, s0;
	s25 =	sadd.s32 $0x83000, s3;
	[dreg:$0x7] =	wrdreg s26  }
0x15: {  	s26 =	simm.s32 $0x4180;
	s1 =	simm.s32 $0x3;
	s3 =	simm.s32 $0x6  }
0x16: {  	v0 =	vmov s9;
	s9 =	simm.s32 $0x0;
	[dreg:$0x5] =	wrdreg s25;
	s0 =	sadd.s32 $0xD3000, s0  }
0x17: {  	v1 =	vimm.f32 $0.0e+00;
	s25 =	simm.s32 $0x4;
	[dreg:$0x6] =	wrdreg s0;
	s0 =	simm.s32 $0x8  }
.LBB2_1:
0x18: {  	s11 =	rddreg [dreg:$0x3]  }
0x19: {  	[spmem:s12], [sflag:s7] =	dma.local [hbm:s11], $0x2800  }
0x1a: {  	_ =	swait.ge [sflag:s13], $0x2800  }
0x1b: {  	[sflag:s13] =	ssyncset.done $0x0  }
0x1c: {  	s11 =	rddreg [dreg:$0x4];
	[sflag:s13] =	ssyncadd.s32 $0xFFFFD800  }
0x1d: {  	[tilespmem:s10], [sflag:$0xA] =	stream.linear.gather [hbm4b:s11+s10], $0x3E80, $0x38;
	[tilespmem:$0x1FD00] =	vst v63  }
0x1e: {  	_ =	swait.ge [sflag:s13], $0x3E80  }
0x1f: {  	[sflag:s13] =	ssyncset.done $0x0  }
0x20: {  	[sflag:s13] =	ssyncadd.s32 $0xFFFFC180  }
0x21: {  	[tilespmem:$0xBC80] =	vst v1  }
0x22: {  	[bflag:$0x0] =	sbarrier.arrive $0xFFFF  }
0x23: {  	v2 =	vld [tilespmem:$0x0];
	_ =	sdelay $0x1  }
0x24: {  	v3 =	vld [tilespmem:$0x10];
	_ =	sdelay $0x1  }
0x25: {  	v4 =	vld [tilespmem:$0x20]  }
0x26: {  	v5 =	vshrl.u32 v2, $0xE;
	v2 =	vand.u32 $0x3FFF, v2  }
0x27: {  	[tilespmem:$0x4180] =	vst v5;
	v2 =	vadd.s32 v0, v2;
	v5 =	vld [tilespmem:$0x30]  }
0x28: {  	[tilespmem:$0x4000] =	vst v2;
	v2 =	vshrl.u32 v3, $0xE;
	v3 =	vand.u32 $0x3FFF, v3  }
0x29: {  	[tilespmem:$0x4190] =	vst v2;
	v2 =	vadd.s32 v0, v3;
	v3 =	vld [tilespmem:$0x40]  }
0x2a: {  	[tilespmem:$0x4010] =	vst v2;
	v2 =	vshrl.u32 v4, $0xE;
	v4 =	vand.u32 $0x3FFF, v4  }
0x2b: {  	[tilespmem:$0x41A0] =	vst v2;
	v2 =	vadd.s32 v0, v4  }
0x2c: {  	[tilespmem:$0x4020] =	vst v2;
	v2 =	vshrl.u32 v5, $0xE;
	v4 =	vand.u32 $0x3FFF, v5  }
0x2d: {  	[tilespmem:$0x41B0] =	vst v2;
	v2 =	vadd.s32 v0, v4  }
0x2e: {  	[tilespmem:$0x4030] =	vst v2;
	v2 =	vshrl.u32 v3, $0xE;
	v3 =	vand.u32 $0x3FFF, v3  }
0x2f: {  	[tilespmem:$0x41C0] =	vst v2;
	v2 =	vadd.s32 v0, v3  }
0x30: {  	[tilespmem:$0x4040] =	vst v2  }
0x31: {  	[tilespmem:s16], [sflag:$0x1] =	stream.indirect.gather [hbm4b:s4+s14], $0x80, s15, s14, $0xb8;
	[tilespmem:$0x1FD00] =	vst v63  }
0x32: {  	_ = 	snop  }
0x33: {  	[tilespmem:s17], [sflag:$0x4] =	stream.indirect.gather [hbm4b:s5+s14], $0x1, s15, s14, $0xb8;
	[tilespmem:$0x1FD00] =	vst v63  }
0x34: {  	v2 =	vld [tilespmem:$0x80];
	_ =	sdelay $0x1  }
0x35: {  	v3 =	vld [tilespmem:$0x90];
	_ =	sdelay $0x1  }
0x36: {  	v4 =	vld [tilespmem:$0xA0]  }
0x37: {  	v5 =	vshrl.u32 v2, $0xE;
	v2 =	vand.u32 $0x3FFF, v2  }
0x38: {  	[tilespmem:$0x4200] =	vst v5;
	v2 =	vadd.s32 v0, v2;
	v5 =	vld [tilespmem:$0xB0]  }
0x39: {  	[tilespmem:$0x4080] =	vst v2;
	v2 =	vshrl.u32 v3, $0xE;
	v3 =	vand.u32 $0x3FFF, v3  }
0x3a: {  	[tilespmem:$0x4210] =	vst v2;
	v2 =	vadd.s32 v0, v3;
	v3 =	vld [tilespmem:$0xC0]  }
0x3b: {  	[tilespmem:$0x4090] =	vst v2;
	v2 =	vshrl.u32 v4, $0xE;
	v4 =	vand.u32 $0x3FFF, v4  }
0x3c: {  	[tilespmem:$0x4220] =	vst v2;
	v2 =	vadd.s32 v0, v4  }
0x3d: {  	[tilespmem:$0x40A0] =	vst v2;
	v2 =	vshrl.u32 v5, $0xE;
	v4 =	vand.u32 $0x3FFF, v5  }
0x3e: {  	[tilespmem:$0x4230] =	vst v2;
	v2 =	vadd.s32 v0, v4  }
0x3f: {  	[tilespmem:$0x40B0] =	vst v2;
	v2 =	vshrl.u32 v3, $0xE;
	v3 =	vand.u32 $0x3FFF, v3  }
0x40: {  	[tilespmem:$0x4240] =	vst v2;
	v2 =	vadd.s32 v0, v3  }
0x41: {  	[tilespmem:$0x40C0] =	vst v2  }
0x42: {  	[tilespmem:s19], [sflag:$0x2] =	stream.indirect.gather [hbm4b:s4+s14], $0x80, s18, s14, $0xb8;
	[tilespmem:$0x1FD00] =	vst v63  }
0x43: {  	_ = 	snop  }
0x44: {  	[tilespmem:s20], [sflag:$0x5] =	stream.indirect.gather [hbm4b:s5+s14], $0x1, s18, s14, $0xb8;
	[tilespmem:$0x1FD00] =	vst v63  }
0x45: {  	v2 =	vld [tilespmem:$0x100];
	_ =	sdelay $0x1  }
0x46: {  	v3 =	vld [tilespmem:$0x110];
	_ =	sdelay $0x1  }
0x47: {  	v4 =	vld [tilespmem:$0x120]  }
0x48: {  	v5 =	vshrl.u32 v2, $0xE;
	v2 =	vand.u32 $0x3FFF, v2  }
0x49: {  	[tilespmem:$0x4280] =	vst v5;
	v2 =	vadd.s32 v0, v2;
	v5 =	vld [tilespmem:$0x130]  }
0x4a: {  	[tilespmem:$0x4100] =	vst v2;
	v2 =	vshrl.u32 v3, $0xE;
	v3 =	vand.u32 $0x3FFF, v3  }
0x4b: {  	[tilespmem:$0x4290] =	vst v2;
	v2 =	vadd.s32 v0, v3;
	v3 =	vld [tilespmem:$0x140]  }
0x4c: {  	[tilespmem:$0x4110] =	vst v2;
	v2 =	vshrl.u32 v4, $0xE;
	v4 =	vand.u32 $0x3FFF, v4  }
0x4d: {  	[tilespmem:$0x42A0] =	vst v2;
	v2 =	vadd.s32 v0, v4  }
0x4e: {  	[tilespmem:$0x4120] =	vst v2;
	v2 =	vshrl.u32 v5, $0xE;
	v4 =	vand.u32 $0x3FFF, v5  }
0x4f: {  	[tilespmem:$0x42B0] =	vst v2;
	v2 =	vadd.s32 v0, v4  }
0x50: {  	[tilespmem:$0x4130] =	vst v2;
	v2 =	vshrl.u32 v3, $0xE;
	v3 =	vand.u32 $0x3FFF, v3  }
0x51: {  	[tilespmem:$0x42C0] =	vst v2;
	v2 =	vadd.s32 v0, v3  }
0x52: {  	[tilespmem:$0x4140] =	vst v2  }
0x53: {  	[tilespmem:s22], [sflag:$0x3] =	stream.indirect.gather [hbm4b:s4+s14], $0x80, s21, s14, $0xb8;
	[tilespmem:$0x1FD00] =	vst v63  }
0x54: {  	_ = 	snop  }
0x55: {  	[tilespmem:s23], [sflag:$0x6] =	stream.indirect.gather [hbm4b:s5+s14], $0x1, s21, s14, $0xb8;
	[tilespmem:$0x1FD00] =	vst v63  }
0x56: {  	_ =	swait.ge [sflag:s24], $0x2800  }
0x57: {  	[sflag:s24] =	ssyncset.done $0x0  }
0x58: {  	[sflag:s24] =	ssyncadd.s32 $0xFFFFD800  }
0x59: {  	_ =	swait.ge [sflag:s25], $0x50  }
0x5a: {  	[sflag:s25] =	ssyncset.done $0x0  }
0x5b: {  	[sflag:s25] =	ssyncadd.s32 $0xFFFFFFB0  }
0x5c: {  	[spmem:s2] =	stream.indirect.scatter.add.f32 [tilespmem:s16], [sflag:$0x7], $0x80, s26, s14, $0xb8;
	[tilespmem:$0x1FD00] =	vst v63  }
0x5d: {  	v2 =	vld [tilespmem:$0xBC80]  }
0x5e: {  	v3 =	vld [tilespmem:$0xBB00];
	_ =	sdelay $0x1  }
0x5f: {  	v4 =	vld [tilespmem:$0xBB10];
	_ =	sdelay $0x1  }
0x60: {  	v5 =	vld [tilespmem:$0xBB20]  }
0x61: {  	v2 =	vadd.f32 v3, v2  }
0x62: {  	v3 =	vld [tilespmem:$0xBB30]  }
0x63: {  	v2 =	vadd.f32 v4, v2  }
0x64: {  	v4 =	vld [tilespmem:$0xBB40]  }
0x65: {  	v2 =	vadd.f32 v5, v2;
	_ =	sdelay $0x1  }
0x66: {  	v2 =	vadd.f32 v3, v2;
	_ =	sdelay $0x1  }
0x67: {  	v2 =	vadd.f32 v4, v2;
	_ =	sdelay $0x1  }
0x68: {  	[tilespmem:$0xBC80] =	vst v2  }
0x69: {  	_ =	swait.ge [sflag:s28], $0x2800  }
0x6a: {  	[sflag:s28] =	ssyncset.done $0x0  }
0x6b: {  	[sflag:s28] =	ssyncadd.s32 $0xFFFFD800  }
0x6c: {  	v2 =	vld [tilespmem:$0x180];
	_ =	sdelay $0x1  }
0x6d: {  	v3 =	vld [tilespmem:$0x190];
	_ =	sdelay $0x1  }
0x6e: {  	v4 =	vld [tilespmem:$0x1A0]  }
0x6f: {  	v5 =	vshrl.u32 v2, $0xE;
	v2 =	vand.u32 $0x3FFF, v2  }
0x70: {  	[tilespmem:$0x4180] =	vst v5;
	v2 =	vadd.s32 v0, v2;
	v5 =	vld [tilespmem:$0x1B0]  }
0x71: {  	[tilespmem:$0x4000] =	vst v2;
	v2 =	vshrl.u32 v3, $0xE;
	v3 =	vand.u32 $0x3FFF, v3  }
0x72: {  	[tilespmem:$0x4190] =	vst v2;
	v2 =	vadd.s32 v0, v3;
	v3 =	vld [tilespmem:$0x1C0]  }
0x73: {  	[tilespmem:$0x4010] =	vst v2;
	v2 =	vshrl.u32 v4, $0xE;
	v4 =	vand.u32 $0x3FFF, v4  }
0x74: {  	[tilespmem:$0x41A0] =	vst v2;
	v2 =	vadd.s32 v0, v4  }
0x75: {  	[tilespmem:$0x4020] =	vst v2;
	v2 =	vshrl.u32 v5, $0xE;
	v4 =	vand.u32 $0x3FFF, v5  }
0x76: {  	[tilespmem:$0x41B0] =	vst v2;
	v2 =	vadd.s32 v0, v4  }
0x77: {  	[tilespmem:$0x4030] =	vst v2;
	v2 =	vshrl.u32 v3, $0xE;
	v3 =	vand.u32 $0x3FFF, v3  }
0x78: {  	[tilespmem:$0x41C0] =	vst v2;
	v2 =	vadd.s32 v0, v3  }
0x79: {  	[tilespmem:$0x4040] =	vst v2  }
0x7a: {  	[tilespmem:s16], [sflag:$0x1] =	stream.indirect.gather [hbm4b:s4+s14], $0x80, s15, s14, $0xb8;
	[tilespmem:$0x1FD00] =	vst v63  }
0x7b: {  	_ = 	snop  }
0x7c: {  	[tilespmem:s17], [sflag:$0x4] =	stream.indirect.gather [hbm4b:s5+s14], $0x1, s15, s14, $0xb8;
	[tilespmem:$0x1FD00] =	vst v63  }
0x7d: {  	_ =	swait.ge [sflag:s29], $0x2800  }
0x7e: {  	[sflag:s29] =	ssyncset.done $0x0  }
0x7f: {  	[sflag:s29] =	ssyncadd.s32 $0xFFFFD800  }
0x80: {  	_ =	swait.ge [sflag:s30], $0x50  }
0x81: {  	[sflag:s30] =	ssyncset.done $0x0  }
0x82: {  	[sflag:s30] =	ssyncadd.s32 $0xFFFFFFB0  }
0x83: {  	[spmem:s2] =	stream.indirect.scatter.add.f32 [tilespmem:s19], [sflag:$0x8], $0x80, s31, s14, $0xb8;
	[tilespmem:$0x1FD00] =	vst v63  }
0x84: {  	v2 =	vld [tilespmem:$0xBC80]  }
0x85: {  	v3 =	vld [tilespmem:$0xBB80];
	_ =	sdelay $0x1  }
0x86: {  	v4 =	vld [tilespmem:$0xBB90];
	_ =	sdelay $0x1  }
0x87: {  	v5 =	vld [tilespmem:$0xBBA0]  }
0x88: {  	v2 =	vadd.f32 v3, v2  }
0x89: {  	v3 =	vld [tilespmem:$0xBBB0]  }
0x8a: {  	v2 =	vadd.f32 v4, v2  }
0x8b: {  	v4 =	vld [tilespmem:$0xBBC0]  }
0x8c: {  	v2 =	vadd.f32 v5, v2;
	_ =	sdelay $0x1  }
0x8d: {  	v2 =	vadd.f32 v3, v2;
	_ =	sdelay $0x1  }
0x8e: {  	v2 =	vadd.f32 v4, v2;
	_ =	sdelay $0x1  }
0x8f: {  	[tilespmem:$0xBC80] =	vst v2  }
0x90: {  	_ =	swait.ge [sflag:s0], $0x2800  }
0x91: {  	[sflag:s0] =	ssyncset.done $0x0  }
0x92: {  	[sflag:s0] =	ssyncadd.s32 $0xFFFFD800  }
0x93: {  	v2 =	vld [tilespmem:$0x200];
	_ =	sdelay $0x1  }
0x94: {  	v3 =	vld [tilespmem:$0x210];
	_ =	sdelay $0x1  }
0x95: {  	v4 =	vld [tilespmem:$0x220]  }
0x96: {  	v5 =	vshrl.u32 v2, $0xE;
	v2 =	vand.u32 $0x3FFF, v2  }
0x97: {  	[tilespmem:$0x4200] =	vst v5;
	v2 =	vadd.s32 v0, v2;
	v5 =	vld [tilespmem:$0x230]  }
0x98: {  	[tilespmem:$0x4080] =	vst v2;
	v2 =	vshrl.u32 v3, $0xE;
	v3 =	vand.u32 $0x3FFF, v3  }
0x99: {  	[tilespmem:$0x4210] =	vst v2;
	v2 =	vadd.s32 v0, v3;
	v3 =	vld [tilespmem:$0x240]  }
0x9a: {  	[tilespmem:$0x4090] =	vst v2;
	v2 =	vshrl.u32 v4, $0xE;
	v4 =	vand.u32 $0x3FFF, v4  }
0x9b: {  	[tilespmem:$0x4220] =	vst v2;
	v2 =	vadd.s32 v0, v4  }
0x9c: {  	[tilespmem:$0x40A0] =	vst v2;
	v2 =	vshrl.u32 v5, $0xE;
	v4 =	vand.u32 $0x3FFF, v5  }
0x9d: {  	[tilespmem:$0x4230] =	vst v2;
	v2 =	vadd.s32 v0, v4  }
0x9e: {  	[tilespmem:$0x40B0] =	vst v2;
	v2 =	vshrl.u32 v3, $0xE;
	v3 =	vand.u32 $0x3FFF, v3  }
0x9f: {  	[tilespmem:$0x4240] =	vst v2;
	v2 =	vadd.s32 v0, v3  }
0xa0: {  	[tilespmem:$0x40C0] =	vst v2  }
0xa1: {  	[tilespmem:s19], [sflag:$0x2] =	stream.indirect.gather [hbm4b:s4+s14], $0x80, s18, s14, $0xb8;
	[tilespmem:$0x1FD00] =	vst v63  }
0xa2: {  	_ = 	snop  }
0xa3: {  	[tilespmem:s20], [sflag:$0x5] =	stream.indirect.gather [hbm4b:s5+s14], $0x1, s18, s14, $0xb8;
	[tilespmem:$0x1FD00] =	vst v63  }
0xa4: {  	_ =	swait.ge [sflag:s1], $0x2800  }
0xa5: {  	[sflag:s1] =	ssyncset.done $0x0  }
0xa6: {  	[sflag:s1] =	ssyncadd.s32 $0xFFFFD800  }
0xa7: {  	_ =	swait.ge [sflag:s3], $0x50  }
0xa8: {  	[sflag:s3] =	ssyncset.done $0x0  }
0xa9: {  	[sflag:s3] =	ssyncadd.s32 $0xFFFFFFB0  }
0xaa: {  	[spmem:s2] =	stream.indirect.scatter.add.f32 [tilespmem:s22], [sflag:$0x9], $0x80, s6, s14, $0xb8;
	[tilespmem:$0x1FD00] =	vst v63  }
0xab: {  	v2 =	vld [tilespmem:$0xBC80]  }
0xac: {  	v3 =	vld [tilespmem:$0xBC00];
	_ =	sdelay $0x1  }
0xad: {  	v4 =	vld [tilespmem:$0xBC10];
	_ =	sdelay $0x1  }
0xae: {  	v5 =	vld [tilespmem:$0xBC20]  }
0xaf: {  	v2 =	vadd.f32 v3, v2  }
0xb0: {  	v3 =	vld [tilespmem:$0xBC30]  }
0xb1: {  	v2 =	vadd.f32 v4, v2  }
0xb2: {  	v4 =	vld [tilespmem:$0xBC40]  }
0xb3: {  	v2 =	vadd.f32 v5, v2;
	_ =	sdelay $0x1  }
0xb4: {  	v2 =	vadd.f32 v3, v2;
	_ =	sdelay $0x1  }
0xb5: {  	v2 =	vadd.f32 v4, v2;
	_ =	sdelay $0x1  }
0xb6: {  	[tilespmem:$0xBC80] =	vst v2  }
0xb7: {  	_ =	swait.ge [sflag:s8], $0x2800  }
0xb8: {  	[sflag:s8] =	ssyncset.done $0x0  }
0xb9: {  	s11 =	simm.s32 $0x3C0;
	[sflag:s8] =	ssyncadd.s32 $0xFFFFD800  }
0xba: {  	v2 =	vld [tilespmem:s11+$0xFFFFFEC0];
	_ =	sdelay $0x4  }
0xbb: {  	v3 =	vshrl.u32 v2, $0xE;
	v2 =	vand.u32 $0x3FFF, v2  }
0xbc: {  	[tilespmem:$0x4280] =	vst v3;
	v2 =	vadd.s32 v0, v2  }
0xbd: {  	[tilespmem:$0x4100] =	vst v2  }
0xbe: {  	v2 =	vld [tilespmem:s11+$0xFFFFFED0];
	_ =	sdelay $0x4  }
0xbf: {  	v3 =	vshrl.u32 v2, $0xE;
	v2 =	vand.u32 $0x3FFF, v2  }
0xc0: {  	[tilespmem:$0x4290] =	vst v3;
	v2 =	vadd.s32 v0, v2  }
0xc1: {  	[tilespmem:$0x4110] =	vst v2  }
0xc2: {  	v2 =	vld [tilespmem:s11+$0xFFFFFEE0];
	_ =	sdelay $0x4  }
0xc3: {  	v3 =	vshrl.u32 v2, $0xE;
	v2 =	vand.u32 $0x3FFF, v2  }
0xc4: {  	[tilespmem:$0x42A0] =	vst v3;
	v2 =	vadd.s32 v0, v2  }
0xc5: {  	[tilespmem:$0x4120] =	vst v2  }
0xc6: {  	v2 =	vld [tilespmem:s11+$0xFFFFFEF0];
	_ =	sdelay $0x4  }
0xc7: {  	v3 =	vshrl.u32 v2, $0xE;
	v2 =	vand.u32 $0x3FFF, v2  }
0xc8: {  	[tilespmem:$0x42B0] =	vst v3;
	v2 =	vadd.s32 v0, v2  }
0xc9: {  	[tilespmem:$0x4130] =	vst v2  }
0xca: {  	v2 =	vld [tilespmem:s11+$0xFFFFFF00];
	_ =	sdelay $0x4  }
0xcb: {  	v3 =	vshrl.u32 v2, $0xE;
	v2 =	vand.u32 $0x3FFF, v2  }
0xcc: {  	[tilespmem:$0x42C0] =	vst v3;
	v2 =	vadd.s32 v0, v2  }
0xcd: {  	[tilespmem:$0x4140] =	vst v2  }
0xce: {  	[tilespmem:s22], [sflag:$0x3] =	stream.indirect.gather [hbm4b:s4+s14], $0x80, s21, s14, $0xb8;
	[tilespmem:$0x1FD00] =	vst v63  }
0xcf: {  	_ = 	snop  }
0xd0: {  	[tilespmem:s23], [sflag:$0x6] =	stream.indirect.gather [hbm4b:s5+s14], $0x1, s21, s14, $0xb8;
	[tilespmem:$0x1FD00] =	vst v63  }
0xd1: {  	_ =	swait.ge [sflag:s24], $0x2800  }
0xd2: {  	[sflag:s24] =	ssyncset.done $0x0  }
0xd3: {  	[sflag:s24] =	ssyncadd.s32 $0xFFFFD800  }
0xd4: {  	_ =	swait.ge [sflag:s25], $0x50  }
0xd5: {  	[sflag:s25] =	ssyncset.done $0x0  }
0xd6: {  	[sflag:s25] =	ssyncadd.s32 $0xFFFFFFB0  }
0xd7: {  	[spmem:s2] =	stream.indirect.scatter.add.f32 [tilespmem:s16], [sflag:$0x7], $0x80, s26, s14, $0xb8;
	[tilespmem:$0x1FD00] =	vst v63  }
0xd8: {  	v2 =	vld [tilespmem:$0xBC80]  }
0xd9: {  	v3 =	vld [tilespmem:$0xBB00];
	_ =	sdelay $0x1  }
0xda: {  	v4 =	vld [tilespmem:$0xBB10];
	_ =	sdelay $0x1  }
0xdb: {  	v5 =	vld [tilespmem:$0xBB20]  }
0xdc: {  	v2 =	vadd.f32 v3, v2  }
0xdd: {  	v3 =	vld [tilespmem:$0xBB30]  }
0xde: {  	v2 =	vadd.f32 v4, v2  }
0xdf: {  	v4 =	vld [tilespmem:$0xBB40]  }
0xe0: {  	v2 =	vadd.f32 v5, v2;
	_ =	sdelay $0x1  }
0xe1: {  	v2 =	vadd.f32 v3, v2;
	_ =	sdelay $0x1  }
0xe2: {  	v2 =	vadd.f32 v4, v2;
	_ =	sdelay $0x1  }
0xe3: {  	[tilespmem:$0xBC80] =	vst v2  }
0xe4: {  	_ =	swait.ge [sflag:s28], $0x2800  }
0xe5: {  	[sflag:s28] =	ssyncset.done $0x0  }
0xe6: {  	[sflag:s28] =	ssyncadd.s32 $0xFFFFD800  }
0xe7: {  	v2 =	vld [tilespmem:s11+$0xFFFFFF40];
	_ =	sdelay $0x4  }
0xe8: {  	v3 =	vshrl.u32 v2, $0xE;
	v2 =	vand.u32 $0x3FFF, v2  }
0xe9: {  	[tilespmem:$0x4180] =	vst v3;
	v2 =	vadd.s32 v0, v2  }
0xea: {  	[tilespmem:$0x4000] =	vst v2  }
0xeb: {  	v2 =	vld [tilespmem:s11+$0xFFFFFF50];
	_ =	sdelay $0x4  }
0xec: {  	v3 =	vshrl.u32 v2, $0xE;
	v2 =	vand.u32 $0x3FFF, v2  }
0xed: {  	[tilespmem:$0x4190] =	vst v3;
	v2 =	vadd.s32 v0, v2  }
0xee: {  	[tilespmem:$0x4010] =	vst v2  }
0xef: {  	v2 =	vld [tilespmem:s11+$0xFFFFFF60];
	_ =	sdelay $0x4  }
0xf0: {  	v3 =	vshrl.u32 v2, $0xE;
	v2 =	vand.u32 $0x3FFF, v2  }
0xf1: {  	[tilespmem:$0x41A0] =	vst v3;
	v2 =	vadd.s32 v0, v2  }
0xf2: {  	[tilespmem:$0x4020] =	vst v2  }
0xf3: {  	v2 =	vld [tilespmem:s11+$0xFFFFFF70];
	_ =	sdelay $0x4  }
0xf4: {  	v3 =	vshrl.u32 v2, $0xE;
	v2 =	vand.u32 $0x3FFF, v2  }
0xf5: {  	[tilespmem:$0x41B0] =	vst v3;
	v2 =	vadd.s32 v0, v2  }
0xf6: {  	[tilespmem:$0x4030] =	vst v2  }
0xf7: {  	v2 =	vld [tilespmem:s11+$0xFFFFFF80];
	_ =	sdelay $0x4  }
0xf8: {  	v3 =	vshrl.u32 v2, $0xE;
	v2 =	vand.u32 $0x3FFF, v2  }
0xf9: {  	[tilespmem:$0x41C0] =	vst v3;
	v2 =	vadd.s32 v0, v2  }
0xfa: {  	[tilespmem:$0x4040] =	vst v2  }
0xfb: {  	[tilespmem:s16], [sflag:$0x1] =	stream.indirect.gather [hbm4b:s4+s14], $0x80, s15, s14, $0xb8;
	[tilespmem:$0x1FD00] =	vst v63  }
0xfc: {  	_ = 	snop  }
0xfd: {  	[tilespmem:s17], [sflag:$0x4] =	stream.indirect.gather [hbm4b:s5+s14], $0x1, s15, s14, $0xb8;
	[tilespmem:$0x1FD00] =	vst v63  }
0xfe: {  	_ =	swait.ge [sflag:s29], $0x2800  }
0xff: {  	[sflag:s29] =	ssyncset.done $0x0  }
0x100: {  	[sflag:s29] =	ssyncadd.s32 $0xFFFFD800  }
0x101: {  	_ =	swait.ge [sflag:s30], $0x50  }
0x102: {  	[sflag:s30] =	ssyncset.done $0x0  }
0x103: {  	[sflag:s30] =	ssyncadd.s32 $0xFFFFFFB0  }
0x104: {  	[spmem:s2] =	stream.indirect.scatter.add.f32 [tilespmem:s19], [sflag:$0x8], $0x80, s31, s14, $0xb8;
	[tilespmem:$0x1FD00] =	vst v63  }
0x105: {  	v2 =	vld [tilespmem:$0xBC80]  }
0x106: {  	v3 =	vld [tilespmem:$0xBB80];
	_ =	sdelay $0x1  }
0x107: {  	v4 =	vld [tilespmem:$0xBB90];
	_ =	sdelay $0x1  }
0x108: {  	v5 =	vld [tilespmem:$0xBBA0]  }
0x109: {  	v2 =	vadd.f32 v3, v2  }
0x10a: {  	v3 =	vld [tilespmem:$0xBBB0]  }
0x10b: {  	v2 =	vadd.f32 v4, v2  }
0x10c: {  	v4 =	vld [tilespmem:$0xBBC0]  }
0x10d: {  	v2 =	vadd.f32 v5, v2;
	_ =	sdelay $0x1  }
0x10e: {  	v2 =	vadd.f32 v3, v2;
	_ =	sdelay $0x1  }
0x10f: {  	v2 =	vadd.f32 v4, v2;
	_ =	sdelay $0x1  }
0x110: {  	[tilespmem:$0xBC80] =	vst v2  }
0x111: {  	_ =	swait.ge [sflag:s0], $0x2800  }
0x112: {  	[sflag:s0] =	ssyncset.done $0x0  }
0x113: {  	[sflag:s0] =	ssyncadd.s32 $0xFFFFD800  }
0x114: {  	v2 =	vld [tilespmem:s11+$0xFFFFFFC0];
	_ =	sdelay $0x4  }
0x115: {  	v3 =	vshrl.u32 v2, $0xE;
	v2 =	vand.u32 $0x3FFF, v2  }
0x116: {  	[tilespmem:$0x4200] =	vst v3;
	v2 =	vadd.s32 v0, v2  }
0x117: {  	[tilespmem:$0x4080] =	vst v2  }
0x118: {  	v2 =	vld [tilespmem:s11+$0xFFFFFFD0];
	_ =	sdelay $0x4  }
0x119: {  	v3 =	vshrl.u32 v2, $0xE;
	v2 =	vand.u32 $0x3FFF, v2  }
0x11a: {  	[tilespmem:$0x4210] =	vst v3;
	v2 =	vadd.s32 v0, v2  }
0x11b: {  	[tilespmem:$0x4090] =	vst v2  }
0x11c: {  	v2 =	vld [tilespmem:s11+$0xFFFFFFE0];
	_ =	sdelay $0x4  }
0x11d: {  	v3 =	vshrl.u32 v2, $0xE;
	v2 =	vand.u32 $0x3FFF, v2  }
0x11e: {  	[tilespmem:$0x4220] =	vst v3;
	v2 =	vadd.s32 v0, v2  }
0x11f: {  	[tilespmem:$0x40A0] =	vst v2  }
0x120: {  	v2 =	vld [tilespmem:s11+$0xFFFFFFF0];
	_ =	sdelay $0x4  }
0x121: {  	v3 =	vshrl.u32 v2, $0xE;
	v2 =	vand.u32 $0x3FFF, v2  }
0x122: {  	[tilespmem:$0x4230] =	vst v3;
	v2 =	vadd.s32 v0, v2  }
0x123: {  	[tilespmem:$0x40B0] =	vst v2  }
0x124: {  	v2 =	vld [tilespmem:s11+$0x0];
	_ =	sdelay $0x4  }
0x125: {  	v3 =	vshrl.u32 v2, $0xE;
	v2 =	vand.u32 $0x3FFF, v2  }
0x126: {  	[tilespmem:$0x4240] =	vst v3;
	v2 =	vadd.s32 v0, v2  }
0x127: {  	[tilespmem:$0x40C0] =	vst v2  }
0x128: {  	[tilespmem:s19], [sflag:$0x2] =	stream.indirect.gather [hbm4b:s4+s14], $0x80, s18, s14, $0xb8;
	[tilespmem:$0x1FD00] =	vst v63  }
0x129: {  	_ = 	snop  }
0x12a: {  	[tilespmem:s20], [sflag:$0x5] =	stream.indirect.gather [hbm4b:s5+s14], $0x1, s18, s14, $0xb8;
	[tilespmem:$0x1FD00] =	vst v63  }
0x12b: {  	_ =	swait.ge [sflag:s1], $0x2800  }
0x12c: {  	[sflag:s1] =	ssyncset.done $0x0  }
0x12d: {  	[sflag:s1] =	ssyncadd.s32 $0xFFFFD800  }
0x12e: {  	_ =	swait.ge [sflag:s3], $0x50  }
0x12f: {  	[sflag:s3] =	ssyncset.done $0x0  }
0x130: {  	[sflag:s3] =	ssyncadd.s32 $0xFFFFFFB0  }
0x131: {  	[spmem:s2] =	stream.indirect.scatter.add.f32 [tilespmem:s22], [sflag:$0x9], $0x80, s6, s14, $0xb8;
	[tilespmem:$0x1FD00] =	vst v63  }
0x132: {  	v2 =	vld [tilespmem:$0xBC80]  }
0x133: {  	v3 =	vld [tilespmem:$0xBC00];
	_ =	sdelay $0x1  }
0x134: {  	v4 =	vld [tilespmem:$0xBC10];
	_ =	sdelay $0x1  }
0x135: {  	v5 =	vld [tilespmem:$0xBC20]  }
0x136: {  	v2 =	vadd.f32 v3, v2  }
0x137: {  	v3 =	vld [tilespmem:$0xBC30]  }
0x138: {  	v4 =	vadd.f32 v4, v2  }
0x139: {  	v2 =	vld [tilespmem:$0xBC40]  }
0x13a: {  	s10 =	simm.s32 $0x1500;
	v4 =	vadd.f32 v5, v4  }
.LBB2_2:
0x13b: {  	_ = 	snop  }
0x13c: {  	p0 =	sne.s32 s10, $0xF900;
	s11 =	smov.u32 s10;
	s10 =	sadd.s32 $0x600, s10;
	v3 =	vadd.f32 v3, v4  }
0x13d: {  	_ = 	snop  }
0x13e: {  	v2 =	vadd.f32 v2, v3;
	_ =	sdelay $0x1  }
0x13f: {  	[tilespmem:$0xBC80] =	vst v2  }
0x140: {  	_ =	swait.ge [sflag:s8], $0x2800  }
0x141: {  	[sflag:s8] =	ssyncset.done $0x0  }
0x142: {  	s11 =	sshra.s32 s11, $0x2;
	[sflag:s8] =	ssyncadd.s32 $0xFFFFD800  }
0x143: {  	v2 =	vld [tilespmem:s11+$0xFFFFFEC0];
	_ =	sdelay $0x4  }
0x144: {  	v3 =	vshrl.u32 v2, $0xE;
	v2 =	vand.u32 $0x3FFF, v2  }
0x145: {  	[tilespmem:$0x4280] =	vst v3;
	v2 =	vadd.s32 v0, v2  }
0x146: {  	[tilespmem:$0x4100] =	vst v2  }
0x147: {  	v2 =	vld [tilespmem:s11+$0xFFFFFED0];
	_ =	sdelay $0x4  }
0x148: {  	v3 =	vshrl.u32 v2, $0xE;
	v2 =	vand.u32 $0x3FFF, v2  }
0x149: {  	[tilespmem:$0x4290] =	vst v3;
	v2 =	vadd.s32 v0, v2  }
0x14a: {  	[tilespmem:$0x4110] =	vst v2  }
0x14b: {  	v2 =	vld [tilespmem:s11+$0xFFFFFEE0];
	_ =	sdelay $0x4  }
0x14c: {  	v3 =	vshrl.u32 v2, $0xE;
	v2 =	vand.u32 $0x3FFF, v2  }
0x14d: {  	[tilespmem:$0x42A0] =	vst v3;
	v2 =	vadd.s32 v0, v2  }
0x14e: {  	[tilespmem:$0x4120] =	vst v2  }
0x14f: {  	v2 =	vld [tilespmem:s11+$0xFFFFFEF0];
	_ =	sdelay $0x4  }
0x150: {  	v3 =	vshrl.u32 v2, $0xE;
	v2 =	vand.u32 $0x3FFF, v2  }
0x151: {  	[tilespmem:$0x42B0] =	vst v3;
	v2 =	vadd.s32 v0, v2  }
0x152: {  	[tilespmem:$0x4130] =	vst v2  }
0x153: {  	v2 =	vld [tilespmem:s11+$0xFFFFFF00];
	_ =	sdelay $0x4  }
0x154: {  	v3 =	vshrl.u32 v2, $0xE;
	v2 =	vand.u32 $0x3FFF, v2  }
0x155: {  	[tilespmem:$0x42C0] =	vst v3;
	v2 =	vadd.s32 v0, v2  }
0x156: {  	[tilespmem:$0x4140] =	vst v2  }
0x157: {  	[tilespmem:s22], [sflag:$0x3] =	stream.indirect.gather [hbm4b:s4+s14], $0x80, s21, s14, $0xb8;
	[tilespmem:$0x1FD00] =	vst v63  }
0x158: {  	_ = 	snop  }
0x159: {  	[tilespmem:s23], [sflag:$0x6] =	stream.indirect.gather [hbm4b:s5+s14], $0x1, s21, s14, $0xb8;
	[tilespmem:$0x1FD00] =	vst v63  }
0x15a: {  	_ =	swait.ge [sflag:s24], $0x2800  }
0x15b: {  	[sflag:s24] =	ssyncset.done $0x0  }
0x15c: {  	[sflag:s24] =	ssyncadd.s32 $0xFFFFD800  }
0x15d: {  	_ =	swait.ge [sflag:s25], $0x50  }
0x15e: {  	[sflag:s25] =	ssyncset.done $0x0  }
0x15f: {  	[sflag:s25] =	ssyncadd.s32 $0xFFFFFFB0  }
0x160: {  	[spmem:s2] =	stream.indirect.scatter.add.f32 [tilespmem:s16], [sflag:$0x7], $0x80, s26, s14, $0xb8;
	[tilespmem:$0x1FD00] =	vst v63  }
0x161: {  	v2 =	vld [tilespmem:$0xBC80]  }
0x162: {  	v3 =	vld [tilespmem:$0xBB00]  }
0x163: {  	v4 =	vld [tilespmem:$0xBB10]  }
0x164: {  	v5 =	vld [tilespmem:$0xBB20]  }
0x165: {  	v6 =	vld [tilespmem:$0xBB30]  }
0x166: {  	v7 =	vld [tilespmem:$0xBB40]  }
0x167: {  	v2 =	vadd.f32 v3, v2;
	_ =	sdelay $0x1  }
0x168: {  	v2 =	vadd.f32 v4, v2;
	_ =	sdelay $0x1  }
0x169: {  	v2 =	vadd.f32 v5, v2;
	_ =	sdelay $0x1  }
0x16a: {  	v2 =	vadd.f32 v6, v2;
	_ =	sdelay $0x1  }
0x16b: {  	v2 =	vadd.f32 v7, v2;
	_ =	sdelay $0x1  }
0x16c: {  	[tilespmem:$0xBC80] =	vst v2  }
0x16d: {  	_ =	swait.ge [sflag:s28], $0x2800  }
0x16e: {  	[sflag:s28] =	ssyncset.done $0x0  }
0x16f: {  	[sflag:s28] =	ssyncadd.s32 $0xFFFFD800  }
0x170: {  	v2 =	vld [tilespmem:s11+$0xFFFFFF40];
	_ =	sdelay $0x4  }
0x171: {  	v3 =	vshrl.u32 v2, $0xE;
	v2 =	vand.u32 $0x3FFF, v2  }
0x172: {  	[tilespmem:$0x4180] =	vst v3;
	v2 =	vadd.s32 v0, v2  }
0x173: {  	[tilespmem:$0x4000] =	vst v2  }
0x174: {  	v2 =	vld [tilespmem:s11+$0xFFFFFF50];
	_ =	sdelay $0x4  }
0x175: {  	v3 =	vshrl.u32 v2, $0xE;
	v2 =	vand.u32 $0x3FFF, v2  }
0x176: {  	[tilespmem:$0x4190] =	vst v3;
	v2 =	vadd.s32 v0, v2  }
0x177: {  	[tilespmem:$0x4010] =	vst v2  }
0x178: {  	v2 =	vld [tilespmem:s11+$0xFFFFFF60];
	_ =	sdelay $0x4  }
0x179: {  	v3 =	vshrl.u32 v2, $0xE;
	v2 =	vand.u32 $0x3FFF, v2  }
0x17a: {  	[tilespmem:$0x41A0] =	vst v3;
	v2 =	vadd.s32 v0, v2  }
0x17b: {  	[tilespmem:$0x4020] =	vst v2  }
0x17c: {  	v2 =	vld [tilespmem:s11+$0xFFFFFF70];
	_ =	sdelay $0x4  }
0x17d: {  	v3 =	vshrl.u32 v2, $0xE;
	v2 =	vand.u32 $0x3FFF, v2  }
0x17e: {  	[tilespmem:$0x41B0] =	vst v3;
	v2 =	vadd.s32 v0, v2  }
0x17f: {  	[tilespmem:$0x4030] =	vst v2  }
0x180: {  	v2 =	vld [tilespmem:s11+$0xFFFFFF80];
	_ =	sdelay $0x4  }
0x181: {  	v3 =	vshrl.u32 v2, $0xE;
	v2 =	vand.u32 $0x3FFF, v2  }
0x182: {  	[tilespmem:$0x41C0] =	vst v3;
	v2 =	vadd.s32 v0, v2  }
0x183: {  	[tilespmem:$0x4040] =	vst v2  }
0x184: {  	[tilespmem:s16], [sflag:$0x1] =	stream.indirect.gather [hbm4b:s4+s14], $0x80, s15, s14, $0xb8;
	[tilespmem:$0x1FD00] =	vst v63  }
0x185: {  	_ = 	snop  }
0x186: {  	[tilespmem:s17], [sflag:$0x4] =	stream.indirect.gather [hbm4b:s5+s14], $0x1, s15, s14, $0xb8;
	[tilespmem:$0x1FD00] =	vst v63  }
0x187: {  	_ =	swait.ge [sflag:s29], $0x2800  }
0x188: {  	[sflag:s29] =	ssyncset.done $0x0  }
0x189: {  	[sflag:s29] =	ssyncadd.s32 $0xFFFFD800  }
0x18a: {  	_ =	swait.ge [sflag:s30], $0x50  }
0x18b: {  	[sflag:s30] =	ssyncset.done $0x0  }
0x18c: {  	[sflag:s30] =	ssyncadd.s32 $0xFFFFFFB0  }
0x18d: {  	[spmem:s2] =	stream.indirect.scatter.add.f32 [tilespmem:s19], [sflag:$0x8], $0x80, s31, s14, $0xb8;
	[tilespmem:$0x1FD00] =	vst v63  }
0x18e: {  	v2 =	vld [tilespmem:$0xBC80]  }
0x18f: {  	v3 =	vld [tilespmem:$0xBB80]  }
0x190: {  	v4 =	vld [tilespmem:$0xBB90]  }
0x191: {  	v5 =	vld [tilespmem:$0xBBA0]  }
0x192: {  	v6 =	vld [tilespmem:$0xBBB0]  }
0x193: {  	v7 =	vld [tilespmem:$0xBBC0]  }
0x194: {  	v2 =	vadd.f32 v3, v2;
	_ =	sdelay $0x1  }
0x195: {  	v2 =	vadd.f32 v4, v2;
	_ =	sdelay $0x1  }
0x196: {  	v2 =	vadd.f32 v5, v2;
	_ =	sdelay $0x1  }
0x197: {  	v2 =	vadd.f32 v6, v2;
	_ =	sdelay $0x1  }
0x198: {  	v2 =	vadd.f32 v7, v2;
	_ =	sdelay $0x1  }
0x199: {  	[tilespmem:$0xBC80] =	vst v2  }
0x19a: {  	_ =	swait.ge [sflag:s0], $0x2800  }
0x19b: {  	[sflag:s0] =	ssyncset.done $0x0  }
0x19c: {  	[sflag:s0] =	ssyncadd.s32 $0xFFFFD800  }
0x19d: {  	v2 =	vld [tilespmem:s11+$0xFFFFFFC0];
	_ =	sdelay $0x4  }
0x19e: {  	v3 =	vshrl.u32 v2, $0xE;
	v2 =	vand.u32 $0x3FFF, v2  }
0x19f: {  	[tilespmem:$0x4200] =	vst v3;
	v2 =	vadd.s32 v0, v2  }
0x1a0: {  	[tilespmem:$0x4080] =	vst v2  }
0x1a1: {  	v2 =	vld [tilespmem:s11+$0xFFFFFFD0];
	_ =	sdelay $0x4  }
0x1a2: {  	v3 =	vshrl.u32 v2, $0xE;
	v2 =	vand.u32 $0x3FFF, v2  }
0x1a3: {  	[tilespmem:$0x4210] =	vst v3;
	v2 =	vadd.s32 v0, v2  }
0x1a4: {  	[tilespmem:$0x4090] =	vst v2  }
0x1a5: {  	v2 =	vld [tilespmem:s11+$0xFFFFFFE0];
	_ =	sdelay $0x4  }
0x1a6: {  	v3 =	vshrl.u32 v2, $0xE;
	v2 =	vand.u32 $0x3FFF, v2  }
0x1a7: {  	[tilespmem:$0x4220] =	vst v3;
	v2 =	vadd.s32 v0, v2  }
0x1a8: {  	[tilespmem:$0x40A0] =	vst v2  }
0x1a9: {  	v2 =	vld [tilespmem:s11+$0xFFFFFFF0];
	_ =	sdelay $0x4  }
0x1aa: {  	v3 =	vshrl.u32 v2, $0xE;
	v2 =	vand.u32 $0x3FFF, v2  }
0x1ab: {  	[tilespmem:$0x4230] =	vst v3;
	v2 =	vadd.s32 v0, v2  }
0x1ac: {  	[tilespmem:$0x40B0] =	vst v2  }
0x1ad: {  	v2 =	vld [tilespmem:s11+$0x0];
	_ =	sdelay $0x4  }
0x1ae: {  	v3 =	vshrl.u32 v2, $0xE;
	v2 =	vand.u32 $0x3FFF, v2  }
0x1af: {  	[tilespmem:$0x4240] =	vst v3;
	v2 =	vadd.s32 v0, v2  }
0x1b0: {  	[tilespmem:$0x40C0] =	vst v2  }
0x1b1: {  	[tilespmem:s19], [sflag:$0x2] =	stream.indirect.gather [hbm4b:s4+s14], $0x80, s18, s14, $0xb8;
	[tilespmem:$0x1FD00] =	vst v63  }
0x1b2: {  	_ = 	snop  }
0x1b3: {  	[tilespmem:s20], [sflag:$0x5] =	stream.indirect.gather [hbm4b:s5+s14], $0x1, s18, s14, $0xb8;
	[tilespmem:$0x1FD00] =	vst v63  }
0x1b4: {  	_ =	swait.ge [sflag:s1], $0x2800  }
0x1b5: {  	[sflag:s1] =	ssyncset.done $0x0  }
0x1b6: {  	[sflag:s1] =	ssyncadd.s32 $0xFFFFD800  }
0x1b7: {  	_ =	swait.ge [sflag:s3], $0x50  }
0x1b8: {  	[sflag:s3] =	ssyncset.done $0x0  }
0x1b9: {  	[sflag:s3] =	ssyncadd.s32 $0xFFFFFFB0  }
0x1ba: {  	[spmem:s2] =	stream.indirect.scatter.add.f32 [tilespmem:s22], [sflag:$0x9], $0x80, s6, s14, $0xb8;
	[tilespmem:$0x1FD00] =	vst v63  }
0x1bb: {  	v4 =	vld [tilespmem:$0xBC80]  }
0x1bc: {  	v5 =	vld [tilespmem:$0xBC00]  }
0x1bd: {  	v6 =	vld [tilespmem:$0xBC10]  }
0x1be: {  	v7 =	vld [tilespmem:$0xBC20]  }
0x1bf: {  	v3 =	vld [tilespmem:$0xBC30]  }
0x1c0: {  	v2 =	vld [tilespmem:$0xBC40]  }
.Ltmp0:
0x1c1: {  	v4 =	vadd.f32 v5, v4;
	(pc) =	sbr.rel @p0 .LBB2_2-.Ltmp0, $3  }
0x1c2: {  	_ = 	snop  }
0x1c3: {  	v4 =	vadd.f32 v6, v4;
	_ =	sdelay $0x1  }
0x1c4: {  	v4 =	vadd.f32 v7, v4  }
0x1c5: {  	_ = 	snop  }
0x1c6: {  	v3 =	vadd.f32 v3, v4;
	_ =	sdelay $0x1  }
0x1c7: {  	v2 =	vadd.f32 v2, v3;
	_ =	sdelay $0x1  }
0x1c8: {  	[tilespmem:$0xBC80] =	vst v2  }
0x1c9: {  	_ =	swait.ge [sflag:s8], $0x2800  }
0x1ca: {  	[sflag:s8] =	ssyncset.done $0x0  }
0x1cb: {  	[sflag:s8] =	ssyncadd.s32 $0xFFFFD800  }
0x1cc: {  	_ =	swait.ge [sflag:s24], $0x2800  }
0x1cd: {  	[sflag:s24] =	ssyncset.done $0x0  }
0x1ce: {  	[sflag:s24] =	ssyncadd.s32 $0xFFFFD800  }
0x1cf: {  	_ =	swait.ge [sflag:s25], $0x50  }
0x1d0: {  	[sflag:s25] =	ssyncset.done $0x0  }
0x1d1: {  	[sflag:s25] =	ssyncadd.s32 $0xFFFFFFB0  }
0x1d2: {  	[spmem:s2] =	stream.indirect.scatter.add.f32 [tilespmem:s16], [sflag:$0x7], $0x80, s26, s14, $0xb8;
	[tilespmem:$0x1FD00] =	vst v63  }
0x1d3: {  	v2 =	vld [tilespmem:$0xBC80]  }
0x1d4: {  	v3 =	vld [tilespmem:$0xBB00];
	_ =	sdelay $0x1  }
0x1d5: {  	v59 =	vld [tilespmem:$0xBB10];
	_ =	sdelay $0x1  }
0x1d6: {  	v5 =	vld [tilespmem:$0xBB20]  }
0x1d7: {  	v2 =	vadd.f32 v3, v2  }
0x1d8: {  	v3 =	vld [tilespmem:$0xBB30]  }
0x1d9: {  	v2 =	vadd.f32 v59, v2  }
0x1da: {  	v60 =	vld [tilespmem:$0xBB40]  }
0x1db: {  	v2 =	vadd.f32 v5, v2;
	_ =	sdelay $0x1  }
0x1dc: {  	v2 =	vadd.f32 v3, v2;
	_ =	sdelay $0x1  }
0x1dd: {  	v2 =	vadd.f32 v60, v2;
	_ =	sdelay $0x1  }
0x1de: {  	[tilespmem:$0xBC80] =	vst v2  }
0x1df: {  	_ =	swait.ge [sflag:s28], $0x2800  }
0x1e0: {  	[sflag:s28] =	ssyncset.done $0x0  }
0x1e1: {  	[sflag:s28] =	ssyncadd.s32 $0xFFFFD800  }
0x1e2: {  	_ =	swait.ge [sflag:s29], $0x2800  }
0x1e3: {  	[sflag:s29] =	ssyncset.done $0x0  }
0x1e4: {  	[sflag:s29] =	ssyncadd.s32 $0xFFFFD800  }
0x1e5: {  	_ =	swait.ge [sflag:s30], $0x50  }
0x1e6: {  	[sflag:s30] =	ssyncset.done $0x0  }
0x1e7: {  	[sflag:s30] =	ssyncadd.s32 $0xFFFFFFB0  }
0x1e8: {  	[spmem:s2] =	stream.indirect.scatter.add.f32 [tilespmem:s19], [sflag:$0x8], $0x80, s31, s14, $0xb8;
	[tilespmem:$0x1FD00] =	vst v63  }
0x1e9: {  	v2 =	vld [tilespmem:$0xBC80]  }
0x1ea: {  	v3 =	vld [tilespmem:$0xBB80];
	_ =	sdelay $0x1  }
0x1eb: {  	v61 =	vld [tilespmem:$0xBB90];
	_ =	sdelay $0x1  }
0x1ec: {  	v62 =	vld [tilespmem:$0xBBA0]  }
0x1ed: {  	v2 =	vadd.f32 v3, v2  }
0x1ee: {  	v3 =	vld [tilespmem:$0xBBB0]  }
0x1ef: {  	v2 =	vadd.f32 v61, v2  }
0x1f0: {  	v63 =	vld [tilespmem:$0xBBC0]  }
0x1f1: {  	v2 =	vadd.f32 v62, v2;
	_ =	sdelay $0x1  }
0x1f2: {  	v2 =	vadd.f32 v3, v2;
	_ =	sdelay $0x1  }
0x1f3: {  	v2 =	vadd.f32 v63, v2;
	_ =	sdelay $0x1  }
0x1f4: {  	[tilespmem:$0xBC80] =	vst v2  }
0x1f5: {  	_ =	swait.ge [sflag:s0], $0x2800  }
0x1f6: {  	[sflag:s0] =	ssyncset.done $0x0  }
0x1f7: {  	[sflag:s0] =	ssyncadd.s32 $0xFFFFD800  }
0x1f8: {  	[bflag:$0x0] =	sbarrier.arrive $0xFFFF  }
0x1f9: {  	s10 =	rddreg [dreg:$0x5]  }
0x1fa: {  	[hbm:s10], [sflag:s7] =	dma.local [spmem:s12], $0x2800  }
0x1fb: {  	_ =	swait.ge [sflag:s13], $0x2800  }
0x1fc: {  	[sflag:s13] =	ssyncset.done $0x0  }
0x1fd: {  	s10 =	simm.s32 $0x0;
	s11 =	rddreg [dreg:$0x6];
	[sflag:s13] =	ssyncadd.s32 $0xFFFFD800  }
0x1fe: {  	s13 =	smov.u32 s12;
	s12 =	smov.u32 s7;
	s7 =	simm.s32 $0xBC80  }
0x1ff: {  	[hbm4b:s11+s10] =	stream.linear.scatter [tilespmem:s7], [sflag:$0xA], $0x10, $0x38;
	[tilespmem:$0x1FD00] =	vst v63  }
0x200: {  	s7 =	smov.u32 s12;
	s12 =	smov.u32 s13;
	s13 =	simm.s32 $0xA  }
0x201: {  	_ =	swait.ge [sflag:s13], $0x10  }
0x202: {  	s9 =	sadd.s32 $0x1, s9;
	s11 =	rddreg [dreg:$0x7]  }
0x203: {  	p0 =	sne.s32 s9, s11  }
.Ltmp1:
0x204: {  	_ = 	snop;
	(pc) =	sbr.rel @p0 .LBB2_1-.Ltmp1, $3  }
0x205: {  	_ =	sdelay $0x1  }
0x206: {  	[sflag:s13] =	ssyncset.done $0x0  }
0x207: {  	[sflag:s13] =	ssyncadd.s32 $0xFFFFFFF0  }
0x208: {  	_ =	sfence.sel $0x180000  }
0x209: {  	[bflag:$0x0] =	sbarrier.arrive $0xFFFF  }
0x20a: {  	_ =	strace $0x90000047  }
0x20b: {  	s0 =	stileid.u32;
	[bflag:$0x2] =	sbarrier.arrive $0xFFFF  }
0x20c: {  	p0 =	sne.s32 s0, $0x0;
	s0 =	rddreg [dreg:$0x2]  }
0x20d: {  	s0 =	sadd.s32 @!p0 $0x100000, s0  }
0x20e: {  	[sflag:s0] =	ssyncadd.tile.s32 @!p0 $0x1;
	_ =	shalt  }
.Lfunc_end2:
_tile_overlayer_lowered:
.L_overlay_start_2:
0x20f: {  	(tag) =	ssettag $0x2  }
0x210: {  	s0 =	rddreg [dreg:$0x0];
	s2 =	stileid.u32  }
0x211: {  	s1 =	rddreg [dreg:$0x1];
	p0 =	sne.s32 s2, $0x0  }
0x212: {  	s3 =	rddreg [dreg:$0x2];
	[bflag:$0x3] =	sbarrier.arrive $0xFFFF;
	s2 =	simm.s32 @!p0 $0x1C0A  }
0x213: {  	[timem:s3], [sflag:s2] =	dma.local @!p0 [hbm:s0], s1  }
0x214: {  	s0 =	simm.s32 @!p0 $0xA  }
0x215: {  	_ =	swait.ge @!p0 [sflag:s0], s1  }
0x216: {  	s1 =	ssub.s32 @!p0 $0x0, s1;
	[sflag:s0] =	ssyncset.done @!p0 $0x0  }
0x217: {  	[sflag:s0] =	ssyncadd.s32 @!p0 s1  }
0x218: {  	[bflag:$0x3] =	sbarrier.arrive $0xFFFF  }
0x219: {  	_ =	shalt  }

// kernel: kernel.13.cloned.1.call-start
scs
__scs_entry_jumppad:
0x0: {  	(pc) =	sbr.rel $0x88, $3  }
0x1: {  	(tag) =	ssettag $0x0;
	lr =	simm.s32 $0x1  }
0x2: {  	[smem:$0x3F91] =	sst lr;
	_ =	strace $0xD0000000  }
0x3: {  	_ = 	snop  }
0x4: {  	_ = 	snop  }
0x5: {  	_ = 	snop  }
0x6: {  	_ = 	snop  }
0x7: {  	_ = 	snop  }
__scs_overlays_trampoline_lowered:
0x8: {  	[smem:$0x3FA0] =	sst s0  }
0x9: {  	[smem:$0x3FA1] =	sst s1  }
0xa: {  	[smem:$0x3FA2] =	sst s2  }
0xb: {  	[smem:$0x3FA3] =	sst s3  }
0xc: {  	[smem:$0x3FA4] =	sst s4  }
0xd: {  	[smem:$0x3FA5] =	sst s5  }
0xe: {  	[smem:$0x3FA6] =	sst s6  }
0xf: {  	[smem:$0x3FA7] =	sst s7  }
0x10: {  	[smem:$0x3FA8] =	sst s8  }
0x11: {  	[smem:$0x3FA9] =	sst s9;
	s0 =	simm.s32 @!p0 $0x0  }
0x12: {  	s1 =	sld [smem:$0x3F8F];
	s0 =	simm.s32 @p0 $0x1  }
0x13: {  	[smem:$0x3FAA] =	sst s0;
	s0 =	simm.s32 @!p1 $0x0  }
0x14: {  	s2 =	sld [smem:$0x3F8E];
	s0 =	simm.s32 @p1 $0x1  }
0x15: {  	[smem:$0x3FAB] =	sst s0;
	s0 =	simm.s32 @!p2 $0x0  }
0x16: {  	s3 =	sld [smem:$0x3FDB];
	s0 =	simm.s32 @p2 $0x1  }
0x17: {  	s4 =	simm.s32 $0x1BF5;
	[smem:$0x3FAD] =	sst s0  }
0x18: {  	s0 =	sld [smem:$0x3F90];
	_ =	swait.ge [sflag:s4], $0x0  }
0x19: {  	s7 =	sld [smem:$0x3F91]  }
0x1a: {  	s8 =	sadd.s32 $0xFFFFE003, lr  }
0x1b: {  	s9 =	sadd.s32 $0xFFFFFEF7, lr;
	s5 =	simm.s32 $0xFFFFFFFF;
	p2 =	slt.u32 s8, $0xFFFFF086  }
0x1c: {  	p1 =	slt.u32 s9, $0xF7A;
	s5 =	simm.s32 @!p2 $0x0  }
0x1d: {  	s5 =	simm.s32 @p1 $0x1;
	p0 =	seq.s32 s7, s2  }
0x1e: {  	s7 =	smul.u32 @!p0 $0xF7A, s2;
	p2 =	seq.s32 @!p0 s5, $0x0  }
0x1f: {  	s9 =	smul.u32 $0xF7A, s1;
	s8 =	simm.s32 @!p0 $0x1BF5;
	p2 =	por !p2, p0  }
0x20: {  	[sflag:s8] =	ssyncset.s32 @!p0 $0xFFFFF086;
	s6 =	sadd.s32 @!p0 s3, s7;
	s7 =	simm.s32 @!p0 $0x108  }
0x21: {  	s3 =	sadd.s32 s3, s9;
	s6 =	sadd.s32 @!p0 $0x88, s6;
	s7 =	simm.s32 @p2 $0x1082  }
0x22: {  	[simem:s7], [sflag:s8] =	dma.local @!p0 [hbm:s6], $0xF7A  }
0x23: {  	s9 =	sor.u32 $0xD0000000, s2;
	s6 =	simm.s32 $0x108;
	_ =	swait.ge @!p0 [sflag:s8], $0x0  }
0x24: {  	s3 =	sadd.s32 $0x88, s3;
	s6 =	simm.s32 @!p1 $0x1082;
	[sflag:s4] =	ssyncset.s32 $0xFFFFF086  }
0x25: {  	[simem:s6], [sflag:s4] =	dma.local [hbm:s3], $0xF7A  }
0x26: {  	[smem:$0x3F91] =	sst s1;
	(tag) =	ssettag s2;
	_ =	strace s9  }
0x27: {  	s1 =	sld [smem:$0x3FA1]  }
0x28: {  	s2 =	sld [smem:$0x3FA2]  }
0x29: {  	s4 =	sld [smem:$0x3FA4]  }
0x2a: {  	p0 =	seq.s32 s5, $0x0;
	s5 =	sld [smem:$0x3FA5]  }
0x2b: {  	s6 =	sld [smem:$0x3FA6]  }
0x2c: {  	s7 =	sld [smem:$0x3FA7]  }
0x2d: {  	s3 =	simm.s32 $0x108;
	s8 =	sld [smem:$0x3FA8]  }
0x2e: {  	s3 =	simm.s32 @!p0 $0x1082;
	s9 =	sld [smem:$0x3FA9]  }
0x2f: {  	lr =	sadd.s32 s0, s3;
	s0 =	sld [smem:$0x3FA0]  }
0x30: {  	s3 =	sld [smem:$0x3FA3]  }
0x31: {  	[smem:$0x3FAC] =	sst s10  }
0x32: {  	s10 =	sld [smem:$0x3FAA];
	_ =	sdelay $0x3  }
0x33: {  	p0 =	seq.s32 s10, $0x1;
	s10 =	sld [smem:$0x3FAC];
	_ =	sdelay $0x3  }
0x34: {  	[smem:$0x3FAC] =	sst s10  }
0x35: {  	s10 =	sld [smem:$0x3FAB];
	_ =	sdelay $0x3  }
0x36: {  	p1 =	seq.s32 s10, $0x1;
	s10 =	sld [smem:$0x3FAC];
	_ =	sdelay $0x3  }
0x37: {  	[smem:$0x3FAC] =	sst s10  }
0x38: {  	s10 =	sld [smem:$0x3FAD]  }
0x39: {  	_ = 	snop;
	(pc) =	sbr.ind lr, $3  }
0x3a: {  	_ = 	snop  }
0x3b: {  	_ = 	snop  }
0x3c: {  	p2 =	seq.s32 s10, $0x1;
	s10 =	sld [smem:$0x3FAC]  }
0x3d: {  	_ =	shalt  }
0x3e: {  	_ =	shalt  }
0x3f: {  	_ =	shalt  }
0x40: {  	_ =	shalt  }
0x41: {  	_ =	shalt  }
0x42: {  	_ =	shalt  }
0x43: {  	_ =	shalt  }
0x44: {  	_ =	shalt  }
0x45: {  	_ =	shalt  }
0x46: {  	_ =	shalt  }
0x47: {  	_ =	shalt  }
0x48: {  	_ =	shalt  }
0x49: {  	_ =	shalt  }
0x4a: {  	_ =	shalt  }
0x4b: {  	_ =	shalt  }
0x4c: {  	_ =	shalt  }
0x4d: {  	_ =	shalt  }
0x4e: {  	_ =	shalt  }
0x4f: {  	_ =	shalt  }
0x50: {  	_ =	shalt  }
0x51: {  	_ =	shalt  }
0x52: {  	_ =	shalt  }
0x53: {  	_ =	shalt  }
0x54: {  	_ =	shalt  }
0x55: {  	_ =	shalt  }
0x56: {  	_ =	shalt  }
0x57: {  	_ =	shalt  }
0x58: {  	_ =	shalt  }
0x59: {  	_ =	shalt  }
0x5a: {  	_ =	shalt  }
0x5b: {  	_ =	shalt  }
0x5c: {  	_ =	shalt  }
0x5d: {  	_ =	shalt  }
0x5e: {  	_ =	shalt  }
0x5f: {  	_ =	shalt  }
0x60: {  	_ =	shalt  }
0x61: {  	_ =	shalt  }
0x62: {  	_ =	shalt  }
0x63: {  	_ =	shalt  }
0x64: {  	_ =	shalt  }
0x65: {  	_ =	shalt  }
0x66: {  	_ =	shalt  }
0x67: {  	_ =	shalt  }
0x68: {  	_ =	shalt  }
0x69: {  	_ =	shalt  }
0x6a: {  	_ =	shalt  }
0x6b: {  	_ =	shalt  }
0x6c: {  	_ =	shalt  }
0x6d: {  	_ =	shalt  }
0x6e: {  	_ =	shalt  }
0x6f: {  	_ =	shalt  }
0x70: {  	_ =	shalt  }
0x71: {  	_ =	shalt  }
0x72: {  	_ =	shalt  }
0x73: {  	_ =	shalt  }
0x74: {  	_ =	shalt  }
0x75: {  	_ =	shalt  }
0x76: {  	_ =	shalt  }
0x77: {  	_ =	shalt  }
0x78: {  	_ =	shalt  }
0x79: {  	_ =	shalt  }
0x7a: {  	_ =	shalt  }
0x7b: {  	_ =	shalt  }
0x7c: {  	_ =	shalt  }
0x7d: {  	_ =	shalt  }
0x7e: {  	_ =	shalt  }
0x7f: {  	_ =	shalt  }
0x80: {  	_ =	shalt  }
0x81: {  	_ =	shalt  }
0x82: {  	_ =	shalt  }
0x83: {  	_ =	shalt  }
0x84: {  	_ =	shalt  }
0x85: {  	_ =	shalt  }
0x86: {  	_ =	shalt  }
0x87: {  	_ =	shalt  }
.Lfunc_end0:
.L_simem_size_0:
called_computation.1_lowered:
.L_overlay_start_0:
0x88: {  	s2 =	sld [smem:$0x3FD9]  }
0x89: {  	s3 =	sld [smem:$0x3FFE];
	_ =	sdelay $0x1  }
0x8a: {  	s1 =	srdreg.scid  }
0x8b: {  	s0 =	sand.u32 $0x1, s1  }
0x8c: {  	s15 =	sshll.u32 s0, $0xA;
	s2 =	sadd.s32 s3, s2  }
0x8d: {  	s2 =	sadd.s32 s2, s15  }
0x8e: {  	[smem:$0x3FB8] =	sst s2  }
0x8f: {  	_ = 	snop  }
0x90: {  	s2 =	sld [smem:$0x3FD0];
	_ =	sdelay $0x2  }
0x91: {  	s4 =	simm.s32 $0xB;
	s16 =	simm.s32 $0x10  }
0x92: {  	[smem:s16], [sflag:s4] =	dma.local [hbm:s2], $0x1  }
0x93: {  	_ =	swait.eq [sflag:s4], $0x1  }
0x94: {  	[sflag:s4] =	ssyncset.done $0x0  }
0x95: {  	s17 =	sld [smem:$0x10];
	[sflag:s4] =	ssyncadd.s32 $0xFFFFFFFF  }
0x96: {  	s18 =	sld [smem:$0x11];
	(tm) =	ssettm $0x1  }
0x97: {  	s19 =	sld [smem:$0x3FFB];
	_ =	sdelay $0x3  }
0x98: {  	_ =	strace s19  }
0x99: {  	s2 =	sld [smem:$0x3FFC];
	_ =	sdelay $0x3  }
0x9a: {  	_ =	strace s2  }
0x9b: {  	s2 =	sld [smem:$0x3FFD];
	_ =	sdelay $0x3  }
0x9c: {  	_ =	strace s2  }
0x9d: {  	_ =	strace $0x8FFFFFFF  }
0x9e: {  	s20 =	sld [smem:$0x3FDB];
	_ =	sdelay $0x1  }
0x9f: {  	s5 =	simm.s32 $_scs_section_size  }
0xa0: {  	s6 =	simm.s32 $_size__tile_overlayer_lowered;
	s7 =	simm.s32 $_tile_overlayer_lowered  }
0xa1: {  	s8 =	simm.s32 $0x1BFF;
	s21 =	sshll.u32 s7, $0x1;
	s5 =	sadd.s32 s5, s20  }
0xa2: {  	s22 =	simm.s32 $0x0;
	s6 =	sshll.u32 s6, $0x1;
	s7 =	sadd.s32 s21, s5  }
0xa3: {  	[timem:s22], [sflag:s8] =	dma.local [hbm:s7], s6  }
0xa4: {  	_ =	swait.ge [sflag:s8], s6  }
0xa5: {  	s6 =	ssub.s32 $0x0, s6;
	[sflag:s8] =	ssyncset.done $0x0  }
0xa6: {  	[sflag:s8] =	ssyncadd.s32 s6;
	_ =	sdelay $0x1  }
0xa7: {  	s23 =	simm.s32 $0x1B8B  }
0xa8: {  	_ =	swait.ge [sflag:s23], $0x1  }
0xa9: {  	[sflag:s23] =	ssyncset.done $0x0  }
0xaa: {  	[sflag:s23] =	ssyncadd.s32 $0xFFFFFFFF  }
0xab: {  	s6 =	sld [smem:$0x0]  }
0xac: {  	s7 =	sand.u32 $0xFFFFFFFE, s1  }
0xad: {  	p0 =	sne.s32 s1, s7  }
0xae: {  	s7 =	sshll.u32 @p0 s7, $0xE  }
0xaf: {  	s7 =	sadd.s32 @p0 $0x11B8D, s7;
	s8 =	sshll.u32 @p0 s6, $0x11  }
0xb0: {  	s7 =	sor.u32 @p0 s8, s7  }
0xb1: {  	[sflag:s7] =	ssyncadd.remote.s32 @p0 $0x1;
	_ =	sdelay $0x1  }
0xb2: {  	s7 =	simm.s32 @p0 $0x1B8D  }
0xb3: {  	_ =	swait.eq @p0 [sflag:s7], $0x1  }
0xb4: {  	[sflag:s7] =	ssyncadd.s32 @p0 $0xFFFFFFFF  }
0xb5: {  	s8 =	sshll.u32 @!p0 s1, $0xE  }
0xb6: {  	s8 =	sor.u32 @!p0 $0x4000, s8;
	s7 =	simm.s32 @!p0 $0x1B8D  }
0xb7: {  	s6 =	sshll.u32 @!p0 s6, $0x11;
	s8 =	sadd.s32 @!p0 $0x11B8D, s8;
	_ =	swait.eq @!p0 [sflag:s7], $0x1  }
0xb8: {  	s6 =	sor.u32 @!p0 s6, s8;
	[sflag:s7] =	ssyncadd.s32 @!p0 $0xFFFFFFFF  }
0xb9: {  	s25 =	simm.s32 $0x1B8E;
	s24 =	sld [smem:$0x3FFE];
	[sflag:s6] =	ssyncadd.remote.s32 @!p0 $0x1  }
0xba: {  	s26 =	simm.s32 $execute0_lowered;
	[smem:$0x3FD2] =	sst s25  }
0xbb: {  	s7 =	sshll.u32 s26, $0x1;
	_ =	strace $0x80000049;
	[dreg:$0x1] =	wrdreg $0xFFFFFFFF  }
0xbc: {  	s28 =	simm.s32 $_size_execute0_lowered;
	s5 =	sadd.s32 s5, s7;
	[dreg:$0x0] =	wrdreg $0x0  }
0xbd: {  	s7 =	sshll.u32 s28, $0x1;
	[dreg:$0x2] =	wrdreg s5  }
0xbe: {  	[dreg:$0x3] =	wrdreg s7  }
0xbf: {  	[dreg:$0x4] =	wrdreg $0xC0  }
0xc0: {  	_ =	task [dreg:s22], $0x5FFFF  }
0xc1: {  	[dreg:$0x1] =	wrdreg $0xFFFFFFFF  }
0xc2: {  	[dreg:$0x0] =	wrdreg $0x60  }
0xc3: {  	[dreg:$0x2] =	wrdreg s18  }
0xc4: {  	[dreg:$0x3] =	wrdreg s24  }
0xc5: {  	[dreg:$0x4] =	wrdreg s17  }
0xc6: {  	[dreg:$0x5] =	wrdreg $0xBD000  }
0xc7: {  	[dreg:$0x6] =	wrdreg $0xA  }
0xc8: {  	_ =	task.clear_ibuf [dreg:s22], $0x7FFFF;
	_ =	strace $0x90000049  }
0xc9: {  	s29 =	simm.s32 $0xA;
	_ =	strace $0x8000004B  }
0xca: {  	_ =	swait.ge [sflag:s29], $0x1  }
0xcb: {  	[sflag:s29] =	ssyncadd.s32 $0xFFFFFFFF  }
0xcc: {  	_ =	strace $0x9000004B  }
0xcd: {  	_ =	sfence  }
0xce: {  	s30 =	sld [smem:$0x0];
	_ =	sdelay $0x2  }
0xcf: {  	s31 =	sshll.u32 s1, $0xD;
	s1 =	sshrl.u32 s1, $0x2  }
0xd0: {  	s4 =	sand.u32 $0x4000, s31;
	s1 =	sadd.s32 s1, s30  }
0xd1: {  	s0 =	sor.u32 s4, s0;
	s1 =	sshll.u32 s1, $0x11  }
0xd2: {  	s0 =	sor.u32 s1, s0  }
0xd3: {  	s0 =	sadd.s32 $0x8F2B, s0  }
0xd4: {  	[sflag:s0] =	ssyncadd.remote.s32 $0x1  }
0xd5: {  	_ =	sfence.sel $0xFFFF  }
0xd6: {  	[dreg:$0x0] =	wrdreg $0xFFFFFFFF;
	(pc) =	sbr.abs _section_cstart, $3  }
0xd7: {  	[dreg:$0x1] =	wrdreg $0xFFFFFFFF  }
0xd8: {  	_ =	task.clear_ibuf [dreg:s22], $0x2FFFF;
	_ =	strace $0x9FFFFFFF  }
0xd9: {  	(tm) =	ssettm $0x7FFFFFFF  }
tec
execute0_lowered:
.L_overlay_start_1:
0x0: {  	(tag) =	ssettag $0x1  }
0x1: {  	s1 =	rddreg [dreg:$0x0]  }
0x2: {  	s0 =	rddreg [dreg:$0x1]  }
0x3: {  	s2 =	rddreg [dreg:$0x2]  }
0x4: {  	s3 =	rddreg [dreg:$0x3]  }
0x5: {  	s12 =	stileid.u32;
	s4 =	srdreg.scid  }
0x6: {  	s5 =	simm.s32 $0x0;
	s13 =	simm.s32 $0xA;
	s14 =	simm.s32 $0x50  }
0x7: {  	s15 =	simm.s32 $0x4000;
	s16 =	simm.s32 $0x4300;
	s17 =	simm.s32 $0xBB00  }
0x8: {  	s18 =	simm.s32 $0x4080;
	s19 =	simm.s32 $0x6B00;
	s28 =	simm.s32 $0x7  }
0x9: {  	s29 =	simm.s32 $0x2;
	s30 =	simm.s32 $0x5;
	s31 =	simm.s32 $0x4200  }
0xa: {  	s6 =	smul.u32 $0x2800, s12;
	s4 =	sand.u32 $0x1, s4;
	[smem:$0x7FF] =	sst s5  }
0xb: {  	s5 =	sadd.s32 $0xD3200, s0;
	s20 =	smul.u32 $0x50000, s12;
	s9 =	sshll.u32 s12, $0x1  }
0xc: {  	s23 =	sshll.u32 s12, $0x6;
	s24 =	sshll.u32 s12, $0xB;
	s7 =	smul.u32 $0x28000, s4  }
0xd: {  	_ =	strace $0x8000004A;
	s10 =	ssub.s32 $0x2, s4;
	s2 =	sadd.s32 s2, s24  }
0xe: {  	s24 =	simm.s32 $0x1;
	s8 =	sadd.s32 s6, s0;
	s21 =	sshrl.u32 s10, $0x1  }
0xf: {  	[dreg:$0x6] =	wrdreg s2;
	s2 =	simm.s32 $0x3;
	s6 =	sadd.s32 s6, s7  }
0x10: {  	s7 =	sshrl.u32 s20, $0x2;
	s22 =	sadd.s32 $0x5B000, s8;
	s20 =	simm.s32 $0xBB80  }
0x11: {  	s8 =	simm.s32 $0x9;
	s6 =	sadd.s32 s6, s0;
	s0 =	sadd.s32 s9, s0  }
0x12: {  	s9 =	ssub.s32 s10, s21;
	s10 =	smul.u32 $0x2710, s4;
	s11 =	sadd.s32 s7, s3  }
0x13: {  	[dreg:$0x5] =	wrdreg s22;
	s4 =	sshll.u32 s4, $0x5;
	s7 =	sor.u32 $0x1C0A, s23  }
0x14: {  	s21 =	simm.s32 $0x4100;
	s22 =	simm.s32 $0x9300;
	s23 =	simm.s32 $0xBC00  }
0x15: {  	s0 =	sadd.s32 s4, s0;
	s25 =	sadd.s32 $0xD3C00, s6;
	s26 =	smax.u32 s9, $0x1  }
0x16: {  	s12 =	sshrl.u32 s11, $0x3;
	s4 =	simm.s32 $0x6;
	s6 =	simm.s32 $0x4280  }
0x17: {  	s9 =	simm.s32 $0x0;
	[dreg:$0x7] =	wrdreg s25;
	s0 =	sadd.s32 $0x123C00, s0  }
0x18: {  	[dreg:$0x9] =	wrdreg s26;
	s25 =	simm.s32 $0x4;
	s26 =	simm.s32 $0x4180  }
0x19: {  	v1 =	vimm.f32 $0.0e+00;
	v0 =	vmov s10;
	s10 =	simm.s32 $0x0;
	[dreg:$0x8] =	wrdreg s0;
	s0 =	simm.s32 $0x8  }
.LBB2_1:
0x1a: {  	s11 =	rddreg [dreg:$0x5]  }
0x1b: {  	[spmem:s12], [sflag:s7] =	dma.local [hbm:s11], $0x2800  }
0x1c: {  	_ =	swait.ge [sflag:s13], $0x2800  }
0x1d: {  	[sflag:s13] =	ssyncset.done $0x0  }
0x1e: {  	s11 =	rddreg [dreg:$0x6];
	[sflag:s13] =	ssyncadd.s32 $0xFFFFD800  }
0x1f: {  	[tilespmem:s10], [sflag:$0xA] =	stream.linear.gather [hbm4b:s11+s10], $0x3E80, $0x38;
	[tilespmem:$0x1FD00] =	vst v63  }
0x20: {  	_ =	swait.ge [sflag:s13], $0x3E80  }
0x21: {  	[sflag:s13] =	ssyncset.done $0x0  }
0x22: {  	[sflag:s13] =	ssyncadd.s32 $0xFFFFC180  }
0x23: {  	[tilespmem:$0xBC80] =	vst v1  }
0x24: {  	[bflag:$0x0] =	sbarrier.arrive $0xFFFF  }
0x25: {  	v2 =	vld [tilespmem:$0x0];
	_ =	sdelay $0x1  }
0x26: {  	v3 =	vld [tilespmem:$0x10];
	_ =	sdelay $0x1  }
0x27: {  	v4 =	vld [tilespmem:$0x20]  }
0x28: {  	v5 =	vshrl.u32 v2, $0xE;
	v2 =	vand.u32 $0x3FFF, v2  }
0x29: {  	[tilespmem:$0x4180] =	vst v5;
	v2 =	vadd.s32 v0, v2;
	v5 =	vld [tilespmem:$0x30]  }
0x2a: {  	[tilespmem:$0x4000] =	vst v2;
	v2 =	vshrl.u32 v3, $0xE;
	v3 =	vand.u32 $0x3FFF, v3  }
0x2b: {  	[tilespmem:$0x4190] =	vst v2;
	v2 =	vadd.s32 v0, v3;
	v3 =	vld [tilespmem:$0x40]  }
0x2c: {  	[tilespmem:$0x4010] =	vst v2;
	v2 =	vshrl.u32 v4, $0xE;
	v4 =	vand.u32 $0x3FFF, v4  }
0x2d: {  	[tilespmem:$0x41A0] =	vst v2;
	v2 =	vadd.s32 v0, v4  }
0x2e: {  	[tilespmem:$0x4020] =	vst v2;
	v2 =	vshrl.u32 v5, $0xE;
	v4 =	vand.u32 $0x3FFF, v5  }
0x2f: {  	[tilespmem:$0x41B0] =	vst v2;
	v2 =	vadd.s32 v0, v4  }
0x30: {  	[tilespmem:$0x4030] =	vst v2;
	v2 =	vshrl.u32 v3, $0xE;
	v3 =	vand.u32 $0x3FFF, v3  }
0x31: {  	[tilespmem:$0x41C0] =	vst v2;
	v2 =	vadd.s32 v0, v3  }
0x32: {  	[tilespmem:$0x4040] =	vst v2  }
0x33: {  	[tilespmem:s16], [sflag:$0x1] =	stream.indirect.gather [hbm4b:s1+s14], $0x80, s15, s14, $0xb8;
	[tilespmem:$0x1FD00] =	vst v63  }
0x34: {  	_ = 	snop  }
0x35: {  	[tilespmem:s17], [sflag:$0x4] =	stream.indirect.gather [hbm4b:s5+s14], $0x1, s15, s14, $0xb8;
	[tilespmem:$0x1FD00] =	vst v63  }
0x36: {  	v2 =	vld [tilespmem:$0x80];
	_ =	sdelay $0x1  }
0x37: {  	v3 =	vld [tilespmem:$0x90];
	_ =	sdelay $0x1  }
0x38: {  	v4 =	vld [tilespmem:$0xA0]  }
0x39: {  	v5 =	vshrl.u32 v2, $0xE;
	v2 =	vand.u32 $0x3FFF, v2  }
0x3a: {  	[tilespmem:$0x4200] =	vst v5;
	v2 =	vadd.s32 v0, v2;
	v5 =	vld [tilespmem:$0xB0]  }
0x3b: {  	[tilespmem:$0x4080] =	vst v2;
	v2 =	vshrl.u32 v3, $0xE;
	v3 =	vand.u32 $0x3FFF, v3  }
0x3c: {  	[tilespmem:$0x4210] =	vst v2;
	v2 =	vadd.s32 v0, v3;
	v3 =	vld [tilespmem:$0xC0]  }
0x3d: {  	[tilespmem:$0x4090] =	vst v2;
	v2 =	vshrl.u32 v4, $0xE;
	v4 =	vand.u32 $0x3FFF, v4  }
0x3e: {  	[tilespmem:$0x4220] =	vst v2;
	v2 =	vadd.s32 v0, v4  }
0x3f: {  	[tilespmem:$0x40A0] =	vst v2;
	v2 =	vshrl.u32 v5, $0xE;
	v4 =	vand.u32 $0x3FFF, v5  }
0x40: {  	[tilespmem:$0x4230] =	vst v2;
	v2 =	vadd.s32 v0, v4  }
0x41: {  	[tilespmem:$0x40B0] =	vst v2;
	v2 =	vshrl.u32 v3, $0xE;
	v3 =	vand.u32 $0x3FFF, v3  }
0x42: {  	[tilespmem:$0x4240] =	vst v2;
	v2 =	vadd.s32 v0, v3  }
0x43: {  	[tilespmem:$0x40C0] =	vst v2  }
0x44: {  	[tilespmem:s19], [sflag:$0x2] =	stream.indirect.gather [hbm4b:s1+s14], $0x80, s18, s14, $0xb8;
	[tilespmem:$0x1FD00] =	vst v63  }
0x45: {  	_ = 	snop  }
0x46: {  	[tilespmem:s20], [sflag:$0x5] =	stream.indirect.gather [hbm4b:s5+s14], $0x1, s18, s14, $0xb8;
	[tilespmem:$0x1FD00] =	vst v63  }
0x47: {  	v2 =	vld [tilespmem:$0x100];
	_ =	sdelay $0x1  }
0x48: {  	v3 =	vld [tilespmem:$0x110];
	_ =	sdelay $0x1  }
0x49: {  	v4 =	vld [tilespmem:$0x120]  }
0x4a: {  	v5 =	vshrl.u32 v2, $0xE;
	v2 =	vand.u32 $0x3FFF, v2  }
0x4b: {  	[tilespmem:$0x4280] =	vst v5;
	v2 =	vadd.s32 v0, v2;
	v5 =	vld [tilespmem:$0x130]  }
0x4c: {  	[tilespmem:$0x4100] =	vst v2;
	v2 =	vshrl.u32 v3, $0xE;
	v3 =	vand.u32 $0x3FFF, v3  }
0x4d: {  	[tilespmem:$0x4290] =	vst v2;
	v2 =	vadd.s32 v0, v3;
	v3 =	vld [tilespmem:$0x140]  }
0x4e: {  	[tilespmem:$0x4110] =	vst v2;
	v2 =	vshrl.u32 v4, $0xE;
	v4 =	vand.u32 $0x3FFF, v4  }
0x4f: {  	[tilespmem:$0x42A0] =	vst v2;
	v2 =	vadd.s32 v0, v4  }
0x50: {  	[tilespmem:$0x4120] =	vst v2;
	v2 =	vshrl.u32 v5, $0xE;
	v4 =	vand.u32 $0x3FFF, v5  }
0x51: {  	[tilespmem:$0x42B0] =	vst v2;
	v2 =	vadd.s32 v0, v4  }
0x52: {  	[tilespmem:$0x4130] =	vst v2;
	v2 =	vshrl.u32 v3, $0xE;
	v3 =	vand.u32 $0x3FFF, v3  }
0x53: {  	[tilespmem:$0x42C0] =	vst v2;
	v2 =	vadd.s32 v0, v3  }
0x54: {  	[tilespmem:$0x4140] =	vst v2  }
0x55: {  	[tilespmem:s22], [sflag:$0x3] =	stream.indirect.gather [hbm4b:s1+s14], $0x80, s21, s14, $0xb8;
	[tilespmem:$0x1FD00] =	vst v63  }
0x56: {  	_ = 	snop  }
0x57: {  	[tilespmem:s23], [sflag:$0x6] =	stream.indirect.gather [hbm4b:s5+s14], $0x1, s21, s14, $0xb8;
	[tilespmem:$0x1FD00] =	vst v63  }
0x58: {  	_ =	swait.ge [sflag:s24], $0x2800  }
0x59: {  	[sflag:s24] =	ssyncset.done $0x0  }
0x5a: {  	[sflag:s24] =	ssyncadd.s32 $0xFFFFD800  }
0x5b: {  	_ =	swait.ge [sflag:s25], $0x50  }
0x5c: {  	[sflag:s25] =	ssyncset.done $0x0  }
0x5d: {  	[sflag:s25] =	ssyncadd.s32 $0xFFFFFFB0  }
0x5e: {  	[spmem:s3] =	stream.indirect.scatter.add.f32 [tilespmem:s16], [sflag:$0x7], $0x80, s26, s14, $0xb8;
	[tilespmem:$0x1FD00] =	vst v63  }
0x5f: {  	v2 =	vld [tilespmem:$0xBC80]  }
0x60: {  	v3 =	vld [tilespmem:$0xBB00];
	_ =	sdelay $0x1  }
0x61: {  	v4 =	vld [tilespmem:$0xBB10];
	_ =	sdelay $0x1  }
0x62: {  	v5 =	vld [tilespmem:$0xBB20]  }
0x63: {  	v2 =	vadd.f32 v3, v2  }
0x64: {  	v3 =	vld [tilespmem:$0xBB30]  }
0x65: {  	v2 =	vadd.f32 v4, v2  }
0x66: {  	v4 =	vld [tilespmem:$0xBB40]  }
0x67: {  	v2 =	vadd.f32 v5, v2;
	_ =	sdelay $0x1  }
0x68: {  	v2 =	vadd.f32 v3, v2;
	_ =	sdelay $0x1  }
0x69: {  	v2 =	vadd.f32 v4, v2;
	_ =	sdelay $0x1  }
0x6a: {  	[tilespmem:$0xBC80] =	vst v2  }
0x6b: {  	_ =	swait.ge [sflag:s28], $0x2800  }
0x6c: {  	[sflag:s28] =	ssyncset.done $0x0  }
0x6d: {  	[sflag:s28] =	ssyncadd.s32 $0xFFFFD800  }
0x6e: {  	v2 =	vld [tilespmem:$0x180];
	_ =	sdelay $0x1  }
0x6f: {  	v3 =	vld [tilespmem:$0x190];
	_ =	sdelay $0x1  }
0x70: {  	v4 =	vld [tilespmem:$0x1A0]  }
0x71: {  	v5 =	vshrl.u32 v2, $0xE;
	v2 =	vand.u32 $0x3FFF, v2  }
0x72: {  	[tilespmem:$0x4180] =	vst v5;
	v2 =	vadd.s32 v0, v2;
	v5 =	vld [tilespmem:$0x1B0]  }
0x73: {  	[tilespmem:$0x4000] =	vst v2;
	v2 =	vshrl.u32 v3, $0xE;
	v3 =	vand.u32 $0x3FFF, v3  }
0x74: {  	[tilespmem:$0x4190] =	vst v2;
	v2 =	vadd.s32 v0, v3;
	v3 =	vld [tilespmem:$0x1C0]  }
0x75: {  	[tilespmem:$0x4010] =	vst v2;
	v2 =	vshrl.u32 v4, $0xE;
	v4 =	vand.u32 $0x3FFF, v4  }
0x76: {  	[tilespmem:$0x41A0] =	vst v2;
	v2 =	vadd.s32 v0, v4  }
0x77: {  	[tilespmem:$0x4020] =	vst v2;
	v2 =	vshrl.u32 v5, $0xE;
	v4 =	vand.u32 $0x3FFF, v5  }
0x78: {  	[tilespmem:$0x41B0] =	vst v2;
	v2 =	vadd.s32 v0, v4  }
0x79: {  	[tilespmem:$0x4030] =	vst v2;
	v2 =	vshrl.u32 v3, $0xE;
	v3 =	vand.u32 $0x3FFF, v3  }
0x7a: {  	[tilespmem:$0x41C0] =	vst v2;
	v2 =	vadd.s32 v0, v3  }
0x7b: {  	[tilespmem:$0x4040] =	vst v2  }
0x7c: {  	[tilespmem:s16], [sflag:$0x1] =	stream.indirect.gather [hbm4b:s1+s14], $0x80, s15, s14, $0xb8;
	[tilespmem:$0x1FD00] =	vst v63  }
0x7d: {  	_ = 	snop  }
0x7e: {  	[tilespmem:s17], [sflag:$0x4] =	stream.indirect.gather [hbm4b:s5+s14], $0x1, s15, s14, $0xb8;
	[tilespmem:$0x1FD00] =	vst v63  }
0x7f: {  	_ =	swait.ge [sflag:s29], $0x2800  }
0x80: {  	[sflag:s29] =	ssyncset.done $0x0  }
0x81: {  	[sflag:s29] =	ssyncadd.s32 $0xFFFFD800  }
0x82: {  	_ =	swait.ge [sflag:s30], $0x50  }
0x83: {  	[sflag:s30] =	ssyncset.done $0x0  }
0x84: {  	[sflag:s30] =	ssyncadd.s32 $0xFFFFFFB0  }
0x85: {  	[spmem:s3] =	stream.indirect.scatter.add.f32 [tilespmem:s19], [sflag:$0x8], $0x80, s31, s14, $0xb8;
	[tilespmem:$0x1FD00] =	vst v63  }
0x86: {  	v2 =	vld [tilespmem:$0xBC80]  }
0x87: {  	v3 =	vld [tilespmem:$0xBB80];
	_ =	sdelay $0x1  }
0x88: {  	v4 =	vld [tilespmem:$0xBB90];
	_ =	sdelay $0x1  }
0x89: {  	v5 =	vld [tilespmem:$0xBBA0]  }
0x8a: {  	v2 =	vadd.f32 v3, v2  }
0x8b: {  	v3 =	vld [tilespmem:$0xBBB0]  }
0x8c: {  	v2 =	vadd.f32 v4, v2  }
0x8d: {  	v4 =	vld [tilespmem:$0xBBC0]  }
0x8e: {  	v2 =	vadd.f32 v5, v2;
	_ =	sdelay $0x1  }
0x8f: {  	v2 =	vadd.f32 v3, v2;
	_ =	sdelay $0x1  }
0x90: {  	v2 =	vadd.f32 v4, v2;
	_ =	sdelay $0x1  }
0x91: {  	[tilespmem:$0xBC80] =	vst v2  }
0x92: {  	_ =	swait.ge [sflag:s0], $0x2800  }
0x93: {  	[sflag:s0] =	ssyncset.done $0x0  }
0x94: {  	[sflag:s0] =	ssyncadd.s32 $0xFFFFD800  }
0x95: {  	v2 =	vld [tilespmem:$0x200];
	_ =	sdelay $0x1  }
0x96: {  	v3 =	vld [tilespmem:$0x210];
	_ =	sdelay $0x1  }
0x97: {  	v4 =	vld [tilespmem:$0x220]  }
0x98: {  	v5 =	vshrl.u32 v2, $0xE;
	v2 =	vand.u32 $0x3FFF, v2  }
0x99: {  	[tilespmem:$0x4200] =	vst v5;
	v2 =	vadd.s32 v0, v2;
	v5 =	vld [tilespmem:$0x230]  }
0x9a: {  	[tilespmem:$0x4080] =	vst v2;
	v2 =	vshrl.u32 v3, $0xE;
	v3 =	vand.u32 $0x3FFF, v3  }
0x9b: {  	[tilespmem:$0x4210] =	vst v2;
	v2 =	vadd.s32 v0, v3;
	v3 =	vld [tilespmem:$0x240]  }
0x9c: {  	[tilespmem:$0x4090] =	vst v2;
	v2 =	vshrl.u32 v4, $0xE;
	v4 =	vand.u32 $0x3FFF, v4  }
0x9d: {  	[tilespmem:$0x4220] =	vst v2;
	v2 =	vadd.s32 v0, v4  }
0x9e: {  	[tilespmem:$0x40A0] =	vst v2;
	v2 =	vshrl.u32 v5, $0xE;
	v4 =	vand.u32 $0x3FFF, v5  }
0x9f: {  	[tilespmem:$0x4230] =	vst v2;
	v2 =	vadd.s32 v0, v4  }
0xa0: {  	[tilespmem:$0x40B0] =	vst v2;
	v2 =	vshrl.u32 v3, $0xE;
	v3 =	vand.u32 $0x3FFF, v3  }
0xa1: {  	[tilespmem:$0x4240] =	vst v2;
	v2 =	vadd.s32 v0, v3  }
0xa2: {  	[tilespmem:$0x40C0] =	vst v2  }
0xa3: {  	[tilespmem:s19], [sflag:$0x2] =	stream.indirect.gather [hbm4b:s1+s14], $0x80, s18, s14, $0xb8;
	[tilespmem:$0x1FD00] =	vst v63  }
0xa4: {  	_ = 	snop  }
0xa5: {  	[tilespmem:s20], [sflag:$0x5] =	stream.indirect.gather [hbm4b:s5+s14], $0x1, s18, s14, $0xb8;
	[tilespmem:$0x1FD00] =	vst v63  }
0xa6: {  	_ =	swait.ge [sflag:s2], $0x2800  }
0xa7: {  	[sflag:s2] =	ssyncset.done $0x0  }
0xa8: {  	[sflag:s2] =	ssyncadd.s32 $0xFFFFD800  }
0xa9: {  	_ =	swait.ge [sflag:s4], $0x50  }
0xaa: {  	[sflag:s4] =	ssyncset.done $0x0  }
0xab: {  	[sflag:s4] =	ssyncadd.s32 $0xFFFFFFB0  }
0xac: {  	[spmem:s3] =	stream.indirect.scatter.add.f32 [tilespmem:s22], [sflag:$0x9], $0x80, s6, s14, $0xb8;
	[tilespmem:$0x1FD00] =	vst v63  }
0xad: {  	v2 =	vld [tilespmem:$0xBC80]  }
0xae: {  	v3 =	vld [tilespmem:$0xBC00];
	_ =	sdelay $0x1  }
0xaf: {  	v4 =	vld [tilespmem:$0xBC10];
	_ =	sdelay $0x1  }
0xb0: {  	v5 =	vld [tilespmem:$0xBC20]  }
0xb1: {  	v2 =	vadd.f32 v3, v2  }
0xb2: {  	v3 =	vld [tilespmem:$0xBC30]  }
0xb3: {  	v2 =	vadd.f32 v4, v2  }
0xb4: {  	v4 =	vld [tilespmem:$0xBC40]  }
0xb5: {  	v2 =	vadd.f32 v5, v2;
	_ =	sdelay $0x1  }
0xb6: {  	v2 =	vadd.f32 v3, v2;
	_ =	sdelay $0x1  }
0xb7: {  	v2 =	vadd.f32 v4, v2;
	_ =	sdelay $0x1  }
0xb8: {  	[tilespmem:$0xBC80] =	vst v2  }
0xb9: {  	_ =	swait.ge [sflag:s8], $0x2800  }
0xba: {  	[sflag:s8] =	ssyncset.done $0x0  }
0xbb: {  	s11 =	simm.s32 $0x3C0;
	[sflag:s8] =	ssyncadd.s32 $0xFFFFD800  }
0xbc: {  	v2 =	vld [tilespmem:s11+$0xFFFFFEC0];
	_ =	sdelay $0x4  }
0xbd: {  	v3 =	vshrl.u32 v2, $0xE;
	v2 =	vand.u32 $0x3FFF, v2  }
0xbe: {  	[tilespmem:$0x4280] =	vst v3;
	v2 =	vadd.s32 v0, v2  }
0xbf: {  	[tilespmem:$0x4100] =	vst v2  }
0xc0: {  	v2 =	vld [tilespmem:s11+$0xFFFFFED0];
	_ =	sdelay $0x4  }
0xc1: {  	v3 =	vshrl.u32 v2, $0xE;
	v2 =	vand.u32 $0x3FFF, v2  }
0xc2: {  	[tilespmem:$0x4290] =	vst v3;
	v2 =	vadd.s32 v0, v2  }
0xc3: {  	[tilespmem:$0x4110] =	vst v2  }
0xc4: {  	v2 =	vld [tilespmem:s11+$0xFFFFFEE0];
	_ =	sdelay $0x4  }
0xc5: {  	v3 =	vshrl.u32 v2, $0xE;
	v2 =	vand.u32 $0x3FFF, v2  }
0xc6: {  	[tilespmem:$0x42A0] =	vst v3;
	v2 =	vadd.s32 v0, v2  }
0xc7: {  	[tilespmem:$0x4120] =	vst v2  }
0xc8: {  	v2 =	vld [tilespmem:s11+$0xFFFFFEF0];
	_ =	sdelay $0x4  }
0xc9: {  	v3 =	vshrl.u32 v2, $0xE;
	v2 =	vand.u32 $0x3FFF, v2  }
0xca: {  	[tilespmem:$0x42B0] =	vst v3;
	v2 =	vadd.s32 v0, v2  }
0xcb: {  	[tilespmem:$0x4130] =	vst v2  }
0xcc: {  	v2 =	vld [tilespmem:s11+$0xFFFFFF00];
	_ =	sdelay $0x4  }
0xcd: {  	v3 =	vshrl.u32 v2, $0xE;
	v2 =	vand.u32 $0x3FFF, v2  }
0xce: {  	[tilespmem:$0x42C0] =	vst v3;
	v2 =	vadd.s32 v0, v2  }
0xcf: {  	[tilespmem:$0x4140] =	vst v2  }
0xd0: {  	[tilespmem:s22], [sflag:$0x3] =	stream.indirect.gather [hbm4b:s1+s14], $0x80, s21, s14, $0xb8;
	[tilespmem:$0x1FD00] =	vst v63  }
0xd1: {  	_ = 	snop  }
0xd2: {  	[tilespmem:s23], [sflag:$0x6] =	stream.indirect.gather [hbm4b:s5+s14], $0x1, s21, s14, $0xb8;
	[tilespmem:$0x1FD00] =	vst v63  }
0xd3: {  	_ =	swait.ge [sflag:s24], $0x2800  }
0xd4: {  	[sflag:s24] =	ssyncset.done $0x0  }
0xd5: {  	[sflag:s24] =	ssyncadd.s32 $0xFFFFD800  }
0xd6: {  	_ =	swait.ge [sflag:s25], $0x50  }
0xd7: {  	[sflag:s25] =	ssyncset.done $0x0  }
0xd8: {  	[sflag:s25] =	ssyncadd.s32 $0xFFFFFFB0  }
0xd9: {  	[spmem:s3] =	stream.indirect.scatter.add.f32 [tilespmem:s16], [sflag:$0x7], $0x80, s26, s14, $0xb8;
	[tilespmem:$0x1FD00] =	vst v63  }
0xda: {  	v2 =	vld [tilespmem:$0xBC80]  }
0xdb: {  	v3 =	vld [tilespmem:$0xBB00];
	_ =	sdelay $0x1  }
0xdc: {  	v4 =	vld [tilespmem:$0xBB10];
	_ =	sdelay $0x1  }
0xdd: {  	v5 =	vld [tilespmem:$0xBB20]  }
0xde: {  	v2 =	vadd.f32 v3, v2  }
0xdf: {  	v3 =	vld [tilespmem:$0xBB30]  }
0xe0: {  	v2 =	vadd.f32 v4, v2  }
0xe1: {  	v4 =	vld [tilespmem:$0xBB40]  }
0xe2: {  	v2 =	vadd.f32 v5, v2;
	_ =	sdelay $0x1  }
0xe3: {  	v2 =	vadd.f32 v3, v2;
	_ =	sdelay $0x1  }
0xe4: {  	v2 =	vadd.f32 v4, v2;
	_ =	sdelay $0x1  }
0xe5: {  	[tilespmem:$0xBC80] =	vst v2  }
0xe6: {  	_ =	swait.ge [sflag:s28], $0x2800  }
0xe7: {  	[sflag:s28] =	ssyncset.done $0x0  }
0xe8: {  	[sflag:s28] =	ssyncadd.s32 $0xFFFFD800  }
0xe9: {  	v2 =	vld [tilespmem:s11+$0xFFFFFF40];
	_ =	sdelay $0x4  }
0xea: {  	v3 =	vshrl.u32 v2, $0xE;
	v2 =	vand.u32 $0x3FFF, v2  }
0xeb: {  	[tilespmem:$0x4180] =	vst v3;
	v2 =	vadd.s32 v0, v2  }
0xec: {  	[tilespmem:$0x4000] =	vst v2  }
0xed: {  	v2 =	vld [tilespmem:s11+$0xFFFFFF50];
	_ =	sdelay $0x4  }
0xee: {  	v3 =	vshrl.u32 v2, $0xE;
	v2 =	vand.u32 $0x3FFF, v2  }
0xef: {  	[tilespmem:$0x4190] =	vst v3;
	v2 =	vadd.s32 v0, v2  }
0xf0: {  	[tilespmem:$0x4010] =	vst v2  }
0xf1: {  	v2 =	vld [tilespmem:s11+$0xFFFFFF60];
	_ =	sdelay $0x4  }
0xf2: {  	v3 =	vshrl.u32 v2, $0xE;
	v2 =	vand.u32 $0x3FFF, v2  }
0xf3: {  	[tilespmem:$0x41A0] =	vst v3;
	v2 =	vadd.s32 v0, v2  }
0xf4: {  	[tilespmem:$0x4020] =	vst v2  }
0xf5: {  	v2 =	vld [tilespmem:s11+$0xFFFFFF70];
	_ =	sdelay $0x4  }
0xf6: {  	v3 =	vshrl.u32 v2, $0xE;
	v2 =	vand.u32 $0x3FFF, v2  }
0xf7: {  	[tilespmem:$0x41B0] =	vst v3;
	v2 =	vadd.s32 v0, v2  }
0xf8: {  	[tilespmem:$0x4030] =	vst v2  }
0xf9: {  	v2 =	vld [tilespmem:s11+$0xFFFFFF80];
	_ =	sdelay $0x4  }
0xfa: {  	v3 =	vshrl.u32 v2, $0xE;
	v2 =	vand.u32 $0x3FFF, v2  }
0xfb: {  	[tilespmem:$0x41C0] =	vst v3;
	v2 =	vadd.s32 v0, v2  }
0xfc: {  	[tilespmem:$0x4040] =	vst v2  }
0xfd: {  	[tilespmem:s16], [sflag:$0x1] =	stream.indirect.gather [hbm4b:s1+s14], $0x80, s15, s14, $0xb8;
	[tilespmem:$0x1FD00] =	vst v63  }
0xfe: {  	_ = 	snop  }
0xff: {  	[tilespmem:s17], [sflag:$0x4] =	stream.indirect.gather [hbm4b:s5+s14], $0x1, s15, s14, $0xb8;
	[tilespmem:$0x1FD00] =	vst v63  }
0x100: {  	_ =	swait.ge [sflag:s29], $0x2800  }
0x101: {  	[sflag:s29] =	ssyncset.done $0x0  }
0x102: {  	[sflag:s29] =	ssyncadd.s32 $0xFFFFD800  }
0x103: {  	_ =	swait.ge [sflag:s30], $0x50  }
0x104: {  	[sflag:s30] =	ssyncset.done $0x0  }
0x105: {  	[sflag:s30] =	ssyncadd.s32 $0xFFFFFFB0  }
0x106: {  	[spmem:s3] =	stream.indirect.scatter.add.f32 [tilespmem:s19], [sflag:$0x8], $0x80, s31, s14, $0xb8;
	[tilespmem:$0x1FD00] =	vst v63  }
0x107: {  	v2 =	vld [tilespmem:$0xBC80]  }
0x108: {  	v3 =	vld [tilespmem:$0xBB80];
	_ =	sdelay $0x1  }
0x109: {  	v4 =	vld [tilespmem:$0xBB90];
	_ =	sdelay $0x1  }
0x10a: {  	v5 =	vld [tilespmem:$0xBBA0]  }
0x10b: {  	v2 =	vadd.f32 v3, v2  }
0x10c: {  	v3 =	vld [tilespmem:$0xBBB0]  }
0x10d: {  	v2 =	vadd.f32 v4, v2  }
0x10e: {  	v4 =	vld [tilespmem:$0xBBC0]  }
0x10f: {  	v2 =	vadd.f32 v5, v2;
	_ =	sdelay $0x1  }
0x110: {  	v2 =	vadd.f32 v3, v2;
	_ =	sdelay $0x1  }
0x111: {  	v2 =	vadd.f32 v4, v2;
	_ =	sdelay $0x1  }
0x112: {  	[tilespmem:$0xBC80] =	vst v2  }
0x113: {  	_ =	swait.ge [sflag:s0], $0x2800  }
0x114: {  	[sflag:s0] =	ssyncset.done $0x0  }
0x115: {  	[sflag:s0] =	ssyncadd.s32 $0xFFFFD800  }
0x116: {  	v2 =	vld [tilespmem:s11+$0xFFFFFFC0];
	_ =	sdelay $0x4  }
0x117: {  	v3 =	vshrl.u32 v2, $0xE;
	v2 =	vand.u32 $0x3FFF, v2  }
0x118: {  	[tilespmem:$0x4200] =	vst v3;
	v2 =	vadd.s32 v0, v2  }
0x119: {  	[tilespmem:$0x4080] =	vst v2  }
0x11a: {  	v2 =	vld [tilespmem:s11+$0xFFFFFFD0];
	_ =	sdelay $0x4  }
0x11b: {  	v3 =	vshrl.u32 v2, $0xE;
	v2 =	vand.u32 $0x3FFF, v2  }
0x11c: {  	[tilespmem:$0x4210] =	vst v3;
	v2 =	vadd.s32 v0, v2  }
0x11d: {  	[tilespmem:$0x4090] =	vst v2  }
0x11e: {  	v2 =	vld [tilespmem:s11+$0xFFFFFFE0];
	_ =	sdelay $0x4  }
0x11f: {  	v3 =	vshrl.u32 v2, $0xE;
	v2 =	vand.u32 $0x3FFF, v2  }
0x120: {  	[tilespmem:$0x4220] =	vst v3;
	v2 =	vadd.s32 v0, v2  }
0x121: {  	[tilespmem:$0x40A0] =	vst v2  }
0x122: {  	v2 =	vld [tilespmem:s11+$0xFFFFFFF0];
	_ =	sdelay $0x4  }
0x123: {  	v3 =	vshrl.u32 v2, $0xE;
	v2 =	vand.u32 $0x3FFF, v2  }
0x124: {  	[tilespmem:$0x4230] =	vst v3;
	v2 =	vadd.s32 v0, v2  }
0x125: {  	[tilespmem:$0x40B0] =	vst v2  }
0x126: {  	v2 =	vld [tilespmem:s11+$0x0];
	_ =	sdelay $0x4  }
0x127: {  	v3 =	vshrl.u32 v2, $0xE;
	v2 =	vand.u32 $0x3FFF, v2  }
0x128: {  	[tilespmem:$0x4240] =	vst v3;
	v2 =	vadd.s32 v0, v2  }
0x129: {  	[tilespmem:$0x40C0] =	vst v2  }
0x12a: {  	[tilespmem:s19], [sflag:$0x2] =	stream.indirect.gather [hbm4b:s1+s14], $0x80, s18, s14, $0xb8;
	[tilespmem:$0x1FD00] =	vst v63  }
0x12b: {  	_ = 	snop  }
0x12c: {  	[tilespmem:s20], [sflag:$0x5] =	stream.indirect.gather [hbm4b:s5+s14], $0x1, s18, s14, $0xb8;
	[tilespmem:$0x1FD00] =	vst v63  }
0x12d: {  	_ =	swait.ge [sflag:s2], $0x2800  }
0x12e: {  	[sflag:s2] =	ssyncset.done $0x0  }
0x12f: {  	[sflag:s2] =	ssyncadd.s32 $0xFFFFD800  }
0x130: {  	_ =	swait.ge [sflag:s4], $0x50  }
0x131: {  	[sflag:s4] =	ssyncset.done $0x0  }
0x132: {  	[sflag:s4] =	ssyncadd.s32 $0xFFFFFFB0  }
0x133: {  	[spmem:s3] =	stream.indirect.scatter.add.f32 [tilespmem:s22], [sflag:$0x9], $0x80, s6, s14, $0xb8;
	[tilespmem:$0x1FD00] =	vst v63  }
0x134: {  	v2 =	vld [tilespmem:$0xBC80]  }
0x135: {  	v3 =	vld [tilespmem:$0xBC00];
	_ =	sdelay $0x1  }
0x136: {  	v4 =	vld [tilespmem:$0xBC10];
	_ =	sdelay $0x1  }
0x137: {  	v5 =	vld [tilespmem:$0xBC20]  }
0x138: {  	v2 =	vadd.f32 v3, v2  }
0x139: {  	v3 =	vld [tilespmem:$0xBC30]  }
0x13a: {  	v4 =	vadd.f32 v4, v2  }
0x13b: {  	v2 =	vld [tilespmem:$0xBC40]  }
0x13c: {  	s10 =	simm.s32 $0x1500;
	v4 =	vadd.f32 v5, v4  }
.LBB2_2:
0x13d: {  	_ = 	snop  }
0x13e: {  	p0 =	sne.s32 s10, $0xF900;
	s11 =	smov.u32 s10;
	s10 =	sadd.s32 $0x600, s10;
	v3 =	vadd.f32 v3, v4  }
0x13f: {  	_ = 	snop  }
0x140: {  	v2 =	vadd.f32 v2, v3;
	_ =	sdelay $0x1  }
0x141: {  	[tilespmem:$0xBC80] =	vst v2  }
0x142: {  	_ =	swait.ge [sflag:s8], $0x2800  }
0x143: {  	[sflag:s8] =	ssyncset.done $0x0  }
0x144: {  	s11 =	sshra.s32 s11, $0x2;
	[sflag:s8] =	ssyncadd.s32 $0xFFFFD800  }
0x145: {  	v2 =	vld [tilespmem:s11+$0xFFFFFEC0];
	_ =	sdelay $0x4  }
0x146: {  	v3 =	vshrl.u32 v2, $0xE;
	v2 =	vand.u32 $0x3FFF, v2  }
0x147: {  	[tilespmem:$0x4280] =	vst v3;
	v2 =	vadd.s32 v0, v2  }
0x148: {  	[tilespmem:$0x4100] =	vst v2  }
0x149: {  	v2 =	vld [tilespmem:s11+$0xFFFFFED0];
	_ =	sdelay $0x4  }
0x14a: {  	v3 =	vshrl.u32 v2, $0xE;
	v2 =	vand.u32 $0x3FFF, v2  }
0x14b: {  	[tilespmem:$0x4290] =	vst v3;
	v2 =	vadd.s32 v0, v2  }
0x14c: {  	[tilespmem:$0x4110] =	vst v2  }
0x14d: {  	v2 =	vld [tilespmem:s11+$0xFFFFFEE0];
	_ =	sdelay $0x4  }
0x14e: {  	v3 =	vshrl.u32 v2, $0xE;
	v2 =	vand.u32 $0x3FFF, v2  }
0x14f: {  	[tilespmem:$0x42A0] =	vst v3;
	v2 =	vadd.s32 v0, v2  }
0x150: {  	[tilespmem:$0x4120] =	vst v2  }
0x151: {  	v2 =	vld [tilespmem:s11+$0xFFFFFEF0];
	_ =	sdelay $0x4  }
0x152: {  	v3 =	vshrl.u32 v2, $0xE;
	v2 =	vand.u32 $0x3FFF, v2  }
0x153: {  	[tilespmem:$0x42B0] =	vst v3;
	v2 =	vadd.s32 v0, v2  }
0x154: {  	[tilespmem:$0x4130] =	vst v2  }
0x155: {  	v2 =	vld [tilespmem:s11+$0xFFFFFF00];
	_ =	sdelay $0x4  }
0x156: {  	v3 =	vshrl.u32 v2, $0xE;
	v2 =	vand.u32 $0x3FFF, v2  }
0x157: {  	[tilespmem:$0x42C0] =	vst v3;
	v2 =	vadd.s32 v0, v2  }
0x158: {  	[tilespmem:$0x4140] =	vst v2  }
0x159: {  	[tilespmem:s22], [sflag:$0x3] =	stream.indirect.gather [hbm4b:s1+s14], $0x80, s21, s14, $0xb8;
	[tilespmem:$0x1FD00] =	vst v63  }
0x15a: {  	_ = 	snop  }
0x15b: {  	[tilespmem:s23], [sflag:$0x6] =	stream.indirect.gather [hbm4b:s5+s14], $0x1, s21, s14, $0xb8;
	[tilespmem:$0x1FD00] =	vst v63  }
0x15c: {  	_ =	swait.ge [sflag:s24], $0x2800  }
0x15d: {  	[sflag:s24] =	ssyncset.done $0x0  }
0x15e: {  	[sflag:s24] =	ssyncadd.s32 $0xFFFFD800  }
0x15f: {  	_ =	swait.ge [sflag:s25], $0x50  }
0x160: {  	[sflag:s25] =	ssyncset.done $0x0  }
0x161: {  	[sflag:s25] =	ssyncadd.s32 $0xFFFFFFB0  }
0x162: {  	[spmem:s3] =	stream.indirect.scatter.add.f32 [tilespmem:s16], [sflag:$0x7], $0x80, s26, s14, $0xb8;
	[tilespmem:$0x1FD00] =	vst v63  }
0x163: {  	v2 =	vld [tilespmem:$0xBC80]  }
0x164: {  	v3 =	vld [tilespmem:$0xBB00]  }
0x165: {  	v4 =	vld [tilespmem:$0xBB10]  }
0x166: {  	v5 =	vld [tilespmem:$0xBB20]  }
0x167: {  	v6 =	vld [tilespmem:$0xBB30]  }
0x168: {  	v7 =	vld [tilespmem:$0xBB40]  }
0x169: {  	v2 =	vadd.f32 v3, v2;
	_ =	sdelay $0x1  }
0x16a: {  	v2 =	vadd.f32 v4, v2;
	_ =	sdelay $0x1  }
0x16b: {  	v2 =	vadd.f32 v5, v2;
	_ =	sdelay $0x1  }
0x16c: {  	v2 =	vadd.f32 v6, v2;
	_ =	sdelay $0x1  }
0x16d: {  	v2 =	vadd.f32 v7, v2;
	_ =	sdelay $0x1  }
0x16e: {  	[tilespmem:$0xBC80] =	vst v2  }
0x16f: {  	_ =	swait.ge [sflag:s28], $0x2800  }
0x170: {  	[sflag:s28] =	ssyncset.done $0x0  }
0x171: {  	[sflag:s28] =	ssyncadd.s32 $0xFFFFD800  }
0x172: {  	v2 =	vld [tilespmem:s11+$0xFFFFFF40];
	_ =	sdelay $0x4  }
0x173: {  	v3 =	vshrl.u32 v2, $0xE;
	v2 =	vand.u32 $0x3FFF, v2  }
0x174: {  	[tilespmem:$0x4180] =	vst v3;
	v2 =	vadd.s32 v0, v2  }
0x175: {  	[tilespmem:$0x4000] =	vst v2  }
0x176: {  	v2 =	vld [tilespmem:s11+$0xFFFFFF50];
	_ =	sdelay $0x4  }
0x177: {  	v3 =	vshrl.u32 v2, $0xE;
	v2 =	vand.u32 $0x3FFF, v2  }
0x178: {  	[tilespmem:$0x4190] =	vst v3;
	v2 =	vadd.s32 v0, v2  }
0x179: {  	[tilespmem:$0x4010] =	vst v2  }
0x17a: {  	v2 =	vld [tilespmem:s11+$0xFFFFFF60];
	_ =	sdelay $0x4  }
0x17b: {  	v3 =	vshrl.u32 v2, $0xE;
	v2 =	vand.u32 $0x3FFF, v2  }
0x17c: {  	[tilespmem:$0x41A0] =	vst v3;
	v2 =	vadd.s32 v0, v2  }
0x17d: {  	[tilespmem:$0x4020] =	vst v2  }
0x17e: {  	v2 =	vld [tilespmem:s11+$0xFFFFFF70];
	_ =	sdelay $0x4  }
0x17f: {  	v3 =	vshrl.u32 v2, $0xE;
	v2 =	vand.u32 $0x3FFF, v2  }
0x180: {  	[tilespmem:$0x41B0] =	vst v3;
	v2 =	vadd.s32 v0, v2  }
0x181: {  	[tilespmem:$0x4030] =	vst v2  }
0x182: {  	v2 =	vld [tilespmem:s11+$0xFFFFFF80];
	_ =	sdelay $0x4  }
0x183: {  	v3 =	vshrl.u32 v2, $0xE;
	v2 =	vand.u32 $0x3FFF, v2  }
0x184: {  	[tilespmem:$0x41C0] =	vst v3;
	v2 =	vadd.s32 v0, v2  }
0x185: {  	[tilespmem:$0x4040] =	vst v2  }
0x186: {  	[tilespmem:s16], [sflag:$0x1] =	stream.indirect.gather [hbm4b:s1+s14], $0x80, s15, s14, $0xb8;
	[tilespmem:$0x1FD00] =	vst v63  }
0x187: {  	_ = 	snop  }
0x188: {  	[tilespmem:s17], [sflag:$0x4] =	stream.indirect.gather [hbm4b:s5+s14], $0x1, s15, s14, $0xb8;
	[tilespmem:$0x1FD00] =	vst v63  }
0x189: {  	_ =	swait.ge [sflag:s29], $0x2800  }
0x18a: {  	[sflag:s29] =	ssyncset.done $0x0  }
0x18b: {  	[sflag:s29] =	ssyncadd.s32 $0xFFFFD800  }
0x18c: {  	_ =	swait.ge [sflag:s30], $0x50  }
0x18d: {  	[sflag:s30] =	ssyncset.done $0x0  }
0x18e: {  	[sflag:s30] =	ssyncadd.s32 $0xFFFFFFB0  }
0x18f: {  	[spmem:s3] =	stream.indirect.scatter.add.f32 [tilespmem:s19], [sflag:$0x8], $0x80, s31, s14, $0xb8;
	[tilespmem:$0x1FD00] =	vst v63  }
0x190: {  	v2 =	vld [tilespmem:$0xBC80]  }
0x191: {  	v3 =	vld [tilespmem:$0xBB80]  }
0x192: {  	v4 =	vld [tilespmem:$0xBB90]  }
0x193: {  	v5 =	vld [tilespmem:$0xBBA0]  }
0x194: {  	v6 =	vld [tilespmem:$0xBBB0]  }
0x195: {  	v7 =	vld [tilespmem:$0xBBC0]  }
0x196: {  	v2 =	vadd.f32 v3, v2;
	_ =	sdelay $0x1  }
0x197: {  	v2 =	vadd.f32 v4, v2;
	_ =	sdelay $0x1  }
0x198: {  	v2 =	vadd.f32 v5, v2;
	_ =	sdelay $0x1  }
0x199: {  	v2 =	vadd.f32 v6, v2;
	_ =	sdelay $0x1  }
0x19a: {  	v2 =	vadd.f32 v7, v2;
	_ =	sdelay $0x1  }
0x19b: {  	[tilespmem:$0xBC80] =	vst v2  }
0x19c: {  	_ =	swait.ge [sflag:s0], $0x2800  }
0x19d: {  	[sflag:s0] =	ssyncset.done $0x0  }
0x19e: {  	[sflag:s0] =	ssyncadd.s32 $0xFFFFD800  }
0x19f: {  	v2 =	vld [tilespmem:s11+$0xFFFFFFC0];
	_ =	sdelay $0x4  }
0x1a0: {  	v3 =	vshrl.u32 v2, $0xE;
	v2 =	vand.u32 $0x3FFF, v2  }
0x1a1: {  	[tilespmem:$0x4200] =	vst v3;
	v2 =	vadd.s32 v0, v2  }
0x1a2: {  	[tilespmem:$0x4080] =	vst v2  }
0x1a3: {  	v2 =	vld [tilespmem:s11+$0xFFFFFFD0];
	_ =	sdelay $0x4  }
0x1a4: {  	v3 =	vshrl.u32 v2, $0xE;
	v2 =	vand.u32 $0x3FFF, v2  }
0x1a5: {  	[tilespmem:$0x4210] =	vst v3;
	v2 =	vadd.s32 v0, v2  }
0x1a6: {  	[tilespmem:$0x4090] =	vst v2  }
0x1a7: {  	v2 =	vld [tilespmem:s11+$0xFFFFFFE0];
	_ =	sdelay $0x4  }
0x1a8: {  	v3 =	vshrl.u32 v2, $0xE;
	v2 =	vand.u32 $0x3FFF, v2  }
0x1a9: {  	[tilespmem:$0x4220] =	vst v3;
	v2 =	vadd.s32 v0, v2  }
0x1aa: {  	[tilespmem:$0x40A0] =	vst v2  }
0x1ab: {  	v2 =	vld [tilespmem:s11+$0xFFFFFFF0];
	_ =	sdelay $0x4  }
0x1ac: {  	v3 =	vshrl.u32 v2, $0xE;
	v2 =	vand.u32 $0x3FFF, v2  }
0x1ad: {  	[tilespmem:$0x4230] =	vst v3;
	v2 =	vadd.s32 v0, v2  }
0x1ae: {  	[tilespmem:$0x40B0] =	vst v2  }
0x1af: {  	v2 =	vld [tilespmem:s11+$0x0];
	_ =	sdelay $0x4  }
0x1b0: {  	v3 =	vshrl.u32 v2, $0xE;
	v2 =	vand.u32 $0x3FFF, v2  }
0x1b1: {  	[tilespmem:$0x4240] =	vst v3;
	v2 =	vadd.s32 v0, v2  }
0x1b2: {  	[tilespmem:$0x40C0] =	vst v2  }
0x1b3: {  	[tilespmem:s19], [sflag:$0x2] =	stream.indirect.gather [hbm4b:s1+s14], $0x80, s18, s14, $0xb8;
	[tilespmem:$0x1FD00] =	vst v63  }
0x1b4: {  	_ = 	snop  }
0x1b5: {  	[tilespmem:s20], [sflag:$0x5] =	stream.indirect.gather [hbm4b:s5+s14], $0x1, s18, s14, $0xb8;
	[tilespmem:$0x1FD00] =	vst v63  }
0x1b6: {  	_ =	swait.ge [sflag:s2], $0x2800  }
0x1b7: {  	[sflag:s2] =	ssyncset.done $0x0  }
0x1b8: {  	[sflag:s2] =	ssyncadd.s32 $0xFFFFD800  }
0x1b9: {  	_ =	swait.ge [sflag:s4], $0x50  }
0x1ba: {  	[sflag:s4] =	ssyncset.done $0x0  }
0x1bb: {  	[sflag:s4] =	ssyncadd.s32 $0xFFFFFFB0  }
0x1bc: {  	[spmem:s3] =	stream.indirect.scatter.add.f32 [tilespmem:s22], [sflag:$0x9], $0x80, s6, s14, $0xb8;
	[tilespmem:$0x1FD00] =	vst v63  }
0x1bd: {  	v4 =	vld [tilespmem:$0xBC80]  }
0x1be: {  	v5 =	vld [tilespmem:$0xBC00]  }
0x1bf: {  	v6 =	vld [tilespmem:$0xBC10]  }
0x1c0: {  	v7 =	vld [tilespmem:$0xBC20]  }
0x1c1: {  	v3 =	vld [tilespmem:$0xBC30]  }
0x1c2: {  	v2 =	vld [tilespmem:$0xBC40]  }
.Ltmp0:
0x1c3: {  	v4 =	vadd.f32 v5, v4;
	(pc) =	sbr.rel @p0 .LBB2_2-.Ltmp0, $3  }
0x1c4: {  	_ = 	snop  }
0x1c5: {  	v4 =	vadd.f32 v6, v4;
	_ =	sdelay $0x1  }
0x1c6: {  	v4 =	vadd.f32 v7, v4  }
0x1c7: {  	_ = 	snop  }
0x1c8: {  	v3 =	vadd.f32 v3, v4;
	_ =	sdelay $0x1  }
0x1c9: {  	v2 =	vadd.f32 v2, v3;
	_ =	sdelay $0x1  }
0x1ca: {  	[tilespmem:$0xBC80] =	vst v2  }
0x1cb: {  	_ =	swait.ge [sflag:s8], $0x2800  }
0x1cc: {  	[sflag:s8] =	ssyncset.done $0x0  }
0x1cd: {  	[sflag:s8] =	ssyncadd.s32 $0xFFFFD800  }
0x1ce: {  	_ =	swait.ge [sflag:s24], $0x2800  }
0x1cf: {  	[sflag:s24] =	ssyncset.done $0x0  }
0x1d0: {  	[sflag:s24] =	ssyncadd.s32 $0xFFFFD800  }
0x1d1: {  	_ =	swait.ge [sflag:s25], $0x50  }
0x1d2: {  	[sflag:s25] =	ssyncset.done $0x0  }
0x1d3: {  	[sflag:s25] =	ssyncadd.s32 $0xFFFFFFB0  }
0x1d4: {  	[spmem:s3] =	stream.indirect.scatter.add.f32 [tilespmem:s16], [sflag:$0x7], $0x80, s26, s14, $0xb8;
	[tilespmem:$0x1FD00] =	vst v63  }
0x1d5: {  	v2 =	vld [tilespmem:$0xBC80]  }
0x1d6: {  	v3 =	vld [tilespmem:$0xBB00];
	_ =	sdelay $0x1  }
0x1d7: {  	v59 =	vld [tilespmem:$0xBB10];
	_ =	sdelay $0x1  }
0x1d8: {  	v5 =	vld [tilespmem:$0xBB20]  }
0x1d9: {  	v2 =	vadd.f32 v3, v2  }
0x1da: {  	v3 =	vld [tilespmem:$0xBB30]  }
0x1db: {  	v2 =	vadd.f32 v59, v2  }
0x1dc: {  	v60 =	vld [tilespmem:$0xBB40]  }
0x1dd: {  	v2 =	vadd.f32 v5, v2;
	_ =	sdelay $0x1  }
0x1de: {  	v2 =	vadd.f32 v3, v2;
	_ =	sdelay $0x1  }
0x1df: {  	v2 =	vadd.f32 v60, v2;
	_ =	sdelay $0x1  }
0x1e0: {  	[tilespmem:$0xBC80] =	vst v2  }
0x1e1: {  	_ =	swait.ge [sflag:s28], $0x2800  }
0x1e2: {  	[sflag:s28] =	ssyncset.done $0x0  }
0x1e3: {  	[sflag:s28] =	ssyncadd.s32 $0xFFFFD800  }
0x1e4: {  	_ =	swait.ge [sflag:s29], $0x2800  }
0x1e5: {  	[sflag:s29] =	ssyncset.done $0x0  }
0x1e6: {  	[sflag:s29] =	ssyncadd.s32 $0xFFFFD800  }
0x1e7: {  	_ =	swait.ge [sflag:s30], $0x50  }
0x1e8: {  	[sflag:s30] =	ssyncset.done $0x0  }
0x1e9: {  	[sflag:s30] =	ssyncadd.s32 $0xFFFFFFB0  }
0x1ea: {  	[spmem:s3] =	stream.indirect.scatter.add.f32 [tilespmem:s19], [sflag:$0x8], $0x80, s31, s14, $0xb8;
	[tilespmem:$0x1FD00] =	vst v63  }
0x1eb: {  	v2 =	vld [tilespmem:$0xBC80]  }
0x1ec: {  	v3 =	vld [tilespmem:$0xBB80];
	_ =	sdelay $0x1  }
0x1ed: {  	v61 =	vld [tilespmem:$0xBB90];
	_ =	sdelay $0x1  }
0x1ee: {  	v62 =	vld [tilespmem:$0xBBA0]  }
0x1ef: {  	v2 =	vadd.f32 v3, v2  }
0x1f0: {  	v3 =	vld [tilespmem:$0xBBB0]  }
0x1f1: {  	v2 =	vadd.f32 v61, v2  }
0x1f2: {  	v63 =	vld [tilespmem:$0xBBC0]  }
0x1f3: {  	v2 =	vadd.f32 v62, v2;
	_ =	sdelay $0x1  }
0x1f4: {  	v2 =	vadd.f32 v3, v2;
	_ =	sdelay $0x1  }
0x1f5: {  	v2 =	vadd.f32 v63, v2;
	_ =	sdelay $0x1  }
0x1f6: {  	[tilespmem:$0xBC80] =	vst v2  }
0x1f7: {  	_ =	swait.ge [sflag:s0], $0x2800  }
0x1f8: {  	[sflag:s0] =	ssyncset.done $0x0  }
0x1f9: {  	[sflag:s0] =	ssyncadd.s32 $0xFFFFD800  }
0x1fa: {  	[bflag:$0x0] =	sbarrier.arrive $0xFFFF  }
0x1fb: {  	s10 =	rddreg [dreg:$0x7]  }
0x1fc: {  	[hbm:s10], [sflag:s7] =	dma.local [spmem:s12], $0x2800  }
0x1fd: {  	_ =	swait.ge [sflag:s13], $0x2800  }
0x1fe: {  	[sflag:s13] =	ssyncset.done $0x0  }
0x1ff: {  	s10 =	simm.s32 $0x0;
	s11 =	rddreg [dreg:$0x8];
	[sflag:s13] =	ssyncadd.s32 $0xFFFFD800  }
0x200: {  	s13 =	smov.u32 s12;
	s12 =	smov.u32 s7;
	s7 =	simm.s32 $0xBC80  }
0x201: {  	[hbm4b:s11+s10] =	stream.linear.scatter [tilespmem:s7], [sflag:$0xA], $0x10, $0x38;
	[tilespmem:$0x1FD00] =	vst v63  }
0x202: {  	s7 =	smov.u32 s12;
	s12 =	smov.u32 s13;
	s13 =	simm.s32 $0xA  }
0x203: {  	_ =	swait.ge [sflag:s13], $0x10  }
0x204: {  	s9 =	sadd.s32 $0x1, s9;
	s11 =	rddreg [dreg:$0x9]  }
0x205: {  	p0 =	sne.s32 s9, s11  }
.Ltmp1:
0x206: {  	_ = 	snop;
	(pc) =	sbr.rel @p0 .LBB2_1-.Ltmp1, $3  }
0x207: {  	_ =	sdelay $0x1  }
0x208: {  	[sflag:s13] =	ssyncset.done $0x0  }
0x209: {  	[sflag:s13] =	ssyncadd.s32 $0xFFFFFFF0  }
0x20a: {  	_ =	sfence.sel $0x180000  }
0x20b: {  	[bflag:$0x0] =	sbarrier.arrive $0xFFFF  }
0x20c: {  	_ =	strace $0x9000004A  }
0x20d: {  	s0 =	stileid.u32;
	[bflag:$0x2] =	sbarrier.arrive $0xFFFF  }
0x20e: {  	p0 =	sne.s32 s0, $0x0;
	s0 =	rddreg [dreg:$0x4]  }
0x20f: {  	s0 =	sadd.s32 @!p0 $0x100000, s0  }
0x210: {  	[sflag:s0] =	ssyncadd.tile.s32 @!p0 $0x1;
	_ =	shalt  }
.Lfunc_end2:
_tile_overlayer_lowered:
.L_overlay_start_2:
0x211: {  	(tag) =	ssettag $0x2  }
0x212: {  	s0 =	rddreg [dreg:$0x0];
	s2 =	stileid.u32  }
0x213: {  	s1 =	rddreg [dreg:$0x1];
	p0 =	sne.s32 s2, $0x0  }
0x214: {  	s3 =	rddreg [dreg:$0x2];
	[bflag:$0x3] =	sbarrier.arrive $0xFFFF;
	s2 =	simm.s32 @!p0 $0x1C0A  }
0x215: {  	[timem:s3], [sflag:s2] =	dma.local @!p0 [hbm:s0], s1  }
0x216: {  	s0 =	simm.s32 @!p0 $0xA  }
0x217: {  	_ =	swait.ge @!p0 [sflag:s0], s1  }
0x218: {  	s1 =	ssub.s32 @!p0 $0x0, s1;
	[sflag:s0] =	ssyncset.done @!p0 $0x0  }
0x219: {  	[sflag:s0] =	ssyncadd.s32 @!p0 s1  }
0x21a: {  	[bflag:$0x3] =	sbarrier.arrive $0xFFFF  }
0x21b: {  	_ =	shalt  }

</sc_bundles>
